<compile_context>
chip_gen: v7x
topology: tpu7x:2x2x1
jax: 0.10.2.dev20260603
libtpu: 0.0.44.dev20260713+nightly
codegen_flags: <defaults>
</compile_context>

<pallas_src>
import jax
import jax.numpy as jnp
from jax import lax
from jax.experimental import pallas as pl
from jax.experimental.pallas import tpu as pltpu
from jax.experimental.pallas import tpu_sc as plsc

N_NODES = 10000
N_EDGES = 320000
DIM = 128

NPAD = 10240
NC = 2
NS = 16
NT = NC * NS
CH = 128
NCH = 80
EPT = NCH * CH
EPAD = NT * EPT
ROWS_PER_TILE = NPAD // NS

_f32 = jnp.float32
_i32 = jnp.int32


def _prep_body(h_ref, w_ref, wh_ref):
    hb = h_ref[...]
    wm = w_ref[...]
    wh_ref[...] = lax.dot_general(hb, wm, (((1,), (1,)), ((), ())),
                                  preferred_element_type=_f32)


def _prep(h, W):
    blk = 1000
    grid = N_NODES // blk
    return pl.pallas_call(
        _prep_body,
        grid=(grid,),
        in_specs=[
            pl.BlockSpec((blk, DIM), lambda i: (i, 0)),
            pl.BlockSpec((DIM, DIM), lambda i: (0, 0)),
        ],
        out_specs=pl.BlockSpec((blk, DIM), lambda i: (i, 0)),
        out_shape=jax.ShapeDtypeStruct((N_NODES, DIM), _f32),
    )(h, W)


def _sdprep_body(h_ref, w_ref, a_ref, sd_ref):
    aw = lax.dot_general(a_ref[...], w_ref[...], (((1,), (0,)), ((), ())),
                         preferred_element_type=_f32)
    sd = lax.dot_general(aw, h_ref[...], (((1,), (1,)), ((), ())),
                         preferred_element_type=_f32)
    sd_ref[...] = jnp.concatenate(
        [sd, jnp.zeros((2, NPAD - N_NODES), _f32)], axis=1)


def _sdprep(h, W, a12):
    return pl.pallas_call(
        _sdprep_body,
        out_shape=jax.ShapeDtypeStruct((2, NPAD), _f32),
    )(h, W, a12)


def _pass1_body(sd_hbm, srcp_hbm, dstp_hbm,
                aexp_hbm, hist_hbm,
                s_v, d_v, src_v, dst_v, aexp_v, zero_v, hist_sh, ldsem):
    cid = lax.axis_index("c")
    sid = lax.axis_index("s")
    wid = cid * NS + sid

    c1 = pltpu.async_copy(sd_hbm.at[0], s_v, ldsem)
    c2 = pltpu.async_copy(sd_hbm.at[1], d_v, ldsem)
    c4 = pltpu.async_copy(srcp_hbm.at[wid], src_v, ldsem)
    c5 = pltpu.async_copy(dstp_hbm.at[wid], dst_v, ldsem)

    for k in range(ROWS_PER_TILE // 16):
        zero_v[pl.ds(k * 16, 16)] = jnp.zeros((16,), _f32)
    pltpu.sync_copy(zero_v, hist_sh.at[pl.ds(sid * ROWS_PER_TILE,
                                             ROWS_PER_TILE)])
    for c in (c1, c2, c4, c5):
        c.wait()
    plsc.subcore_barrier()

    def _maxstep(i, carry):
        ms, md = carry
        sl = pl.ds(i * 16, 16)
        return (jnp.maximum(ms, s_v[sl]), jnp.maximum(md, d_v[sl]))

    ms0 = jnp.full((16,), -jnp.inf, _f32)
    ms, md = lax.fori_loop(0, NPAD // 16, _maxstep, (ms0, ms0),
                           unroll=2)
    mvec = jnp.full((16,), jnp.maximum(
        lax.reduce_max(ms, (0,)) + lax.reduce_max(md, (0,)), 0.0), _f32)

    @pl.loop(0, NCH, unroll=2)
    def _compute(r):
        for g in range(CH // 16):
            sl = pl.ds(g * 16, 16)
            si = src_v[r, sl]
            di = dst_v[r, sl]
            sg = plsc.load_gather(s_v, [si])
            dg = plsc.load_gather(d_v, [di])
            al = sg + dg
            al = jnp.where(al > 0, al, al * 0.2)
            aexp_v[r, sl] = jnp.exp(al - mvec)

    @pl.loop(0, NCH)
    def _scatter(r):
        pltpu.async_copy(aexp_v.at[r], hist_sh.at[dst_v.at[r]], ldsem,
                         add=True)

    @pl.loop(0, NCH)
    def _drain(r):
        pltpu.make_async_copy(aexp_v.at[r], hist_sh.at[dst_v.at[r]],
                              ldsem).wait()

    plsc.subcore_barrier()
    pltpu.sync_copy(aexp_v, aexp_hbm.at[wid])

    @pl.when(sid == 0)
    def _dump():
        pltpu.sync_copy(hist_sh, s_v)
        pltpu.sync_copy(s_v, hist_hbm.at[cid])


def _pass1(sd, srcp, dstp):
    mesh = plsc.VectorSubcoreMesh(core_axis_name="c", subcore_axis_name="s")
    fn = pl.kernel(
        _pass1_body,
        out_type=(
            jax.ShapeDtypeStruct((NT, NCH, CH), _f32),
            jax.ShapeDtypeStruct((NC, NPAD), _f32),
        ),
        mesh=mesh,
        scratch_types=[
            pltpu.VMEM((NPAD,), _f32),
            pltpu.VMEM((NPAD,), _f32),
            pltpu.VMEM((NCH, CH), _i32),
            pltpu.VMEM((NCH, CH), _i32),
            pltpu.VMEM((NCH, CH), _f32),
            pltpu.VMEM((ROWS_PER_TILE,), _f32),
            pltpu.VMEM_SHARED((NPAD,), _f32),
            pltpu.SemaphoreType.DMA,
        ],
        compiler_params=pltpu.CompilerParams(needs_layout_passes=False),
    )
    return fn(sd, srcp, dstp)


def _pass2_body(srcp_hbm, dstp_hbm, aexp_hbm, hist_hbm, wh_hbm,
                an_hbm, outp_hbm,
                src0, src1, dst0, dst1, sdst0, sdst1, ae0, ae1, an0, an1,
                asum_v, tmp_v, rows0, rows1, acc_sh,
                gsem0, gsem1, psem0, psem1, ssem0, ssem1, asem0, asem1):
    cid = lax.axis_index("c")
    sid = lax.axis_index("s")
    wid = cid * NS + sid

    bufs = [(src0, dst0, sdst0, ae0, an0, rows0, gsem0, psem0, ssem0, asem0),
            (src1, dst1, sdst1, ae1, an1, rows1, gsem1, psem1, ssem1, asem1)]

    pltpu.sync_copy(hist_hbm.at[0], asum_v)
    for k in range(8):
        csl = pl.ds(k * (NPAD // 8), NPAD // 8)
        pltpu.sync_copy(hist_hbm.at[1, csl], tmp_v)

        @pl.loop(0, NPAD // 8 // 16)
        def _acc(i):
            sl = pl.ds(k * (NPAD // 8) + i * 16, 16)
            tsl = pl.ds(i * 16, 16)
            asum_v[sl] = asum_v[sl] + tmp_v[tsl]

    @pl.loop(0, CH)
    def _zero(r):
        for g in range(8):
            rows0[r, pl.ds(g * 16, 16)] = jnp.zeros((16,), _f32)

    for k in range(ROWS_PER_TILE // CH):
        pltpu.sync_copy(rows0,
                        acc_sh.at[pl.ds(sid * ROWS_PER_TILE + k * CH, CH)])
    plsc.subcore_barrier()

    pltpu.sync_copy(srcp_hbm.at[wid, 0], src0)
    pltpu.sync_copy(dstp_hbm.at[wid, 0], dst0)
    pltpu.sync_copy(aexp_hbm.at[wid, 0], ae0)
    pltpu.async_copy(wh_hbm.at[src0], rows0, gsem0)
    pltpu.async_copy(srcp_hbm.at[wid, 1], src1, psem1)
    pltpu.async_copy(dstp_hbm.at[wid, 1], dst1, psem1)
    pltpu.async_copy(aexp_hbm.at[wid, 1], ae1, psem1)

    @pl.loop(0, NCH, step=2)
    def _chunk(r):
        for b in range(2):
            rr = r + b
            src_b, dst_b, sdst_b, ae_b, an_b, rows_b, gsem_b, psem_b, \
                ssem_b, asem_b = bufs[b]
            src_o, dst_o, sdst_o, ae_o, an_o, rows_o, gsem_o, psem_o, \
                ssem_o, asem_o = bufs[1 - b]

            @pl.when(rr + 1 < NCH)
            def _launch_next():
                pltpu.make_async_copy(srcp_hbm.at[wid, rr + 1], src_o,
                                      psem_o).wait()
                pltpu.make_async_copy(dstp_hbm.at[wid, rr + 1], dst_o,
                                      psem_o).wait()
                pltpu.make_async_copy(aexp_hbm.at[wid, rr + 1], ae_o,
                                      psem_o).wait()

                @pl.when(rr >= 1)
                def _drain_scatter():
                    pltpu.make_async_copy(rows_o, acc_sh.at[sdst_o],
                                          ssem_o).wait()

                pltpu.async_copy(wh_hbm.at[src_o], rows_o, gsem_o)

            @pl.when(rr >= 2)
            def _drain_an():
                pltpu.make_async_copy(an_b, an_hbm.at[wid, rr], asem_b).wait()

            for g in range(CH // 16):
                sl = pl.ds(g * 16, 16)
                asg = plsc.load_gather(asum_v, [dst_b[sl]])
                an_b[sl] = ae_b[sl] / (asg + 1e-9)
            pltpu.async_copy(an_b, an_hbm.at[wid, rr], asem_b)

            pltpu.make_async_copy(wh_hbm.at[src_b], rows_b, gsem_b).wait()

            @pl.loop(0, CH, unroll=2)
            def _scale(e):
                aeb = plsc.load_gather(ae_b, [jnp.full((16,), e, _i32)])
                for g in range(8):
                    sl = pl.ds(g * 16, 16)
                    rows_b[e, sl] = rows_b[e, sl] * aeb

            for g in range(CH // 16):
                sl = pl.ds(g * 16, 16)
                sdst_b[sl] = dst_b[sl]
            pltpu.async_copy(rows_b, acc_sh.at[sdst_b], ssem_b, add=True)

            @pl.when(rr + 2 < NCH)
            def _prefetch():
                pltpu.async_copy(srcp_hbm.at[wid, rr + 2], src_b, psem_b)
                pltpu.async_copy(dstp_hbm.at[wid, rr + 2], dst_b, psem_b)
                pltpu.async_copy(aexp_hbm.at[wid, rr + 2], ae_b, psem_b)

    pltpu.make_async_copy(rows0, acc_sh.at[sdst0], ssem0).wait()
    pltpu.make_async_copy(rows1, acc_sh.at[sdst1], ssem1).wait()
    pltpu.make_async_copy(an0, an_hbm.at[wid, NCH - 2], asem0).wait()
    pltpu.make_async_copy(an1, an_hbm.at[wid, NCH - 1], asem1).wait()
    plsc.subcore_barrier()

    for k in range(ROWS_PER_TILE // CH):
        rb, wsem = (rows0, gsem0) if k % 2 == 0 else (rows1, gsem1)
        base = sid * ROWS_PER_TILE + k * CH
        if k >= 2:
            pltpu.make_async_copy(
                rb, outp_hbm.at[cid, pl.ds(sid * ROWS_PER_TILE
                                           + (k - 2) * CH, CH)], wsem).wait()
        pltpu.sync_copy(acc_sh.at[pl.ds(base, CH)], rb)
        pltpu.async_copy(rb, outp_hbm.at[cid, pl.ds(base, CH)], wsem)
    for k in (ROWS_PER_TILE // CH - 2, ROWS_PER_TILE // CH - 1):
        rb, wsem = (rows0, gsem0) if k % 2 == 0 else (rows1, gsem1)
        pltpu.make_async_copy(
            rb, outp_hbm.at[cid, pl.ds(sid * ROWS_PER_TILE + k * CH, CH)],
            wsem).wait()


def _pass2(srcp, dstp, aexp, hist, wh):
    mesh = plsc.VectorSubcoreMesh(core_axis_name="c", subcore_axis_name="s")
    fn = pl.kernel(
        _pass2_body,
        out_type=(
            jax.ShapeDtypeStruct((NT, NCH, CH), _f32),
            jax.ShapeDtypeStruct((NC, NPAD, DIM), _f32),
        ),
        mesh=mesh,
        scratch_types=[
            pltpu.VMEM((CH,), _i32),
            pltpu.VMEM((CH,), _i32),
            pltpu.VMEM((CH,), _i32),
            pltpu.VMEM((CH,), _i32),
            pltpu.VMEM((CH,), _i32),
            pltpu.VMEM((CH,), _i32),
            pltpu.VMEM((CH,), _f32),
            pltpu.VMEM((CH,), _f32),
            pltpu.VMEM((CH,), _f32),
            pltpu.VMEM((CH,), _f32),
            pltpu.VMEM((NPAD,), _f32),
            pltpu.VMEM((NPAD // 8,), _f32),
            pltpu.VMEM((CH, DIM), _f32),
            pltpu.VMEM((CH, DIM), _f32),
            pltpu.VMEM_SHARED((NPAD, DIM), _f32),
            pltpu.SemaphoreType.DMA,
            pltpu.SemaphoreType.DMA,
            pltpu.SemaphoreType.DMA,
            pltpu.SemaphoreType.DMA,
            pltpu.SemaphoreType.DMA,
            pltpu.SemaphoreType.DMA,
            pltpu.SemaphoreType.DMA,
            pltpu.SemaphoreType.DMA,
        ],
        compiler_params=pltpu.CompilerParams(needs_layout_passes=False),
    )
    return fn(srcp, dstp, aexp, hist, wh)


def _fin_body(p_ref, a_ref, o_ref):
    x = (p_ref[0] + p_ref[1]) / (a_ref[...] + 1e-9)
    o_ref[...] = jnp.where(x > 0, x, jnp.exp(x) - 1.0)


def _fin(outp, asum2):
    blk = 1000
    grid = N_NODES // blk
    return pl.pallas_call(
        _fin_body,
        grid=(grid,),
        in_specs=[
            pl.BlockSpec((NC, blk, DIM), lambda i: (0, i, 0)),
            pl.BlockSpec((blk, 1), lambda i: (i, 0)),
        ],
        out_specs=pl.BlockSpec((blk, DIM), lambda i: (i, 0)),
        out_shape=jax.ShapeDtypeStruct((N_NODES, DIM), _f32),
    )(outp, asum2)


def kernel(h, edge_index, W, a_w):
    a12 = a_w.reshape(2, DIM)

    rot = jnp.arange(EPAD - N_EDGES, dtype=_i32) % (NPAD - N_NODES)
    srcp = jnp.concatenate([edge_index[0], rot]).reshape(NT, NCH, CH)
    dstp = jnp.concatenate([edge_index[1], N_NODES + rot]).reshape(
        NT, NCH, CH)

    sd = _sdprep(h, W, a12)
    wh = _prep(h, W)
    aexp, hist = _pass1(sd, srcp, dstp)
    anorm, outp = _pass2(srcp, dstp, aexp, hist, wh)
    asum2 = (hist[0, :N_NODES] + hist[1, :N_NODES])[:, None]
    out = _fin(outp, asum2)
    return (out, anorm.reshape(EPAD)[:N_EDGES])

# --- scband reference (transcript-rebuilt; emitter-appended) ---
"""Pipeline reference for scband-manual-gatlayer-90391881712253 (READ-ONLY COPY).

The authoritative reference and input builder live on the scoring server;
editing this copy changes nothing except your own understanding.
"""

import jax, jax.numpy as jnp
import numpy as np

N_NODES = 10000
N_EDGES = 320000
IN_DIM = 128
OUT_DIM = 128


def setup_inputs(seed: int = 0) -> dict:
    key = jax.random.key(seed)
    k1, k2, k3, k4 = jax.random.split(key, 4)
    h = jax.random.normal(k1, (N_NODES, IN_DIM), dtype=jnp.float32)
    edge_index = jax.random.randint(k2, (2, N_EDGES), 0, N_NODES, dtype=jnp.int32)
    # nn.Linear(in_dim, out_dim, bias=False): weight shape [out_dim, in_dim]
    W = jax.random.normal(k3, (OUT_DIM, IN_DIM), dtype=jnp.float32) * (1.0 / np.sqrt(IN_DIM))
    # nn.Linear(2*out_dim, 1, bias=False): weight shape [1, 2*out_dim]
    a_w = jax.random.normal(k4, (1, 2 * OUT_DIM), dtype=jnp.float32) * (1.0 / np.sqrt(2 * OUT_DIM))
    return {"h": h, "edge_index": edge_index, "W": W, "a_w": a_w}


def reference(h, edge_index, W, a_w):
    Wh = h @ W.T
    src = edge_index[0]
    dst = edge_index[1]
    e = jnp.concatenate([Wh[src], Wh[dst]], axis=-1)
    alpha = jax.nn.leaky_relu(e @ a_w.T, negative_slope=0.2)[:, 0]
    alpha_exp = jnp.exp(alpha - alpha.max())
    alpha_sum = jax.ops.segment_sum(alpha_exp, dst, num_segments=h.shape[0])
    alpha_norm = alpha_exp / (alpha_sum[dst] + 1e-09)
    out = jax.ops.segment_sum(alpha_norm[:, None] * Wh[src], dst, num_segments=h.shape[0])
    return (jax.nn.elu(out), alpha_norm)

if __name__ == "__main__":
    import jax
    _d = setup_inputs()
    print(jax.jit(kernel)(*tuple(_d.values())))

</pallas_src>

<mosaic_0001>
#map = affine_map<(d0, d1) -> (0, 0)>
#map1 = affine_map<(d0, d1) -> (0, 0, 0)>
module attributes {stable_mosaic.version = 14 : i64} {
  func.func @_pass1_body(%arg0: i32, %arg1: i32, %arg2: memref<2x10240xf32, #tpu.memory_space<hbm>>, %arg3: memref<32x80x128xi32, #tpu.memory_space<hbm>>, %arg4: memref<32x80x128xi32, #tpu.memory_space<hbm>>, %arg5: memref<32x80x128xf32, #tpu.memory_space<hbm>>, %arg6: memref<2x10240xf32, #tpu.memory_space<hbm>>, %arg7: memref<10240xf32, #tpu.memory_space<vmem>>, %arg8: memref<10240xf32, #tpu.memory_space<vmem>>, %arg9: memref<80x128xi32, #tpu.memory_space<vmem>>, %arg10: memref<80x128xi32, #tpu.memory_space<vmem>>, %arg11: memref<80x128xf32, #tpu.memory_space<vmem>>, %arg12: memref<640xf32, #tpu.memory_space<vmem>>, %arg13: memref<10240xf32, #tpu.memory_space<vmem_shared>>, %arg14: memref<!tpu.dma_semaphore, #tpu.memory_space<semaphore_mem>>) attributes {dimension_semantics = [#tpu.dimension_semantics<core_parallel>, #tpu.dimension_semantics<subcore_parallel>], iteration_bounds = array<i64: 2, 16>, scalar_prefetch = 0 : i64, scratch_operands = 8 : i64, tpu.core_type = #tpu.core_type<sc_vector_subcore>, window_params = [{transform_indices = #map}, {transform_indices = #map1}, {transform_indices = #map1}, {transform_indices = #map1}, {transform_indices = #map}]} {
    %mul3A = arith.constant 16 : i32
    %mul3A_0 = arith.muli %arg0, %mul3A : i32
    %add3A = arith.addi %mul3A_0, %arg1 : i32
    %dma_start3A = arith.constant 0 : i32
    %dma_start3A_1 = arith.constant 0 : i32
    %dma_start3A_2 = tpu.memref_slice %arg2[%dma_start3A, %dma_start3A_1] : memref<2x10240xf32, #tpu.memory_space<hbm>> -> memref<1x10240xf32, #tpu.memory_space<hbm>>
    %dma_start3A_3 = tpu.memref_squeeze %dma_start3A_2 : memref<1x10240xf32, #tpu.memory_space<hbm>> -> memref<10240xf32, #tpu.memory_space<hbm>>
    %dma_start3A_4 = arith.constant 0 : i32
    %dma_start3A_5 = tpu.memref_slice %arg2[%dma_start3A, %dma_start3A_4] : memref<2x10240xf32, #tpu.memory_space<hbm>> -> memref<1x10240xf32, #tpu.memory_space<hbm>>
    %dma_start3A_6 = tpu.memref_squeeze %dma_start3A_5 : memref<1x10240xf32, #tpu.memory_space<hbm>> -> memref<10240xf32, #tpu.memory_space<hbm>>
    tpu.enqueue_dma source(%dma_start3A_6 : memref<10240xf32, #tpu.memory_space<hbm>>) target(%arg7 : memref<10240xf32, #tpu.memory_space<vmem>>) target_semaphore(%arg14 : memref<!tpu.dma_semaphore, #tpu.memory_space<semaphore_mem>>)
    %dma_start3A_7 = arith.constant 1 : i32
    %dma_start3A_8 = arith.constant 0 : i32
    %dma_start3A_9 = tpu.memref_slice %arg2[%dma_start3A_7, %dma_start3A_8] : memref<2x10240xf32, #tpu.memory_space<hbm>> -> memref<1x10240xf32, #tpu.memory_space<hbm>>
    %dma_start3A_10 = tpu.memref_squeeze %dma_start3A_9 : memref<1x10240xf32, #tpu.memory_space<hbm>> -> memref<10240xf32, #tpu.memory_space<hbm>>
    %dma_start3A_11 = arith.constant 0 : i32
    %dma_start3A_12 = tpu.memref_slice %arg2[%dma_start3A_7, %dma_start3A_11] : memref<2x10240xf32, #tpu.memory_space<hbm>> -> memref<1x10240xf32, #tpu.memory_space<hbm>>
    %dma_start3A_13 = tpu.memref_squeeze %dma_start3A_12 : memref<1x10240xf32, #tpu.memory_space<hbm>> -> memref<10240xf32, #tpu.memory_space<hbm>>
    tpu.enqueue_dma source(%dma_start3A_13 : memref<10240xf32, #tpu.memory_space<hbm>>) target(%arg8 : memref<10240xf32, #tpu.memory_space<vmem>>) target_semaphore(%arg14 : memref<!tpu.dma_semaphore, #tpu.memory_space<semaphore_mem>>)
    %dma_start3A_14 = arith.constant 0 : i32
    %dma_start3A_15 = arith.constant 0 : i32
    %dma_start3A_16 = tpu.memref_slice %arg3[%add3A, %dma_start3A_14, %dma_start3A_15] : memref<32x80x128xi32, #tpu.memory_space<hbm>> -> memref<1x80x128xi32, #tpu.memory_space<hbm>>
    %dma_start3A_17 = tpu.memref_squeeze %dma_start3A_16 : memref<1x80x128xi32, #tpu.memory_space<hbm>> -> memref<80x128xi32, #tpu.memory_space<hbm>>
    %dma_start3A_18 = arith.constant 0 : i32
    %dma_start3A_19 = arith.constant 0 : i32
    %dma_start3A_20 = tpu.memref_slice %arg3[%add3A, %dma_start3A_18, %dma_start3A_19] : memref<32x80x128xi32, #tpu.memory_space<hbm>> -> memref<1x80x128xi32, #tpu.memory_space<hbm>>
    %dma_start3A_21 = tpu.memref_squeeze %dma_start3A_20 : memref<1x80x128xi32, #tpu.memory_space<hbm>> -> memref<80x128xi32, #tpu.memory_space<hbm>>
    tpu.enqueue_dma source(%dma_start3A_21 : memref<80x128xi32, #tpu.memory_space<hbm>>) target(%arg9 : memref<80x128xi32, #tpu.memory_space<vmem>>) target_semaphore(%arg14 : memref<!tpu.dma_semaphore, #tpu.memory_space<semaphore_mem>>)
    %dma_start3A_22 = arith.constant 0 : i32
    %dma_start3A_23 = arith.constant 0 : i32
    %dma_start3A_24 = tpu.memref_slice %arg4[%add3A, %dma_start3A_22, %dma_start3A_23] : memref<32x80x128xi32, #tpu.memory_space<hbm>> -> memref<1x80x128xi32, #tpu.memory_space<hbm>>
    %dma_start3A_25 = tpu.memref_squeeze %dma_start3A_24 : memref<1x80x128xi32, #tpu.memory_space<hbm>> -> memref<80x128xi32, #tpu.memory_space<hbm>>
    %dma_start3A_26 = arith.constant 0 : i32
    %dma_start3A_27 = arith.constant 0 : i32
    %dma_start3A_28 = tpu.memref_slice %arg4[%add3A, %dma_start3A_26, %dma_start3A_27] : memref<32x80x128xi32, #tpu.memory_space<hbm>> -> memref<1x80x128xi32, #tpu.memory_space<hbm>>
    %dma_start3A_29 = tpu.memref_squeeze %dma_start3A_28 : memref<1x80x128xi32, #tpu.memory_space<hbm>> -> memref<80x128xi32, #tpu.memory_space<hbm>>
    tpu.enqueue_dma source(%dma_start3A_29 : memref<80x128xi32, #tpu.memory_space<hbm>>) target(%arg10 : memref<80x128xi32, #tpu.memory_space<vmem>>) target_semaphore(%arg14 : memref<!tpu.dma_semaphore, #tpu.memory_space<semaphore_mem>>)
    %broadcast_in_dim3A = arith.constant 0.000000e+00 : f32
    %broadcast_in_dim3A_30 = vector.broadcast %broadcast_in_dim3A : f32 to vector<16xf32>
    %swap3A = arith.constant 0 : index
    %swap3A_31 = tpu.vector_load %arg12[%swap3A] {strides = array<i32>} : memref<640xf32, #tpu.memory_space<vmem>>, vector<16xf32>,
    tpu.vector_store %arg12[%swap3A], %broadcast_in_dim3A_30 {strides = array<i32>} : memref<640xf32, #tpu.memory_space<vmem>>, vector<16xf32>,
    %broadcast_in_dim3A_32 = arith.constant 0.000000e+00 : f32
    %broadcast_in_dim3A_33 = vector.broadcast %broadcast_in_dim3A_32 : f32 to vector<16xf32>
    %swap3A_34 = arith.constant 16 : index
    %swap3A_35 = tpu.vector_load %arg12[%swap3A_34] {strides = array<i32>} : memref<640xf32, #tpu.memory_space<vmem>>, vector<16xf32>,
    tpu.vector_store %arg12[%swap3A_34], %broadcast_in_dim3A_33 {strides = array<i32>} : memref<640xf32, #tpu.memory_space<vmem>>, vector<16xf32>,
    %broadcast_in_dim3A_36 = arith.constant 0.000000e+00 : f32
    %broadcast_in_dim3A_37 = vector.broadcast %broadcast_in_dim3A_36 : f32 to vector<16xf32>
    %swap3A_38 = arith.constant 32 : index
    %swap3A_39 = tpu.vector_load %arg12[%swap3A_38] {strides = array<i32>} : memref<640xf32, #tpu.memory_space<vmem>>, vector<16xf32>,
    tpu.vector_store %arg12[%swap3A_38], %broadcast_in_dim3A_37 {strides = array<i32>} : memref<640xf32, #tpu.memory_space<vmem>>, vector<16xf32>,
    %broadcast_in_dim3A_40 = arith.constant 0.000000e+00 : f32
    %broadcast_in_dim3A_41 = vector.broadcast %broadcast_in_dim3A_40 : f32 to vector<16xf32>
    %swap3A_42 = arith.constant 48 : index
    %swap3A_43 = tpu.vector_load %arg12[%swap3A_42] {strides = array<i32>} : memref<640xf32, #tpu.memory_space<vmem>>, vector<16xf32>,
    tpu.vector_store %arg12[%swap3A_42], %broadcast_in_dim3A_41 {strides = array<i32>} : memref<640xf32, #tpu.memory_space<vmem>>, vector<16xf32>,
    %broadcast_in_dim3A_44 = arith.constant 0.000000e+00 : f32
    %broadcast_in_dim3A_45 = vector.broadcast %broadcast_in_dim3A_44 : f32 to vector<16xf32>
    %swap3A_46 = arith.constant 64 : index
    %swap3A_47 = tpu.vector_load %arg12[%swap3A_46] {strides = array<i32>} : memref<640xf32, #tpu.memory_space<vmem>>, vector<16xf32>,
    tpu.vector_store %arg12[%swap3A_46], %broadcast_in_dim3A_45 {strides = array<i32>} : memref<640xf32, #tpu.memory_space<vmem>>, vector<16xf32>,
    %broadcast_in_dim3A_48 = arith.constant 0.000000e+00 : f32
    %broadcast_in_dim3A_49 = vector.broadcast %broadcast_in_dim3A_48 : f32 to vector<16xf32>
    %swap3A_50 = arith.constant 80 : index
    %swap3A_51 = tpu.vector_load %arg12[%swap3A_50] {strides = array<i32>} : memref<640xf32, #tpu.memory_space<vmem>>, vector<16xf32>,
    tpu.vector_store %arg12[%swap3A_50], %broadcast_in_dim3A_49 {strides = array<i32>} : memref<640xf32, #tpu.memory_space<vmem>>, vector<16xf32>,
    %broadcast_in_dim3A_52 = arith.constant 0.000000e+00 : f32
    %broadcast_in_dim3A_53 = vector.broadcast %broadcast_in_dim3A_52 : f32 to vector<16xf32>
    %swap3A_54 = arith.constant 96 : index
    %swap3A_55 = tpu.vector_load %arg12[%swap3A_54] {strides = array<i32>} : memref<640xf32, #tpu.memory_space<vmem>>, vector<16xf32>,
    tpu.vector_store %arg12[%swap3A_54], %broadcast_in_dim3A_53 {strides = array<i32>} : memref<640xf32, #tpu.memory_space<vmem>>, vector<16xf32>,
    %broadcast_in_dim3A_56 = arith.constant 0.000000e+00 : f32
    %broadcast_in_dim3A_57 = vector.broadcast %broadcast_in_dim3A_56 : f32 to vector<16xf32>
    %swap3A_58 = arith.constant 112 : index
    %swap3A_59 = tpu.vector_load %arg12[%swap3A_58] {strides = array<i32>} : memref<640xf32, #tpu.memory_space<vmem>>, vector<16xf32>,
    tpu.vector_store %arg12[%swap3A_58], %broadcast_in_dim3A_57 {strides = array<i32>} : memref<640xf32, #tpu.memory_space<vmem>>, vector<16xf32>,
    %broadcast_in_dim3A_60 = arith.constant 0.000000e+00 : f32
    %broadcast_in_dim3A_61 = vector.broadcast %broadcast_in_dim3A_60 : f32 to vector<16xf32>
    %swap3A_62 = arith.constant 128 : index
    %swap3A_63 = tpu.vector_load %arg12[%swap3A_62] {strides = array<i32>} : memref<640xf32, #tpu.memory_space<vmem>>, vector<16xf32>,
    tpu.vector_store %arg12[%swap3A_62], %broadcast_in_dim3A_61 {strides = array<i32>} : memref<640xf32, #tpu.memory_space<vmem>>, vector<16xf32>,
    %broadcast_in_dim3A_64 = arith.constant 0.000000e+00 : f32
    %broadcast_in_dim3A_65 = vector.broadcast %broadcast_in_dim3A_64 : f32 to vector<16xf32>
    %swap3A_66 = arith.constant 144 : index
    %swap3A_67 = tpu.vector_load %arg12[%swap3A_66] {strides = array<i32>} : memref<640xf32, #tpu.memory_space<vmem>>, vector<16xf32>,
    tpu.vector_store %arg12[%swap3A_66], %broadcast_in_dim3A_65 {strides = array<i32>} : memref<640xf32, #tpu.memory_space<vmem>>, vector<16xf32>,
    %broadcast_in_dim3A_68 = arith.constant 0.000000e+00 : f32
    %broadcast_in_dim3A_69 = vector.broadcast %broadcast_in_dim3A_68 : f32 to vector<16xf32>
    %swap3A_70 = arith.constant 160 : index
    %swap3A_71 = tpu.vector_load %arg12[%swap3A_70] {strides = array<i32>} : memref<640xf32, #tpu.memory_space<vmem>>, vector<16xf32>,
    tpu.vector_store %arg12[%swap3A_70], %broadcast_in_dim3A_69 {strides = array<i32>} : memref<640xf32, #tpu.memory_space<vmem>>, vector<16xf32>,
    %broadcast_in_dim3A_72 = arith.constant 0.000000e+00 : f32
    %broadcast_in_dim3A_73 = vector.broadcast %broadcast_in_dim3A_72 : f32 to vector<16xf32>
    %swap3A_74 = arith.constant 176 : index
    %swap3A_75 = tpu.vector_load %arg12[%swap3A_74] {strides = array<i32>} : memref<640xf32, #tpu.memory_space<vmem>>, vector<16xf32>,
    tpu.vector_store %arg12[%swap3A_74], %broadcast_in_dim3A_73 {strides = array<i32>} : memref<640xf32, #tpu.memory_space<vmem>>, vector<16xf32>,
    %broadcast_in_dim3A_76 = arith.constant 0.000000e+00 : f32
    %broadcast_in_dim3A_77 = vector.broadcast %broadcast_in_dim3A_76 : f32 to vector<16xf32>
    %swap3A_78 = arith.constant 192 : index
    %swap3A_79 = tpu.vector_load %arg12[%swap3A_78] {strides = array<i32>} : memref<640xf32, #tpu.memory_space<vmem>>, vector<16xf32>,
    tpu.vector_store %arg12[%swap3A_78], %broadcast_in_dim3A_77 {strides = array<i32>} : memref<640xf32, #tpu.memory_space<vmem>>, vector<16xf32>,
    %broadcast_in_dim3A_80 = arith.constant 0.000000e+00 : f32
    %broadcast_in_dim3A_81 = vector.broadcast %broadcast_in_dim3A_80 : f32 to vector<16xf32>
    %swap3A_82 = arith.constant 208 : index
    %swap3A_83 = tpu.vector_load %arg12[%swap3A_82] {strides = array<i32>} : memref<640xf32, #tpu.memory_space<vmem>>, vector<16xf32>,
    tpu.vector_store %arg12[%swap3A_82], %broadcast_in_dim3A_81 {strides = array<i32>} : memref<640xf32, #tpu.memory_space<vmem>>, vector<16xf32>,
    %broadcast_in_dim3A_84 = arith.constant 0.000000e+00 : f32
    %broadcast_in_dim3A_85 = vector.broadcast %broadcast_in_dim3A_84 : f32 to vector<16xf32>
    %swap3A_86 = arith.constant 224 : index
    %swap3A_87 = tpu.vector_load %arg12[%swap3A_86] {strides = array<i32>} : memref<640xf32, #tpu.memory_space<vmem>>, vector<16xf32>,
    tpu.vector_store %arg12[%swap3A_86], %broadcast_in_dim3A_85 {strides = array<i32>} : memref<640xf32, #tpu.memory_space<vmem>>, vector<16xf32>,
    %broadcast_in_dim3A_88 = arith.constant 0.000000e+00 : f32
    %broadcast_in_dim3A_89 = vector.broadcast %broadcast_in_dim3A_88 : f32 to vector<16xf32>
    %swap3A_90 = arith.constant 240 : index
    %swap3A_91 = tpu.vector_load %arg12[%swap3A_90] {strides = array<i32>} : memref<640xf32, #tpu.memory_space<vmem>>, vector<16xf32>,
    tpu.vector_store %arg12[%swap3A_90], %broadcast_in_dim3A_89 {strides = array<i32>} : memref<640xf32, #tpu.memory_space<vmem>>, vector<16xf32>,
    %broadcast_in_dim3A_92 = arith.constant 0.000000e+00 : f32
    %broadcast_in_dim3A_93 = vector.broadcast %broadcast_in_dim3A_92 : f32 to vector<16xf32>
    %swap3A_94 = arith.constant 256 : index
    %swap3A_95 = tpu.vector_load %arg12[%swap3A_94] {strides = array<i32>} : memref<640xf32, #tpu.memory_space<vmem>>, vector<16xf32>,
    tpu.vector_store %arg12[%swap3A_94], %broadcast_in_dim3A_93 {strides = array<i32>} : memref<640xf32, #tpu.memory_space<vmem>>, vector<16xf32>,
    %broadcast_in_dim3A_96 = arith.constant 0.000000e+00 : f32
    %broadcast_in_dim3A_97 = vector.broadcast %broadcast_in_dim3A_96 : f32 to vector<16xf32>
    %swap3A_98 = arith.constant 272 : index
    %swap3A_99 = tpu.vector_load %arg12[%swap3A_98] {strides = array<i32>} : memref<640xf32, #tpu.memory_space<vmem>>, vector<16xf32>,
    tpu.vector_store %arg12[%swap3A_98], %broadcast_in_dim3A_97 {strides = array<i32>} : memref<640xf32, #tpu.memory_space<vmem>>, vector<16xf32>,
    %broadcast_in_dim3A_100 = arith.constant 0.000000e+00 : f32
    %broadcast_in_dim3A_101 = vector.broadcast %broadcast_in_dim3A_100 : f32 to vector<16xf32>
    %swap3A_102 = arith.constant 288 : index
    %swap3A_103 = tpu.vector_load %arg12[%swap3A_102] {strides = array<i32>} : memref<640xf32, #tpu.memory_space<vmem>>, vector<16xf32>,
    tpu.vector_store %arg12[%swap3A_102], %broadcast_in_dim3A_101 {strides = array<i32>} : memref<640xf32, #tpu.memory_space<vmem>>, vector<16xf32>,
    %broadcast_in_dim3A_104 = arith.constant 0.000000e+00 : f32
    %broadcast_in_dim3A_105 = vector.broadcast %broadcast_in_dim3A_104 : f32 to vector<16xf32>
    %swap3A_106 = arith.constant 304 : index
    %swap3A_107 = tpu.vector_load %arg12[%swap3A_106] {strides = array<i32>} : memref<640xf32, #tpu.memory_space<vmem>>, vector<16xf32>,
    tpu.vector_store %arg12[%swap3A_106], %broadcast_in_dim3A_105 {strides = array<i32>} : memref<640xf32, #tpu.memory_space<vmem>>, vector<16xf32>,
    %broadcast_in_dim3A_108 = arith.constant 0.000000e+00 : f32
    %broadcast_in_dim3A_109 = vector.broadcast %broadcast_in_dim3A_108 : f32 to vector<16xf32>
    %swap3A_110 = arith.constant 320 : index
    %swap3A_111 = tpu.vector_load %arg12[%swap3A_110] {strides = array<i32>} : memref<640xf32, #tpu.memory_space<vmem>>, vector<16xf32>,
    tpu.vector_store %arg12[%swap3A_110], %broadcast_in_dim3A_109 {strides = array<i32>} : memref<640xf32, #tpu.memory_space<vmem>>, vector<16xf32>,
    %broadcast_in_dim3A_112 = arith.constant 0.000000e+00 : f32
    %broadcast_in_dim3A_113 = vector.broadcast %broadcast_in_dim3A_112 : f32 to vector<16xf32>
    %swap3A_114 = arith.constant 336 : index
    %swap3A_115 = tpu.vector_load %arg12[%swap3A_114] {strides = array<i32>} : memref<640xf32, #tpu.memory_space<vmem>>, vector<16xf32>,
    tpu.vector_store %arg12[%swap3A_114], %broadcast_in_dim3A_113 {strides = array<i32>} : memref<640xf32, #tpu.memory_space<vmem>>, vector<16xf32>,
    %broadcast_in_dim3A_116 = arith.constant 0.000000e+00 : f32
    %broadcast_in_dim3A_117 = vector.broadcast %broadcast_in_dim3A_116 : f32 to vector<16xf32>
    %swap3A_118 = arith.constant 352 : index
    %swap3A_119 = tpu.vector_load %arg12[%swap3A_118] {strides = array<i32>} : memref<640xf32, #tpu.memory_space<vmem>>, vector<16xf32>,
    tpu.vector_store %arg12[%swap3A_118], %broadcast_in_dim3A_117 {strides = array<i32>} : memref<640xf32, #tpu.memory_space<vmem>>, vector<16xf32>,
    %broadcast_in_dim3A_120 = arith.constant 0.000000e+00 : f32
    %broadcast_in_dim3A_121 = vector.broadcast %broadcast_in_dim3A_120 : f32 to vector<16xf32>
    %swap3A_122 = arith.constant 368 : index
    %swap3A_123 = tpu.vector_load %arg12[%swap3A_122] {strides = array<i32>} : memref<640xf32, #tpu.memory_space<vmem>>, vector<16xf32>,
    tpu.vector_store %arg12[%swap3A_122], %broadcast_in_dim3A_121 {strides = array<i32>} : memref<640xf32, #tpu.memory_space<vmem>>, vector<16xf32>,
    %broadcast_in_dim3A_124 = arith.constant 0.000000e+00 : f32
    %broadcast_in_dim3A_125 = vector.broadcast %broadcast_in_dim3A_124 : f32 to vector<16xf32>
    %swap3A_126 = arith.constant 384 : index
    %swap3A_127 = tpu.vector_load %arg12[%swap3A_126] {strides = array<i32>} : memref<640xf32, #tpu.memory_space<vmem>>, vector<16xf32>,
    tpu.vector_store %arg12[%swap3A_126], %broadcast_in_dim3A_125 {strides = array<i32>} : memref<640xf32, #tpu.memory_space<vmem>>, vector<16xf32>,
    %broadcast_in_dim3A_128 = arith.constant 0.000000e+00 : f32
    %broadcast_in_dim3A_129 = vector.broadcast %broadcast_in_dim3A_128 : f32 to vector<16xf32>
    %swap3A_130 = arith.constant 400 : index
    %swap3A_131 = tpu.vector_load %arg12[%swap3A_130] {strides = array<i32>} : memref<640xf32, #tpu.memory_space<vmem>>, vector<16xf32>,
    tpu.vector_store %arg12[%swap3A_130], %broadcast_in_dim3A_129 {strides = array<i32>} : memref<640xf32, #tpu.memory_space<vmem>>, vector<16xf32>,
    %broadcast_in_dim3A_132 = arith.constant 0.000000e+00 : f32
    %broadcast_in_dim3A_133 = vector.broadcast %broadcast_in_dim3A_132 : f32 to vector<16xf32>
    %swap3A_134 = arith.constant 416 : index
    %swap3A_135 = tpu.vector_load %arg12[%swap3A_134] {strides = array<i32>} : memref<640xf32, #tpu.memory_space<vmem>>, vector<16xf32>,
    tpu.vector_store %arg12[%swap3A_134], %broadcast_in_dim3A_133 {strides = array<i32>} : memref<640xf32, #tpu.memory_space<vmem>>, vector<16xf32>,
    %broadcast_in_dim3A_136 = arith.constant 0.000000e+00 : f32
    %broadcast_in_dim3A_137 = vector.broadcast %broadcast_in_dim3A_136 : f32 to vector<16xf32>
    %swap3A_138 = arith.constant 432 : index
    %swap3A_139 = tpu.vector_load %arg12[%swap3A_138] {strides = array<i32>} : memref<640xf32, #tpu.memory_space<vmem>>, vector<16xf32>,
    tpu.vector_store %arg12[%swap3A_138], %broadcast_in_dim3A_137 {strides = array<i32>} : memref<640xf32, #tpu.memory_space<vmem>>, vector<16xf32>,
    %broadcast_in_dim3A_140 = arith.constant 0.000000e+00 : f32
    %broadcast_in_dim3A_141 = vector.broadcast %broadcast_in_dim3A_140 : f32 to vector<16xf32>
    %swap3A_142 = arith.constant 448 : index
    %swap3A_143 = tpu.vector_load %arg12[%swap3A_142] {strides = array<i32>} : memref<640xf32, #tpu.memory_space<vmem>>, vector<16xf32>,
    tpu.vector_store %arg12[%swap3A_142], %broadcast_in_dim3A_141 {strides = array<i32>} : memref<640xf32, #tpu.memory_space<vmem>>, vector<16xf32>,
    %broadcast_in_dim3A_144 = arith.constant 0.000000e+00 : f32
    %broadcast_in_dim3A_145 = vector.broadcast %broadcast_in_dim3A_144 : f32 to vector<16xf32>
    %swap3A_146 = arith.constant 464 : index
    %swap3A_147 = tpu.vector_load %arg12[%swap3A_146] {strides = array<i32>} : memref<640xf32, #tpu.memory_space<vmem>>, vector<16xf32>,
    tpu.vector_store %arg12[%swap3A_146], %broadcast_in_dim3A_145 {strides = array<i32>} : memref<640xf32, #tpu.memory_space<vmem>>, vector<16xf32>,
    %broadcast_in_dim3A_148 = arith.constant 0.000000e+00 : f32
    %broadcast_in_dim3A_149 = vector.broadcast %broadcast_in_dim3A_148 : f32 to vector<16xf32>
    %swap3A_150 = arith.constant 480 : index
    %swap3A_151 = tpu.vector_load %arg12[%swap3A_150] {strides = array<i32>} : memref<640xf32, #tpu.memory_space<vmem>>, vector<16xf32>,
    tpu.vector_store %arg12[%swap3A_150], %broadcast_in_dim3A_149 {strides = array<i32>} : memref<640xf32, #tpu.memory_space<vmem>>, vector<16xf32>,
    %broadcast_in_dim3A_152 = arith.constant 0.000000e+00 : f32
    %broadcast_in_dim3A_153 = vector.broadcast %broadcast_in_dim3A_152 : f32 to vector<16xf32>
    %swap3A_154 = arith.constant 496 : index
    %swap3A_155 = tpu.vector_load %arg12[%swap3A_154] {strides = array<i32>} : memref<640xf32, #tpu.memory_space<vmem>>, vector<16xf32>,
    tpu.vector_store %arg12[%swap3A_154], %broadcast_in_dim3A_153 {strides = array<i32>} : memref<640xf32, #tpu.memory_space<vmem>>, vector<16xf32>,
    %broadcast_in_dim3A_156 = arith.constant 0.000000e+00 : f32
    %broadcast_in_dim3A_157 = vector.broadcast %broadcast_in_dim3A_156 : f32 to vector<16xf32>
    %swap3A_158 = arith.constant 512 : index
    %swap3A_159 = tpu.vector_load %arg12[%swap3A_158] {strides = array<i32>} : memref<640xf32, #tpu.memory_space<vmem>>, vector<16xf32>,
    tpu.vector_store %arg12[%swap3A_158], %broadcast_in_dim3A_157 {strides = array<i32>} : memref<640xf32, #tpu.memory_space<vmem>>, vector<16xf32>,
    %broadcast_in_dim3A_160 = arith.constant 0.000000e+00 : f32
    %broadcast_in_dim3A_161 = vector.broadcast %broadcast_in_dim3A_160 : f32 to vector<16xf32>
    %swap3A_162 = arith.constant 528 : index
    %swap3A_163 = tpu.vector_load %arg12[%swap3A_162] {strides = array<i32>} : memref<640xf32, #tpu.memory_space<vmem>>, vector<16xf32>,
    tpu.vector_store %arg12[%swap3A_162], %broadcast_in_dim3A_161 {strides = array<i32>} : memref<640xf32, #tpu.memory_space<vmem>>, vector<16xf32>,
    %broadcast_in_dim3A_164 = arith.constant 0.000000e+00 : f32
    %broadcast_in_dim3A_165 = vector.broadcast %broadcast_in_dim3A_164 : f32 to vector<16xf32>
    %swap3A_166 = arith.constant 544 : index
    %swap3A_167 = tpu.vector_load %arg12[%swap3A_166] {strides = array<i32>} : memref<640xf32, #tpu.memory_space<vmem>>, vector<16xf32>,
    tpu.vector_store %arg12[%swap3A_166], %broadcast_in_dim3A_165 {strides = array<i32>} : memref<640xf32, #tpu.memory_space<vmem>>, vector<16xf32>,
    %broadcast_in_dim3A_168 = arith.constant 0.000000e+00 : f32
    %broadcast_in_dim3A_169 = vector.broadcast %broadcast_in_dim3A_168 : f32 to vector<16xf32>
    %swap3A_170 = arith.constant 560 : index
    %swap3A_171 = tpu.vector_load %arg12[%swap3A_170] {strides = array<i32>} : memref<640xf32, #tpu.memory_space<vmem>>, vector<16xf32>,
    tpu.vector_store %arg12[%swap3A_170], %broadcast_in_dim3A_169 {strides = array<i32>} : memref<640xf32, #tpu.memory_space<vmem>>, vector<16xf32>,
    %broadcast_in_dim3A_172 = arith.constant 0.000000e+00 : f32
    %broadcast_in_dim3A_173 = vector.broadcast %broadcast_in_dim3A_172 : f32 to vector<16xf32>
    %swap3A_174 = arith.constant 576 : index
    %swap3A_175 = tpu.vector_load %arg12[%swap3A_174] {strides = array<i32>} : memref<640xf32, #tpu.memory_space<vmem>>, vector<16xf32>,
    tpu.vector_store %arg12[%swap3A_174], %broadcast_in_dim3A_173 {strides = array<i32>} : memref<640xf32, #tpu.memory_space<vmem>>, vector<16xf32>,
    %broadcast_in_dim3A_176 = arith.constant 0.000000e+00 : f32
    %broadcast_in_dim3A_177 = vector.broadcast %broadcast_in_dim3A_176 : f32 to vector<16xf32>
    %swap3A_178 = arith.constant 592 : index
    %swap3A_179 = tpu.vector_load %arg12[%swap3A_178] {strides = array<i32>} : memref<640xf32, #tpu.memory_space<vmem>>, vector<16xf32>,
    tpu.vector_store %arg12[%swap3A_178], %broadcast_in_dim3A_177 {strides = array<i32>} : memref<640xf32, #tpu.memory_space<vmem>>, vector<16xf32>,
    %broadcast_in_dim3A_180 = arith.constant 0.000000e+00 : f32
    %broadcast_in_dim3A_181 = vector.broadcast %broadcast_in_dim3A_180 : f32 to vector<16xf32>
    %swap3A_182 = arith.constant 608 : index
    %swap3A_183 = tpu.vector_load %arg12[%swap3A_182] {strides = array<i32>} : memref<640xf32, #tpu.memory_space<vmem>>, vector<16xf32>,
    tpu.vector_store %arg12[%swap3A_182], %broadcast_in_dim3A_181 {strides = array<i32>} : memref<640xf32, #tpu.memory_space<vmem>>, vector<16xf32>,
    %broadcast_in_dim3A_184 = arith.constant 0.000000e+00 : f32
    %broadcast_in_dim3A_185 = vector.broadcast %broadcast_in_dim3A_184 : f32 to vector<16xf32>
    %swap3A_186 = arith.constant 624 : index
    %swap3A_187 = tpu.vector_load %arg12[%swap3A_186] {strides = array<i32>} : memref<640xf32, #tpu.memory_space<vmem>>, vector<16xf32>,
    tpu.vector_store %arg12[%swap3A_186], %broadcast_in_dim3A_185 {strides = array<i32>} : memref<640xf32, #tpu.memory_space<vmem>>, vector<16xf32>,
    %mul3A_188 = arith.constant 640 : i32
    %mul3A_189 = arith.muli %arg1, %mul3A_188 : i32
    "tpu.region"() ({
      %run_scoped3A = tpu.sem_alloc : memref<!tpu.dma_semaphore, #tpu.memory_space<semaphore_mem>>
      %dma_start3A_254 = tpu.memref_slice %arg13[%mul3A_189] : memref<10240xf32, #tpu.memory_space<vmem_shared>> -> memref<640xf32, #tpu.memory_space<vmem_shared>>
      %dma_start3A_255 = tpu.memref_slice %arg13[%mul3A_189] : memref<10240xf32, #tpu.memory_space<vmem_shared>> -> memref<640xf32, #tpu.memory_space<vmem_shared>>
      tpu.enqueue_dma source(%arg12 : memref<640xf32, #tpu.memory_space<vmem>>) target(%dma_start3A_255 : memref<640xf32, #tpu.memory_space<vmem_shared>>) target_semaphore(%run_scoped3A : memref<!tpu.dma_semaphore, #tpu.memory_space<semaphore_mem>>)
      %dma_wait3A_256 = tpu.memref_slice %arg13[%mul3A_189] : memref<10240xf32, #tpu.memory_space<vmem_shared>> -> memref<640xf32, #tpu.memory_space<vmem_shared>>
      %dma_wait3A_257 = tpu.memref_slice %arg13[%mul3A_189] : memref<10240xf32, #tpu.memory_space<vmem_shared>> -> memref<640xf32, #tpu.memory_space<vmem_shared>>
      tpu.wait_dma2 semaphore(%run_scoped3A : memref<!tpu.dma_semaphore, #tpu.memory_space<semaphore_mem>>) src(%arg12 : memref<640xf32, #tpu.memory_space<vmem>>) dst(%dma_wait3A_257 : memref<640xf32, #tpu.memory_space<vmem_shared>>)
      tpu.yield
    }) : () -> ()
    %dma_wait3A = arith.constant 0 : i32
    %dma_wait3A_190 = arith.constant 0 : i32
    %dma_wait3A_191 = tpu.memref_slice %arg2[%dma_wait3A, %dma_wait3A_190] : memref<2x10240xf32, #tpu.memory_space<hbm>> -> memref<1x10240xf32, #tpu.memory_space<hbm>>
    %dma_wait3A_192 = tpu.memref_squeeze %dma_wait3A_191 : memref<1x10240xf32, #tpu.memory_space<hbm>> -> memref<10240xf32, #tpu.memory_space<hbm>>
    %dma_wait3A_193 = arith.constant 0 : i32
    %dma_wait3A_194 = tpu.memref_slice %arg2[%dma_wait3A, %dma_wait3A_193] : memref<2x10240xf32, #tpu.memory_space<hbm>> -> memref<1x10240xf32, #tpu.memory_space<hbm>>
    %dma_wait3A_195 = tpu.memref_squeeze %dma_wait3A_194 : memref<1x10240xf32, #tpu.memory_space<hbm>> -> memref<10240xf32, #tpu.memory_space<hbm>>
    tpu.wait_dma2 semaphore(%arg14 : memref<!tpu.dma_semaphore, #tpu.memory_space<semaphore_mem>>) src(%dma_wait3A_195 : memref<10240xf32, #tpu.memory_space<hbm>>) dst(%arg7 : memref<10240xf32, #tpu.memory_space<vmem>>)
    %dma_wait3A_196 = arith.constant 1 : i32
    %dma_wait3A_197 = arith.constant 0 : i32
    %dma_wait3A_198 = tpu.memref_slice %arg2[%dma_wait3A_196, %dma_wait3A_197] : memref<2x10240xf32, #tpu.memory_space<hbm>> -> memref<1x10240xf32, #tpu.memory_space<hbm>>
    %dma_wait3A_199 = tpu.memref_squeeze %dma_wait3A_198 : memref<1x10240xf32, #tpu.memory_space<hbm>> -> memref<10240xf32, #tpu.memory_space<hbm>>
    %dma_wait3A_200 = arith.constant 0 : i32
    %dma_wait3A_201 = tpu.memref_slice %arg2[%dma_wait3A_196, %dma_wait3A_200] : memref<2x10240xf32, #tpu.memory_space<hbm>> -> memref<1x10240xf32, #tpu.memory_space<hbm>>
    %dma_wait3A_202 = tpu.memref_squeeze %dma_wait3A_201 : memref<1x10240xf32, #tpu.memory_space<hbm>> -> memref<10240xf32, #tpu.memory_space<hbm>>
    tpu.wait_dma2 semaphore(%arg14 : memref<!tpu.dma_semaphore, #tpu.memory_space<semaphore_mem>>) src(%dma_wait3A_202 : memref<10240xf32, #tpu.memory_space<hbm>>) dst(%arg8 : memref<10240xf32, #tpu.memory_space<vmem>>)
    %dma_wait3A_203 = arith.constant 0 : i32
    %dma_wait3A_204 = arith.constant 0 : i32
    %dma_wait3A_205 = tpu.memref_slice %arg3[%add3A, %dma_wait3A_203, %dma_wait3A_204] : memref<32x80x128xi32, #tpu.memory_space<hbm>> -> memref<1x80x128xi32, #tpu.memory_space<hbm>>
    %dma_wait3A_206 = tpu.memref_squeeze %dma_wait3A_205 : memref<1x80x128xi32, #tpu.memory_space<hbm>> -> memref<80x128xi32, #tpu.memory_space<hbm>>
    %dma_wait3A_207 = arith.constant 0 : i32
    %dma_wait3A_208 = arith.constant 0 : i32
    %dma_wait3A_209 = tpu.memref_slice %arg3[%add3A, %dma_wait3A_207, %dma_wait3A_208] : memref<32x80x128xi32, #tpu.memory_space<hbm>> -> memref<1x80x128xi32, #tpu.memory_space<hbm>>
    %dma_wait3A_210 = tpu.memref_squeeze %dma_wait3A_209 : memref<1x80x128xi32, #tpu.memory_space<hbm>> -> memref<80x128xi32, #tpu.memory_space<hbm>>
    tpu.wait_dma2 semaphore(%arg14 : memref<!tpu.dma_semaphore, #tpu.memory_space<semaphore_mem>>) src(%dma_wait3A_210 : memref<80x128xi32, #tpu.memory_space<hbm>>) dst(%arg9 : memref<80x128xi32, #tpu.memory_space<vmem>>)
    %dma_wait3A_211 = arith.constant 0 : i32
    %dma_wait3A_212 = arith.constant 0 : i32
    %dma_wait3A_213 = tpu.memref_slice %arg4[%add3A, %dma_wait3A_211, %dma_wait3A_212] : memref<32x80x128xi32, #tpu.memory_space<hbm>> -> memref<1x80x128xi32, #tpu.memory_space<hbm>>
    %dma_wait3A_214 = tpu.memref_squeeze %dma_wait3A_213 : memref<1x80x128xi32, #tpu.memory_space<hbm>> -> memref<80x128xi32, #tpu.memory_space<hbm>>
    %dma_wait3A_215 = arith.constant 0 : i32
    %dma_wait3A_216 = arith.constant 0 : i32
    %dma_wait3A_217 = tpu.memref_slice %arg4[%add3A, %dma_wait3A_215, %dma_wait3A_216] : memref<32x80x128xi32, #tpu.memory_space<hbm>> -> memref<1x80x128xi32, #tpu.memory_space<hbm>>
    %dma_wait3A_218 = tpu.memref_squeeze %dma_wait3A_217 : memref<1x80x128xi32, #tpu.memory_space<hbm>> -> memref<80x128xi32, #tpu.memory_space<hbm>>
    tpu.wait_dma2 semaphore(%arg14 : memref<!tpu.dma_semaphore, #tpu.memory_space<semaphore_mem>>) src(%dma_wait3A_218 : memref<80x128xi32, #tpu.memory_space<hbm>>) dst(%arg10 : memref<80x128xi32, #tpu.memory_space<vmem>>)
    %barrier3A = arith.constant 0 : index
    tpu.barrier barrier_id(%barrier3A)
    %broadcast_in_dim3A_219 = arith.constant 0xFF800000 : f32
    %broadcast_in_dim3A_220 = vector.broadcast %broadcast_in_dim3A_219 : f32 to vector<16xf32>
    %scan3A = arith.constant 0 : i32
    %scan3A_221 = arith.constant 640 : i32
    %scan3A_222 = arith.addi %scan3A, %scan3A_221 : i32
    %scan3A_223 = arith.constant 2 : i32
    %scan3A_224:2 = scf.for %scan3A_254 = %scan3A to %scan3A_222 step %scan3A_223 iter_args(%scan3A_255 = %broadcast_in_dim3A_220, %scan3A_256 = %broadcast_in_dim3A_220) -> (vector<16xf32>, vector<16xf32>)  : i32 {
      %mul3A_257 = arith.constant 16 : i32
      %mul3A_258 = arith.muli %scan3A_254, %mul3A_257 : i32
      %get3A = arith.index_cast %mul3A_258 : i32 to index
      %get3A_259 = tpu.vector_load %arg7[%get3A] {strides = array<i32>} : memref<10240xf32, #tpu.memory_space<vmem>>, vector<16xf32>,
      %max3A_260 = arith.maximumf %scan3A_255, %get3A_259 : vector<16xf32>
      %get3A_261 = arith.index_cast %mul3A_258 : i32 to index
      %get3A_262 = tpu.vector_load %arg8[%get3A_261] {strides = array<i32>} : memref<10240xf32, #tpu.memory_space<vmem>>, vector<16xf32>,
      %max3A_263 = arith.maximumf %scan3A_256, %get3A_262 : vector<16xf32>
      %scan3A_264 = arith.constant 1 : i32
      %scan3A_265 = arith.addi %scan3A_254, %scan3A_264 : i32
      %mul3A_266 = arith.constant 16 : i32
      %mul3A_267 = arith.muli %scan3A_265, %mul3A_266 : i32
      %get3A_268 = arith.index_cast %mul3A_267 : i32 to index
      %get3A_269 = tpu.vector_load %arg7[%get3A_268] {strides = array<i32>} : memref<10240xf32, #tpu.memory_space<vmem>>, vector<16xf32>,
      %max3A_270 = arith.maximumf %max3A_260, %get3A_269 : vector<16xf32>
      %get3A_271 = arith.index_cast %mul3A_267 : i32 to index
      %get3A_272 = tpu.vector_load %arg8[%get3A_271] {strides = array<i32>} : memref<10240xf32, #tpu.memory_space<vmem>>, vector<16xf32>,
      %max3A_273 = arith.maximumf %max3A_263, %get3A_272 : vector<16xf32>
      scf.yield %max3A_270, %max3A_273 : vector<16xf32>, vector<16xf32>
    }
    %scan3A_225 = arith.constant 640 : i32
    %reduce_max3A = arith.constant true
    %reduce_max3A_226 = vector.broadcast %reduce_max3A : i1 to vector<16xi1>
    %reduce_max3A_227 = tpu.scan <max>, %scan3A_224#0 masked %reduce_max3A_226 : vector<16xf32>, vector<16xi1> -> vector<16xf32>
    %reduce_max3A_228 = vector.extract %reduce_max3A_227[15] : f32 from vector<16xf32>
    %reduce_max3A_229 = arith.constant true
    %reduce_max3A_230 = vector.broadcast %reduce_max3A_229 : i1 to vector<16xi1>
    %reduce_max3A_231 = tpu.scan <max>, %scan3A_224#1 masked %reduce_max3A_230 : vector<16xf32>, vector<16xi1> -> vector<16xf32>
    %reduce_max3A_232 = vector.extract %reduce_max3A_231[15] : f32 from vector<16xf32>
    %add3A_233 = arith.addf %reduce_max3A_228, %reduce_max3A_232 : f32
    %max3A = arith.constant 0.000000e+00 : f32
    %max3A_234 = arith.maximumf %add3A_233, %max3A : f32
    %broadcast_in_dim3A_235 = vector.broadcast %max3A_234 : f32 to vector<16xf32>
    %scan3A_236 = arith.constant 0 : i32
    %scan3A_237 = arith.constant 80 : i32
    %scan3A_238 = arith.addi %scan3A_236, %scan3A_237 : i32
    %scan3A_239 = arith.constant 2 : i32
    scf.for %scan3A_254 = %scan3A_236 to %scan3A_238 step %scan3A_239  : i32 {
      %mul3A_255 = arith.constant 1 : i32
      %mul3A_256 = arith.muli %scan3A_254, %mul3A_255 : i32
      %add3A_257 = arith.constant 0 : i32
      %add3A_258 = arith.addi %add3A_257, %mul3A_256 : i32
      %get3A = arith.index_cast %add3A_258 : i32 to index
      %get3A_259 = arith.constant 0 : index
      %get3A_260 = tpu.vector_load %arg9[%get3A, %get3A_259] {strides = array<i32>} : memref<80x128xi32, #tpu.memory_space<vmem>>, vector<16xi32>,
      %get3A_261 = arith.index_cast %add3A_258 : i32 to index
      %get3A_262 = arith.constant 0 : index
      %get3A_263 = tpu.vector_load %arg10[%get3A_261, %get3A_262] {strides = array<i32>} : memref<80x128xi32, #tpu.memory_space<vmem>>, vector<16xi32>,
      %gather3A = tpu.vector_load_idx %arg7[%get3A_260] : memref<10240xf32, #tpu.memory_space<vmem>>[vector<16xi32>], vector<16xf32>,
      %gather3A_264 = tpu.vector_load_idx %arg8[%get3A_263] : memref<10240xf32, #tpu.memory_space<vmem>>[vector<16xi32>], vector<16xf32>,
      %add3A_265 = arith.addf %gather3A, %gather3A_264 : vector<16xf32>
      %gt3A = arith.constant 0.000000e+00 : f32
      %gt3A_266 = vector.broadcast %gt3A : f32 to vector<16xf32>
      %gt3A_267 = arith.cmpf ogt, %add3A_265, %gt3A_266 : vector<16xf32>
      %mul3A_268 = arith.constant 2.000000e-01 : f32
      %mul3A_269 = vector.broadcast %mul3A_268 : f32 to vector<16xf32>
      %mul3A_270 = arith.mulf %add3A_265, %mul3A_269 : vector<16xf32>
      %select_n3A = arith.select %gt3A_267, %add3A_265, %mul3A_270 : vector<16xi1>, vector<16xf32>
      %sub3A = arith.subf %select_n3A, %broadcast_in_dim3A_235 : vector<16xf32>
      %exp3A = math.exp %sub3A : vector<16xf32>
      %swap3A_271 = arith.index_cast %add3A_258 : i32 to index
      %swap3A_272 = arith.constant 0 : index
      %swap3A_273 = tpu.vector_load %arg11[%swap3A_271, %swap3A_272] {strides = array<i32>} : memref<80x128xf32, #tpu.memory_space<vmem>>, vector<16xf32>,
      tpu.vector_store %arg11[%swap3A_271, %swap3A_272], %exp3A {strides = array<i32>} : memref<80x128xf32, #tpu.memory_space<vmem>>, vector<16xf32>,
      %get3A_274 = arith.index_cast %add3A_258 : i32 to index
      %get3A_275 = arith.constant 16 : index
      %get3A_276 = tpu.vector_load %arg9[%get3A_274, %get3A_275] {strides = array<i32>} : memref<80x128xi32, #tpu.memory_space<vmem>>, vector<16xi32>,
      %get3A_277 = arith.index_cast %add3A_258 : i32 to index
      %get3A_278 = arith.constant 16 : index
      %get3A_279 = tpu.vector_load %arg10[%get3A_277, %get3A_278] {strides = array<i32>} : memref<80x128xi32, #tpu.memory_space<vmem>>, vector<16xi32>,
      %gather3A_280 = tpu.vector_load_idx %arg7[%get3A_276] : memref<10240xf32, #tpu.memory_space<vmem>>[vector<16xi32>], vector<16xf32>,
      %gather3A_281 = tpu.vector_load_idx %arg8[%get3A_279] : memref<10240xf32, #tpu.memory_space<vmem>>[vector<16xi32>], vector<16xf32>,
      %add3A_282 = arith.addf %gather3A_280, %gather3A_281 : vector<16xf32>
      %gt3A_283 = arith.constant 0.000000e+00 : f32
      %gt3A_284 = vector.broadcast %gt3A_283 : f32 to vector<16xf32>
      %gt3A_285 = arith.cmpf ogt, %add3A_282, %gt3A_284 : vector<16xf32>
      %mul3A_286 = arith.constant 2.000000e-01 : f32
      %mul3A_287 = vector.broadcast %mul3A_286 : f32 to vector<16xf32>
      %mul3A_288 = arith.mulf %add3A_282, %mul3A_287 : vector<16xf32>
      %select_n3A_289 = arith.select %gt3A_285, %add3A_282, %mul3A_288 : vector<16xi1>, vector<16xf32>
      %sub3A_290 = arith.subf %select_n3A_289, %broadcast_in_dim3A_235 : vector<16xf32>
      %exp3A_291 = math.exp %sub3A_290 : vector<16xf32>
      %swap3A_292 = arith.index_cast %add3A_258 : i32 to index
      %swap3A_293 = arith.constant 16 : index
      %swap3A_294 = tpu.vector_load %arg11[%swap3A_292, %swap3A_293] {strides = array<i32>} : memref<80x128xf32, #tpu.memory_space<vmem>>, vector<16xf32>,
      tpu.vector_store %arg11[%swap3A_292, %swap3A_293], %exp3A_291 {strides = array<i32>} : memref<80x128xf32, #tpu.memory_space<vmem>>, vector<16xf32>,
      %get3A_295 = arith.index_cast %add3A_258 : i32 to index
      %get3A_296 = arith.constant 32 : index
      %get3A_297 = tpu.vector_load %arg9[%get3A_295, %get3A_296] {strides = array<i32>} : memref<80x128xi32, #tpu.memory_space<vmem>>, vector<16xi32>,
      %get3A_298 = arith.index_cast %add3A_258 : i32 to index
      %get3A_299 = arith.constant 32 : index
      %get3A_300 = tpu.vector_load %arg10[%get3A_298, %get3A_299] {strides = array<i32>} : memref<80x128xi32, #tpu.memory_space<vmem>>, vector<16xi32>,
      %gather3A_301 = tpu.vector_load_idx %arg7[%get3A_297] : memref<10240xf32, #tpu.memory_space<vmem>>[vector<16xi32>], vector<16xf32>,
      %gather3A_302 = tpu.vector_load_idx %arg8[%get3A_300] : memref<10240xf32, #tpu.memory_space<vmem>>[vector<16xi32>], vector<16xf32>,
      %add3A_303 = arith.addf %gather3A_301, %gather3A_302 : vector<16xf32>
      %gt3A_304 = arith.constant 0.000000e+00 : f32
      %gt3A_305 = vector.broadcast %gt3A_304 : f32 to vector<16xf32>
      %gt3A_306 = arith.cmpf ogt, %add3A_303, %gt3A_305 : vector<16xf32>
      %mul3A_307 = arith.constant 2.000000e-01 : f32
      %mul3A_308 = vector.broadcast %mul3A_307 : f32 to vector<16xf32>
      %mul3A_309 = arith.mulf %add3A_303, %mul3A_308 : vector<16xf32>
      %select_n3A_310 = arith.select %gt3A_306, %add3A_303, %mul3A_309 : vector<16xi1>, vector<16xf32>
      %sub3A_311 = arith.subf %select_n3A_310, %broadcast_in_dim3A_235 : vector<16xf32>
      %exp3A_312 = math.exp %sub3A_311 : vector<16xf32>
      %swap3A_313 = arith.index_cast %add3A_258 : i32 to index
      %swap3A_314 = arith.constant 32 : index
      %swap3A_315 = tpu.vector_load %arg11[%swap3A_313, %swap3A_314] {strides = array<i32>} : memref<80x128xf32, #tpu.memory_space<vmem>>, vector<16xf32>,
      tpu.vector_store %arg11[%swap3A_313, %swap3A_314], %exp3A_312 {strides = array<i32>} : memref<80x128xf32, #tpu.memory_space<vmem>>, vector<16xf32>,
      %get3A_316 = arith.index_cast %add3A_258 : i32 to index
      %get3A_317 = arith.constant 48 : index
      %get3A_318 = tpu.vector_load %arg9[%get3A_316, %get3A_317] {strides = array<i32>} : memref<80x128xi32, #tpu.memory_space<vmem>>, vector<16xi32>,
      %get3A_319 = arith.index_cast %add3A_258 : i32 to index
      %get3A_320 = arith.constant 48 : index
      %get3A_321 = tpu.vector_load %arg10[%get3A_319, %get3A_320] {strides = array<i32>} : memref<80x128xi32, #tpu.memory_space<vmem>>, vector<16xi32>,
      %gather3A_322 = tpu.vector_load_idx %arg7[%get3A_318] : memref<10240xf32, #tpu.memory_space<vmem>>[vector<16xi32>], vector<16xf32>,
      %gather3A_323 = tpu.vector_load_idx %arg8[%get3A_321] : memref<10240xf32, #tpu.memory_space<vmem>>[vector<16xi32>], vector<16xf32>,
      %add3A_324 = arith.addf %gather3A_322, %gather3A_323 : vector<16xf32>
      %gt3A_325 = arith.constant 0.000000e+00 : f32
      %gt3A_326 = vector.broadcast %gt3A_325 : f32 to vector<16xf32>
      %gt3A_327 = arith.cmpf ogt, %add3A_324, %gt3A_326 : vector<16xf32>
      %mul3A_328 = arith.constant 2.000000e-01 : f32
      %mul3A_329 = vector.broadcast %mul3A_328 : f32 to vector<16xf32>
      %mul3A_330 = arith.mulf %add3A_324, %mul3A_329 : vector<16xf32>
      %select_n3A_331 = arith.select %gt3A_327, %add3A_324, %mul3A_330 : vector<16xi1>, vector<16xf32>
      %sub3A_332 = arith.subf %select_n3A_331, %broadcast_in_dim3A_235 : vector<16xf32>
      %exp3A_333 = math.exp %sub3A_332 : vector<16xf32>
      %swap3A_334 = arith.index_cast %add3A_258 : i32 to index
      %swap3A_335 = arith.constant 48 : index
      %swap3A_336 = tpu.vector_load %arg11[%swap3A_334, %swap3A_335] {strides = array<i32>} : memref<80x128xf32, #tpu.memory_space<vmem>>, vector<16xf32>,
      tpu.vector_store %arg11[%swap3A_334, %swap3A_335], %exp3A_333 {strides = array<i32>} : memref<80x128xf32, #tpu.memory_space<vmem>>, vector<16xf32>,
      %get3A_337 = arith.index_cast %add3A_258 : i32 to index
      %get3A_338 = arith.constant 64 : index
      %get3A_339 = tpu.vector_load %arg9[%get3A_337, %get3A_338] {strides = array<i32>} : memref<80x128xi32, #tpu.memory_space<vmem>>, vector<16xi32>,
      %get3A_340 = arith.index_cast %add3A_258 : i32 to index
      %get3A_341 = arith.constant 64 : index
      %get3A_342 = tpu.vector_load %arg10[%get3A_340, %get3A_341] {strides = array<i32>} : memref<80x128xi32, #tpu.memory_space<vmem>>, vector<16xi32>,
      %gather3A_343 = tpu.vector_load_idx %arg7[%get3A_339] : memref<10240xf32, #tpu.memory_space<vmem>>[vector<16xi32>], vector<16xf32>,
      %gather3A_344 = tpu.vector_load_idx %arg8[%get3A_342] : memref<10240xf32, #tpu.memory_space<vmem>>[vector<16xi32>], vector<16xf32>,
      %add3A_345 = arith.addf %gather3A_343, %gather3A_344 : vector<16xf32>
      %gt3A_346 = arith.constant 0.000000e+00 : f32
      %gt3A_347 = vector.broadcast %gt3A_346 : f32 to vector<16xf32>
      %gt3A_348 = arith.cmpf ogt, %add3A_345, %gt3A_347 : vector<16xf32>
      %mul3A_349 = arith.constant 2.000000e-01 : f32
      %mul3A_350 = vector.broadcast %mul3A_349 : f32 to vector<16xf32>
      %mul3A_351 = arith.mulf %add3A_345, %mul3A_350 : vector<16xf32>
      %select_n3A_352 = arith.select %gt3A_348, %add3A_345, %mul3A_351 : vector<16xi1>, vector<16xf32>
      %sub3A_353 = arith.subf %select_n3A_352, %broadcast_in_dim3A_235 : vector<16xf32>
      %exp3A_354 = math.exp %sub3A_353 : vector<16xf32>
      %swap3A_355 = arith.index_cast %add3A_258 : i32 to index
      %swap3A_356 = arith.constant 64 : index
      %swap3A_357 = tpu.vector_load %arg11[%swap3A_355, %swap3A_356] {strides = array<i32>} : memref<80x128xf32, #tpu.memory_space<vmem>>, vector<16xf32>,
      tpu.vector_store %arg11[%swap3A_355, %swap3A_356], %exp3A_354 {strides = array<i32>} : memref<80x128xf32, #tpu.memory_space<vmem>>, vector<16xf32>,
      %get3A_358 = arith.index_cast %add3A_258 : i32 to index
      %get3A_359 = arith.constant 80 : index
      %get3A_360 = tpu.vector_load %arg9[%get3A_358, %get3A_359] {strides = array<i32>} : memref<80x128xi32, #tpu.memory_space<vmem>>, vector<16xi32>,
      %get3A_361 = arith.index_cast %add3A_258 : i32 to index
      %get3A_362 = arith.constant 80 : index
      %get3A_363 = tpu.vector_load %arg10[%get3A_361, %get3A_362] {strides = array<i32>} : memref<80x128xi32, #tpu.memory_space<vmem>>, vector<16xi32>,
      %gather3A_364 = tpu.vector_load_idx %arg7[%get3A_360] : memref<10240xf32, #tpu.memory_space<vmem>>[vector<16xi32>], vector<16xf32>,
      %gather3A_365 = tpu.vector_load_idx %arg8[%get3A_363] : memref<10240xf32, #tpu.memory_space<vmem>>[vector<16xi32>], vector<16xf32>,
      %add3A_366 = arith.addf %gather3A_364, %gather3A_365 : vector<16xf32>
      %gt3A_367 = arith.constant 0.000000e+00 : f32
      %gt3A_368 = vector.broadcast %gt3A_367 : f32 to vector<16xf32>
      %gt3A_369 = arith.cmpf ogt, %add3A_366, %gt3A_368 : vector<16xf32>
      %mul3A_370 = arith.constant 2.000000e-01 : f32
      %mul3A_371 = vector.broadcast %mul3A_370 : f32 to vector<16xf32>
      %mul3A_372 = arith.mulf %add3A_366, %mul3A_371 : vector<16xf32>
      %select_n3A_373 = arith.select %gt3A_369, %add3A_366, %mul3A_372 : vector<16xi1>, vector<16xf32>
      %sub3A_374 = arith.subf %select_n3A_373, %broadcast_in_dim3A_235 : vector<16xf32>
      %exp3A_375 = math.exp %sub3A_374 : vector<16xf32>
      %swap3A_376 = arith.index_cast %add3A_258 : i32 to index
      %swap3A_377 = arith.constant 80 : index
      %swap3A_378 = tpu.vector_load %arg11[%swap3A_376, %swap3A_377] {strides = array<i32>} : memref<80x128xf32, #tpu.memory_space<vmem>>, vector<16xf32>,
      tpu.vector_store %arg11[%swap3A_376, %swap3A_377], %exp3A_375 {strides = array<i32>} : memref<80x128xf32, #tpu.memory_space<vmem>>, vector<16xf32>,
      %get3A_379 = arith.index_cast %add3A_258 : i32 to index
      %get3A_380 = arith.constant 96 : index
      %get3A_381 = tpu.vector_load %arg9[%get3A_379, %get3A_380] {strides = array<i32>} : memref<80x128xi32, #tpu.memory_space<vmem>>, vector<16xi32>,
      %get3A_382 = arith.index_cast %add3A_258 : i32 to index
      %get3A_383 = arith.constant 96 : index
      %get3A_384 = tpu.vector_load %arg10[%get3A_382, %get3A_383] {strides = array<i32>} : memref<80x128xi32, #tpu.memory_space<vmem>>, vector<16xi32>,
      %gather3A_385 = tpu.vector_load_idx %arg7[%get3A_381] : memref<10240xf32, #tpu.memory_space<vmem>>[vector<16xi32>], vector<16xf32>,
      %gather3A_386 = tpu.vector_load_idx %arg8[%get3A_384] : memref<10240xf32, #tpu.memory_space<vmem>>[vector<16xi32>], vector<16xf32>,
      %add3A_387 = arith.addf %gather3A_385, %gather3A_386 : vector<16xf32>
      %gt3A_388 = arith.constant 0.000000e+00 : f32
      %gt3A_389 = vector.broadcast %gt3A_388 : f32 to vector<16xf32>
      %gt3A_390 = arith.cmpf ogt, %add3A_387, %gt3A_389 : vector<16xf32>
      %mul3A_391 = arith.constant 2.000000e-01 : f32
      %mul3A_392 = vector.broadcast %mul3A_391 : f32 to vector<16xf32>
      %mul3A_393 = arith.mulf %add3A_387, %mul3A_392 : vector<16xf32>
      %select_n3A_394 = arith.select %gt3A_390, %add3A_387, %mul3A_393 : vector<16xi1>, vector<16xf32>
      %sub3A_395 = arith.subf %select_n3A_394, %broadcast_in_dim3A_235 : vector<16xf32>
      %exp3A_396 = math.exp %sub3A_395 : vector<16xf32>
      %swap3A_397 = arith.index_cast %add3A_258 : i32 to index
      %swap3A_398 = arith.constant 96 : index
      %swap3A_399 = tpu.vector_load %arg11[%swap3A_397, %swap3A_398] {strides = array<i32>} : memref<80x128xf32, #tpu.memory_space<vmem>>, vector<16xf32>,
      tpu.vector_store %arg11[%swap3A_397, %swap3A_398], %exp3A_396 {strides = array<i32>} : memref<80x128xf32, #tpu.memory_space<vmem>>, vector<16xf32>,
      %get3A_400 = arith.index_cast %add3A_258 : i32 to index
      %get3A_401 = arith.constant 112 : index
      %get3A_402 = tpu.vector_load %arg9[%get3A_400, %get3A_401] {strides = array<i32>} : memref<80x128xi32, #tpu.memory_space<vmem>>, vector<16xi32>,
      %get3A_403 = arith.index_cast %add3A_258 : i32 to index
      %get3A_404 = arith.constant 112 : index
      %get3A_405 = tpu.vector_load %arg10[%get3A_403, %get3A_404] {strides = array<i32>} : memref<80x128xi32, #tpu.memory_space<vmem>>, vector<16xi32>,
      %gather3A_406 = tpu.vector_load_idx %arg7[%get3A_402] : memref<10240xf32, #tpu.memory_space<vmem>>[vector<16xi32>], vector<16xf32>,
      %gather3A_407 = tpu.vector_load_idx %arg8[%get3A_405] : memref<10240xf32, #tpu.memory_space<vmem>>[vector<16xi32>], vector<16xf32>,
      %add3A_408 = arith.addf %gather3A_406, %gather3A_407 : vector<16xf32>
      %gt3A_409 = arith.constant 0.000000e+00 : f32
      %gt3A_410 = vector.broadcast %gt3A_409 : f32 to vector<16xf32>
      %gt3A_411 = arith.cmpf ogt, %add3A_408, %gt3A_410 : vector<16xf32>
      %mul3A_412 = arith.constant 2.000000e-01 : f32
      %mul3A_413 = vector.broadcast %mul3A_412 : f32 to vector<16xf32>
      %mul3A_414 = arith.mulf %add3A_408, %mul3A_413 : vector<16xf32>
      %select_n3A_415 = arith.select %gt3A_411, %add3A_408, %mul3A_414 : vector<16xi1>, vector<16xf32>
      %sub3A_416 = arith.subf %select_n3A_415, %broadcast_in_dim3A_235 : vector<16xf32>
      %exp3A_417 = math.exp %sub3A_416 : vector<16xf32>
      %swap3A_418 = arith.index_cast %add3A_258 : i32 to index
      %swap3A_419 = arith.constant 112 : index
      %swap3A_420 = tpu.vector_load %arg11[%swap3A_418, %swap3A_419] {strides = array<i32>} : memref<80x128xf32, #tpu.memory_space<vmem>>, vector<16xf32>,
      tpu.vector_store %arg11[%swap3A_418, %swap3A_419], %exp3A_417 {strides = array<i32>} : memref<80x128xf32, #tpu.memory_space<vmem>>, vector<16xf32>,
      %scan3A_421 = arith.constant 1 : i32
      %scan3A_422 = arith.addi %scan3A_254, %scan3A_421 : i32
      %mul3A_423 = arith.constant 1 : i32
      %mul3A_424 = arith.muli %scan3A_422, %mul3A_423 : i32
      %add3A_425 = arith.constant 0 : i32
      %add3A_426 = arith.addi %add3A_425, %mul3A_424 : i32
      %get3A_427 = arith.index_cast %add3A_426 : i32 to index
      %get3A_428 = arith.constant 0 : index
      %get3A_429 = tpu.vector_load %arg9[%get3A_427, %get3A_428] {strides = array<i32>} : memref<80x128xi32, #tpu.memory_space<vmem>>, vector<16xi32>,
      %get3A_430 = arith.index_cast %add3A_426 : i32 to index
      %get3A_431 = arith.constant 0 : index
      %get3A_432 = tpu.vector_load %arg10[%get3A_430, %get3A_431] {strides = array<i32>} : memref<80x128xi32, #tpu.memory_space<vmem>>, vector<16xi32>,
      %gather3A_433 = tpu.vector_load_idx %arg7[%get3A_429] : memref<10240xf32, #tpu.memory_space<vmem>>[vector<16xi32>], vector<16xf32>,
      %gather3A_434 = tpu.vector_load_idx %arg8[%get3A_432] : memref<10240xf32, #tpu.memory_space<vmem>>[vector<16xi32>], vector<16xf32>,
      %add3A_435 = arith.addf %gather3A_433, %gather3A_434 : vector<16xf32>
      %gt3A_436 = arith.constant 0.000000e+00 : f32
      %gt3A_437 = vector.broadcast %gt3A_436 : f32 to vector<16xf32>
      %gt3A_438 = arith.cmpf ogt, %add3A_435, %gt3A_437 : vector<16xf32>
      %mul3A_439 = arith.constant 2.000000e-01 : f32
      %mul3A_440 = vector.broadcast %mul3A_439 : f32 to vector<16xf32>
      %mul3A_441 = arith.mulf %add3A_435, %mul3A_440 : vector<16xf32>
      %select_n3A_442 = arith.select %gt3A_438, %add3A_435, %mul3A_441 : vector<16xi1>, vector<16xf32>
      %sub3A_443 = arith.subf %select_n3A_442, %broadcast_in_dim3A_235 : vector<16xf32>
      %exp3A_444 = math.exp %sub3A_443 : vector<16xf32>
      %swap3A_445 = arith.index_cast %add3A_426 : i32 to index
      %swap3A_446 = arith.constant 0 : index
      %swap3A_447 = tpu.vector_load %arg11[%swap3A_445, %swap3A_446] {strides = array<i32>} : memref<80x128xf32, #tpu.memory_space<vmem>>, vector<16xf32>,
      tpu.vector_store %arg11[%swap3A_445, %swap3A_446], %exp3A_444 {strides = array<i32>} : memref<80x128xf32, #tpu.memory_space<vmem>>, vector<16xf32>,
      %get3A_448 = arith.index_cast %add3A_426 : i32 to index
      %get3A_449 = arith.constant 16 : index
      %get3A_450 = tpu.vector_load %arg9[%get3A_448, %get3A_449] {strides = array<i32>} : memref<80x128xi32, #tpu.memory_space<vmem>>, vector<16xi32>,
      %get3A_451 = arith.index_cast %add3A_426 : i32 to index
      %get3A_452 = arith.constant 16 : index
      %get3A_453 = tpu.vector_load %arg10[%get3A_451, %get3A_452] {strides = array<i32>} : memref<80x128xi32, #tpu.memory_space<vmem>>, vector<16xi32>,
      %gather3A_454 = tpu.vector_load_idx %arg7[%get3A_450] : memref<10240xf32, #tpu.memory_space<vmem>>[vector<16xi32>], vector<16xf32>,
      %gather3A_455 = tpu.vector_load_idx %arg8[%get3A_453] : memref<10240xf32, #tpu.memory_space<vmem>>[vector<16xi32>], vector<16xf32>,
      %add3A_456 = arith.addf %gather3A_454, %gather3A_455 : vector<16xf32>
      %gt3A_457 = arith.constant 0.000000e+00 : f32
      %gt3A_458 = vector.broadcast %gt3A_457 : f32 to vector<16xf32>
      %gt3A_459 = arith.cmpf ogt, %add3A_456, %gt3A_458 : vector<16xf32>
      %mul3A_460 = arith.constant 2.000000e-01 : f32
      %mul3A_461 = vector.broadcast %mul3A_460 : f32 to vector<16xf32>
      %mul3A_462 = arith.mulf %add3A_456, %mul3A_461 : vector<16xf32>
      %select_n3A_463 = arith.select %gt3A_459, %add3A_456, %mul3A_462 : vector<16xi1>, vector<16xf32>
      %sub3A_464 = arith.subf %select_n3A_463, %broadcast_in_dim3A_235 : vector<16xf32>
      %exp3A_465 = math.exp %sub3A_464 : vector<16xf32>
      %swap3A_466 = arith.index_cast %add3A_426 : i32 to index
      %swap3A_467 = arith.constant 16 : index
      %swap3A_468 = tpu.vector_load %arg11[%swap3A_466, %swap3A_467] {strides = array<i32>} : memref<80x128xf32, #tpu.memory_space<vmem>>, vector<16xf32>,
      tpu.vector_store %arg11[%swap3A_466, %swap3A_467], %exp3A_465 {strides = array<i32>} : memref<80x128xf32, #tpu.memory_space<vmem>>, vector<16xf32>,
      %get3A_469 = arith.index_cast %add3A_426 : i32 to index
      %get3A_470 = arith.constant 32 : index
      %get3A_471 = tpu.vector_load %arg9[%get3A_469, %get3A_470] {strides = array<i32>} : memref<80x128xi32, #tpu.memory_space<vmem>>, vector<16xi32>,
      %get3A_472 = arith.index_cast %add3A_426 : i32 to index
      %get3A_473 = arith.constant 32 : index
      %get3A_474 = tpu.vector_load %arg10[%get3A_472, %get3A_473] {strides = array<i32>} : memref<80x128xi32, #tpu.memory_space<vmem>>, vector<16xi32>,
      %gather3A_475 = tpu.vector_load_idx %arg7[%get3A_471] : memref<10240xf32, #tpu.memory_space<vmem>>[vector<16xi32>], vector<16xf32>,
      %gather3A_476 = tpu.vector_load_idx %arg8[%get3A_474] : memref<10240xf32, #tpu.memory_space<vmem>>[vector<16xi32>], vector<16xf32>,
      %add3A_477 = arith.addf %gather3A_475, %gather3A_476 : vector<16xf32>
      %gt3A_478 = arith.constant 0.000000e+00 : f32
      %gt3A_479 = vector.broadcast %gt3A_478 : f32 to vector<16xf32>
      %gt3A_480 = arith.cmpf ogt, %add3A_477, %gt3A_479 : vector<16xf32>
      %mul3A_481 = arith.constant 2.000000e-01 : f32
      %mul3A_482 = vector.broadcast %mul3A_481 : f32 to vector<16xf32>
      %mul3A_483 = arith.mulf %add3A_477, %mul3A_482 : vector<16xf32>
      %select_n3A_484 = arith.select %gt3A_480, %add3A_477, %mul3A_483 : vector<16xi1>, vector<16xf32>
      %sub3A_485 = arith.subf %select_n3A_484, %broadcast_in_dim3A_235 : vector<16xf32>
      %exp3A_486 = math.exp %sub3A_485 : vector<16xf32>
      %swap3A_487 = arith.index_cast %add3A_426 : i32 to index
      %swap3A_488 = arith.constant 32 : index
      %swap3A_489 = tpu.vector_load %arg11[%swap3A_487, %swap3A_488] {strides = array<i32>} : memref<80x128xf32, #tpu.memory_space<vmem>>, vector<16xf32>,
      tpu.vector_store %arg11[%swap3A_487, %swap3A_488], %exp3A_486 {strides = array<i32>} : memref<80x128xf32, #tpu.memory_space<vmem>>, vector<16xf32>,
      %get3A_490 = arith.index_cast %add3A_426 : i32 to index
      %get3A_491 = arith.constant 48 : index
      %get3A_492 = tpu.vector_load %arg9[%get3A_490, %get3A_491] {strides = array<i32>} : memref<80x128xi32, #tpu.memory_space<vmem>>, vector<16xi32>,
      %get3A_493 = arith.index_cast %add3A_426 : i32 to index
      %get3A_494 = arith.constant 48 : index
      %get3A_495 = tpu.vector_load %arg10[%get3A_493, %get3A_494] {strides = array<i32>} : memref<80x128xi32, #tpu.memory_space<vmem>>, vector<16xi32>,
      %gather3A_496 = tpu.vector_load_idx %arg7[%get3A_492] : memref<10240xf32, #tpu.memory_space<vmem>>[vector<16xi32>], vector<16xf32>,
      %gather3A_497 = tpu.vector_load_idx %arg8[%get3A_495] : memref<10240xf32, #tpu.memory_space<vmem>>[vector<16xi32>], vector<16xf32>,
      %add3A_498 = arith.addf %gather3A_496, %gather3A_497 : vector<16xf32>
      %gt3A_499 = arith.constant 0.000000e+00 : f32
      %gt3A_500 = vector.broadcast %gt3A_499 : f32 to vector<16xf32>
      %gt3A_501 = arith.cmpf ogt, %add3A_498, %gt3A_500 : vector<16xf32>
      %mul3A_502 = arith.constant 2.000000e-01 : f32
      %mul3A_503 = vector.broadcast %mul3A_502 : f32 to vector<16xf32>
      %mul3A_504 = arith.mulf %add3A_498, %mul3A_503 : vector<16xf32>
      %select_n3A_505 = arith.select %gt3A_501, %add3A_498, %mul3A_504 : vector<16xi1>, vector<16xf32>
      %sub3A_506 = arith.subf %select_n3A_505, %broadcast_in_dim3A_235 : vector<16xf32>
      %exp3A_507 = math.exp %sub3A_506 : vector<16xf32>
      %swap3A_508 = arith.index_cast %add3A_426 : i32 to index
      %swap3A_509 = arith.constant 48 : index
      %swap3A_510 = tpu.vector_load %arg11[%swap3A_508, %swap3A_509] {strides = array<i32>} : memref<80x128xf32, #tpu.memory_space<vmem>>, vector<16xf32>,
      tpu.vector_store %arg11[%swap3A_508, %swap3A_509], %exp3A_507 {strides = array<i32>} : memref<80x128xf32, #tpu.memory_space<vmem>>, vector<16xf32>,
      %get3A_511 = arith.index_cast %add3A_426 : i32 to index
      %get3A_512 = arith.constant 64 : index
      %get3A_513 = tpu.vector_load %arg9[%get3A_511, %get3A_512] {strides = array<i32>} : memref<80x128xi32, #tpu.memory_space<vmem>>, vector<16xi32>,
      %get3A_514 = arith.index_cast %add3A_426 : i32 to index
      %get3A_515 = arith.constant 64 : index
      %get3A_516 = tpu.vector_load %arg10[%get3A_514, %get3A_515] {strides = array<i32>} : memref<80x128xi32, #tpu.memory_space<vmem>>, vector<16xi32>,
      %gather3A_517 = tpu.vector_load_idx %arg7[%get3A_513] : memref<10240xf32, #tpu.memory_space<vmem>>[vector<16xi32>], vector<16xf32>,
      %gather3A_518 = tpu.vector_load_idx %arg8[%get3A_516] : memref<10240xf32, #tpu.memory_space<vmem>>[vector<16xi32>], vector<16xf32>,
      %add3A_519 = arith.addf %gather3A_517, %gather3A_518 : vector<16xf32>
      %gt3A_520 = arith.constant 0.000000e+00 : f32
      %gt3A_521 = vector.broadcast %gt3A_520 : f32 to vector<16xf32>
      %gt3A_522 = arith.cmpf ogt, %add3A_519, %gt3A_521 : vector<16xf32>
      %mul3A_523 = arith.constant 2.000000e-01 : f32
      %mul3A_524 = vector.broadcast %mul3A_523 : f32 to vector<16xf32>
      %mul3A_525 = arith.mulf %add3A_519, %mul3A_524 : vector<16xf32>
      %select_n3A_526 = arith.select %gt3A_522, %add3A_519, %mul3A_525 : vector<16xi1>, vector<16xf32>
      %sub3A_527 = arith.subf %select_n3A_526, %broadcast_in_dim3A_235 : vector<16xf32>
      %exp3A_528 = math.exp %sub3A_527 : vector<16xf32>
      %swap3A_529 = arith.index_cast %add3A_426 : i32 to index
      %swap3A_530 = arith.constant 64 : index
      %swap3A_531 = tpu.vector_load %arg11[%swap3A_529, %swap3A_530] {strides = array<i32>} : memref<80x128xf32, #tpu.memory_space<vmem>>, vector<16xf32>,
      tpu.vector_store %arg11[%swap3A_529, %swap3A_530], %exp3A_528 {strides = array<i32>} : memref<80x128xf32, #tpu.memory_space<vmem>>, vector<16xf32>,
      %get3A_532 = arith.index_cast %add3A_426 : i32 to index
      %get3A_533 = arith.constant 80 : index
      %get3A_534 = tpu.vector_load %arg9[%get3A_532, %get3A_533] {strides = array<i32>} : memref<80x128xi32, #tpu.memory_space<vmem>>, vector<16xi32>,
      %get3A_535 = arith.index_cast %add3A_426 : i32 to index
      %get3A_536 = arith.constant 80 : index
      %get3A_537 = tpu.vector_load %arg10[%get3A_535, %get3A_536] {strides = array<i32>} : memref<80x128xi32, #tpu.memory_space<vmem>>, vector<16xi32>,
      %gather3A_538 = tpu.vector_load_idx %arg7[%get3A_534] : memref<10240xf32, #tpu.memory_space<vmem>>[vector<16xi32>], vector<16xf32>,
      %gather3A_539 = tpu.vector_load_idx %arg8[%get3A_537] : memref<10240xf32, #tpu.memory_space<vmem>>[vector<16xi32>], vector<16xf32>,
      %add3A_540 = arith.addf %gather3A_538, %gather3A_539 : vector<16xf32>
      %gt3A_541 = arith.constant 0.000000e+00 : f32
      %gt3A_542 = vector.broadcast %gt3A_541 : f32 to vector<16xf32>
      %gt3A_543 = arith.cmpf ogt, %add3A_540, %gt3A_542 : vector<16xf32>
      %mul3A_544 = arith.constant 2.000000e-01 : f32
      %mul3A_545 = vector.broadcast %mul3A_544 : f32 to vector<16xf32>
      %mul3A_546 = arith.mulf %add3A_540, %mul3A_545 : vector<16xf32>
      %select_n3A_547 = arith.select %gt3A_543, %add3A_540, %mul3A_546 : vector<16xi1>, vector<16xf32>
      %sub3A_548 = arith.subf %select_n3A_547, %broadcast_in_dim3A_235 : vector<16xf32>
      %exp3A_549 = math.exp %sub3A_548 : vector<16xf32>
      %swap3A_550 = arith.index_cast %add3A_426 : i32 to index
      %swap3A_551 = arith.constant 80 : index
      %swap3A_552 = tpu.vector_load %arg11[%swap3A_550, %swap3A_551] {strides = array<i32>} : memref<80x128xf32, #tpu.memory_space<vmem>>, vector<16xf32>,
      tpu.vector_store %arg11[%swap3A_550, %swap3A_551], %exp3A_549 {strides = array<i32>} : memref<80x128xf32, #tpu.memory_space<vmem>>, vector<16xf32>,
      %get3A_553 = arith.index_cast %add3A_426 : i32 to index
      %get3A_554 = arith.constant 96 : index
      %get3A_555 = tpu.vector_load %arg9[%get3A_553, %get3A_554] {strides = array<i32>} : memref<80x128xi32, #tpu.memory_space<vmem>>, vector<16xi32>,
      %get3A_556 = arith.index_cast %add3A_426 : i32 to index
      %get3A_557 = arith.constant 96 : index
      %get3A_558 = tpu.vector_load %arg10[%get3A_556, %get3A_557] {strides = array<i32>} : memref<80x128xi32, #tpu.memory_space<vmem>>, vector<16xi32>,
      %gather3A_559 = tpu.vector_load_idx %arg7[%get3A_555] : memref<10240xf32, #tpu.memory_space<vmem>>[vector<16xi32>], vector<16xf32>,
      %gather3A_560 = tpu.vector_load_idx %arg8[%get3A_558] : memref<10240xf32, #tpu.memory_space<vmem>>[vector<16xi32>], vector<16xf32>,
      %add3A_561 = arith.addf %gather3A_559, %gather3A_560 : vector<16xf32>
      %gt3A_562 = arith.constant 0.000000e+00 : f32
      %gt3A_563 = vector.broadcast %gt3A_562 : f32 to vector<16xf32>
      %gt3A_564 = arith.cmpf ogt, %add3A_561, %gt3A_563 : vector<16xf32>
      %mul3A_565 = arith.constant 2.000000e-01 : f32
      %mul3A_566 = vector.broadcast %mul3A_565 : f32 to vector<16xf32>
      %mul3A_567 = arith.mulf %add3A_561, %mul3A_566 : vector<16xf32>
      %select_n3A_568 = arith.select %gt3A_564, %add3A_561, %mul3A_567 : vector<16xi1>, vector<16xf32>
      %sub3A_569 = arith.subf %select_n3A_568, %broadcast_in_dim3A_235 : vector<16xf32>
      %exp3A_570 = math.exp %sub3A_569 : vector<16xf32>
      %swap3A_571 = arith.index_cast %add3A_426 : i32 to index
      %swap3A_572 = arith.constant 96 : index
      %swap3A_573 = tpu.vector_load %arg11[%swap3A_571, %swap3A_572] {strides = array<i32>} : memref<80x128xf32, #tpu.memory_space<vmem>>, vector<16xf32>,
      tpu.vector_store %arg11[%swap3A_571, %swap3A_572], %exp3A_570 {strides = array<i32>} : memref<80x128xf32, #tpu.memory_space<vmem>>, vector<16xf32>,
      %get3A_574 = arith.index_cast %add3A_426 : i32 to index
      %get3A_575 = arith.constant 112 : index
      %get3A_576 = tpu.vector_load %arg9[%get3A_574, %get3A_575] {strides = array<i32>} : memref<80x128xi32, #tpu.memory_space<vmem>>, vector<16xi32>,
      %get3A_577 = arith.index_cast %add3A_426 : i32 to index
      %get3A_578 = arith.constant 112 : index
      %get3A_579 = tpu.vector_load %arg10[%get3A_577, %get3A_578] {strides = array<i32>} : memref<80x128xi32, #tpu.memory_space<vmem>>, vector<16xi32>,
      %gather3A_580 = tpu.vector_load_idx %arg7[%get3A_576] : memref<10240xf32, #tpu.memory_space<vmem>>[vector<16xi32>], vector<16xf32>,
      %gather3A_581 = tpu.vector_load_idx %arg8[%get3A_579] : memref<10240xf32, #tpu.memory_space<vmem>>[vector<16xi32>], vector<16xf32>,
      %add3A_582 = arith.addf %gather3A_580, %gather3A_581 : vector<16xf32>
      %gt3A_583 = arith.constant 0.000000e+00 : f32
      %gt3A_584 = vector.broadcast %gt3A_583 : f32 to vector<16xf32>
      %gt3A_585 = arith.cmpf ogt, %add3A_582, %gt3A_584 : vector<16xf32>
      %mul3A_586 = arith.constant 2.000000e-01 : f32
      %mul3A_587 = vector.broadcast %mul3A_586 : f32 to vector<16xf32>
      %mul3A_588 = arith.mulf %add3A_582, %mul3A_587 : vector<16xf32>
      %select_n3A_589 = arith.select %gt3A_585, %add3A_582, %mul3A_588 : vector<16xi1>, vector<16xf32>
      %sub3A_590 = arith.subf %select_n3A_589, %broadcast_in_dim3A_235 : vector<16xf32>
      %exp3A_591 = math.exp %sub3A_590 : vector<16xf32>
      %swap3A_592 = arith.index_cast %add3A_426 : i32 to index
      %swap3A_593 = arith.constant 112 : index
      %swap3A_594 = tpu.vector_load %arg11[%swap3A_592, %swap3A_593] {strides = array<i32>} : memref<80x128xf32, #tpu.memory_space<vmem>>, vector<16xf32>,
      tpu.vector_store %arg11[%swap3A_592, %swap3A_593], %exp3A_591 {strides = array<i32>} : memref<80x128xf32, #tpu.memory_space<vmem>>, vector<16xf32>,
    }
    %scan3A_240 = arith.constant 80 : i32
    %scan3A_241 = arith.constant 0 : i32
    %scan3A_242 = arith.constant 80 : i32
    %scan3A_243 = arith.addi %scan3A_241, %scan3A_242 : i32
    %scan3A_244 = arith.constant 1 : i32
    scf.for %scan3A_254 = %scan3A_241 to %scan3A_243 step %scan3A_244  : i32 {
      %mul3A_255 = arith.constant 1 : i32
      %mul3A_256 = arith.muli %scan3A_254, %mul3A_255 : i32
      %add3A_257 = arith.constant 0 : i32
      %add3A_258 = arith.addi %add3A_257, %mul3A_256 : i32
      %dma_start3A_259 = arith.constant 0 : i32
      %dma_start3A_260 = tpu.memref_slice %arg11[%add3A_258, %dma_start3A_259] : memref<80x128xf32, #tpu.memory_space<vmem>> -> memref<1x128xf32, #tpu.memory_space<vmem>>
      %dma_start3A_261 = tpu.memref_squeeze %dma_start3A_260 : memref<1x128xf32, #tpu.memory_space<vmem>> -> memref<128xf32, #tpu.memory_space<vmem>>
      %dma_start3A_262 = arith.constant 0 : i32
      %dma_start3A_263 = tpu.memref_slice %arg10[%add3A_258, %dma_start3A_262] : memref<80x128xi32, #tpu.memory_space<vmem>> -> memref<1x128xi32, #tpu.memory_space<vmem>>
      %dma_start3A_264 = tpu.memref_squeeze %dma_start3A_263 : memref<1x128xi32, #tpu.memory_space<vmem>> -> memref<128xi32, #tpu.memory_space<vmem>>
      %dma_start3A_265 = arith.constant 0 : i32
      %dma_start3A_266 = tpu.memref_slice %arg13[%dma_start3A_265] : memref<10240xf32, #tpu.memory_space<vmem_shared>> -> memref<10240xf32, #tpu.memory_space<vmem_shared>>
      tpu.enqueue_indirect_dma source(%dma_start3A_261 : memref<128xf32, #tpu.memory_space<vmem>>) target(%dma_start3A_266 : memref<10240xf32, #tpu.memory_space<vmem_shared>>) offsets(%dma_start3A_264 : memref<128xi32, #tpu.memory_space<vmem>>) semaphore(%arg14 : memref<!tpu.dma_semaphore, #tpu.memory_space<semaphore_mem>>) {add = true}
    }
    %scan3A_245 = arith.constant 80 : i32
    %scan3A_246 = arith.constant 0 : i32
    %scan3A_247 = arith.constant 80 : i32
    %scan3A_248 = arith.addi %scan3A_246, %scan3A_247 : i32
    %scan3A_249 = arith.constant 1 : i32
    scf.for %scan3A_254 = %scan3A_246 to %scan3A_248 step %scan3A_249  : i32 {
      %mul3A_255 = arith.constant 1 : i32
      %mul3A_256 = arith.muli %scan3A_254, %mul3A_255 : i32
      %add3A_257 = arith.constant 0 : i32
      %add3A_258 = arith.addi %add3A_257, %mul3A_256 : i32
      %dma_wait3A_259 = arith.constant 0 : i32
      %dma_wait3A_260 = tpu.memref_slice %arg11[%add3A_258, %dma_wait3A_259] : memref<80x128xf32, #tpu.memory_space<vmem>> -> memref<1x128xf32, #tpu.memory_space<vmem>>
      %dma_wait3A_261 = tpu.memref_squeeze %dma_wait3A_260 : memref<1x128xf32, #tpu.memory_space<vmem>> -> memref<128xf32, #tpu.memory_space<vmem>>
      %dma_wait3A_262 = arith.constant 0 : i32
      %dma_wait3A_263 = tpu.memref_slice %arg10[%add3A_258, %dma_wait3A_262] : memref<80x128xi32, #tpu.memory_space<vmem>> -> memref<1x128xi32, #tpu.memory_space<vmem>>
      %dma_wait3A_264 = tpu.memref_squeeze %dma_wait3A_263 : memref<1x128xi32, #tpu.memory_space<vmem>> -> memref<128xi32, #tpu.memory_space<vmem>>
      %dma_wait3A_265 = arith.constant 0 : i32
      %dma_wait3A_266 = tpu.memref_slice %arg13[%dma_wait3A_265] : memref<10240xf32, #tpu.memory_space<vmem_shared>> -> memref<10240xf32, #tpu.memory_space<vmem_shared>>
      tpu.wait_indirect_dma semaphore(%arg14 : memref<!tpu.dma_semaphore, #tpu.memory_space<semaphore_mem>>) src(%dma_wait3A_261 : memref<128xf32, #tpu.memory_space<vmem>>) dst(%dma_wait3A_266 : memref<10240xf32, #tpu.memory_space<vmem_shared>>)
    }
    %scan3A_250 = arith.constant 80 : i32
    %barrier3A_251 = arith.constant 0 : index
    tpu.barrier barrier_id(%barrier3A_251)
    "tpu.region"() ({
      %run_scoped3A = tpu.sem_alloc : memref<!tpu.dma_semaphore, #tpu.memory_space<semaphore_mem>>
      %dma_start3A_254 = arith.constant 0 : i32
      %dma_start3A_255 = arith.constant 0 : i32
      %dma_start3A_256 = tpu.memref_slice %arg5[%add3A, %dma_start3A_254, %dma_start3A_255] : memref<32x80x128xf32, #tpu.memory_space<hbm>> -> memref<1x80x128xf32, #tpu.memory_space<hbm>>
      %dma_start3A_257 = tpu.memref_squeeze %dma_start3A_256 : memref<1x80x128xf32, #tpu.memory_space<hbm>> -> memref<80x128xf32, #tpu.memory_space<hbm>>
      %dma_start3A_258 = arith.constant 0 : i32
      %dma_start3A_259 = arith.constant 0 : i32
      %dma_start3A_260 = tpu.memref_slice %arg5[%add3A, %dma_start3A_258, %dma_start3A_259] : memref<32x80x128xf32, #tpu.memory_space<hbm>> -> memref<1x80x128xf32, #tpu.memory_space<hbm>>
      %dma_start3A_261 = tpu.memref_squeeze %dma_start3A_260 : memref<1x80x128xf32, #tpu.memory_space<hbm>> -> memref<80x128xf32, #tpu.memory_space<hbm>>
      tpu.enqueue_dma source(%arg11 : memref<80x128xf32, #tpu.memory_space<vmem>>) target(%dma_start3A_261 : memref<80x128xf32, #tpu.memory_space<hbm>>) target_semaphore(%run_scoped3A : memref<!tpu.dma_semaphore, #tpu.memory_space<semaphore_mem>>)
      %dma_wait3A_262 = arith.constant 0 : i32
      %dma_wait3A_263 = arith.constant 0 : i32
      %dma_wait3A_264 = tpu.memref_slice %arg5[%add3A, %dma_wait3A_262, %dma_wait3A_263] : memref<32x80x128xf32, #tpu.memory_space<hbm>> -> memref<1x80x128xf32, #tpu.memory_space<hbm>>
      %dma_wait3A_265 = tpu.memref_squeeze %dma_wait3A_264 : memref<1x80x128xf32, #tpu.memory_space<hbm>> -> memref<80x128xf32, #tpu.memory_space<hbm>>
      %dma_wait3A_266 = arith.constant 0 : i32
      %dma_wait3A_267 = arith.constant 0 : i32
      %dma_wait3A_268 = tpu.memref_slice %arg5[%add3A, %dma_wait3A_266, %dma_wait3A_267] : memref<32x80x128xf32, #tpu.memory_space<hbm>> -> memref<1x80x128xf32, #tpu.memory_space<hbm>>
      %dma_wait3A_269 = tpu.memref_squeeze %dma_wait3A_268 : memref<1x80x128xf32, #tpu.memory_space<hbm>> -> memref<80x128xf32, #tpu.memory_space<hbm>>
      tpu.wait_dma2 semaphore(%run_scoped3A : memref<!tpu.dma_semaphore, #tpu.memory_space<semaphore_mem>>) src(%arg11 : memref<80x128xf32, #tpu.memory_space<vmem>>) dst(%dma_wait3A_269 : memref<80x128xf32, #tpu.memory_space<hbm>>)
      tpu.yield
    }) : () -> ()
    %eq3A = arith.constant 0 : i32
    %eq3A_252 = arith.cmpi eq, %arg1, %eq3A : i32
    %convert_element_type3A = arith.extui %eq3A_252 : i1 to i32
    %cond3A = arith.constant 0 : i32
    %cond3A_253 = arith.cmpi ne, %convert_element_type3A, %cond3A : i32
    scf.if %cond3A_253 {
      "tpu.region"() ({
        %run_scoped3A = tpu.sem_alloc : memref<!tpu.dma_semaphore, #tpu.memory_space<semaphore_mem>>
        tpu.enqueue_dma source(%arg13 : memref<10240xf32, #tpu.memory_space<vmem_shared>>) target(%arg7 : memref<10240xf32, #tpu.memory_space<vmem>>) target_semaphore(%run_scoped3A : memref<!tpu.dma_semaphore, #tpu.memory_space<semaphore_mem>>)
        tpu.wait_dma2 semaphore(%run_scoped3A : memref<!tpu.dma_semaphore, #tpu.memory_space<semaphore_mem>>) src(%arg13 : memref<10240xf32, #tpu.memory_space<vmem_shared>>) dst(%arg7 : memref<10240xf32, #tpu.memory_space<vmem>>)
        tpu.yield
      }) : () -> ()
      "tpu.region"() ({
        %run_scoped3A = tpu.sem_alloc : memref<!tpu.dma_semaphore, #tpu.memory_space<semaphore_mem>>
        %dma_start3A_254 = arith.constant 0 : i32
        %dma_start3A_255 = tpu.memref_slice %arg6[%arg0, %dma_start3A_254] : memref<2x10240xf32, #tpu.memory_space<hbm>> -> memref<1x10240xf32, #tpu.memory_space<hbm>>
        %dma_start3A_256 = tpu.memref_squeeze %dma_start3A_255 : memref<1x10240xf32, #tpu.memory_space<hbm>> -> memref<10240xf32, #tpu.memory_space<hbm>>
        %dma_start3A_257 = arith.constant 0 : i32
        %dma_start3A_258 = tpu.memref_slice %arg6[%arg0, %dma_start3A_257] : memref<2x10240xf32, #tpu.memory_space<hbm>> -> memref<1x10240xf32, #tpu.memory_space<hbm>>
        %dma_start3A_259 = tpu.memref_squeeze %dma_start3A_258 : memref<1x10240xf32, #tpu.memory_space<hbm>> -> memref<10240xf32, #tpu.memory_space<hbm>>
        tpu.enqueue_dma source(%arg7 : memref<10240xf32, #tpu.memory_space<vmem>>) target(%dma_start3A_259 : memref<10240xf32, #tpu.memory_space<hbm>>) target_semaphore(%run_scoped3A : memref<!tpu.dma_semaphore, #tpu.memory_space<semaphore_mem>>)
        %dma_wait3A_260 = arith.constant 0 : i32
        %dma_wait3A_261 = tpu.memref_slice %arg6[%arg0, %dma_wait3A_260] : memref<2x10240xf32, #tpu.memory_space<hbm>> -> memref<1x10240xf32, #tpu.memory_space<hbm>>
        %dma_wait3A_262 = tpu.memref_squeeze %dma_wait3A_261 : memref<1x10240xf32, #tpu.memory_space<hbm>> -> memref<10240xf32, #tpu.memory_space<hbm>>
        %dma_wait3A_263 = arith.constant 0 : i32
        %dma_wait3A_264 = tpu.memref_slice %arg6[%arg0, %dma_wait3A_263] : memref<2x10240xf32, #tpu.memory_space<hbm>> -> memref<1x10240xf32, #tpu.memory_space<hbm>>
        %dma_wait3A_265 = tpu.memref_squeeze %dma_wait3A_264 : memref<1x10240xf32, #tpu.memory_space<hbm>> -> memref<10240xf32, #tpu.memory_space<hbm>>
        tpu.wait_dma2 semaphore(%run_scoped3A : memref<!tpu.dma_semaphore, #tpu.memory_space<semaphore_mem>>) src(%arg7 : memref<10240xf32, #tpu.memory_space<vmem>>) dst(%dma_wait3A_265 : memref<10240xf32, #tpu.memory_space<hbm>>)
        tpu.yield
      }) : () -> ()
    } else {
    }
    return
  }
}

#map = affine_map<(d0, d1) -> (0, 0, 0)>
#map1 = affine_map<(d0, d1) -> (0, 0)>
module attributes {stable_mosaic.version = 14 : i64} {
  func.func @_pass2_body(%arg0: i32, %arg1: i32, %arg2: memref<32x80x128xi32, #tpu.memory_space<hbm>>, %arg3: memref<32x80x128xi32, #tpu.memory_space<hbm>>, %arg4: memref<32x80x128xf32, #tpu.memory_space<hbm>>, %arg5: memref<2x10240xf32, #tpu.memory_space<hbm>>, %arg6: memref<10000x128xf32, #tpu.memory_space<hbm>>, %arg7: memref<32x80x128xf32, #tpu.memory_space<hbm>>, %arg8: memref<2x10240x128xf32, #tpu.memory_space<hbm>>, %arg9: memref<128xi32, #tpu.memory_space<vmem>>, %arg10: memref<128xi32, #tpu.memory_space<vmem>>, %arg11: memref<128xi32, #tpu.memory_space<vmem>>, %arg12: memref<128xi32, #tpu.memory_space<vmem>>, %arg13: memref<128xi32, #tpu.memory_space<vmem>>, %arg14: memref<128xi32, #tpu.memory_space<vmem>>, %arg15: memref<128xf32, #tpu.memory_space<vmem>>, %arg16: memref<128xf32, #tpu.memory_space<vmem>>, %arg17: memref<128xf32, #tpu.memory_space<vmem>>, %arg18: memref<128xf32, #tpu.memory_space<vmem>>, %arg19: memref<10240xf32, #tpu.memory_space<vmem>>, %arg20: memref<1280xf32, #tpu.memory_space<vmem>>, %arg21: memref<128x128xf32, #tpu.memory_space<vmem>>, %arg22: memref<128x128xf32, #tpu.memory_space<vmem>>, %arg23: memref<10240x128xf32, #tpu.memory_space<vmem_shared>>, %arg24: memref<!tpu.dma_semaphore, #tpu.memory_space<semaphore_mem>>, %arg25: memref<!tpu.dma_semaphore, #tpu.memory_space<semaphore_mem>>, %arg26: memref<!tpu.dma_semaphore, #tpu.memory_space<semaphore_mem>>, %arg27: memref<!tpu.dma_semaphore, #tpu.memory_space<semaphore_mem>>, %arg28: memref<!tpu.dma_semaphore, #tpu.memory_space<semaphore_mem>>, %arg29: memref<!tpu.dma_semaphore, #tpu.memory_space<semaphore_mem>>, %arg30: memref<!tpu.dma_semaphore, #tpu.memory_space<semaphore_mem>>, %arg31: memref<!tpu.dma_semaphore, #tpu.memory_space<semaphore_mem>>) attributes {dimension_semantics = [#tpu.dimension_semantics<core_parallel>, #tpu.dimension_semantics<subcore_parallel>], iteration_bounds = array<i64: 2, 16>, scalar_prefetch = 0 : i64, scratch_operands = 23 : i64, tpu.core_type = #tpu.core_type<sc_vector_subcore>, window_params = [{transform_indices = #map}, {transform_indices = #map}, {transform_indices = #map}, {transform_indices = #map1}, {transform_indices = #map1}, {transform_indices = #map}, {transform_indices = #map}]} {
    %mul3A = arith.constant 16 : i32
    %mul3A_0 = arith.muli %arg0, %mul3A : i32
    %add3A = arith.addi %mul3A_0, %arg1 : i32
    %run_scoped3A = arith.constant 0 : i32
    "tpu.region"() ({
      %run_scoped3A_224 = tpu.sem_alloc : memref<!tpu.dma_semaphore, #tpu.memory_space<semaphore_mem>>
      %dma_start3A_225 = arith.constant 0 : i32
      %dma_start3A_226 = tpu.memref_slice %arg5[%run_scoped3A, %dma_start3A_225] : memref<2x10240xf32, #tpu.memory_space<hbm>> -> memref<1x10240xf32, #tpu.memory_space<hbm>>
      %dma_start3A_227 = tpu.memref_squeeze %dma_start3A_226 : memref<1x10240xf32, #tpu.memory_space<hbm>> -> memref<10240xf32, #tpu.memory_space<hbm>>
      %dma_start3A_228 = arith.constant 0 : i32
      %dma_start3A_229 = tpu.memref_slice %arg5[%run_scoped3A, %dma_start3A_228] : memref<2x10240xf32, #tpu.memory_space<hbm>> -> memref<1x10240xf32, #tpu.memory_space<hbm>>
      %dma_start3A_230 = tpu.memref_squeeze %dma_start3A_229 : memref<1x10240xf32, #tpu.memory_space<hbm>> -> memref<10240xf32, #tpu.memory_space<hbm>>
      tpu.enqueue_dma source(%dma_start3A_230 : memref<10240xf32, #tpu.memory_space<hbm>>) target(%arg19 : memref<10240xf32, #tpu.memory_space<vmem>>) target_semaphore(%run_scoped3A_224 : memref<!tpu.dma_semaphore, #tpu.memory_space<semaphore_mem>>)
      %dma_wait3A_231 = arith.constant 0 : i32
      %dma_wait3A_232 = tpu.memref_slice %arg5[%run_scoped3A, %dma_wait3A_231] : memref<2x10240xf32, #tpu.memory_space<hbm>> -> memref<1x10240xf32, #tpu.memory_space<hbm>>
      %dma_wait3A_233 = tpu.memref_squeeze %dma_wait3A_232 : memref<1x10240xf32, #tpu.memory_space<hbm>> -> memref<10240xf32, #tpu.memory_space<hbm>>
      %dma_wait3A_234 = arith.constant 0 : i32
      %dma_wait3A_235 = tpu.memref_slice %arg5[%run_scoped3A, %dma_wait3A_234] : memref<2x10240xf32, #tpu.memory_space<hbm>> -> memref<1x10240xf32, #tpu.memory_space<hbm>>
      %dma_wait3A_236 = tpu.memref_squeeze %dma_wait3A_235 : memref<1x10240xf32, #tpu.memory_space<hbm>> -> memref<10240xf32, #tpu.memory_space<hbm>>
      tpu.wait_dma2 semaphore(%run_scoped3A_224 : memref<!tpu.dma_semaphore, #tpu.memory_space<semaphore_mem>>) src(%dma_wait3A_236 : memref<10240xf32, #tpu.memory_space<hbm>>) dst(%arg19 : memref<10240xf32, #tpu.memory_space<vmem>>)
      tpu.yield
    }) : () -> ()
    %run_scoped3A_1 = arith.constant 1 : i32
    "tpu.region"() ({
      %run_scoped3A_224 = tpu.sem_alloc : memref<!tpu.dma_semaphore, #tpu.memory_space<semaphore_mem>>
      %dma_start3A_225 = arith.constant 0 : i32
      %dma_start3A_226 = tpu.memref_slice %arg5[%run_scoped3A_1, %dma_start3A_225] : memref<2x10240xf32, #tpu.memory_space<hbm>> -> memref<1x1280xf32, #tpu.memory_space<hbm>>
      %dma_start3A_227 = tpu.memref_squeeze %dma_start3A_226 : memref<1x1280xf32, #tpu.memory_space<hbm>> -> memref<1280xf32, #tpu.memory_space<hbm>>
      %dma_start3A_228 = arith.constant 0 : i32
      %dma_start3A_229 = tpu.memref_slice %arg5[%run_scoped3A_1, %dma_start3A_228] : memref<2x10240xf32, #tpu.memory_space<hbm>> -> memref<1x1280xf32, #tpu.memory_space<hbm>>
      %dma_start3A_230 = tpu.memref_squeeze %dma_start3A_229 : memref<1x1280xf32, #tpu.memory_space<hbm>> -> memref<1280xf32, #tpu.memory_space<hbm>>
      tpu.enqueue_dma source(%dma_start3A_230 : memref<1280xf32, #tpu.memory_space<hbm>>) target(%arg20 : memref<1280xf32, #tpu.memory_space<vmem>>) target_semaphore(%run_scoped3A_224 : memref<!tpu.dma_semaphore, #tpu.memory_space<semaphore_mem>>)
      %dma_wait3A_231 = arith.constant 0 : i32
      %dma_wait3A_232 = tpu.memref_slice %arg5[%run_scoped3A_1, %dma_wait3A_231] : memref<2x10240xf32, #tpu.memory_space<hbm>> -> memref<1x1280xf32, #tpu.memory_space<hbm>>
      %dma_wait3A_233 = tpu.memref_squeeze %dma_wait3A_232 : memref<1x1280xf32, #tpu.memory_space<hbm>> -> memref<1280xf32, #tpu.memory_space<hbm>>
      %dma_wait3A_234 = arith.constant 0 : i32
      %dma_wait3A_235 = tpu.memref_slice %arg5[%run_scoped3A_1, %dma_wait3A_234] : memref<2x10240xf32, #tpu.memory_space<hbm>> -> memref<1x1280xf32, #tpu.memory_space<hbm>>
      %dma_wait3A_236 = tpu.memref_squeeze %dma_wait3A_235 : memref<1x1280xf32, #tpu.memory_space<hbm>> -> memref<1280xf32, #tpu.memory_space<hbm>>
      tpu.wait_dma2 semaphore(%run_scoped3A_224 : memref<!tpu.dma_semaphore, #tpu.memory_space<semaphore_mem>>) src(%dma_wait3A_236 : memref<1280xf32, #tpu.memory_space<hbm>>) dst(%arg20 : memref<1280xf32, #tpu.memory_space<vmem>>)
      tpu.yield
    }) : () -> ()
    %scan3A = arith.constant 0 : i32
    %scan3A_2 = arith.constant 80 : i32
    %scan3A_3 = arith.addi %scan3A, %scan3A_2 : i32
    %scan3A_4 = arith.constant 1 : i32
    scf.for %scan3A_224 = %scan3A to %scan3A_3 step %scan3A_4  : i32 {
      %mul3A_225 = arith.constant 1 : i32
      %mul3A_226 = arith.muli %scan3A_224, %mul3A_225 : i32
      %add3A_227 = arith.constant 0 : i32
      %add3A_228 = arith.addi %add3A_227, %mul3A_226 : i32
      %mul3A_229 = arith.constant 16 : i32
      %mul3A_230 = arith.muli %add3A_228, %mul3A_229 : i32
      %add3A_231 = arith.constant 0 : i32
      %add3A_232 = arith.addi %add3A_231, %mul3A_230 : i32
      %mul3A_233 = arith.constant 16 : i32
      %mul3A_234 = arith.muli %add3A_228, %mul3A_233 : i32
      %get3A = arith.index_cast %add3A_232 : i32 to index
      %get3A_235 = tpu.vector_load %arg19[%get3A] {strides = array<i32>} : memref<10240xf32, #tpu.memory_space<vmem>>, vector<16xf32>,
      %get3A_236 = arith.index_cast %mul3A_234 : i32 to index
      %get3A_237 = tpu.vector_load %arg20[%get3A_236] {strides = array<i32>} : memref<1280xf32, #tpu.memory_space<vmem>>, vector<16xf32>,
      %add3A_238 = arith.addf %get3A_235, %get3A_237 : vector<16xf32>
      %swap3A = arith.index_cast %add3A_232 : i32 to index
      %swap3A_239 = tpu.vector_load %arg19[%swap3A] {strides = array<i32>} : memref<10240xf32, #tpu.memory_space<vmem>>, vector<16xf32>,
      tpu.vector_store %arg19[%swap3A], %add3A_238 {strides = array<i32>} : memref<10240xf32, #tpu.memory_space<vmem>>, vector<16xf32>,
    }
    %scan3A_5 = arith.constant 80 : i32
    %run_scoped3A_6 = arith.constant 1 : i32
    "tpu.region"() ({
      %run_scoped3A_224 = tpu.sem_alloc : memref<!tpu.dma_semaphore, #tpu.memory_space<semaphore_mem>>
      %dma_start3A_225 = arith.constant 1280 : i32
      %dma_start3A_226 = tpu.memref_slice %arg5[%run_scoped3A_6, %dma_start3A_225] : memref<2x10240xf32, #tpu.memory_space<hbm>> -> memref<1x1280xf32, #tpu.memory_space<hbm>>
      %dma_start3A_227 = tpu.memref_squeeze %dma_start3A_226 : memref<1x1280xf32, #tpu.memory_space<hbm>> -> memref<1280xf32, #tpu.memory_space<hbm>>
      %dma_start3A_228 = arith.constant 1280 : i32
      %dma_start3A_229 = tpu.memref_slice %arg5[%run_scoped3A_6, %dma_start3A_228] : memref<2x10240xf32, #tpu.memory_space<hbm>> -> memref<1x1280xf32, #tpu.memory_space<hbm>>
      %dma_start3A_230 = tpu.memref_squeeze %dma_start3A_229 : memref<1x1280xf32, #tpu.memory_space<hbm>> -> memref<1280xf32, #tpu.memory_space<hbm>>
      tpu.enqueue_dma source(%dma_start3A_230 : memref<1280xf32, #tpu.memory_space<hbm>>) target(%arg20 : memref<1280xf32, #tpu.memory_space<vmem>>) target_semaphore(%run_scoped3A_224 : memref<!tpu.dma_semaphore, #tpu.memory_space<semaphore_mem>>)
      %dma_wait3A_231 = arith.constant 1280 : i32
      %dma_wait3A_232 = tpu.memref_slice %arg5[%run_scoped3A_6, %dma_wait3A_231] : memref<2x10240xf32, #tpu.memory_space<hbm>> -> memref<1x1280xf32, #tpu.memory_space<hbm>>
      %dma_wait3A_233 = tpu.memref_squeeze %dma_wait3A_232 : memref<1x1280xf32, #tpu.memory_space<hbm>> -> memref<1280xf32, #tpu.memory_space<hbm>>
      %dma_wait3A_234 = arith.constant 1280 : i32
      %dma_wait3A_235 = tpu.memref_slice %arg5[%run_scoped3A_6, %dma_wait3A_234] : memref<2x10240xf32, #tpu.memory_space<hbm>> -> memref<1x1280xf32, #tpu.memory_space<hbm>>
      %dma_wait3A_236 = tpu.memref_squeeze %dma_wait3A_235 : memref<1x1280xf32, #tpu.memory_space<hbm>> -> memref<1280xf32, #tpu.memory_space<hbm>>
      tpu.wait_dma2 semaphore(%run_scoped3A_224 : memref<!tpu.dma_semaphore, #tpu.memory_space<semaphore_mem>>) src(%dma_wait3A_236 : memref<1280xf32, #tpu.memory_space<hbm>>) dst(%arg20 : memref<1280xf32, #tpu.memory_space<vmem>>)
      tpu.yield
    }) : () -> ()
    %scan3A_7 = arith.constant 0 : i32
    %scan3A_8 = arith.constant 80 : i32
    %scan3A_9 = arith.addi %scan3A_7, %scan3A_8 : i32
    %scan3A_10 = arith.constant 1 : i32
    scf.for %scan3A_224 = %scan3A_7 to %scan3A_9 step %scan3A_10  : i32 {
      %mul3A_225 = arith.constant 1 : i32
      %mul3A_226 = arith.muli %scan3A_224, %mul3A_225 : i32
      %add3A_227 = arith.constant 0 : i32
      %add3A_228 = arith.addi %add3A_227, %mul3A_226 : i32
      %mul3A_229 = arith.constant 16 : i32
      %mul3A_230 = arith.muli %add3A_228, %mul3A_229 : i32
      %add3A_231 = arith.constant 1280 : i32
      %add3A_232 = arith.addi %add3A_231, %mul3A_230 : i32
      %mul3A_233 = arith.constant 16 : i32
      %mul3A_234 = arith.muli %add3A_228, %mul3A_233 : i32
      %get3A = arith.index_cast %add3A_232 : i32 to index
      %get3A_235 = tpu.vector_load %arg19[%get3A] {strides = array<i32>} : memref<10240xf32, #tpu.memory_space<vmem>>, vector<16xf32>,
      %get3A_236 = arith.index_cast %mul3A_234 : i32 to index
      %get3A_237 = tpu.vector_load %arg20[%get3A_236] {strides = array<i32>} : memref<1280xf32, #tpu.memory_space<vmem>>, vector<16xf32>,
      %add3A_238 = arith.addf %get3A_235, %get3A_237 : vector<16xf32>
      %swap3A = arith.index_cast %add3A_232 : i32 to index
      %swap3A_239 = tpu.vector_load %arg19[%swap3A] {strides = array<i32>} : memref<10240xf32, #tpu.memory_space<vmem>>, vector<16xf32>,
      tpu.vector_store %arg19[%swap3A], %add3A_238 {strides = array<i32>} : memref<10240xf32, #tpu.memory_space<vmem>>, vector<16xf32>,
    }
    %scan3A_11 = arith.constant 80 : i32
    %run_scoped3A_12 = arith.constant 1 : i32
    "tpu.region"() ({
      %run_scoped3A_224 = tpu.sem_alloc : memref<!tpu.dma_semaphore, #tpu.memory_space<semaphore_mem>>
      %dma_start3A_225 = arith.constant 2560 : i32
      %dma_start3A_226 = tpu.memref_slice %arg5[%run_scoped3A_12, %dma_start3A_225] : memref<2x10240xf32, #tpu.memory_space<hbm>> -> memref<1x1280xf32, #tpu.memory_space<hbm>>
      %dma_start3A_227 = tpu.memref_squeeze %dma_start3A_226 : memref<1x1280xf32, #tpu.memory_space<hbm>> -> memref<1280xf32, #tpu.memory_space<hbm>>
      %dma_start3A_228 = arith.constant 2560 : i32
      %dma_start3A_229 = tpu.memref_slice %arg5[%run_scoped3A_12, %dma_start3A_228] : memref<2x10240xf32, #tpu.memory_space<hbm>> -> memref<1x1280xf32, #tpu.memory_space<hbm>>
      %dma_start3A_230 = tpu.memref_squeeze %dma_start3A_229 : memref<1x1280xf32, #tpu.memory_space<hbm>> -> memref<1280xf32, #tpu.memory_space<hbm>>
      tpu.enqueue_dma source(%dma_start3A_230 : memref<1280xf32, #tpu.memory_space<hbm>>) target(%arg20 : memref<1280xf32, #tpu.memory_space<vmem>>) target_semaphore(%run_scoped3A_224 : memref<!tpu.dma_semaphore, #tpu.memory_space<semaphore_mem>>)
      %dma_wait3A_231 = arith.constant 2560 : i32
      %dma_wait3A_232 = tpu.memref_slice %arg5[%run_scoped3A_12, %dma_wait3A_231] : memref<2x10240xf32, #tpu.memory_space<hbm>> -> memref<1x1280xf32, #tpu.memory_space<hbm>>
      %dma_wait3A_233 = tpu.memref_squeeze %dma_wait3A_232 : memref<1x1280xf32, #tpu.memory_space<hbm>> -> memref<1280xf32, #tpu.memory_space<hbm>>
      %dma_wait3A_234 = arith.constant 2560 : i32
      %dma_wait3A_235 = tpu.memref_slice %arg5[%run_scoped3A_12, %dma_wait3A_234] : memref<2x10240xf32, #tpu.memory_space<hbm>> -> memref<1x1280xf32, #tpu.memory_space<hbm>>
      %dma_wait3A_236 = tpu.memref_squeeze %dma_wait3A_235 : memref<1x1280xf32, #tpu.memory_space<hbm>> -> memref<1280xf32, #tpu.memory_space<hbm>>
      tpu.wait_dma2 semaphore(%run_scoped3A_224 : memref<!tpu.dma_semaphore, #tpu.memory_space<semaphore_mem>>) src(%dma_wait3A_236 : memref<1280xf32, #tpu.memory_space<hbm>>) dst(%arg20 : memref<1280xf32, #tpu.memory_space<vmem>>)
      tpu.yield
    }) : () -> ()
    %scan3A_13 = arith.constant 0 : i32
    %scan3A_14 = arith.constant 80 : i32
    %scan3A_15 = arith.addi %scan3A_13, %scan3A_14 : i32
    %scan3A_16 = arith.constant 1 : i32
    scf.for %scan3A_224 = %scan3A_13 to %scan3A_15 step %scan3A_16  : i32 {
      %mul3A_225 = arith.constant 1 : i32
      %mul3A_226 = arith.muli %scan3A_224, %mul3A_225 : i32
      %add3A_227 = arith.constant 0 : i32
      %add3A_228 = arith.addi %add3A_227, %mul3A_226 : i32
      %mul3A_229 = arith.constant 16 : i32
      %mul3A_230 = arith.muli %add3A_228, %mul3A_229 : i32
      %add3A_231 = arith.constant 2560 : i32
      %add3A_232 = arith.addi %add3A_231, %mul3A_230 : i32
      %mul3A_233 = arith.constant 16 : i32
      %mul3A_234 = arith.muli %add3A_228, %mul3A_233 : i32
      %get3A = arith.index_cast %add3A_232 : i32 to index
      %get3A_235 = tpu.vector_load %arg19[%get3A] {strides = array<i32>} : memref<10240xf32, #tpu.memory_space<vmem>>, vector<16xf32>,
      %get3A_236 = arith.index_cast %mul3A_234 : i32 to index
      %get3A_237 = tpu.vector_load %arg20[%get3A_236] {strides = array<i32>} : memref<1280xf32, #tpu.memory_space<vmem>>, vector<16xf32>,
      %add3A_238 = arith.addf %get3A_235, %get3A_237 : vector<16xf32>
      %swap3A = arith.index_cast %add3A_232 : i32 to index
      %swap3A_239 = tpu.vector_load %arg19[%swap3A] {strides = array<i32>} : memref<10240xf32, #tpu.memory_space<vmem>>, vector<16xf32>,
      tpu.vector_store %arg19[%swap3A], %add3A_238 {strides = array<i32>} : memref<10240xf32, #tpu.memory_space<vmem>>, vector<16xf32>,
    }
    %scan3A_17 = arith.constant 80 : i32
    %run_scoped3A_18 = arith.constant 1 : i32
    "tpu.region"() ({
      %run_scoped3A_224 = tpu.sem_alloc : memref<!tpu.dma_semaphore, #tpu.memory_space<semaphore_mem>>
      %dma_start3A_225 = arith.constant 3840 : i32
      %dma_start3A_226 = tpu.memref_slice %arg5[%run_scoped3A_18, %dma_start3A_225] : memref<2x10240xf32, #tpu.memory_space<hbm>> -> memref<1x1280xf32, #tpu.memory_space<hbm>>
      %dma_start3A_227 = tpu.memref_squeeze %dma_start3A_226 : memref<1x1280xf32, #tpu.memory_space<hbm>> -> memref<1280xf32, #tpu.memory_space<hbm>>
      %dma_start3A_228 = arith.constant 3840 : i32
      %dma_start3A_229 = tpu.memref_slice %arg5[%run_scoped3A_18, %dma_start3A_228] : memref<2x10240xf32, #tpu.memory_space<hbm>> -> memref<1x1280xf32, #tpu.memory_space<hbm>>
      %dma_start3A_230 = tpu.memref_squeeze %dma_start3A_229 : memref<1x1280xf32, #tpu.memory_space<hbm>> -> memref<1280xf32, #tpu.memory_space<hbm>>
      tpu.enqueue_dma source(%dma_start3A_230 : memref<1280xf32, #tpu.memory_space<hbm>>) target(%arg20 : memref<1280xf32, #tpu.memory_space<vmem>>) target_semaphore(%run_scoped3A_224 : memref<!tpu.dma_semaphore, #tpu.memory_space<semaphore_mem>>)
      %dma_wait3A_231 = arith.constant 3840 : i32
      %dma_wait3A_232 = tpu.memref_slice %arg5[%run_scoped3A_18, %dma_wait3A_231] : memref<2x10240xf32, #tpu.memory_space<hbm>> -> memref<1x1280xf32, #tpu.memory_space<hbm>>
      %dma_wait3A_233 = tpu.memref_squeeze %dma_wait3A_232 : memref<1x1280xf32, #tpu.memory_space<hbm>> -> memref<1280xf32, #tpu.memory_space<hbm>>
      %dma_wait3A_234 = arith.constant 3840 : i32
      %dma_wait3A_235 = tpu.memref_slice %arg5[%run_scoped3A_18, %dma_wait3A_234] : memref<2x10240xf32, #tpu.memory_space<hbm>> -> memref<1x1280xf32, #tpu.memory_space<hbm>>
      %dma_wait3A_236 = tpu.memref_squeeze %dma_wait3A_235 : memref<1x1280xf32, #tpu.memory_space<hbm>> -> memref<1280xf32, #tpu.memory_space<hbm>>
      tpu.wait_dma2 semaphore(%run_scoped3A_224 : memref<!tpu.dma_semaphore, #tpu.memory_space<semaphore_mem>>) src(%dma_wait3A_236 : memref<1280xf32, #tpu.memory_space<hbm>>) dst(%arg20 : memref<1280xf32, #tpu.memory_space<vmem>>)
      tpu.yield
    }) : () -> ()
    %scan3A_19 = arith.constant 0 : i32
    %scan3A_20 = arith.constant 80 : i32
    %scan3A_21 = arith.addi %scan3A_19, %scan3A_20 : i32
    %scan3A_22 = arith.constant 1 : i32
    scf.for %scan3A_224 = %scan3A_19 to %scan3A_21 step %scan3A_22  : i32 {
      %mul3A_225 = arith.constant 1 : i32
      %mul3A_226 = arith.muli %scan3A_224, %mul3A_225 : i32
      %add3A_227 = arith.constant 0 : i32
      %add3A_228 = arith.addi %add3A_227, %mul3A_226 : i32
      %mul3A_229 = arith.constant 16 : i32
      %mul3A_230 = arith.muli %add3A_228, %mul3A_229 : i32
      %add3A_231 = arith.constant 3840 : i32
      %add3A_232 = arith.addi %add3A_231, %mul3A_230 : i32
      %mul3A_233 = arith.constant 16 : i32
      %mul3A_234 = arith.muli %add3A_228, %mul3A_233 : i32
      %get3A = arith.index_cast %add3A_232 : i32 to index
      %get3A_235 = tpu.vector_load %arg19[%get3A] {strides = array<i32>} : memref<10240xf32, #tpu.memory_space<vmem>>, vector<16xf32>,
      %get3A_236 = arith.index_cast %mul3A_234 : i32 to index
      %get3A_237 = tpu.vector_load %arg20[%get3A_236] {strides = array<i32>} : memref<1280xf32, #tpu.memory_space<vmem>>, vector<16xf32>,
      %add3A_238 = arith.addf %get3A_235, %get3A_237 : vector<16xf32>
      %swap3A = arith.index_cast %add3A_232 : i32 to index
      %swap3A_239 = tpu.vector_load %arg19[%swap3A] {strides = array<i32>} : memref<10240xf32, #tpu.memory_space<vmem>>, vector<16xf32>,
      tpu.vector_store %arg19[%swap3A], %add3A_238 {strides = array<i32>} : memref<10240xf32, #tpu.memory_space<vmem>>, vector<16xf32>,
    }
    %scan3A_23 = arith.constant 80 : i32
    %run_scoped3A_24 = arith.constant 1 : i32
    "tpu.region"() ({
      %run_scoped3A_224 = tpu.sem_alloc : memref<!tpu.dma_semaphore, #tpu.memory_space<semaphore_mem>>
      %dma_start3A_225 = arith.constant 5120 : i32
      %dma_start3A_226 = tpu.memref_slice %arg5[%run_scoped3A_24, %dma_start3A_225] : memref<2x10240xf32, #tpu.memory_space<hbm>> -> memref<1x1280xf32, #tpu.memory_space<hbm>>
      %dma_start3A_227 = tpu.memref_squeeze %dma_start3A_226 : memref<1x1280xf32, #tpu.memory_space<hbm>> -> memref<1280xf32, #tpu.memory_space<hbm>>
      %dma_start3A_228 = arith.constant 5120 : i32
      %dma_start3A_229 = tpu.memref_slice %arg5[%run_scoped3A_24, %dma_start3A_228] : memref<2x10240xf32, #tpu.memory_space<hbm>> -> memref<1x1280xf32, #tpu.memory_space<hbm>>
      %dma_start3A_230 = tpu.memref_squeeze %dma_start3A_229 : memref<1x1280xf32, #tpu.memory_space<hbm>> -> memref<1280xf32, #tpu.memory_space<hbm>>
      tpu.enqueue_dma source(%dma_start3A_230 : memref<1280xf32, #tpu.memory_space<hbm>>) target(%arg20 : memref<1280xf32, #tpu.memory_space<vmem>>) target_semaphore(%run_scoped3A_224 : memref<!tpu.dma_semaphore, #tpu.memory_space<semaphore_mem>>)
      %dma_wait3A_231 = arith.constant 5120 : i32
      %dma_wait3A_232 = tpu.memref_slice %arg5[%run_scoped3A_24, %dma_wait3A_231] : memref<2x10240xf32, #tpu.memory_space<hbm>> -> memref<1x1280xf32, #tpu.memory_space<hbm>>
      %dma_wait3A_233 = tpu.memref_squeeze %dma_wait3A_232 : memref<1x1280xf32, #tpu.memory_space<hbm>> -> memref<1280xf32, #tpu.memory_space<hbm>>
      %dma_wait3A_234 = arith.constant 5120 : i32
      %dma_wait3A_235 = tpu.memref_slice %arg5[%run_scoped3A_24, %dma_wait3A_234] : memref<2x10240xf32, #tpu.memory_space<hbm>> -> memref<1x1280xf32, #tpu.memory_space<hbm>>
      %dma_wait3A_236 = tpu.memref_squeeze %dma_wait3A_235 : memref<1x1280xf32, #tpu.memory_space<hbm>> -> memref<1280xf32, #tpu.memory_space<hbm>>
      tpu.wait_dma2 semaphore(%run_scoped3A_224 : memref<!tpu.dma_semaphore, #tpu.memory_space<semaphore_mem>>) src(%dma_wait3A_236 : memref<1280xf32, #tpu.memory_space<hbm>>) dst(%arg20 : memref<1280xf32, #tpu.memory_space<vmem>>)
      tpu.yield
    }) : () -> ()
    %scan3A_25 = arith.constant 0 : i32
    %scan3A_26 = arith.constant 80 : i32
    %scan3A_27 = arith.addi %scan3A_25, %scan3A_26 : i32
    %scan3A_28 = arith.constant 1 : i32
    scf.for %scan3A_224 = %scan3A_25 to %scan3A_27 step %scan3A_28  : i32 {
      %mul3A_225 = arith.constant 1 : i32
      %mul3A_226 = arith.muli %scan3A_224, %mul3A_225 : i32
      %add3A_227 = arith.constant 0 : i32
      %add3A_228 = arith.addi %add3A_227, %mul3A_226 : i32
      %mul3A_229 = arith.constant 16 : i32
      %mul3A_230 = arith.muli %add3A_228, %mul3A_229 : i32
      %add3A_231 = arith.constant 5120 : i32
      %add3A_232 = arith.addi %add3A_231, %mul3A_230 : i32
      %mul3A_233 = arith.constant 16 : i32
      %mul3A_234 = arith.muli %add3A_228, %mul3A_233 : i32
      %get3A = arith.index_cast %add3A_232 : i32 to index
      %get3A_235 = tpu.vector_load %arg19[%get3A] {strides = array<i32>} : memref<10240xf32, #tpu.memory_space<vmem>>, vector<16xf32>,
      %get3A_236 = arith.index_cast %mul3A_234 : i32 to index
      %get3A_237 = tpu.vector_load %arg20[%get3A_236] {strides = array<i32>} : memref<1280xf32, #tpu.memory_space<vmem>>, vector<16xf32>,
      %add3A_238 = arith.addf %get3A_235, %get3A_237 : vector<16xf32>
      %swap3A = arith.index_cast %add3A_232 : i32 to index
      %swap3A_239 = tpu.vector_load %arg19[%swap3A] {strides = array<i32>} : memref<10240xf32, #tpu.memory_space<vmem>>, vector<16xf32>,
      tpu.vector_store %arg19[%swap3A], %add3A_238 {strides = array<i32>} : memref<10240xf32, #tpu.memory_space<vmem>>, vector<16xf32>,
    }
    %scan3A_29 = arith.constant 80 : i32
    %run_scoped3A_30 = arith.constant 1 : i32
    "tpu.region"() ({
      %run_scoped3A_224 = tpu.sem_alloc : memref<!tpu.dma_semaphore, #tpu.memory_space<semaphore_mem>>
      %dma_start3A_225 = arith.constant 6400 : i32
      %dma_start3A_226 = tpu.memref_slice %arg5[%run_scoped3A_30, %dma_start3A_225] : memref<2x10240xf32, #tpu.memory_space<hbm>> -> memref<1x1280xf32, #tpu.memory_space<hbm>>
      %dma_start3A_227 = tpu.memref_squeeze %dma_start3A_226 : memref<1x1280xf32, #tpu.memory_space<hbm>> -> memref<1280xf32, #tpu.memory_space<hbm>>
      %dma_start3A_228 = arith.constant 6400 : i32
      %dma_start3A_229 = tpu.memref_slice %arg5[%run_scoped3A_30, %dma_start3A_228] : memref<2x10240xf32, #tpu.memory_space<hbm>> -> memref<1x1280xf32, #tpu.memory_space<hbm>>
      %dma_start3A_230 = tpu.memref_squeeze %dma_start3A_229 : memref<1x1280xf32, #tpu.memory_space<hbm>> -> memref<1280xf32, #tpu.memory_space<hbm>>
      tpu.enqueue_dma source(%dma_start3A_230 : memref<1280xf32, #tpu.memory_space<hbm>>) target(%arg20 : memref<1280xf32, #tpu.memory_space<vmem>>) target_semaphore(%run_scoped3A_224 : memref<!tpu.dma_semaphore, #tpu.memory_space<semaphore_mem>>)
      %dma_wait3A_231 = arith.constant 6400 : i32
      %dma_wait3A_232 = tpu.memref_slice %arg5[%run_scoped3A_30, %dma_wait3A_231] : memref<2x10240xf32, #tpu.memory_space<hbm>> -> memref<1x1280xf32, #tpu.memory_space<hbm>>
      %dma_wait3A_233 = tpu.memref_squeeze %dma_wait3A_232 : memref<1x1280xf32, #tpu.memory_space<hbm>> -> memref<1280xf32, #tpu.memory_space<hbm>>
      %dma_wait3A_234 = arith.constant 6400 : i32
      %dma_wait3A_235 = tpu.memref_slice %arg5[%run_scoped3A_30, %dma_wait3A_234] : memref<2x10240xf32, #tpu.memory_space<hbm>> -> memref<1x1280xf32, #tpu.memory_space<hbm>>
      %dma_wait3A_236 = tpu.memref_squeeze %dma_wait3A_235 : memref<1x1280xf32, #tpu.memory_space<hbm>> -> memref<1280xf32, #tpu.memory_space<hbm>>
      tpu.wait_dma2 semaphore(%run_scoped3A_224 : memref<!tpu.dma_semaphore, #tpu.memory_space<semaphore_mem>>) src(%dma_wait3A_236 : memref<1280xf32, #tpu.memory_space<hbm>>) dst(%arg20 : memref<1280xf32, #tpu.memory_space<vmem>>)
      tpu.yield
    }) : () -> ()
    %scan3A_31 = arith.constant 0 : i32
    %scan3A_32 = arith.constant 80 : i32
    %scan3A_33 = arith.addi %scan3A_31, %scan3A_32 : i32
    %scan3A_34 = arith.constant 1 : i32
    scf.for %scan3A_224 = %scan3A_31 to %scan3A_33 step %scan3A_34  : i32 {
      %mul3A_225 = arith.constant 1 : i32
      %mul3A_226 = arith.muli %scan3A_224, %mul3A_225 : i32
      %add3A_227 = arith.constant 0 : i32
      %add3A_228 = arith.addi %add3A_227, %mul3A_226 : i32
      %mul3A_229 = arith.constant 16 : i32
      %mul3A_230 = arith.muli %add3A_228, %mul3A_229 : i32
      %add3A_231 = arith.constant 6400 : i32
      %add3A_232 = arith.addi %add3A_231, %mul3A_230 : i32
      %mul3A_233 = arith.constant 16 : i32
      %mul3A_234 = arith.muli %add3A_228, %mul3A_233 : i32
      %get3A = arith.index_cast %add3A_232 : i32 to index
      %get3A_235 = tpu.vector_load %arg19[%get3A] {strides = array<i32>} : memref<10240xf32, #tpu.memory_space<vmem>>, vector<16xf32>,
      %get3A_236 = arith.index_cast %mul3A_234 : i32 to index
      %get3A_237 = tpu.vector_load %arg20[%get3A_236] {strides = array<i32>} : memref<1280xf32, #tpu.memory_space<vmem>>, vector<16xf32>,
      %add3A_238 = arith.addf %get3A_235, %get3A_237 : vector<16xf32>
      %swap3A = arith.index_cast %add3A_232 : i32 to index
      %swap3A_239 = tpu.vector_load %arg19[%swap3A] {strides = array<i32>} : memref<10240xf32, #tpu.memory_space<vmem>>, vector<16xf32>,
      tpu.vector_store %arg19[%swap3A], %add3A_238 {strides = array<i32>} : memref<10240xf32, #tpu.memory_space<vmem>>, vector<16xf32>,
    }
    %scan3A_35 = arith.constant 80 : i32
    %run_scoped3A_36 = arith.constant 1 : i32
    "tpu.region"() ({
      %run_scoped3A_224 = tpu.sem_alloc : memref<!tpu.dma_semaphore, #tpu.memory_space<semaphore_mem>>
      %dma_start3A_225 = arith.constant 7680 : i32
      %dma_start3A_226 = tpu.memref_slice %arg5[%run_scoped3A_36, %dma_start3A_225] : memref<2x10240xf32, #tpu.memory_space<hbm>> -> memref<1x1280xf32, #tpu.memory_space<hbm>>
      %dma_start3A_227 = tpu.memref_squeeze %dma_start3A_226 : memref<1x1280xf32, #tpu.memory_space<hbm>> -> memref<1280xf32, #tpu.memory_space<hbm>>
      %dma_start3A_228 = arith.constant 7680 : i32
      %dma_start3A_229 = tpu.memref_slice %arg5[%run_scoped3A_36, %dma_start3A_228] : memref<2x10240xf32, #tpu.memory_space<hbm>> -> memref<1x1280xf32, #tpu.memory_space<hbm>>
      %dma_start3A_230 = tpu.memref_squeeze %dma_start3A_229 : memref<1x1280xf32, #tpu.memory_space<hbm>> -> memref<1280xf32, #tpu.memory_space<hbm>>
      tpu.enqueue_dma source(%dma_start3A_230 : memref<1280xf32, #tpu.memory_space<hbm>>) target(%arg20 : memref<1280xf32, #tpu.memory_space<vmem>>) target_semaphore(%run_scoped3A_224 : memref<!tpu.dma_semaphore, #tpu.memory_space<semaphore_mem>>)
      %dma_wait3A_231 = arith.constant 7680 : i32
      %dma_wait3A_232 = tpu.memref_slice %arg5[%run_scoped3A_36, %dma_wait3A_231] : memref<2x10240xf32, #tpu.memory_space<hbm>> -> memref<1x1280xf32, #tpu.memory_space<hbm>>
      %dma_wait3A_233 = tpu.memref_squeeze %dma_wait3A_232 : memref<1x1280xf32, #tpu.memory_space<hbm>> -> memref<1280xf32, #tpu.memory_space<hbm>>
      %dma_wait3A_234 = arith.constant 7680 : i32
      %dma_wait3A_235 = tpu.memref_slice %arg5[%run_scoped3A_36, %dma_wait3A_234] : memref<2x10240xf32, #tpu.memory_space<hbm>> -> memref<1x1280xf32, #tpu.memory_space<hbm>>
      %dma_wait3A_236 = tpu.memref_squeeze %dma_wait3A_235 : memref<1x1280xf32, #tpu.memory_space<hbm>> -> memref<1280xf32, #tpu.memory_space<hbm>>
      tpu.wait_dma2 semaphore(%run_scoped3A_224 : memref<!tpu.dma_semaphore, #tpu.memory_space<semaphore_mem>>) src(%dma_wait3A_236 : memref<1280xf32, #tpu.memory_space<hbm>>) dst(%arg20 : memref<1280xf32, #tpu.memory_space<vmem>>)
      tpu.yield
    }) : () -> ()
    %scan3A_37 = arith.constant 0 : i32
    %scan3A_38 = arith.constant 80 : i32
    %scan3A_39 = arith.addi %scan3A_37, %scan3A_38 : i32
    %scan3A_40 = arith.constant 1 : i32
    scf.for %scan3A_224 = %scan3A_37 to %scan3A_39 step %scan3A_40  : i32 {
      %mul3A_225 = arith.constant 1 : i32
      %mul3A_226 = arith.muli %scan3A_224, %mul3A_225 : i32
      %add3A_227 = arith.constant 0 : i32
      %add3A_228 = arith.addi %add3A_227, %mul3A_226 : i32
      %mul3A_229 = arith.constant 16 : i32
      %mul3A_230 = arith.muli %add3A_228, %mul3A_229 : i32
      %add3A_231 = arith.constant 7680 : i32
      %add3A_232 = arith.addi %add3A_231, %mul3A_230 : i32
      %mul3A_233 = arith.constant 16 : i32
      %mul3A_234 = arith.muli %add3A_228, %mul3A_233 : i32
      %get3A = arith.index_cast %add3A_232 : i32 to index
      %get3A_235 = tpu.vector_load %arg19[%get3A] {strides = array<i32>} : memref<10240xf32, #tpu.memory_space<vmem>>, vector<16xf32>,
      %get3A_236 = arith.index_cast %mul3A_234 : i32 to index
      %get3A_237 = tpu.vector_load %arg20[%get3A_236] {strides = array<i32>} : memref<1280xf32, #tpu.memory_space<vmem>>, vector<16xf32>,
      %add3A_238 = arith.addf %get3A_235, %get3A_237 : vector<16xf32>
      %swap3A = arith.index_cast %add3A_232 : i32 to index
      %swap3A_239 = tpu.vector_load %arg19[%swap3A] {strides = array<i32>} : memref<10240xf32, #tpu.memory_space<vmem>>, vector<16xf32>,
      tpu.vector_store %arg19[%swap3A], %add3A_238 {strides = array<i32>} : memref<10240xf32, #tpu.memory_space<vmem>>, vector<16xf32>,
    }
    %scan3A_41 = arith.constant 80 : i32
    %run_scoped3A_42 = arith.constant 1 : i32
    "tpu.region"() ({
      %run_scoped3A_224 = tpu.sem_alloc : memref<!tpu.dma_semaphore, #tpu.memory_space<semaphore_mem>>
      %dma_start3A_225 = arith.constant 8960 : i32
      %dma_start3A_226 = tpu.memref_slice %arg5[%run_scoped3A_42, %dma_start3A_225] : memref<2x10240xf32, #tpu.memory_space<hbm>> -> memref<1x1280xf32, #tpu.memory_space<hbm>>
      %dma_start3A_227 = tpu.memref_squeeze %dma_start3A_226 : memref<1x1280xf32, #tpu.memory_space<hbm>> -> memref<1280xf32, #tpu.memory_space<hbm>>
      %dma_start3A_228 = arith.constant 8960 : i32
      %dma_start3A_229 = tpu.memref_slice %arg5[%run_scoped3A_42, %dma_start3A_228] : memref<2x10240xf32, #tpu.memory_space<hbm>> -> memref<1x1280xf32, #tpu.memory_space<hbm>>
      %dma_start3A_230 = tpu.memref_squeeze %dma_start3A_229 : memref<1x1280xf32, #tpu.memory_space<hbm>> -> memref<1280xf32, #tpu.memory_space<hbm>>
      tpu.enqueue_dma source(%dma_start3A_230 : memref<1280xf32, #tpu.memory_space<hbm>>) target(%arg20 : memref<1280xf32, #tpu.memory_space<vmem>>) target_semaphore(%run_scoped3A_224 : memref<!tpu.dma_semaphore, #tpu.memory_space<semaphore_mem>>)
      %dma_wait3A_231 = arith.constant 8960 : i32
      %dma_wait3A_232 = tpu.memref_slice %arg5[%run_scoped3A_42, %dma_wait3A_231] : memref<2x10240xf32, #tpu.memory_space<hbm>> -> memref<1x1280xf32, #tpu.memory_space<hbm>>
      %dma_wait3A_233 = tpu.memref_squeeze %dma_wait3A_232 : memref<1x1280xf32, #tpu.memory_space<hbm>> -> memref<1280xf32, #tpu.memory_space<hbm>>
      %dma_wait3A_234 = arith.constant 8960 : i32
      %dma_wait3A_235 = tpu.memref_slice %arg5[%run_scoped3A_42, %dma_wait3A_234] : memref<2x10240xf32, #tpu.memory_space<hbm>> -> memref<1x1280xf32, #tpu.memory_space<hbm>>
      %dma_wait3A_236 = tpu.memref_squeeze %dma_wait3A_235 : memref<1x1280xf32, #tpu.memory_space<hbm>> -> memref<1280xf32, #tpu.memory_space<hbm>>
      tpu.wait_dma2 semaphore(%run_scoped3A_224 : memref<!tpu.dma_semaphore, #tpu.memory_space<semaphore_mem>>) src(%dma_wait3A_236 : memref<1280xf32, #tpu.memory_space<hbm>>) dst(%arg20 : memref<1280xf32, #tpu.memory_space<vmem>>)
      tpu.yield
    }) : () -> ()
    %scan3A_43 = arith.constant 0 : i32
    %scan3A_44 = arith.constant 80 : i32
    %scan3A_45 = arith.addi %scan3A_43, %scan3A_44 : i32
    %scan3A_46 = arith.constant 1 : i32
    scf.for %scan3A_224 = %scan3A_43 to %scan3A_45 step %scan3A_46  : i32 {
      %mul3A_225 = arith.constant 1 : i32
      %mul3A_226 = arith.muli %scan3A_224, %mul3A_225 : i32
      %add3A_227 = arith.constant 0 : i32
      %add3A_228 = arith.addi %add3A_227, %mul3A_226 : i32
      %mul3A_229 = arith.constant 16 : i32
      %mul3A_230 = arith.muli %add3A_228, %mul3A_229 : i32
      %add3A_231 = arith.constant 8960 : i32
      %add3A_232 = arith.addi %add3A_231, %mul3A_230 : i32
      %mul3A_233 = arith.constant 16 : i32
      %mul3A_234 = arith.muli %add3A_228, %mul3A_233 : i32
      %get3A = arith.index_cast %add3A_232 : i32 to index
      %get3A_235 = tpu.vector_load %arg19[%get3A] {strides = array<i32>} : memref<10240xf32, #tpu.memory_space<vmem>>, vector<16xf32>,
      %get3A_236 = arith.index_cast %mul3A_234 : i32 to index
      %get3A_237 = tpu.vector_load %arg20[%get3A_236] {strides = array<i32>} : memref<1280xf32, #tpu.memory_space<vmem>>, vector<16xf32>,
      %add3A_238 = arith.addf %get3A_235, %get3A_237 : vector<16xf32>
      %swap3A = arith.index_cast %add3A_232 : i32 to index
      %swap3A_239 = tpu.vector_load %arg19[%swap3A] {strides = array<i32>} : memref<10240xf32, #tpu.memory_space<vmem>>, vector<16xf32>,
      tpu.vector_store %arg19[%swap3A], %add3A_238 {strides = array<i32>} : memref<10240xf32, #tpu.memory_space<vmem>>, vector<16xf32>,
    }
    %scan3A_47 = arith.constant 80 : i32
    %scan3A_48 = arith.constant 0 : i32
    %scan3A_49 = arith.constant 128 : i32
    %scan3A_50 = arith.addi %scan3A_48, %scan3A_49 : i32
    %scan3A_51 = arith.constant 1 : i32
    scf.for %scan3A_224 = %scan3A_48 to %scan3A_50 step %scan3A_51  : i32 {
      %mul3A_225 = arith.constant 1 : i32
      %mul3A_226 = arith.muli %scan3A_224, %mul3A_225 : i32
      %add3A_227 = arith.constant 0 : i32
      %add3A_228 = arith.addi %add3A_227, %mul3A_226 : i32
      %broadcast_in_dim3A = arith.constant 0.000000e+00 : f32
      %broadcast_in_dim3A_229 = vector.broadcast %broadcast_in_dim3A : f32 to vector<16xf32>
      %swap3A = arith.index_cast %add3A_228 : i32 to index
      %swap3A_230 = arith.constant 0 : index
      %swap3A_231 = tpu.vector_load %arg21[%swap3A, %swap3A_230] {strides = array<i32>} : memref<128x128xf32, #tpu.memory_space<vmem>>, vector<16xf32>,
      tpu.vector_store %arg21[%swap3A, %swap3A_230], %broadcast_in_dim3A_229 {strides = array<i32>} : memref<128x128xf32, #tpu.memory_space<vmem>>, vector<16xf32>,
      %broadcast_in_dim3A_232 = arith.constant 0.000000e+00 : f32
      %broadcast_in_dim3A_233 = vector.broadcast %broadcast_in_dim3A_232 : f32 to vector<16xf32>
      %swap3A_234 = arith.index_cast %add3A_228 : i32 to index
      %swap3A_235 = arith.constant 16 : index
      %swap3A_236 = tpu.vector_load %arg21[%swap3A_234, %swap3A_235] {strides = array<i32>} : memref<128x128xf32, #tpu.memory_space<vmem>>, vector<16xf32>,
      tpu.vector_store %arg21[%swap3A_234, %swap3A_235], %broadcast_in_dim3A_233 {strides = array<i32>} : memref<128x128xf32, #tpu.memory_space<vmem>>, vector<16xf32>,
      %broadcast_in_dim3A_237 = arith.constant 0.000000e+00 : f32
      %broadcast_in_dim3A_238 = vector.broadcast %broadcast_in_dim3A_237 : f32 to vector<16xf32>
      %swap3A_239 = arith.index_cast %add3A_228 : i32 to index
      %swap3A_240 = arith.constant 32 : index
      %swap3A_241 = tpu.vector_load %arg21[%swap3A_239, %swap3A_240] {strides = array<i32>} : memref<128x128xf32, #tpu.memory_space<vmem>>, vector<16xf32>,
      tpu.vector_store %arg21[%swap3A_239, %swap3A_240], %broadcast_in_dim3A_238 {strides = array<i32>} : memref<128x128xf32, #tpu.memory_space<vmem>>, vector<16xf32>,
      %broadcast_in_dim3A_242 = arith.constant 0.000000e+00 : f32
      %broadcast_in_dim3A_243 = vector.broadcast %broadcast_in_dim3A_242 : f32 to vector<16xf32>
      %swap3A_244 = arith.index_cast %add3A_228 : i32 to index
      %swap3A_245 = arith.constant 48 : index
      %swap3A_246 = tpu.vector_load %arg21[%swap3A_244, %swap3A_245] {strides = array<i32>} : memref<128x128xf32, #tpu.memory_space<vmem>>, vector<16xf32>,
      tpu.vector_store %arg21[%swap3A_244, %swap3A_245], %broadcast_in_dim3A_243 {strides = array<i32>} : memref<128x128xf32, #tpu.memory_space<vmem>>, vector<16xf32>,
      %broadcast_in_dim3A_247 = arith.constant 0.000000e+00 : f32
      %broadcast_in_dim3A_248 = vector.broadcast %broadcast_in_dim3A_247 : f32 to vector<16xf32>
      %swap3A_249 = arith.index_cast %add3A_228 : i32 to index
      %swap3A_250 = arith.constant 64 : index
      %swap3A_251 = tpu.vector_load %arg21[%swap3A_249, %swap3A_250] {strides = array<i32>} : memref<128x128xf32, #tpu.memory_space<vmem>>, vector<16xf32>,
      tpu.vector_store %arg21[%swap3A_249, %swap3A_250], %broadcast_in_dim3A_248 {strides = array<i32>} : memref<128x128xf32, #tpu.memory_space<vmem>>, vector<16xf32>,
      %broadcast_in_dim3A_252 = arith.constant 0.000000e+00 : f32
      %broadcast_in_dim3A_253 = vector.broadcast %broadcast_in_dim3A_252 : f32 to vector<16xf32>
      %swap3A_254 = arith.index_cast %add3A_228 : i32 to index
      %swap3A_255 = arith.constant 80 : index
      %swap3A_256 = tpu.vector_load %arg21[%swap3A_254, %swap3A_255] {strides = array<i32>} : memref<128x128xf32, #tpu.memory_space<vmem>>, vector<16xf32>,
      tpu.vector_store %arg21[%swap3A_254, %swap3A_255], %broadcast_in_dim3A_253 {strides = array<i32>} : memref<128x128xf32, #tpu.memory_space<vmem>>, vector<16xf32>,
      %broadcast_in_dim3A_257 = arith.constant 0.000000e+00 : f32
      %broadcast_in_dim3A_258 = vector.broadcast %broadcast_in_dim3A_257 : f32 to vector<16xf32>
      %swap3A_259 = arith.index_cast %add3A_228 : i32 to index
      %swap3A_260 = arith.constant 96 : index
      %swap3A_261 = tpu.vector_load %arg21[%swap3A_259, %swap3A_260] {strides = array<i32>} : memref<128x128xf32, #tpu.memory_space<vmem>>, vector<16xf32>,
      tpu.vector_store %arg21[%swap3A_259, %swap3A_260], %broadcast_in_dim3A_258 {strides = array<i32>} : memref<128x128xf32, #tpu.memory_space<vmem>>, vector<16xf32>,
      %broadcast_in_dim3A_262 = arith.constant 0.000000e+00 : f32
      %broadcast_in_dim3A_263 = vector.broadcast %broadcast_in_dim3A_262 : f32 to vector<16xf32>
      %swap3A_264 = arith.index_cast %add3A_228 : i32 to index
      %swap3A_265 = arith.constant 112 : index
      %swap3A_266 = tpu.vector_load %arg21[%swap3A_264, %swap3A_265] {strides = array<i32>} : memref<128x128xf32, #tpu.memory_space<vmem>>, vector<16xf32>,
      tpu.vector_store %arg21[%swap3A_264, %swap3A_265], %broadcast_in_dim3A_263 {strides = array<i32>} : memref<128x128xf32, #tpu.memory_space<vmem>>, vector<16xf32>,
    }
    %scan3A_52 = arith.constant 128 : i32
    %mul3A_53 = arith.constant 640 : i32
    %mul3A_54 = arith.muli %arg1, %mul3A_53 : i32
    %add3A_55 = arith.constant 0 : i32
    %add3A_56 = arith.addi %mul3A_54, %add3A_55 : i32
    "tpu.region"() ({
      %run_scoped3A_224 = tpu.sem_alloc : memref<!tpu.dma_semaphore, #tpu.memory_space<semaphore_mem>>
      %dma_start3A_225 = arith.constant 0 : i32
      %dma_start3A_226 = tpu.memref_slice %arg23[%add3A_56, %dma_start3A_225] : memref<10240x128xf32, #tpu.memory_space<vmem_shared>> -> memref<128x128xf32, #tpu.memory_space<vmem_shared>>
      %dma_start3A_227 = arith.constant 0 : i32
      %dma_start3A_228 = tpu.memref_slice %arg23[%add3A_56, %dma_start3A_227] : memref<10240x128xf32, #tpu.memory_space<vmem_shared>> -> memref<128x128xf32, #tpu.memory_space<vmem_shared>>
      tpu.enqueue_dma source(%arg21 : memref<128x128xf32, #tpu.memory_space<vmem>>) target(%dma_start3A_228 : memref<128x128xf32, #tpu.memory_space<vmem_shared>>) target_semaphore(%run_scoped3A_224 : memref<!tpu.dma_semaphore, #tpu.memory_space<semaphore_mem>>)
      %dma_wait3A_229 = arith.constant 0 : i32
      %dma_wait3A_230 = tpu.memref_slice %arg23[%add3A_56, %dma_wait3A_229] : memref<10240x128xf32, #tpu.memory_space<vmem_shared>> -> memref<128x128xf32, #tpu.memory_space<vmem_shared>>
      %dma_wait3A_231 = arith.constant 0 : i32
      %dma_wait3A_232 = tpu.memref_slice %arg23[%add3A_56, %dma_wait3A_231] : memref<10240x128xf32, #tpu.memory_space<vmem_shared>> -> memref<128x128xf32, #tpu.memory_space<vmem_shared>>
      tpu.wait_dma2 semaphore(%run_scoped3A_224 : memref<!tpu.dma_semaphore, #tpu.memory_space<semaphore_mem>>) src(%arg21 : memref<128x128xf32, #tpu.memory_space<vmem>>) dst(%dma_wait3A_232 : memref<128x128xf32, #tpu.memory_space<vmem_shared>>)
      tpu.yield
    }) : () -> ()
    %mul3A_57 = arith.constant 640 : i32
    %mul3A_58 = arith.muli %arg1, %mul3A_57 : i32
    %add3A_59 = arith.constant 128 : i32
    %add3A_60 = arith.addi %mul3A_58, %add3A_59 : i32
    "tpu.region"() ({
      %run_scoped3A_224 = tpu.sem_alloc : memref<!tpu.dma_semaphore, #tpu.memory_space<semaphore_mem>>
      %dma_start3A_225 = arith.constant 0 : i32
      %dma_start3A_226 = tpu.memref_slice %arg23[%add3A_60, %dma_start3A_225] : memref<10240x128xf32, #tpu.memory_space<vmem_shared>> -> memref<128x128xf32, #tpu.memory_space<vmem_shared>>
      %dma_start3A_227 = arith.constant 0 : i32
      %dma_start3A_228 = tpu.memref_slice %arg23[%add3A_60, %dma_start3A_227] : memref<10240x128xf32, #tpu.memory_space<vmem_shared>> -> memref<128x128xf32, #tpu.memory_space<vmem_shared>>
      tpu.enqueue_dma source(%arg21 : memref<128x128xf32, #tpu.memory_space<vmem>>) target(%dma_start3A_228 : memref<128x128xf32, #tpu.memory_space<vmem_shared>>) target_semaphore(%run_scoped3A_224 : memref<!tpu.dma_semaphore, #tpu.memory_space<semaphore_mem>>)
      %dma_wait3A_229 = arith.constant 0 : i32
      %dma_wait3A_230 = tpu.memref_slice %arg23[%add3A_60, %dma_wait3A_229] : memref<10240x128xf32, #tpu.memory_space<vmem_shared>> -> memref<128x128xf32, #tpu.memory_space<vmem_shared>>
      %dma_wait3A_231 = arith.constant 0 : i32
      %dma_wait3A_232 = tpu.memref_slice %arg23[%add3A_60, %dma_wait3A_231] : memref<10240x128xf32, #tpu.memory_space<vmem_shared>> -> memref<128x128xf32, #tpu.memory_space<vmem_shared>>
      tpu.wait_dma2 semaphore(%run_scoped3A_224 : memref<!tpu.dma_semaphore, #tpu.memory_space<semaphore_mem>>) src(%arg21 : memref<128x128xf32, #tpu.memory_space<vmem>>) dst(%dma_wait3A_232 : memref<128x128xf32, #tpu.memory_space<vmem_shared>>)
      tpu.yield
    }) : () -> ()
    %mul3A_61 = arith.constant 640 : i32
    %mul3A_62 = arith.muli %arg1, %mul3A_61 : i32
    %add3A_63 = arith.constant 256 : i32
    %add3A_64 = arith.addi %mul3A_62, %add3A_63 : i32
    "tpu.region"() ({
      %run_scoped3A_224 = tpu.sem_alloc : memref<!tpu.dma_semaphore, #tpu.memory_space<semaphore_mem>>
      %dma_start3A_225 = arith.constant 0 : i32
      %dma_start3A_226 = tpu.memref_slice %arg23[%add3A_64, %dma_start3A_225] : memref<10240x128xf32, #tpu.memory_space<vmem_shared>> -> memref<128x128xf32, #tpu.memory_space<vmem_shared>>
      %dma_start3A_227 = arith.constant 0 : i32
      %dma_start3A_228 = tpu.memref_slice %arg23[%add3A_64, %dma_start3A_227] : memref<10240x128xf32, #tpu.memory_space<vmem_shared>> -> memref<128x128xf32, #tpu.memory_space<vmem_shared>>
      tpu.enqueue_dma source(%arg21 : memref<128x128xf32, #tpu.memory_space<vmem>>) target(%dma_start3A_228 : memref<128x128xf32, #tpu.memory_space<vmem_shared>>) target_semaphore(%run_scoped3A_224 : memref<!tpu.dma_semaphore, #tpu.memory_space<semaphore_mem>>)
      %dma_wait3A_229 = arith.constant 0 : i32
      %dma_wait3A_230 = tpu.memref_slice %arg23[%add3A_64, %dma_wait3A_229] : memref<10240x128xf32, #tpu.memory_space<vmem_shared>> -> memref<128x128xf32, #tpu.memory_space<vmem_shared>>
      %dma_wait3A_231 = arith.constant 0 : i32
      %dma_wait3A_232 = tpu.memref_slice %arg23[%add3A_64, %dma_wait3A_231] : memref<10240x128xf32, #tpu.memory_space<vmem_shared>> -> memref<128x128xf32, #tpu.memory_space<vmem_shared>>
      tpu.wait_dma2 semaphore(%run_scoped3A_224 : memref<!tpu.dma_semaphore, #tpu.memory_space<semaphore_mem>>) src(%arg21 : memref<128x128xf32, #tpu.memory_space<vmem>>) dst(%dma_wait3A_232 : memref<128x128xf32, #tpu.memory_space<vmem_shared>>)
      tpu.yield
    }) : () -> ()
    %mul3A_65 = arith.constant 640 : i32
    %mul3A_66 = arith.muli %arg1, %mul3A_65 : i32
    %add3A_67 = arith.constant 384 : i32
    %add3A_68 = arith.addi %mul3A_66, %add3A_67 : i32
    "tpu.region"() ({
      %run_scoped3A_224 = tpu.sem_alloc : memref<!tpu.dma_semaphore, #tpu.memory_space<semaphore_mem>>
      %dma_start3A_225 = arith.constant 0 : i32
      %dma_start3A_226 = tpu.memref_slice %arg23[%add3A_68, %dma_start3A_225] : memref<10240x128xf32, #tpu.memory_space<vmem_shared>> -> memref<128x128xf32, #tpu.memory_space<vmem_shared>>
      %dma_start3A_227 = arith.constant 0 : i32
      %dma_start3A_228 = tpu.memref_slice %arg23[%add3A_68, %dma_start3A_227] : memref<10240x128xf32, #tpu.memory_space<vmem_shared>> -> memref<128x128xf32, #tpu.memory_space<vmem_shared>>
      tpu.enqueue_dma source(%arg21 : memref<128x128xf32, #tpu.memory_space<vmem>>) target(%dma_start3A_228 : memref<128x128xf32, #tpu.memory_space<vmem_shared>>) target_semaphore(%run_scoped3A_224 : memref<!tpu.dma_semaphore, #tpu.memory_space<semaphore_mem>>)
      %dma_wait3A_229 = arith.constant 0 : i32
      %dma_wait3A_230 = tpu.memref_slice %arg23[%add3A_68, %dma_wait3A_229] : memref<10240x128xf32, #tpu.memory_space<vmem_shared>> -> memref<128x128xf32, #tpu.memory_space<vmem_shared>>
      %dma_wait3A_231 = arith.constant 0 : i32
      %dma_wait3A_232 = tpu.memref_slice %arg23[%add3A_68, %dma_wait3A_231] : memref<10240x128xf32, #tpu.memory_space<vmem_shared>> -> memref<128x128xf32, #tpu.memory_space<vmem_shared>>
      tpu.wait_dma2 semaphore(%run_scoped3A_224 : memref<!tpu.dma_semaphore, #tpu.memory_space<semaphore_mem>>) src(%arg21 : memref<128x128xf32, #tpu.memory_space<vmem>>) dst(%dma_wait3A_232 : memref<128x128xf32, #tpu.memory_space<vmem_shared>>)
      tpu.yield
    }) : () -> ()
    %mul3A_69 = arith.constant 640 : i32
    %mul3A_70 = arith.muli %arg1, %mul3A_69 : i32
    %add3A_71 = arith.constant 512 : i32
    %add3A_72 = arith.addi %mul3A_70, %add3A_71 : i32
    "tpu.region"() ({
      %run_scoped3A_224 = tpu.sem_alloc : memref<!tpu.dma_semaphore, #tpu.memory_space<semaphore_mem>>
      %dma_start3A_225 = arith.constant 0 : i32
      %dma_start3A_226 = tpu.memref_slice %arg23[%add3A_72, %dma_start3A_225] : memref<10240x128xf32, #tpu.memory_space<vmem_shared>> -> memref<128x128xf32, #tpu.memory_space<vmem_shared>>
      %dma_start3A_227 = arith.constant 0 : i32
      %dma_start3A_228 = tpu.memref_slice %arg23[%add3A_72, %dma_start3A_227] : memref<10240x128xf32, #tpu.memory_space<vmem_shared>> -> memref<128x128xf32, #tpu.memory_space<vmem_shared>>
      tpu.enqueue_dma source(%arg21 : memref<128x128xf32, #tpu.memory_space<vmem>>) target(%dma_start3A_228 : memref<128x128xf32, #tpu.memory_space<vmem_shared>>) target_semaphore(%run_scoped3A_224 : memref<!tpu.dma_semaphore, #tpu.memory_space<semaphore_mem>>)
      %dma_wait3A_229 = arith.constant 0 : i32
      %dma_wait3A_230 = tpu.memref_slice %arg23[%add3A_72, %dma_wait3A_229] : memref<10240x128xf32, #tpu.memory_space<vmem_shared>> -> memref<128x128xf32, #tpu.memory_space<vmem_shared>>
      %dma_wait3A_231 = arith.constant 0 : i32
      %dma_wait3A_232 = tpu.memref_slice %arg23[%add3A_72, %dma_wait3A_231] : memref<10240x128xf32, #tpu.memory_space<vmem_shared>> -> memref<128x128xf32, #tpu.memory_space<vmem_shared>>
      tpu.wait_dma2 semaphore(%run_scoped3A_224 : memref<!tpu.dma_semaphore, #tpu.memory_space<semaphore_mem>>) src(%arg21 : memref<128x128xf32, #tpu.memory_space<vmem>>) dst(%dma_wait3A_232 : memref<128x128xf32, #tpu.memory_space<vmem_shared>>)
      tpu.yield
    }) : () -> ()
    %barrier3A = arith.constant 0 : index
    tpu.barrier barrier_id(%barrier3A)
    %run_scoped3A_73 = arith.constant 0 : i32
    "tpu.region"() ({
      %run_scoped3A_224 = tpu.sem_alloc : memref<!tpu.dma_semaphore, #tpu.memory_space<semaphore_mem>>
      %dma_start3A_225 = arith.constant 0 : i32
      %dma_start3A_226 = tpu.memref_slice %arg2[%add3A, %run_scoped3A_73, %dma_start3A_225] : memref<32x80x128xi32, #tpu.memory_space<hbm>> -> memref<1x1x128xi32, #tpu.memory_space<hbm>>
      %dma_start3A_227 = tpu.memref_squeeze %dma_start3A_226 : memref<1x1x128xi32, #tpu.memory_space<hbm>> -> memref<128xi32, #tpu.memory_space<hbm>>
      %dma_start3A_228 = arith.constant 0 : i32
      %dma_start3A_229 = tpu.memref_slice %arg2[%add3A, %run_scoped3A_73, %dma_start3A_228] : memref<32x80x128xi32, #tpu.memory_space<hbm>> -> memref<1x1x128xi32, #tpu.memory_space<hbm>>
      %dma_start3A_230 = tpu.memref_squeeze %dma_start3A_229 : memref<1x1x128xi32, #tpu.memory_space<hbm>> -> memref<128xi32, #tpu.memory_space<hbm>>
      tpu.enqueue_dma source(%dma_start3A_230 : memref<128xi32, #tpu.memory_space<hbm>>) target(%arg9 : memref<128xi32, #tpu.memory_space<vmem>>) target_semaphore(%run_scoped3A_224 : memref<!tpu.dma_semaphore, #tpu.memory_space<semaphore_mem>>)
      %dma_wait3A_231 = arith.constant 0 : i32
      %dma_wait3A_232 = tpu.memref_slice %arg2[%add3A, %run_scoped3A_73, %dma_wait3A_231] : memref<32x80x128xi32, #tpu.memory_space<hbm>> -> memref<1x1x128xi32, #tpu.memory_space<hbm>>
      %dma_wait3A_233 = tpu.memref_squeeze %dma_wait3A_232 : memref<1x1x128xi32, #tpu.memory_space<hbm>> -> memref<128xi32, #tpu.memory_space<hbm>>
      %dma_wait3A_234 = arith.constant 0 : i32
      %dma_wait3A_235 = tpu.memref_slice %arg2[%add3A, %run_scoped3A_73, %dma_wait3A_234] : memref<32x80x128xi32, #tpu.memory_space<hbm>> -> memref<1x1x128xi32, #tpu.memory_space<hbm>>
      %dma_wait3A_236 = tpu.memref_squeeze %dma_wait3A_235 : memref<1x1x128xi32, #tpu.memory_space<hbm>> -> memref<128xi32, #tpu.memory_space<hbm>>
      tpu.wait_dma2 semaphore(%run_scoped3A_224 : memref<!tpu.dma_semaphore, #tpu.memory_space<semaphore_mem>>) src(%dma_wait3A_236 : memref<128xi32, #tpu.memory_space<hbm>>) dst(%arg9 : memref<128xi32, #tpu.memory_space<vmem>>)
      tpu.yield
    }) : () -> ()
    %run_scoped3A_74 = arith.constant 0 : i32
    "tpu.region"() ({
      %run_scoped3A_224 = tpu.sem_alloc : memref<!tpu.dma_semaphore, #tpu.memory_space<semaphore_mem>>
      %dma_start3A_225 = arith.constant 0 : i32
      %dma_start3A_226 = tpu.memref_slice %arg3[%add3A, %run_scoped3A_74, %dma_start3A_225] : memref<32x80x128xi32, #tpu.memory_space<hbm>> -> memref<1x1x128xi32, #tpu.memory_space<hbm>>
      %dma_start3A_227 = tpu.memref_squeeze %dma_start3A_226 : memref<1x1x128xi32, #tpu.memory_space<hbm>> -> memref<128xi32, #tpu.memory_space<hbm>>
      %dma_start3A_228 = arith.constant 0 : i32
      %dma_start3A_229 = tpu.memref_slice %arg3[%add3A, %run_scoped3A_74, %dma_start3A_228] : memref<32x80x128xi32, #tpu.memory_space<hbm>> -> memref<1x1x128xi32, #tpu.memory_space<hbm>>
      %dma_start3A_230 = tpu.memref_squeeze %dma_start3A_229 : memref<1x1x128xi32, #tpu.memory_space<hbm>> -> memref<128xi32, #tpu.memory_space<hbm>>
      tpu.enqueue_dma source(%dma_start3A_230 : memref<128xi32, #tpu.memory_space<hbm>>) target(%arg11 : memref<128xi32, #tpu.memory_space<vmem>>) target_semaphore(%run_scoped3A_224 : memref<!tpu.dma_semaphore, #tpu.memory_space<semaphore_mem>>)
      %dma_wait3A_231 = arith.constant 0 : i32
      %dma_wait3A_232 = tpu.memref_slice %arg3[%add3A, %run_scoped3A_74, %dma_wait3A_231] : memref<32x80x128xi32, #tpu.memory_space<hbm>> -> memref<1x1x128xi32, #tpu.memory_space<hbm>>
      %dma_wait3A_233 = tpu.memref_squeeze %dma_wait3A_232 : memref<1x1x128xi32, #tpu.memory_space<hbm>> -> memref<128xi32, #tpu.memory_space<hbm>>
      %dma_wait3A_234 = arith.constant 0 : i32
      %dma_wait3A_235 = tpu.memref_slice %arg3[%add3A, %run_scoped3A_74, %dma_wait3A_234] : memref<32x80x128xi32, #tpu.memory_space<hbm>> -> memref<1x1x128xi32, #tpu.memory_space<hbm>>
      %dma_wait3A_236 = tpu.memref_squeeze %dma_wait3A_235 : memref<1x1x128xi32, #tpu.memory_space<hbm>> -> memref<128xi32, #tpu.memory_space<hbm>>
      tpu.wait_dma2 semaphore(%run_scoped3A_224 : memref<!tpu.dma_semaphore, #tpu.memory_space<semaphore_mem>>) src(%dma_wait3A_236 : memref<128xi32, #tpu.memory_space<hbm>>) dst(%arg11 : memref<128xi32, #tpu.memory_space<vmem>>)
      tpu.yield
    }) : () -> ()
    %run_scoped3A_75 = arith.constant 0 : i32
    "tpu.region"() ({
      %run_scoped3A_224 = tpu.sem_alloc : memref<!tpu.dma_semaphore, #tpu.memory_space<semaphore_mem>>
      %dma_start3A_225 = arith.constant 0 : i32
      %dma_start3A_226 = tpu.memref_slice %arg4[%add3A, %run_scoped3A_75, %dma_start3A_225] : memref<32x80x128xf32, #tpu.memory_space<hbm>> -> memref<1x1x128xf32, #tpu.memory_space<hbm>>
      %dma_start3A_227 = tpu.memref_squeeze %dma_start3A_226 : memref<1x1x128xf32, #tpu.memory_space<hbm>> -> memref<128xf32, #tpu.memory_space<hbm>>
      %dma_start3A_228 = arith.constant 0 : i32
      %dma_start3A_229 = tpu.memref_slice %arg4[%add3A, %run_scoped3A_75, %dma_start3A_228] : memref<32x80x128xf32, #tpu.memory_space<hbm>> -> memref<1x1x128xf32, #tpu.memory_space<hbm>>
      %dma_start3A_230 = tpu.memref_squeeze %dma_start3A_229 : memref<1x1x128xf32, #tpu.memory_space<hbm>> -> memref<128xf32, #tpu.memory_space<hbm>>
      tpu.enqueue_dma source(%dma_start3A_230 : memref<128xf32, #tpu.memory_space<hbm>>) target(%arg15 : memref<128xf32, #tpu.memory_space<vmem>>) target_semaphore(%run_scoped3A_224 : memref<!tpu.dma_semaphore, #tpu.memory_space<semaphore_mem>>)
      %dma_wait3A_231 = arith.constant 0 : i32
      %dma_wait3A_232 = tpu.memref_slice %arg4[%add3A, %run_scoped3A_75, %dma_wait3A_231] : memref<32x80x128xf32, #tpu.memory_space<hbm>> -> memref<1x1x128xf32, #tpu.memory_space<hbm>>
      %dma_wait3A_233 = tpu.memref_squeeze %dma_wait3A_232 : memref<1x1x128xf32, #tpu.memory_space<hbm>> -> memref<128xf32, #tpu.memory_space<hbm>>
      %dma_wait3A_234 = arith.constant 0 : i32
      %dma_wait3A_235 = tpu.memref_slice %arg4[%add3A, %run_scoped3A_75, %dma_wait3A_234] : memref<32x80x128xf32, #tpu.memory_space<hbm>> -> memref<1x1x128xf32, #tpu.memory_space<hbm>>
      %dma_wait3A_236 = tpu.memref_squeeze %dma_wait3A_235 : memref<1x1x128xf32, #tpu.memory_space<hbm>> -> memref<128xf32, #tpu.memory_space<hbm>>
      tpu.wait_dma2 semaphore(%run_scoped3A_224 : memref<!tpu.dma_semaphore, #tpu.memory_space<semaphore_mem>>) src(%dma_wait3A_236 : memref<128xf32, #tpu.memory_space<hbm>>) dst(%arg15 : memref<128xf32, #tpu.memory_space<vmem>>)
      tpu.yield
    }) : () -> ()
    %dma_start3A = arith.constant 0 : i32
    %dma_start3A_76 = arith.constant 0 : i32
    %dma_start3A_77 = tpu.memref_slice %arg6[%dma_start3A, %dma_start3A_76] : memref<10000x128xf32, #tpu.memory_space<hbm>> -> memref<10000x128xf32, #tpu.memory_space<hbm>>
    tpu.enqueue_indirect_dma source(%dma_start3A_77 : memref<10000x128xf32, #tpu.memory_space<hbm>>) target(%arg21 : memref<128x128xf32, #tpu.memory_space<vmem>>) offsets(%arg9 : memref<128xi32, #tpu.memory_space<vmem>>) semaphore(%arg24 : memref<!tpu.dma_semaphore, #tpu.memory_space<semaphore_mem>>)
    %dma_start3A_78 = arith.constant 1 : i32
    %dma_start3A_79 = arith.constant 0 : i32
    %dma_start3A_80 = tpu.memref_slice %arg2[%add3A, %dma_start3A_78, %dma_start3A_79] : memref<32x80x128xi32, #tpu.memory_space<hbm>> -> memref<1x1x128xi32, #tpu.memory_space<hbm>>
    %dma_start3A_81 = tpu.memref_squeeze %dma_start3A_80 : memref<1x1x128xi32, #tpu.memory_space<hbm>> -> memref<128xi32, #tpu.memory_space<hbm>>
    %dma_start3A_82 = arith.constant 0 : i32
    %dma_start3A_83 = tpu.memref_slice %arg2[%add3A, %dma_start3A_78, %dma_start3A_82] : memref<32x80x128xi32, #tpu.memory_space<hbm>> -> memref<1x1x128xi32, #tpu.memory_space<hbm>>
    %dma_start3A_84 = tpu.memref_squeeze %dma_start3A_83 : memref<1x1x128xi32, #tpu.memory_space<hbm>> -> memref<128xi32, #tpu.memory_space<hbm>>
    tpu.enqueue_dma source(%dma_start3A_84 : memref<128xi32, #tpu.memory_space<hbm>>) target(%arg10 : memref<128xi32, #tpu.memory_space<vmem>>) target_semaphore(%arg27 : memref<!tpu.dma_semaphore, #tpu.memory_space<semaphore_mem>>)
    %dma_start3A_85 = arith.constant 1 : i32
    %dma_start3A_86 = arith.constant 0 : i32
    %dma_start3A_87 = tpu.memref_slice %arg3[%add3A, %dma_start3A_85, %dma_start3A_86] : memref<32x80x128xi32, #tpu.memory_space<hbm>> -> memref<1x1x128xi32, #tpu.memory_space<hbm>>
    %dma_start3A_88 = tpu.memref_squeeze %dma_start3A_87 : memref<1x1x128xi32, #tpu.memory_space<hbm>> -> memref<128xi32, #tpu.memory_space<hbm>>
    %dma_start3A_89 = arith.constant 0 : i32
    %dma_start3A_90 = tpu.memref_slice %arg3[%add3A, %dma_start3A_85, %dma_start3A_89] : memref<32x80x128xi32, #tpu.memory_space<hbm>> -> memref<1x1x128xi32, #tpu.memory_space<hbm>>
    %dma_start3A_91 = tpu.memref_squeeze %dma_start3A_90 : memref<1x1x128xi32, #tpu.memory_space<hbm>> -> memref<128xi32, #tpu.memory_space<hbm>>
    tpu.enqueue_dma source(%dma_start3A_91 : memref<128xi32, #tpu.memory_space<hbm>>) target(%arg12 : memref<128xi32, #tpu.memory_space<vmem>>) target_semaphore(%arg27 : memref<!tpu.dma_semaphore, #tpu.memory_space<semaphore_mem>>)
    %dma_start3A_92 = arith.constant 1 : i32
    %dma_start3A_93 = arith.constant 0 : i32
    %dma_start3A_94 = tpu.memref_slice %arg4[%add3A, %dma_start3A_92, %dma_start3A_93] : memref<32x80x128xf32, #tpu.memory_space<hbm>> -> memref<1x1x128xf32, #tpu.memory_space<hbm>>
    %dma_start3A_95 = tpu.memref_squeeze %dma_start3A_94 : memref<1x1x128xf32, #tpu.memory_space<hbm>> -> memref<128xf32, #tpu.memory_space<hbm>>
    %dma_start3A_96 = arith.constant 0 : i32
    %dma_start3A_97 = tpu.memref_slice %arg4[%add3A, %dma_start3A_92, %dma_start3A_96] : memref<32x80x128xf32, #tpu.memory_space<hbm>> -> memref<1x1x128xf32, #tpu.memory_space<hbm>>
    %dma_start3A_98 = tpu.memref_squeeze %dma_start3A_97 : memref<1x1x128xf32, #tpu.memory_space<hbm>> -> memref<128xf32, #tpu.memory_space<hbm>>
    tpu.enqueue_dma source(%dma_start3A_98 : memref<128xf32, #tpu.memory_space<hbm>>) target(%arg16 : memref<128xf32, #tpu.memory_space<vmem>>) target_semaphore(%arg27 : memref<!tpu.dma_semaphore, #tpu.memory_space<semaphore_mem>>)
    %scan3A_99 = arith.constant 0 : i32
    %scan3A_100 = arith.constant 40 : i32
    %scan3A_101 = arith.addi %scan3A_99, %scan3A_100 : i32
    %scan3A_102 = arith.constant 1 : i32
    scf.for %scan3A_224 = %scan3A_99 to %scan3A_101 step %scan3A_102  : i32 {
      %mul3A_225 = arith.constant 2 : i32
      %mul3A_226 = arith.muli %scan3A_224, %mul3A_225 : i32
      %add3A_227 = arith.constant 0 : i32
      %add3A_228 = arith.addi %add3A_227, %mul3A_226 : i32
      %add3A_229 = arith.constant 0 : i32
      %add3A_230 = arith.addi %add3A_228, %add3A_229 : i32
      %add3A_231 = arith.constant 1 : i32
      %add3A_232 = arith.addi %add3A_230, %add3A_231 : i32
      %lt3A = arith.constant 80 : i32
      %lt3A_233 = arith.cmpi slt, %add3A_232, %lt3A : i32
      %convert_element_type3A = arith.extui %lt3A_233 : i1 to i32
      %cond3A = arith.constant 0 : i32
      %cond3A_234 = arith.cmpi ne, %convert_element_type3A, %cond3A : i32
      scf.if %cond3A_234 {
        %add3A_537 = arith.constant 1 : i32
        %add3A_538 = arith.addi %add3A_230, %add3A_537 : i32
        %dma_wait3A_539 = arith.constant 0 : i32
        %dma_wait3A_540 = tpu.memref_slice %arg2[%add3A, %add3A_538, %dma_wait3A_539] : memref<32x80x128xi32, #tpu.memory_space<hbm>> -> memref<1x1x128xi32, #tpu.memory_space<hbm>>
        %dma_wait3A_541 = tpu.memref_squeeze %dma_wait3A_540 : memref<1x1x128xi32, #tpu.memory_space<hbm>> -> memref<128xi32, #tpu.memory_space<hbm>>
        %dma_wait3A_542 = arith.constant 0 : i32
        %dma_wait3A_543 = tpu.memref_slice %arg2[%add3A, %add3A_538, %dma_wait3A_542] : memref<32x80x128xi32, #tpu.memory_space<hbm>> -> memref<1x1x128xi32, #tpu.memory_space<hbm>>
        %dma_wait3A_544 = tpu.memref_squeeze %dma_wait3A_543 : memref<1x1x128xi32, #tpu.memory_space<hbm>> -> memref<128xi32, #tpu.memory_space<hbm>>
        tpu.wait_dma2 semaphore(%arg27 : memref<!tpu.dma_semaphore, #tpu.memory_space<semaphore_mem>>) src(%dma_wait3A_544 : memref<128xi32, #tpu.memory_space<hbm>>) dst(%arg10 : memref<128xi32, #tpu.memory_space<vmem>>)
        %add3A_545 = arith.constant 1 : i32
        %add3A_546 = arith.addi %add3A_230, %add3A_545 : i32
        %dma_wait3A_547 = arith.constant 0 : i32
        %dma_wait3A_548 = tpu.memref_slice %arg3[%add3A, %add3A_546, %dma_wait3A_547] : memref<32x80x128xi32, #tpu.memory_space<hbm>> -> memref<1x1x128xi32, #tpu.memory_space<hbm>>
        %dma_wait3A_549 = tpu.memref_squeeze %dma_wait3A_548 : memref<1x1x128xi32, #tpu.memory_space<hbm>> -> memref<128xi32, #tpu.memory_space<hbm>>
        %dma_wait3A_550 = arith.constant 0 : i32
        %dma_wait3A_551 = tpu.memref_slice %arg3[%add3A, %add3A_546, %dma_wait3A_550] : memref<32x80x128xi32, #tpu.memory_space<hbm>> -> memref<1x1x128xi32, #tpu.memory_space<hbm>>
        %dma_wait3A_552 = tpu.memref_squeeze %dma_wait3A_551 : memref<1x1x128xi32, #tpu.memory_space<hbm>> -> memref<128xi32, #tpu.memory_space<hbm>>
        tpu.wait_dma2 semaphore(%arg27 : memref<!tpu.dma_semaphore, #tpu.memory_space<semaphore_mem>>) src(%dma_wait3A_552 : memref<128xi32, #tpu.memory_space<hbm>>) dst(%arg12 : memref<128xi32, #tpu.memory_space<vmem>>)
        %add3A_553 = arith.constant 1 : i32
        %add3A_554 = arith.addi %add3A_230, %add3A_553 : i32
        %dma_wait3A_555 = arith.constant 0 : i32
        %dma_wait3A_556 = tpu.memref_slice %arg4[%add3A, %add3A_554, %dma_wait3A_555] : memref<32x80x128xf32, #tpu.memory_space<hbm>> -> memref<1x1x128xf32, #tpu.memory_space<hbm>>
        %dma_wait3A_557 = tpu.memref_squeeze %dma_wait3A_556 : memref<1x1x128xf32, #tpu.memory_space<hbm>> -> memref<128xf32, #tpu.memory_space<hbm>>
        %dma_wait3A_558 = arith.constant 0 : i32
        %dma_wait3A_559 = tpu.memref_slice %arg4[%add3A, %add3A_554, %dma_wait3A_558] : memref<32x80x128xf32, #tpu.memory_space<hbm>> -> memref<1x1x128xf32, #tpu.memory_space<hbm>>
        %dma_wait3A_560 = tpu.memref_squeeze %dma_wait3A_559 : memref<1x1x128xf32, #tpu.memory_space<hbm>> -> memref<128xf32, #tpu.memory_space<hbm>>
        tpu.wait_dma2 semaphore(%arg27 : memref<!tpu.dma_semaphore, #tpu.memory_space<semaphore_mem>>) src(%dma_wait3A_560 : memref<128xf32, #tpu.memory_space<hbm>>) dst(%arg16 : memref<128xf32, #tpu.memory_space<vmem>>)
        %ge3A_561 = arith.constant 1 : i32
        %ge3A_562 = arith.cmpi sge, %add3A_230, %ge3A_561 : i32
        %convert_element_type3A_563 = arith.extui %ge3A_562 : i1 to i32
        %cond3A_564 = arith.constant 0 : i32
        %cond3A_565 = arith.cmpi ne, %convert_element_type3A_563, %cond3A_564 : i32
        scf.if %cond3A_565 {
          %dma_wait3A_569 = arith.constant 0 : i32
          %dma_wait3A_570 = arith.constant 0 : i32
          %dma_wait3A_571 = tpu.memref_slice %arg23[%dma_wait3A_569, %dma_wait3A_570] : memref<10240x128xf32, #tpu.memory_space<vmem_shared>> -> memref<10240x128xf32, #tpu.memory_space<vmem_shared>>
          tpu.wait_indirect_dma semaphore(%arg29 : memref<!tpu.dma_semaphore, #tpu.memory_space<semaphore_mem>>) src(%arg22 : memref<128x128xf32, #tpu.memory_space<vmem>>) dst(%dma_wait3A_571 : memref<10240x128xf32, #tpu.memory_space<vmem_shared>>)
        } else {
        }
        %dma_start3A_566 = arith.constant 0 : i32
        %dma_start3A_567 = arith.constant 0 : i32
        %dma_start3A_568 = tpu.memref_slice %arg6[%dma_start3A_566, %dma_start3A_567] : memref<10000x128xf32, #tpu.memory_space<hbm>> -> memref<10000x128xf32, #tpu.memory_space<hbm>>
        tpu.enqueue_indirect_dma source(%dma_start3A_568 : memref<10000x128xf32, #tpu.memory_space<hbm>>) target(%arg22 : memref<128x128xf32, #tpu.memory_space<vmem>>) offsets(%arg10 : memref<128xi32, #tpu.memory_space<vmem>>) semaphore(%arg25 : memref<!tpu.dma_semaphore, #tpu.memory_space<semaphore_mem>>)
      } else {
      }
      %ge3A = arith.constant 2 : i32
      %ge3A_235 = arith.cmpi sge, %add3A_230, %ge3A : i32
      %convert_element_type3A_236 = arith.extui %ge3A_235 : i1 to i32
      %cond3A_237 = arith.constant 0 : i32
      %cond3A_238 = arith.cmpi ne, %convert_element_type3A_236, %cond3A_237 : i32
      scf.if %cond3A_238 {
        %dma_wait3A_537 = arith.constant 0 : i32
        %dma_wait3A_538 = tpu.memref_slice %arg7[%add3A, %add3A_230, %dma_wait3A_537] : memref<32x80x128xf32, #tpu.memory_space<hbm>> -> memref<1x1x128xf32, #tpu.memory_space<hbm>>
        %dma_wait3A_539 = tpu.memref_squeeze %dma_wait3A_538 : memref<1x1x128xf32, #tpu.memory_space<hbm>> -> memref<128xf32, #tpu.memory_space<hbm>>
        %dma_wait3A_540 = arith.constant 0 : i32
        %dma_wait3A_541 = tpu.memref_slice %arg7[%add3A, %add3A_230, %dma_wait3A_540] : memref<32x80x128xf32, #tpu.memory_space<hbm>> -> memref<1x1x128xf32, #tpu.memory_space<hbm>>
        %dma_wait3A_542 = tpu.memref_squeeze %dma_wait3A_541 : memref<1x1x128xf32, #tpu.memory_space<hbm>> -> memref<128xf32, #tpu.memory_space<hbm>>
        tpu.wait_dma2 semaphore(%arg30 : memref<!tpu.dma_semaphore, #tpu.memory_space<semaphore_mem>>) src(%arg17 : memref<128xf32, #tpu.memory_space<vmem>>) dst(%dma_wait3A_542 : memref<128xf32, #tpu.memory_space<hbm>>)
      } else {
      }
      %get3A = arith.constant 0 : index
      %get3A_239 = tpu.vector_load %arg11[%get3A] {strides = array<i32>} : memref<128xi32, #tpu.memory_space<vmem>>, vector<16xi32>,
      %gather3A = tpu.vector_load_idx %arg19[%get3A_239] : memref<10240xf32, #tpu.memory_space<vmem>>[vector<16xi32>], vector<16xf32>,
      %get3A_240 = arith.constant 0 : index
      %get3A_241 = tpu.vector_load %arg15[%get3A_240] {strides = array<i32>} : memref<128xf32, #tpu.memory_space<vmem>>, vector<16xf32>,
      %add3A_242 = arith.constant 9.99999971E-10 : f32
      %add3A_243 = vector.broadcast %add3A_242 : f32 to vector<16xf32>
      %add3A_244 = arith.addf %gather3A, %add3A_243 : vector<16xf32>
      %div3A = arith.divf %get3A_241, %add3A_244 : vector<16xf32>
      %swap3A = arith.constant 0 : index
      %swap3A_245 = tpu.vector_load %arg17[%swap3A] {strides = array<i32>} : memref<128xf32, #tpu.memory_space<vmem>>, vector<16xf32>,
      tpu.vector_store %arg17[%swap3A], %div3A {strides = array<i32>} : memref<128xf32, #tpu.memory_space<vmem>>, vector<16xf32>,
      %get3A_246 = arith.constant 16 : index
      %get3A_247 = tpu.vector_load %arg11[%get3A_246] {strides = array<i32>} : memref<128xi32, #tpu.memory_space<vmem>>, vector<16xi32>,
      %gather3A_248 = tpu.vector_load_idx %arg19[%get3A_247] : memref<10240xf32, #tpu.memory_space<vmem>>[vector<16xi32>], vector<16xf32>,
      %get3A_249 = arith.constant 16 : index
      %get3A_250 = tpu.vector_load %arg15[%get3A_249] {strides = array<i32>} : memref<128xf32, #tpu.memory_space<vmem>>, vector<16xf32>,
      %add3A_251 = arith.constant 9.99999971E-10 : f32
      %add3A_252 = vector.broadcast %add3A_251 : f32 to vector<16xf32>
      %add3A_253 = arith.addf %gather3A_248, %add3A_252 : vector<16xf32>
      %div3A_254 = arith.divf %get3A_250, %add3A_253 : vector<16xf32>
      %swap3A_255 = arith.constant 16 : index
      %swap3A_256 = tpu.vector_load %arg17[%swap3A_255] {strides = array<i32>} : memref<128xf32, #tpu.memory_space<vmem>>, vector<16xf32>,
      tpu.vector_store %arg17[%swap3A_255], %div3A_254 {strides = array<i32>} : memref<128xf32, #tpu.memory_space<vmem>>, vector<16xf32>,
      %get3A_257 = arith.constant 32 : index
      %get3A_258 = tpu.vector_load %arg11[%get3A_257] {strides = array<i32>} : memref<128xi32, #tpu.memory_space<vmem>>, vector<16xi32>,
      %gather3A_259 = tpu.vector_load_idx %arg19[%get3A_258] : memref<10240xf32, #tpu.memory_space<vmem>>[vector<16xi32>], vector<16xf32>,
      %get3A_260 = arith.constant 32 : index
      %get3A_261 = tpu.vector_load %arg15[%get3A_260] {strides = array<i32>} : memref<128xf32, #tpu.memory_space<vmem>>, vector<16xf32>,
      %add3A_262 = arith.constant 9.99999971E-10 : f32
      %add3A_263 = vector.broadcast %add3A_262 : f32 to vector<16xf32>
      %add3A_264 = arith.addf %gather3A_259, %add3A_263 : vector<16xf32>
      %div3A_265 = arith.divf %get3A_261, %add3A_264 : vector<16xf32>
      %swap3A_266 = arith.constant 32 : index
      %swap3A_267 = tpu.vector_load %arg17[%swap3A_266] {strides = array<i32>} : memref<128xf32, #tpu.memory_space<vmem>>, vector<16xf32>,
      tpu.vector_store %arg17[%swap3A_266], %div3A_265 {strides = array<i32>} : memref<128xf32, #tpu.memory_space<vmem>>, vector<16xf32>,
      %get3A_268 = arith.constant 48 : index
      %get3A_269 = tpu.vector_load %arg11[%get3A_268] {strides = array<i32>} : memref<128xi32, #tpu.memory_space<vmem>>, vector<16xi32>,
      %gather3A_270 = tpu.vector_load_idx %arg19[%get3A_269] : memref<10240xf32, #tpu.memory_space<vmem>>[vector<16xi32>], vector<16xf32>,
      %get3A_271 = arith.constant 48 : index
      %get3A_272 = tpu.vector_load %arg15[%get3A_271] {strides = array<i32>} : memref<128xf32, #tpu.memory_space<vmem>>, vector<16xf32>,
      %add3A_273 = arith.constant 9.99999971E-10 : f32
      %add3A_274 = vector.broadcast %add3A_273 : f32 to vector<16xf32>
      %add3A_275 = arith.addf %gather3A_270, %add3A_274 : vector<16xf32>
      %div3A_276 = arith.divf %get3A_272, %add3A_275 : vector<16xf32>
      %swap3A_277 = arith.constant 48 : index
      %swap3A_278 = tpu.vector_load %arg17[%swap3A_277] {strides = array<i32>} : memref<128xf32, #tpu.memory_space<vmem>>, vector<16xf32>,
      tpu.vector_store %arg17[%swap3A_277], %div3A_276 {strides = array<i32>} : memref<128xf32, #tpu.memory_space<vmem>>, vector<16xf32>,
      %get3A_279 = arith.constant 64 : index
      %get3A_280 = tpu.vector_load %arg11[%get3A_279] {strides = array<i32>} : memref<128xi32, #tpu.memory_space<vmem>>, vector<16xi32>,
      %gather3A_281 = tpu.vector_load_idx %arg19[%get3A_280] : memref<10240xf32, #tpu.memory_space<vmem>>[vector<16xi32>], vector<16xf32>,
      %get3A_282 = arith.constant 64 : index
      %get3A_283 = tpu.vector_load %arg15[%get3A_282] {strides = array<i32>} : memref<128xf32, #tpu.memory_space<vmem>>, vector<16xf32>,
      %add3A_284 = arith.constant 9.99999971E-10 : f32
      %add3A_285 = vector.broadcast %add3A_284 : f32 to vector<16xf32>
      %add3A_286 = arith.addf %gather3A_281, %add3A_285 : vector<16xf32>
      %div3A_287 = arith.divf %get3A_283, %add3A_286 : vector<16xf32>
      %swap3A_288 = arith.constant 64 : index
      %swap3A_289 = tpu.vector_load %arg17[%swap3A_288] {strides = array<i32>} : memref<128xf32, #tpu.memory_space<vmem>>, vector<16xf32>,
      tpu.vector_store %arg17[%swap3A_288], %div3A_287 {strides = array<i32>} : memref<128xf32, #tpu.memory_space<vmem>>, vector<16xf32>,
      %get3A_290 = arith.constant 80 : index
      %get3A_291 = tpu.vector_load %arg11[%get3A_290] {strides = array<i32>} : memref<128xi32, #tpu.memory_space<vmem>>, vector<16xi32>,
      %gather3A_292 = tpu.vector_load_idx %arg19[%get3A_291] : memref<10240xf32, #tpu.memory_space<vmem>>[vector<16xi32>], vector<16xf32>,
      %get3A_293 = arith.constant 80 : index
      %get3A_294 = tpu.vector_load %arg15[%get3A_293] {strides = array<i32>} : memref<128xf32, #tpu.memory_space<vmem>>, vector<16xf32>,
      %add3A_295 = arith.constant 9.99999971E-10 : f32
      %add3A_296 = vector.broadcast %add3A_295 : f32 to vector<16xf32>
      %add3A_297 = arith.addf %gather3A_292, %add3A_296 : vector<16xf32>
      %div3A_298 = arith.divf %get3A_294, %add3A_297 : vector<16xf32>
      %swap3A_299 = arith.constant 80 : index
      %swap3A_300 = tpu.vector_load %arg17[%swap3A_299] {strides = array<i32>} : memref<128xf32, #tpu.memory_space<vmem>>, vector<16xf32>,
      tpu.vector_store %arg17[%swap3A_299], %div3A_298 {strides = array<i32>} : memref<128xf32, #tpu.memory_space<vmem>>, vector<16xf32>,
      %get3A_301 = arith.constant 96 : index
      %get3A_302 = tpu.vector_load %arg11[%get3A_301] {strides = array<i32>} : memref<128xi32, #tpu.memory_space<vmem>>, vector<16xi32>,
      %gather3A_303 = tpu.vector_load_idx %arg19[%get3A_302] : memref<10240xf32, #tpu.memory_space<vmem>>[vector<16xi32>], vector<16xf32>,
      %get3A_304 = arith.constant 96 : index
      %get3A_305 = tpu.vector_load %arg15[%get3A_304] {strides = array<i32>} : memref<128xf32, #tpu.memory_space<vmem>>, vector<16xf32>,
      %add3A_306 = arith.constant 9.99999971E-10 : f32
      %add3A_307 = vector.broadcast %add3A_306 : f32 to vector<16xf32>
      %add3A_308 = arith.addf %gather3A_303, %add3A_307 : vector<16xf32>
      %div3A_309 = arith.divf %get3A_305, %add3A_308 : vector<16xf32>
      %swap3A_310 = arith.constant 96 : index
      %swap3A_311 = tpu.vector_load %arg17[%swap3A_310] {strides = array<i32>} : memref<128xf32, #tpu.memory_space<vmem>>, vector<16xf32>,
      tpu.vector_store %arg17[%swap3A_310], %div3A_309 {strides = array<i32>} : memref<128xf32, #tpu.memory_space<vmem>>, vector<16xf32>,
      %get3A_312 = arith.constant 112 : index
      %get3A_313 = tpu.vector_load %arg11[%get3A_312] {strides = array<i32>} : memref<128xi32, #tpu.memory_space<vmem>>, vector<16xi32>,
      %gather3A_314 = tpu.vector_load_idx %arg19[%get3A_313] : memref<10240xf32, #tpu.memory_space<vmem>>[vector<16xi32>], vector<16xf32>,
      %get3A_315 = arith.constant 112 : index
      %get3A_316 = tpu.vector_load %arg15[%get3A_315] {strides = array<i32>} : memref<128xf32, #tpu.memory_space<vmem>>, vector<16xf32>,
      %add3A_317 = arith.constant 9.99999971E-10 : f32
      %add3A_318 = vector.broadcast %add3A_317 : f32 to vector<16xf32>
      %add3A_319 = arith.addf %gather3A_314, %add3A_318 : vector<16xf32>
      %div3A_320 = arith.divf %get3A_316, %add3A_319 : vector<16xf32>
      %swap3A_321 = arith.constant 112 : index
      %swap3A_322 = tpu.vector_load %arg17[%swap3A_321] {strides = array<i32>} : memref<128xf32, #tpu.memory_space<vmem>>, vector<16xf32>,
      tpu.vector_store %arg17[%swap3A_321], %div3A_320 {strides = array<i32>} : memref<128xf32, #tpu.memory_space<vmem>>, vector<16xf32>,
      %dma_start3A_323 = arith.constant 0 : i32
      %dma_start3A_324 = tpu.memref_slice %arg7[%add3A, %add3A_230, %dma_start3A_323] : memref<32x80x128xf32, #tpu.memory_space<hbm>> -> memref<1x1x128xf32, #tpu.memory_space<hbm>>
      %dma_start3A_325 = tpu.memref_squeeze %dma_start3A_324 : memref<1x1x128xf32, #tpu.memory_space<hbm>> -> memref<128xf32, #tpu.memory_space<hbm>>
      %dma_start3A_326 = arith.constant 0 : i32
      %dma_start3A_327 = tpu.memref_slice %arg7[%add3A, %add3A_230, %dma_start3A_326] : memref<32x80x128xf32, #tpu.memory_space<hbm>> -> memref<1x1x128xf32, #tpu.memory_space<hbm>>
      %dma_start3A_328 = tpu.memref_squeeze %dma_start3A_327 : memref<1x1x128xf32, #tpu.memory_space<hbm>> -> memref<128xf32, #tpu.memory_space<hbm>>
      tpu.enqueue_dma source(%arg17 : memref<128xf32, #tpu.memory_space<vmem>>) target(%dma_start3A_328 : memref<128xf32, #tpu.memory_space<hbm>>) target_semaphore(%arg30 : memref<!tpu.dma_semaphore, #tpu.memory_space<semaphore_mem>>)
      %dma_wait3A_329 = arith.constant 0 : i32
      %dma_wait3A_330 = arith.constant 0 : i32
      %dma_wait3A_331 = tpu.memref_slice %arg6[%dma_wait3A_329, %dma_wait3A_330] : memref<10000x128xf32, #tpu.memory_space<hbm>> -> memref<10000x128xf32, #tpu.memory_space<hbm>>
      tpu.wait_indirect_dma semaphore(%arg24 : memref<!tpu.dma_semaphore, #tpu.memory_space<semaphore_mem>>) src(%dma_wait3A_331 : memref<10000x128xf32, #tpu.memory_space<hbm>>) dst(%arg21 : memref<128x128xf32, #tpu.memory_space<vmem>>)
      %scan3A_332 = arith.constant 0 : i32
      %scan3A_333 = arith.constant 128 : i32
      %scan3A_334 = arith.addi %scan3A_332, %scan3A_333 : i32
      %scan3A_335 = arith.constant 2 : i32
      scf.for %scan3A_537 = %scan3A_332 to %scan3A_334 step %scan3A_335  : i32 {
        %mul3A_538 = arith.constant 1 : i32
        %mul3A_539 = arith.muli %scan3A_537, %mul3A_538 : i32
        %add3A_540 = arith.constant 0 : i32
        %add3A_541 = arith.addi %add3A_540, %mul3A_539 : i32
        %broadcast_in_dim3A = vector.broadcast %add3A_541 : i32 to vector<16xi32>
        %gather3A_542 = tpu.vector_load_idx %arg15[%broadcast_in_dim3A] : memref<128xf32, #tpu.memory_space<vmem>>[vector<16xi32>], vector<16xf32>,
        %get3A_543 = arith.index_cast %add3A_541 : i32 to index
        %get3A_544 = arith.constant 0 : index
        %get3A_545 = tpu.vector_load %arg21[%get3A_543, %get3A_544] {strides = array<i32>} : memref<128x128xf32, #tpu.memory_space<vmem>>, vector<16xf32>,
        %mul3A_546 = arith.mulf %get3A_545, %gather3A_542 : vector<16xf32>
        %swap3A_547 = arith.index_cast %add3A_541 : i32 to index
        %swap3A_548 = arith.constant 0 : index
        %swap3A_549 = tpu.vector_load %arg21[%swap3A_547, %swap3A_548] {strides = array<i32>} : memref<128x128xf32, #tpu.memory_space<vmem>>, vector<16xf32>,
        tpu.vector_store %arg21[%swap3A_547, %swap3A_548], %mul3A_546 {strides = array<i32>} : memref<128x128xf32, #tpu.memory_space<vmem>>, vector<16xf32>,
        %get3A_550 = arith.index_cast %add3A_541 : i32 to index
        %get3A_551 = arith.constant 16 : index
        %get3A_552 = tpu.vector_load %arg21[%get3A_550, %get3A_551] {strides = array<i32>} : memref<128x128xf32, #tpu.memory_space<vmem>>, vector<16xf32>,
        %mul3A_553 = arith.mulf %get3A_552, %gather3A_542 : vector<16xf32>
        %swap3A_554 = arith.index_cast %add3A_541 : i32 to index
        %swap3A_555 = arith.constant 16 : index
        %swap3A_556 = tpu.vector_load %arg21[%swap3A_554, %swap3A_555] {strides = array<i32>} : memref<128x128xf32, #tpu.memory_space<vmem>>, vector<16xf32>,
        tpu.vector_store %arg21[%swap3A_554, %swap3A_555], %mul3A_553 {strides = array<i32>} : memref<128x128xf32, #tpu.memory_space<vmem>>, vector<16xf32>,
        %get3A_557 = arith.index_cast %add3A_541 : i32 to index
        %get3A_558 = arith.constant 32 : index
        %get3A_559 = tpu.vector_load %arg21[%get3A_557, %get3A_558] {strides = array<i32>} : memref<128x128xf32, #tpu.memory_space<vmem>>, vector<16xf32>,
        %mul3A_560 = arith.mulf %get3A_559, %gather3A_542 : vector<16xf32>
        %swap3A_561 = arith.index_cast %add3A_541 : i32 to index
        %swap3A_562 = arith.constant 32 : index
        %swap3A_563 = tpu.vector_load %arg21[%swap3A_561, %swap3A_562] {strides = array<i32>} : memref<128x128xf32, #tpu.memory_space<vmem>>, vector<16xf32>,
        tpu.vector_store %arg21[%swap3A_561, %swap3A_562], %mul3A_560 {strides = array<i32>} : memref<128x128xf32, #tpu.memory_space<vmem>>, vector<16xf32>,
        %get3A_564 = arith.index_cast %add3A_541 : i32 to index
        %get3A_565 = arith.constant 48 : index
        %get3A_566 = tpu.vector_load %arg21[%get3A_564, %get3A_565] {strides = array<i32>} : memref<128x128xf32, #tpu.memory_space<vmem>>, vector<16xf32>,
        %mul3A_567 = arith.mulf %get3A_566, %gather3A_542 : vector<16xf32>
        %swap3A_568 = arith.index_cast %add3A_541 : i32 to index
        %swap3A_569 = arith.constant 48 : index
        %swap3A_570 = tpu.vector_load %arg21[%swap3A_568, %swap3A_569] {strides = array<i32>} : memref<128x128xf32, #tpu.memory_space<vmem>>, vector<16xf32>,
        tpu.vector_store %arg21[%swap3A_568, %swap3A_569], %mul3A_567 {strides = array<i32>} : memref<128x128xf32, #tpu.memory_space<vmem>>, vector<16xf32>,
        %get3A_571 = arith.index_cast %add3A_541 : i32 to index
        %get3A_572 = arith.constant 64 : index
        %get3A_573 = tpu.vector_load %arg21[%get3A_571, %get3A_572] {strides = array<i32>} : memref<128x128xf32, #tpu.memory_space<vmem>>, vector<16xf32>,
        %mul3A_574 = arith.mulf %get3A_573, %gather3A_542 : vector<16xf32>
        %swap3A_575 = arith.index_cast %add3A_541 : i32 to index
        %swap3A_576 = arith.constant 64 : index
        %swap3A_577 = tpu.vector_load %arg21[%swap3A_575, %swap3A_576] {strides = array<i32>} : memref<128x128xf32, #tpu.memory_space<vmem>>, vector<16xf32>,
        tpu.vector_store %arg21[%swap3A_575, %swap3A_576], %mul3A_574 {strides = array<i32>} : memref<128x128xf32, #tpu.memory_space<vmem>>, vector<16xf32>,
        %get3A_578 = arith.index_cast %add3A_541 : i32 to index
        %get3A_579 = arith.constant 80 : index
        %get3A_580 = tpu.vector_load %arg21[%get3A_578, %get3A_579] {strides = array<i32>} : memref<128x128xf32, #tpu.memory_space<vmem>>, vector<16xf32>,
        %mul3A_581 = arith.mulf %get3A_580, %gather3A_542 : vector<16xf32>
        %swap3A_582 = arith.index_cast %add3A_541 : i32 to index
        %swap3A_583 = arith.constant 80 : index
        %swap3A_584 = tpu.vector_load %arg21[%swap3A_582, %swap3A_583] {strides = array<i32>} : memref<128x128xf32, #tpu.memory_space<vmem>>, vector<16xf32>,
        tpu.vector_store %arg21[%swap3A_582, %swap3A_583], %mul3A_581 {strides = array<i32>} : memref<128x128xf32, #tpu.memory_space<vmem>>, vector<16xf32>,
        %get3A_585 = arith.index_cast %add3A_541 : i32 to index
        %get3A_586 = arith.constant 96 : index
        %get3A_587 = tpu.vector_load %arg21[%get3A_585, %get3A_586] {strides = array<i32>} : memref<128x128xf32, #tpu.memory_space<vmem>>, vector<16xf32>,
        %mul3A_588 = arith.mulf %get3A_587, %gather3A_542 : vector<16xf32>
        %swap3A_589 = arith.index_cast %add3A_541 : i32 to index
        %swap3A_590 = arith.constant 96 : index
        %swap3A_591 = tpu.vector_load %arg21[%swap3A_589, %swap3A_590] {strides = array<i32>} : memref<128x128xf32, #tpu.memory_space<vmem>>, vector<16xf32>,
        tpu.vector_store %arg21[%swap3A_589, %swap3A_590], %mul3A_588 {strides = array<i32>} : memref<128x128xf32, #tpu.memory_space<vmem>>, vector<16xf32>,
        %get3A_592 = arith.index_cast %add3A_541 : i32 to index
        %get3A_593 = arith.constant 112 : index
        %get3A_594 = tpu.vector_load %arg21[%get3A_592, %get3A_593] {strides = array<i32>} : memref<128x128xf32, #tpu.memory_space<vmem>>, vector<16xf32>,
        %mul3A_595 = arith.mulf %get3A_594, %gather3A_542 : vector<16xf32>
        %swap3A_596 = arith.index_cast %add3A_541 : i32 to index
        %swap3A_597 = arith.constant 112 : index
        %swap3A_598 = tpu.vector_load %arg21[%swap3A_596, %swap3A_597] {strides = array<i32>} : memref<128x128xf32, #tpu.memory_space<vmem>>, vector<16xf32>,
        tpu.vector_store %arg21[%swap3A_596, %swap3A_597], %mul3A_595 {strides = array<i32>} : memref<128x128xf32, #tpu.memory_space<vmem>>, vector<16xf32>,
        %scan3A_599 = arith.constant 1 : i32
        %scan3A_600 = arith.addi %scan3A_537, %scan3A_599 : i32
        %mul3A_601 = arith.constant 1 : i32
        %mul3A_602 = arith.muli %scan3A_600, %mul3A_601 : i32
        %add3A_603 = arith.constant 0 : i32
        %add3A_604 = arith.addi %add3A_603, %mul3A_602 : i32
        %broadcast_in_dim3A_605 = vector.broadcast %add3A_604 : i32 to vector<16xi32>
        %gather3A_606 = tpu.vector_load_idx %arg15[%broadcast_in_dim3A_605] : memref<128xf32, #tpu.memory_space<vmem>>[vector<16xi32>], vector<16xf32>,
        %get3A_607 = arith.index_cast %add3A_604 : i32 to index
        %get3A_608 = arith.constant 0 : index
        %get3A_609 = tpu.vector_load %arg21[%get3A_607, %get3A_608] {strides = array<i32>} : memref<128x128xf32, #tpu.memory_space<vmem>>, vector<16xf32>,
        %mul3A_610 = arith.mulf %get3A_609, %gather3A_606 : vector<16xf32>
        %swap3A_611 = arith.index_cast %add3A_604 : i32 to index
        %swap3A_612 = arith.constant 0 : index
        %swap3A_613 = tpu.vector_load %arg21[%swap3A_611, %swap3A_612] {strides = array<i32>} : memref<128x128xf32, #tpu.memory_space<vmem>>, vector<16xf32>,
        tpu.vector_store %arg21[%swap3A_611, %swap3A_612], %mul3A_610 {strides = array<i32>} : memref<128x128xf32, #tpu.memory_space<vmem>>, vector<16xf32>,
        %get3A_614 = arith.index_cast %add3A_604 : i32 to index
        %get3A_615 = arith.constant 16 : index
        %get3A_616 = tpu.vector_load %arg21[%get3A_614, %get3A_615] {strides = array<i32>} : memref<128x128xf32, #tpu.memory_space<vmem>>, vector<16xf32>,
        %mul3A_617 = arith.mulf %get3A_616, %gather3A_606 : vector<16xf32>
        %swap3A_618 = arith.index_cast %add3A_604 : i32 to index
        %swap3A_619 = arith.constant 16 : index
        %swap3A_620 = tpu.vector_load %arg21[%swap3A_618, %swap3A_619] {strides = array<i32>} : memref<128x128xf32, #tpu.memory_space<vmem>>, vector<16xf32>,
        tpu.vector_store %arg21[%swap3A_618, %swap3A_619], %mul3A_617 {strides = array<i32>} : memref<128x128xf32, #tpu.memory_space<vmem>>, vector<16xf32>,
        %get3A_621 = arith.index_cast %add3A_604 : i32 to index
        %get3A_622 = arith.constant 32 : index
        %get3A_623 = tpu.vector_load %arg21[%get3A_621, %get3A_622] {strides = array<i32>} : memref<128x128xf32, #tpu.memory_space<vmem>>, vector<16xf32>,
        %mul3A_624 = arith.mulf %get3A_623, %gather3A_606 : vector<16xf32>
        %swap3A_625 = arith.index_cast %add3A_604 : i32 to index
        %swap3A_626 = arith.constant 32 : index
        %swap3A_627 = tpu.vector_load %arg21[%swap3A_625, %swap3A_626] {strides = array<i32>} : memref<128x128xf32, #tpu.memory_space<vmem>>, vector<16xf32>,
        tpu.vector_store %arg21[%swap3A_625, %swap3A_626], %mul3A_624 {strides = array<i32>} : memref<128x128xf32, #tpu.memory_space<vmem>>, vector<16xf32>,
        %get3A_628 = arith.index_cast %add3A_604 : i32 to index
        %get3A_629 = arith.constant 48 : index
        %get3A_630 = tpu.vector_load %arg21[%get3A_628, %get3A_629] {strides = array<i32>} : memref<128x128xf32, #tpu.memory_space<vmem>>, vector<16xf32>,
        %mul3A_631 = arith.mulf %get3A_630, %gather3A_606 : vector<16xf32>
        %swap3A_632 = arith.index_cast %add3A_604 : i32 to index
        %swap3A_633 = arith.constant 48 : index
        %swap3A_634 = tpu.vector_load %arg21[%swap3A_632, %swap3A_633] {strides = array<i32>} : memref<128x128xf32, #tpu.memory_space<vmem>>, vector<16xf32>,
        tpu.vector_store %arg21[%swap3A_632, %swap3A_633], %mul3A_631 {strides = array<i32>} : memref<128x128xf32, #tpu.memory_space<vmem>>, vector<16xf32>,
        %get3A_635 = arith.index_cast %add3A_604 : i32 to index
        %get3A_636 = arith.constant 64 : index
        %get3A_637 = tpu.vector_load %arg21[%get3A_635, %get3A_636] {strides = array<i32>} : memref<128x128xf32, #tpu.memory_space<vmem>>, vector<16xf32>,
        %mul3A_638 = arith.mulf %get3A_637, %gather3A_606 : vector<16xf32>
        %swap3A_639 = arith.index_cast %add3A_604 : i32 to index
        %swap3A_640 = arith.constant 64 : index
        %swap3A_641 = tpu.vector_load %arg21[%swap3A_639, %swap3A_640] {strides = array<i32>} : memref<128x128xf32, #tpu.memory_space<vmem>>, vector<16xf32>,
        tpu.vector_store %arg21[%swap3A_639, %swap3A_640], %mul3A_638 {strides = array<i32>} : memref<128x128xf32, #tpu.memory_space<vmem>>, vector<16xf32>,
        %get3A_642 = arith.index_cast %add3A_604 : i32 to index
        %get3A_643 = arith.constant 80 : index
        %get3A_644 = tpu.vector_load %arg21[%get3A_642, %get3A_643] {strides = array<i32>} : memref<128x128xf32, #tpu.memory_space<vmem>>, vector<16xf32>,
        %mul3A_645 = arith.mulf %get3A_644, %gather3A_606 : vector<16xf32>
        %swap3A_646 = arith.index_cast %add3A_604 : i32 to index
        %swap3A_647 = arith.constant 80 : index
        %swap3A_648 = tpu.vector_load %arg21[%swap3A_646, %swap3A_647] {strides = array<i32>} : memref<128x128xf32, #tpu.memory_space<vmem>>, vector<16xf32>,
        tpu.vector_store %arg21[%swap3A_646, %swap3A_647], %mul3A_645 {strides = array<i32>} : memref<128x128xf32, #tpu.memory_space<vmem>>, vector<16xf32>,
        %get3A_649 = arith.index_cast %add3A_604 : i32 to index
        %get3A_650 = arith.constant 96 : index
        %get3A_651 = tpu.vector_load %arg21[%get3A_649, %get3A_650] {strides = array<i32>} : memref<128x128xf32, #tpu.memory_space<vmem>>, vector<16xf32>,
        %mul3A_652 = arith.mulf %get3A_651, %gather3A_606 : vector<16xf32>
        %swap3A_653 = arith.index_cast %add3A_604 : i32 to index
        %swap3A_654 = arith.constant 96 : index
        %swap3A_655 = tpu.vector_load %arg21[%swap3A_653, %swap3A_654] {strides = array<i32>} : memref<128x128xf32, #tpu.memory_space<vmem>>, vector<16xf32>,
        tpu.vector_store %arg21[%swap3A_653, %swap3A_654], %mul3A_652 {strides = array<i32>} : memref<128x128xf32, #tpu.memory_space<vmem>>, vector<16xf32>,
        %get3A_656 = arith.index_cast %add3A_604 : i32 to index
        %get3A_657 = arith.constant 112 : index
        %get3A_658 = tpu.vector_load %arg21[%get3A_656, %get3A_657] {strides = array<i32>} : memref<128x128xf32, #tpu.memory_space<vmem>>, vector<16xf32>,
        %mul3A_659 = arith.mulf %get3A_658, %gather3A_606 : vector<16xf32>
        %swap3A_660 = arith.index_cast %add3A_604 : i32 to index
        %swap3A_661 = arith.constant 112 : index
        %swap3A_662 = tpu.vector_load %arg21[%swap3A_660, %swap3A_661] {strides = array<i32>} : memref<128x128xf32, #tpu.memory_space<vmem>>, vector<16xf32>,
        tpu.vector_store %arg21[%swap3A_660, %swap3A_661], %mul3A_659 {strides = array<i32>} : memref<128x128xf32, #tpu.memory_space<vmem>>, vector<16xf32>,
      }
      %scan3A_336 = arith.constant 128 : i32
      %get3A_337 = arith.constant 0 : index
      %get3A_338 = tpu.vector_load %arg11[%get3A_337] {strides = array<i32>} : memref<128xi32, #tpu.memory_space<vmem>>, vector<16xi32>,
      %swap3A_339 = arith.constant 0 : index
      %swap3A_340 = tpu.vector_load %arg13[%swap3A_339] {strides = array<i32>} : memref<128xi32, #tpu.memory_space<vmem>>, vector<16xi32>,
      tpu.vector_store %arg13[%swap3A_339], %get3A_338 {strides = array<i32>} : memref<128xi32, #tpu.memory_space<vmem>>, vector<16xi32>,
      %get3A_341 = arith.constant 16 : index
      %get3A_342 = tpu.vector_load %arg11[%get3A_341] {strides = array<i32>} : memref<128xi32, #tpu.memory_space<vmem>>, vector<16xi32>,
      %swap3A_343 = arith.constant 16 : index
      %swap3A_344 = tpu.vector_load %arg13[%swap3A_343] {strides = array<i32>} : memref<128xi32, #tpu.memory_space<vmem>>, vector<16xi32>,
      tpu.vector_store %arg13[%swap3A_343], %get3A_342 {strides = array<i32>} : memref<128xi32, #tpu.memory_space<vmem>>, vector<16xi32>,
      %get3A_345 = arith.constant 32 : index
      %get3A_346 = tpu.vector_load %arg11[%get3A_345] {strides = array<i32>} : memref<128xi32, #tpu.memory_space<vmem>>, vector<16xi32>,
      %swap3A_347 = arith.constant 32 : index
      %swap3A_348 = tpu.vector_load %arg13[%swap3A_347] {strides = array<i32>} : memref<128xi32, #tpu.memory_space<vmem>>, vector<16xi32>,
      tpu.vector_store %arg13[%swap3A_347], %get3A_346 {strides = array<i32>} : memref<128xi32, #tpu.memory_space<vmem>>, vector<16xi32>,
      %get3A_349 = arith.constant 48 : index
      %get3A_350 = tpu.vector_load %arg11[%get3A_349] {strides = array<i32>} : memref<128xi32, #tpu.memory_space<vmem>>, vector<16xi32>,
      %swap3A_351 = arith.constant 48 : index
      %swap3A_352 = tpu.vector_load %arg13[%swap3A_351] {strides = array<i32>} : memref<128xi32, #tpu.memory_space<vmem>>, vector<16xi32>,
      tpu.vector_store %arg13[%swap3A_351], %get3A_350 {strides = array<i32>} : memref<128xi32, #tpu.memory_space<vmem>>, vector<16xi32>,
      %get3A_353 = arith.constant 64 : index
      %get3A_354 = tpu.vector_load %arg11[%get3A_353] {strides = array<i32>} : memref<128xi32, #tpu.memory_space<vmem>>, vector<16xi32>,
      %swap3A_355 = arith.constant 64 : index
      %swap3A_356 = tpu.vector_load %arg13[%swap3A_355] {strides = array<i32>} : memref<128xi32, #tpu.memory_space<vmem>>, vector<16xi32>,
      tpu.vector_store %arg13[%swap3A_355], %get3A_354 {strides = array<i32>} : memref<128xi32, #tpu.memory_space<vmem>>, vector<16xi32>,
      %get3A_357 = arith.constant 80 : index
      %get3A_358 = tpu.vector_load %arg11[%get3A_357] {strides = array<i32>} : memref<128xi32, #tpu.memory_space<vmem>>, vector<16xi32>,
      %swap3A_359 = arith.constant 80 : index
      %swap3A_360 = tpu.vector_load %arg13[%swap3A_359] {strides = array<i32>} : memref<128xi32, #tpu.memory_space<vmem>>, vector<16xi32>,
      tpu.vector_store %arg13[%swap3A_359], %get3A_358 {strides = array<i32>} : memref<128xi32, #tpu.memory_space<vmem>>, vector<16xi32>,
      %get3A_361 = arith.constant 96 : index
      %get3A_362 = tpu.vector_load %arg11[%get3A_361] {strides = array<i32>} : memref<128xi32, #tpu.memory_space<vmem>>, vector<16xi32>,
      %swap3A_363 = arith.constant 96 : index
      %swap3A_364 = tpu.vector_load %arg13[%swap3A_363] {strides = array<i32>} : memref<128xi32, #tpu.memory_space<vmem>>, vector<16xi32>,
      tpu.vector_store %arg13[%swap3A_363], %get3A_362 {strides = array<i32>} : memref<128xi32, #tpu.memory_space<vmem>>, vector<16xi32>,
      %get3A_365 = arith.constant 112 : index
      %get3A_366 = tpu.vector_load %arg11[%get3A_365] {strides = array<i32>} : memref<128xi32, #tpu.memory_space<vmem>>, vector<16xi32>,
      %swap3A_367 = arith.constant 112 : index
      %swap3A_368 = tpu.vector_load %arg13[%swap3A_367] {strides = array<i32>} : memref<128xi32, #tpu.memory_space<vmem>>, vector<16xi32>,
      tpu.vector_store %arg13[%swap3A_367], %get3A_366 {strides = array<i32>} : memref<128xi32, #tpu.memory_space<vmem>>, vector<16xi32>,
      %dma_start3A_369 = arith.constant 0 : i32
      %dma_start3A_370 = arith.constant 0 : i32
      %dma_start3A_371 = tpu.memref_slice %arg23[%dma_start3A_369, %dma_start3A_370] : memref<10240x128xf32, #tpu.memory_space<vmem_shared>> -> memref<10240x128xf32, #tpu.memory_space<vmem_shared>>
      tpu.enqueue_indirect_dma source(%arg21 : memref<128x128xf32, #tpu.memory_space<vmem>>) target(%dma_start3A_371 : memref<10240x128xf32, #tpu.memory_space<vmem_shared>>) offsets(%arg13 : memref<128xi32, #tpu.memory_space<vmem>>) semaphore(%arg28 : memref<!tpu.dma_semaphore, #tpu.memory_space<semaphore_mem>>) {add = true}
      %add3A_372 = arith.constant 2 : i32
      %add3A_373 = arith.addi %add3A_230, %add3A_372 : i32
      %lt3A_374 = arith.constant 80 : i32
      %lt3A_375 = arith.cmpi slt, %add3A_373, %lt3A_374 : i32
      %convert_element_type3A_376 = arith.extui %lt3A_375 : i1 to i32
      %cond3A_377 = arith.constant 0 : i32
      %cond3A_378 = arith.cmpi ne, %convert_element_type3A_376, %cond3A_377 : i32
      scf.if %cond3A_378 {
        %add3A_537 = arith.constant 2 : i32
        %add3A_538 = arith.addi %add3A_230, %add3A_537 : i32
        %dma_start3A_539 = arith.constant 0 : i32
        %dma_start3A_540 = tpu.memref_slice %arg2[%add3A, %add3A_538, %dma_start3A_539] : memref<32x80x128xi32, #tpu.memory_space<hbm>> -> memref<1x1x128xi32, #tpu.memory_space<hbm>>
        %dma_start3A_541 = tpu.memref_squeeze %dma_start3A_540 : memref<1x1x128xi32, #tpu.memory_space<hbm>> -> memref<128xi32, #tpu.memory_space<hbm>>
        %dma_start3A_542 = arith.constant 0 : i32
        %dma_start3A_543 = tpu.memref_slice %arg2[%add3A, %add3A_538, %dma_start3A_542] : memref<32x80x128xi32, #tpu.memory_space<hbm>> -> memref<1x1x128xi32, #tpu.memory_space<hbm>>
        %dma_start3A_544 = tpu.memref_squeeze %dma_start3A_543 : memref<1x1x128xi32, #tpu.memory_space<hbm>> -> memref<128xi32, #tpu.memory_space<hbm>>
        tpu.enqueue_dma source(%dma_start3A_544 : memref<128xi32, #tpu.memory_space<hbm>>) target(%arg9 : memref<128xi32, #tpu.memory_space<vmem>>) target_semaphore(%arg26 : memref<!tpu.dma_semaphore, #tpu.memory_space<semaphore_mem>>)
        %add3A_545 = arith.constant 2 : i32
        %add3A_546 = arith.addi %add3A_230, %add3A_545 : i32
        %dma_start3A_547 = arith.constant 0 : i32
        %dma_start3A_548 = tpu.memref_slice %arg3[%add3A, %add3A_546, %dma_start3A_547] : memref<32x80x128xi32, #tpu.memory_space<hbm>> -> memref<1x1x128xi32, #tpu.memory_space<hbm>>
        %dma_start3A_549 = tpu.memref_squeeze %dma_start3A_548 : memref<1x1x128xi32, #tpu.memory_space<hbm>> -> memref<128xi32, #tpu.memory_space<hbm>>
        %dma_start3A_550 = arith.constant 0 : i32
        %dma_start3A_551 = tpu.memref_slice %arg3[%add3A, %add3A_546, %dma_start3A_550] : memref<32x80x128xi32, #tpu.memory_space<hbm>> -> memref<1x1x128xi32, #tpu.memory_space<hbm>>
        %dma_start3A_552 = tpu.memref_squeeze %dma_start3A_551 : memref<1x1x128xi32, #tpu.memory_space<hbm>> -> memref<128xi32, #tpu.memory_space<hbm>>
        tpu.enqueue_dma source(%dma_start3A_552 : memref<128xi32, #tpu.memory_space<hbm>>) target(%arg11 : memref<128xi32, #tpu.memory_space<vmem>>) target_semaphore(%arg26 : memref<!tpu.dma_semaphore, #tpu.memory_space<semaphore_mem>>)
        %add3A_553 = arith.constant 2 : i32
        %add3A_554 = arith.addi %add3A_230, %add3A_553 : i32
        %dma_start3A_555 = arith.constant 0 : i32
        %dma_start3A_556 = tpu.memref_slice %arg4[%add3A, %add3A_554, %dma_start3A_555] : memref<32x80x128xf32, #tpu.memory_space<hbm>> -> memref<1x1x128xf32, #tpu.memory_space<hbm>>
        %dma_start3A_557 = tpu.memref_squeeze %dma_start3A_556 : memref<1x1x128xf32, #tpu.memory_space<hbm>> -> memref<128xf32, #tpu.memory_space<hbm>>
        %dma_start3A_558 = arith.constant 0 : i32
        %dma_start3A_559 = tpu.memref_slice %arg4[%add3A, %add3A_554, %dma_start3A_558] : memref<32x80x128xf32, #tpu.memory_space<hbm>> -> memref<1x1x128xf32, #tpu.memory_space<hbm>>
        %dma_start3A_560 = tpu.memref_squeeze %dma_start3A_559 : memref<1x1x128xf32, #tpu.memory_space<hbm>> -> memref<128xf32, #tpu.memory_space<hbm>>
        tpu.enqueue_dma source(%dma_start3A_560 : memref<128xf32, #tpu.memory_space<hbm>>) target(%arg15 : memref<128xf32, #tpu.memory_space<vmem>>) target_semaphore(%arg26 : memref<!tpu.dma_semaphore, #tpu.memory_space<semaphore_mem>>)
      } else {
      }
      %add3A_379 = arith.constant 1 : i32
      %add3A_380 = arith.addi %add3A_228, %add3A_379 : i32
      %add3A_381 = arith.constant 1 : i32
      %add3A_382 = arith.addi %add3A_380, %add3A_381 : i32
      %lt3A_383 = arith.constant 80 : i32
      %lt3A_384 = arith.cmpi slt, %add3A_382, %lt3A_383 : i32
      %convert_element_type3A_385 = arith.extui %lt3A_384 : i1 to i32
      %cond3A_386 = arith.constant 0 : i32
      %cond3A_387 = arith.cmpi ne, %convert_element_type3A_385, %cond3A_386 : i32
      scf.if %cond3A_387 {
        %add3A_537 = arith.constant 1 : i32
        %add3A_538 = arith.addi %add3A_380, %add3A_537 : i32
        %dma_wait3A_539 = arith.constant 0 : i32
        %dma_wait3A_540 = tpu.memref_slice %arg2[%add3A, %add3A_538, %dma_wait3A_539] : memref<32x80x128xi32, #tpu.memory_space<hbm>> -> memref<1x1x128xi32, #tpu.memory_space<hbm>>
        %dma_wait3A_541 = tpu.memref_squeeze %dma_wait3A_540 : memref<1x1x128xi32, #tpu.memory_space<hbm>> -> memref<128xi32, #tpu.memory_space<hbm>>
        %dma_wait3A_542 = arith.constant 0 : i32
        %dma_wait3A_543 = tpu.memref_slice %arg2[%add3A, %add3A_538, %dma_wait3A_542] : memref<32x80x128xi32, #tpu.memory_space<hbm>> -> memref<1x1x128xi32, #tpu.memory_space<hbm>>
        %dma_wait3A_544 = tpu.memref_squeeze %dma_wait3A_543 : memref<1x1x128xi32, #tpu.memory_space<hbm>> -> memref<128xi32, #tpu.memory_space<hbm>>
        tpu.wait_dma2 semaphore(%arg26 : memref<!tpu.dma_semaphore, #tpu.memory_space<semaphore_mem>>) src(%dma_wait3A_544 : memref<128xi32, #tpu.memory_space<hbm>>) dst(%arg9 : memref<128xi32, #tpu.memory_space<vmem>>)
        %add3A_545 = arith.constant 1 : i32
        %add3A_546 = arith.addi %add3A_380, %add3A_545 : i32
        %dma_wait3A_547 = arith.constant 0 : i32
        %dma_wait3A_548 = tpu.memref_slice %arg3[%add3A, %add3A_546, %dma_wait3A_547] : memref<32x80x128xi32, #tpu.memory_space<hbm>> -> memref<1x1x128xi32, #tpu.memory_space<hbm>>
        %dma_wait3A_549 = tpu.memref_squeeze %dma_wait3A_548 : memref<1x1x128xi32, #tpu.memory_space<hbm>> -> memref<128xi32, #tpu.memory_space<hbm>>
        %dma_wait3A_550 = arith.constant 0 : i32
        %dma_wait3A_551 = tpu.memref_slice %arg3[%add3A, %add3A_546, %dma_wait3A_550] : memref<32x80x128xi32, #tpu.memory_space<hbm>> -> memref<1x1x128xi32, #tpu.memory_space<hbm>>
        %dma_wait3A_552 = tpu.memref_squeeze %dma_wait3A_551 : memref<1x1x128xi32, #tpu.memory_space<hbm>> -> memref<128xi32, #tpu.memory_space<hbm>>
        tpu.wait_dma2 semaphore(%arg26 : memref<!tpu.dma_semaphore, #tpu.memory_space<semaphore_mem>>) src(%dma_wait3A_552 : memref<128xi32, #tpu.memory_space<hbm>>) dst(%arg11 : memref<128xi32, #tpu.memory_space<vmem>>)
        %add3A_553 = arith.constant 1 : i32
        %add3A_554 = arith.addi %add3A_380, %add3A_553 : i32
        %dma_wait3A_555 = arith.constant 0 : i32
        %dma_wait3A_556 = tpu.memref_slice %arg4[%add3A, %add3A_554, %dma_wait3A_555] : memref<32x80x128xf32, #tpu.memory_space<hbm>> -> memref<1x1x128xf32, #tpu.memory_space<hbm>>
        %dma_wait3A_557 = tpu.memref_squeeze %dma_wait3A_556 : memref<1x1x128xf32, #tpu.memory_space<hbm>> -> memref<128xf32, #tpu.memory_space<hbm>>
        %dma_wait3A_558 = arith.constant 0 : i32
        %dma_wait3A_559 = tpu.memref_slice %arg4[%add3A, %add3A_554, %dma_wait3A_558] : memref<32x80x128xf32, #tpu.memory_space<hbm>> -> memref<1x1x128xf32, #tpu.memory_space<hbm>>
        %dma_wait3A_560 = tpu.memref_squeeze %dma_wait3A_559 : memref<1x1x128xf32, #tpu.memory_space<hbm>> -> memref<128xf32, #tpu.memory_space<hbm>>
        tpu.wait_dma2 semaphore(%arg26 : memref<!tpu.dma_semaphore, #tpu.memory_space<semaphore_mem>>) src(%dma_wait3A_560 : memref<128xf32, #tpu.memory_space<hbm>>) dst(%arg15 : memref<128xf32, #tpu.memory_space<vmem>>)
        %ge3A_561 = arith.constant 1 : i32
        %ge3A_562 = arith.cmpi sge, %add3A_380, %ge3A_561 : i32
        %convert_element_type3A_563 = arith.extui %ge3A_562 : i1 to i32
        %cond3A_564 = arith.constant 0 : i32
        %cond3A_565 = arith.cmpi ne, %convert_element_type3A_563, %cond3A_564 : i32
        scf.if %cond3A_565 {
          %dma_wait3A_569 = arith.constant 0 : i32
          %dma_wait3A_570 = arith.constant 0 : i32
          %dma_wait3A_571 = tpu.memref_slice %arg23[%dma_wait3A_569, %dma_wait3A_570] : memref<10240x128xf32, #tpu.memory_space<vmem_shared>> -> memref<10240x128xf32, #tpu.memory_space<vmem_shared>>
          tpu.wait_indirect_dma semaphore(%arg28 : memref<!tpu.dma_semaphore, #tpu.memory_space<semaphore_mem>>) src(%arg21 : memref<128x128xf32, #tpu.memory_space<vmem>>) dst(%dma_wait3A_571 : memref<10240x128xf32, #tpu.memory_space<vmem_shared>>)
        } else {
        }
        %dma_start3A_566 = arith.constant 0 : i32
        %dma_start3A_567 = arith.constant 0 : i32
        %dma_start3A_568 = tpu.memref_slice %arg6[%dma_start3A_566, %dma_start3A_567] : memref<10000x128xf32, #tpu.memory_space<hbm>> -> memref<10000x128xf32, #tpu.memory_space<hbm>>
        tpu.enqueue_indirect_dma source(%dma_start3A_568 : memref<10000x128xf32, #tpu.memory_space<hbm>>) target(%arg21 : memref<128x128xf32, #tpu.memory_space<vmem>>) offsets(%arg9 : memref<128xi32, #tpu.memory_space<vmem>>) semaphore(%arg24 : memref<!tpu.dma_semaphore, #tpu.memory_space<semaphore_mem>>)
      } else {
      }
      %ge3A_388 = arith.constant 2 : i32
      %ge3A_389 = arith.cmpi sge, %add3A_380, %ge3A_388 : i32
      %convert_element_type3A_390 = arith.extui %ge3A_389 : i1 to i32
      %cond3A_391 = arith.constant 0 : i32
      %cond3A_392 = arith.cmpi ne, %convert_element_type3A_390, %cond3A_391 : i32
      scf.if %cond3A_392 {
        %dma_wait3A_537 = arith.constant 0 : i32
        %dma_wait3A_538 = tpu.memref_slice %arg7[%add3A, %add3A_380, %dma_wait3A_537] : memref<32x80x128xf32, #tpu.memory_space<hbm>> -> memref<1x1x128xf32, #tpu.memory_space<hbm>>
        %dma_wait3A_539 = tpu.memref_squeeze %dma_wait3A_538 : memref<1x1x128xf32, #tpu.memory_space<hbm>> -> memref<128xf32, #tpu.memory_space<hbm>>
        %dma_wait3A_540 = arith.constant 0 : i32
        %dma_wait3A_541 = tpu.memref_slice %arg7[%add3A, %add3A_380, %dma_wait3A_540] : memref<32x80x128xf32, #tpu.memory_space<hbm>> -> memref<1x1x128xf32, #tpu.memory_space<hbm>>
        %dma_wait3A_542 = tpu.memref_squeeze %dma_wait3A_541 : memref<1x1x128xf32, #tpu.memory_space<hbm>> -> memref<128xf32, #tpu.memory_space<hbm>>
        tpu.wait_dma2 semaphore(%arg31 : memref<!tpu.dma_semaphore, #tpu.memory_space<semaphore_mem>>) src(%arg18 : memref<128xf32, #tpu.memory_space<vmem>>) dst(%dma_wait3A_542 : memref<128xf32, #tpu.memory_space<hbm>>)
      } else {
      }
      %get3A_393 = arith.constant 0 : index
      %get3A_394 = tpu.vector_load %arg12[%get3A_393] {strides = array<i32>} : memref<128xi32, #tpu.memory_space<vmem>>, vector<16xi32>,
      %gather3A_395 = tpu.vector_load_idx %arg19[%get3A_394] : memref<10240xf32, #tpu.memory_space<vmem>>[vector<16xi32>], vector<16xf32>,
      %get3A_396 = arith.constant 0 : index
      %get3A_397 = tpu.vector_load %arg16[%get3A_396] {strides = array<i32>} : memref<128xf32, #tpu.memory_space<vmem>>, vector<16xf32>,
      %add3A_398 = arith.constant 9.99999971E-10 : f32
      %add3A_399 = vector.broadcast %add3A_398 : f32 to vector<16xf32>
      %add3A_400 = arith.addf %gather3A_395, %add3A_399 : vector<16xf32>
      %div3A_401 = arith.divf %get3A_397, %add3A_400 : vector<16xf32>
      %swap3A_402 = arith.constant 0 : index
      %swap3A_403 = tpu.vector_load %arg18[%swap3A_402] {strides = array<i32>} : memref<128xf32, #tpu.memory_space<vmem>>, vector<16xf32>,
      tpu.vector_store %arg18[%swap3A_402], %div3A_401 {strides = array<i32>} : memref<128xf32, #tpu.memory_space<vmem>>, vector<16xf32>,
      %get3A_404 = arith.constant 16 : index
      %get3A_405 = tpu.vector_load %arg12[%get3A_404] {strides = array<i32>} : memref<128xi32, #tpu.memory_space<vmem>>, vector<16xi32>,
      %gather3A_406 = tpu.vector_load_idx %arg19[%get3A_405] : memref<10240xf32, #tpu.memory_space<vmem>>[vector<16xi32>], vector<16xf32>,
      %get3A_407 = arith.constant 16 : index
      %get3A_408 = tpu.vector_load %arg16[%get3A_407] {strides = array<i32>} : memref<128xf32, #tpu.memory_space<vmem>>, vector<16xf32>,
      %add3A_409 = arith.constant 9.99999971E-10 : f32
      %add3A_410 = vector.broadcast %add3A_409 : f32 to vector<16xf32>
      %add3A_411 = arith.addf %gather3A_406, %add3A_410 : vector<16xf32>
      %div3A_412 = arith.divf %get3A_408, %add3A_411 : vector<16xf32>
      %swap3A_413 = arith.constant 16 : index
      %swap3A_414 = tpu.vector_load %arg18[%swap3A_413] {strides = array<i32>} : memref<128xf32, #tpu.memory_space<vmem>>, vector<16xf32>,
      tpu.vector_store %arg18[%swap3A_413], %div3A_412 {strides = array<i32>} : memref<128xf32, #tpu.memory_space<vmem>>, vector<16xf32>,
      %get3A_415 = arith.constant 32 : index
      %get3A_416 = tpu.vector_load %arg12[%get3A_415] {strides = array<i32>} : memref<128xi32, #tpu.memory_space<vmem>>, vector<16xi32>,
      %gather3A_417 = tpu.vector_load_idx %arg19[%get3A_416] : memref<10240xf32, #tpu.memory_space<vmem>>[vector<16xi32>], vector<16xf32>,
      %get3A_418 = arith.constant 32 : index
      %get3A_419 = tpu.vector_load %arg16[%get3A_418] {strides = array<i32>} : memref<128xf32, #tpu.memory_space<vmem>>, vector<16xf32>,
      %add3A_420 = arith.constant 9.99999971E-10 : f32
      %add3A_421 = vector.broadcast %add3A_420 : f32 to vector<16xf32>
      %add3A_422 = arith.addf %gather3A_417, %add3A_421 : vector<16xf32>
      %div3A_423 = arith.divf %get3A_419, %add3A_422 : vector<16xf32>
      %swap3A_424 = arith.constant 32 : index
      %swap3A_425 = tpu.vector_load %arg18[%swap3A_424] {strides = array<i32>} : memref<128xf32, #tpu.memory_space<vmem>>, vector<16xf32>,
      tpu.vector_store %arg18[%swap3A_424], %div3A_423 {strides = array<i32>} : memref<128xf32, #tpu.memory_space<vmem>>, vector<16xf32>,
      %get3A_426 = arith.constant 48 : index
      %get3A_427 = tpu.vector_load %arg12[%get3A_426] {strides = array<i32>} : memref<128xi32, #tpu.memory_space<vmem>>, vector<16xi32>,
      %gather3A_428 = tpu.vector_load_idx %arg19[%get3A_427] : memref<10240xf32, #tpu.memory_space<vmem>>[vector<16xi32>], vector<16xf32>,
      %get3A_429 = arith.constant 48 : index
      %get3A_430 = tpu.vector_load %arg16[%get3A_429] {strides = array<i32>} : memref<128xf32, #tpu.memory_space<vmem>>, vector<16xf32>,
      %add3A_431 = arith.constant 9.99999971E-10 : f32
      %add3A_432 = vector.broadcast %add3A_431 : f32 to vector<16xf32>
      %add3A_433 = arith.addf %gather3A_428, %add3A_432 : vector<16xf32>
      %div3A_434 = arith.divf %get3A_430, %add3A_433 : vector<16xf32>
      %swap3A_435 = arith.constant 48 : index
      %swap3A_436 = tpu.vector_load %arg18[%swap3A_435] {strides = array<i32>} : memref<128xf32, #tpu.memory_space<vmem>>, vector<16xf32>,
      tpu.vector_store %arg18[%swap3A_435], %div3A_434 {strides = array<i32>} : memref<128xf32, #tpu.memory_space<vmem>>, vector<16xf32>,
      %get3A_437 = arith.constant 64 : index
      %get3A_438 = tpu.vector_load %arg12[%get3A_437] {strides = array<i32>} : memref<128xi32, #tpu.memory_space<vmem>>, vector<16xi32>,
      %gather3A_439 = tpu.vector_load_idx %arg19[%get3A_438] : memref<10240xf32, #tpu.memory_space<vmem>>[vector<16xi32>], vector<16xf32>,
      %get3A_440 = arith.constant 64 : index
      %get3A_441 = tpu.vector_load %arg16[%get3A_440] {strides = array<i32>} : memref<128xf32, #tpu.memory_space<vmem>>, vector<16xf32>,
      %add3A_442 = arith.constant 9.99999971E-10 : f32
      %add3A_443 = vector.broadcast %add3A_442 : f32 to vector<16xf32>
      %add3A_444 = arith.addf %gather3A_439, %add3A_443 : vector<16xf32>
      %div3A_445 = arith.divf %get3A_441, %add3A_444 : vector<16xf32>
      %swap3A_446 = arith.constant 64 : index
      %swap3A_447 = tpu.vector_load %arg18[%swap3A_446] {strides = array<i32>} : memref<128xf32, #tpu.memory_space<vmem>>, vector<16xf32>,
      tpu.vector_store %arg18[%swap3A_446], %div3A_445 {strides = array<i32>} : memref<128xf32, #tpu.memory_space<vmem>>, vector<16xf32>,
      %get3A_448 = arith.constant 80 : index
      %get3A_449 = tpu.vector_load %arg12[%get3A_448] {strides = array<i32>} : memref<128xi32, #tpu.memory_space<vmem>>, vector<16xi32>,
      %gather3A_450 = tpu.vector_load_idx %arg19[%get3A_449] : memref<10240xf32, #tpu.memory_space<vmem>>[vector<16xi32>], vector<16xf32>,
      %get3A_451 = arith.constant 80 : index
      %get3A_452 = tpu.vector_load %arg16[%get3A_451] {strides = array<i32>} : memref<128xf32, #tpu.memory_space<vmem>>, vector<16xf32>,
      %add3A_453 = arith.constant 9.99999971E-10 : f32
      %add3A_454 = vector.broadcast %add3A_453 : f32 to vector<16xf32>
      %add3A_455 = arith.addf %gather3A_450, %add3A_454 : vector<16xf32>
      %div3A_456 = arith.divf %get3A_452, %add3A_455 : vector<16xf32>
      %swap3A_457 = arith.constant 80 : index
      %swap3A_458 = tpu.vector_load %arg18[%swap3A_457] {strides = array<i32>} : memref<128xf32, #tpu.memory_space<vmem>>, vector<16xf32>,
      tpu.vector_store %arg18[%swap3A_457], %div3A_456 {strides = array<i32>} : memref<128xf32, #tpu.memory_space<vmem>>, vector<16xf32>,
      %get3A_459 = arith.constant 96 : index
      %get3A_460 = tpu.vector_load %arg12[%get3A_459] {strides = array<i32>} : memref<128xi32, #tpu.memory_space<vmem>>, vector<16xi32>,
      %gather3A_461 = tpu.vector_load_idx %arg19[%get3A_460] : memref<10240xf32, #tpu.memory_space<vmem>>[vector<16xi32>], vector<16xf32>,
      %get3A_462 = arith.constant 96 : index
      %get3A_463 = tpu.vector_load %arg16[%get3A_462] {strides = array<i32>} : memref<128xf32, #tpu.memory_space<vmem>>, vector<16xf32>,
      %add3A_464 = arith.constant 9.99999971E-10 : f32
      %add3A_465 = vector.broadcast %add3A_464 : f32 to vector<16xf32>
      %add3A_466 = arith.addf %gather3A_461, %add3A_465 : vector<16xf32>
      %div3A_467 = arith.divf %get3A_463, %add3A_466 : vector<16xf32>
      %swap3A_468 = arith.constant 96 : index
      %swap3A_469 = tpu.vector_load %arg18[%swap3A_468] {strides = array<i32>} : memref<128xf32, #tpu.memory_space<vmem>>, vector<16xf32>,
      tpu.vector_store %arg18[%swap3A_468], %div3A_467 {strides = array<i32>} : memref<128xf32, #tpu.memory_space<vmem>>, vector<16xf32>,
      %get3A_470 = arith.constant 112 : index
      %get3A_471 = tpu.vector_load %arg12[%get3A_470] {strides = array<i32>} : memref<128xi32, #tpu.memory_space<vmem>>, vector<16xi32>,
      %gather3A_472 = tpu.vector_load_idx %arg19[%get3A_471] : memref<10240xf32, #tpu.memory_space<vmem>>[vector<16xi32>], vector<16xf32>,
      %get3A_473 = arith.constant 112 : index
      %get3A_474 = tpu.vector_load %arg16[%get3A_473] {strides = array<i32>} : memref<128xf32, #tpu.memory_space<vmem>>, vector<16xf32>,
      %add3A_475 = arith.constant 9.99999971E-10 : f32
      %add3A_476 = vector.broadcast %add3A_475 : f32 to vector<16xf32>
      %add3A_477 = arith.addf %gather3A_472, %add3A_476 : vector<16xf32>
      %div3A_478 = arith.divf %get3A_474, %add3A_477 : vector<16xf32>
      %swap3A_479 = arith.constant 112 : index
      %swap3A_480 = tpu.vector_load %arg18[%swap3A_479] {strides = array<i32>} : memref<128xf32, #tpu.memory_space<vmem>>, vector<16xf32>,
      tpu.vector_store %arg18[%swap3A_479], %div3A_478 {strides = array<i32>} : memref<128xf32, #tpu.memory_space<vmem>>, vector<16xf32>,
      %dma_start3A_481 = arith.constant 0 : i32
      %dma_start3A_482 = tpu.memref_slice %arg7[%add3A, %add3A_380, %dma_start3A_481] : memref<32x80x128xf32, #tpu.memory_space<hbm>> -> memref<1x1x128xf32, #tpu.memory_space<hbm>>
      %dma_start3A_483 = tpu.memref_squeeze %dma_start3A_482 : memref<1x1x128xf32, #tpu.memory_space<hbm>> -> memref<128xf32, #tpu.memory_space<hbm>>
      %dma_start3A_484 = arith.constant 0 : i32
      %dma_start3A_485 = tpu.memref_slice %arg7[%add3A, %add3A_380, %dma_start3A_484] : memref<32x80x128xf32, #tpu.memory_space<hbm>> -> memref<1x1x128xf32, #tpu.memory_space<hbm>>
      %dma_start3A_486 = tpu.memref_squeeze %dma_start3A_485 : memref<1x1x128xf32, #tpu.memory_space<hbm>> -> memref<128xf32, #tpu.memory_space<hbm>>
      tpu.enqueue_dma source(%arg18 : memref<128xf32, #tpu.memory_space<vmem>>) target(%dma_start3A_486 : memref<128xf32, #tpu.memory_space<hbm>>) target_semaphore(%arg31 : memref<!tpu.dma_semaphore, #tpu.memory_space<semaphore_mem>>)
      %dma_wait3A_487 = arith.constant 0 : i32
      %dma_wait3A_488 = arith.constant 0 : i32
      %dma_wait3A_489 = tpu.memref_slice %arg6[%dma_wait3A_487, %dma_wait3A_488] : memref<10000x128xf32, #tpu.memory_space<hbm>> -> memref<10000x128xf32, #tpu.memory_space<hbm>>
      tpu.wait_indirect_dma semaphore(%arg25 : memref<!tpu.dma_semaphore, #tpu.memory_space<semaphore_mem>>) src(%dma_wait3A_489 : memref<10000x128xf32, #tpu.memory_space<hbm>>) dst(%arg22 : memref<128x128xf32, #tpu.memory_space<vmem>>)
      %scan3A_490 = arith.constant 0 : i32
      %scan3A_491 = arith.constant 128 : i32
      %scan3A_492 = arith.addi %scan3A_490, %scan3A_491 : i32
      %scan3A_493 = arith.constant 2 : i32
      scf.for %scan3A_537 = %scan3A_490 to %scan3A_492 step %scan3A_493  : i32 {
        %mul3A_538 = arith.constant 1 : i32
        %mul3A_539 = arith.muli %scan3A_537, %mul3A_538 : i32
        %add3A_540 = arith.constant 0 : i32
        %add3A_541 = arith.addi %add3A_540, %mul3A_539 : i32
        %broadcast_in_dim3A = vector.broadcast %add3A_541 : i32 to vector<16xi32>
        %gather3A_542 = tpu.vector_load_idx %arg16[%broadcast_in_dim3A] : memref<128xf32, #tpu.memory_space<vmem>>[vector<16xi32>], vector<16xf32>,
        %get3A_543 = arith.index_cast %add3A_541 : i32 to index
        %get3A_544 = arith.constant 0 : index
        %get3A_545 = tpu.vector_load %arg22[%get3A_543, %get3A_544] {strides = array<i32>} : memref<128x128xf32, #tpu.memory_space<vmem>>, vector<16xf32>,
        %mul3A_546 = arith.mulf %get3A_545, %gather3A_542 : vector<16xf32>
        %swap3A_547 = arith.index_cast %add3A_541 : i32 to index
        %swap3A_548 = arith.constant 0 : index
        %swap3A_549 = tpu.vector_load %arg22[%swap3A_547, %swap3A_548] {strides = array<i32>} : memref<128x128xf32, #tpu.memory_space<vmem>>, vector<16xf32>,
        tpu.vector_store %arg22[%swap3A_547, %swap3A_548], %mul3A_546 {strides = array<i32>} : memref<128x128xf32, #tpu.memory_space<vmem>>, vector<16xf32>,
        %get3A_550 = arith.index_cast %add3A_541 : i32 to index
        %get3A_551 = arith.constant 16 : index
        %get3A_552 = tpu.vector_load %arg22[%get3A_550, %get3A_551] {strides = array<i32>} : memref<128x128xf32, #tpu.memory_space<vmem>>, vector<16xf32>,
        %mul3A_553 = arith.mulf %get3A_552, %gather3A_542 : vector<16xf32>
        %swap3A_554 = arith.index_cast %add3A_541 : i32 to index
        %swap3A_555 = arith.constant 16 : index
        %swap3A_556 = tpu.vector_load %arg22[%swap3A_554, %swap3A_555] {strides = array<i32>} : memref<128x128xf32, #tpu.memory_space<vmem>>, vector<16xf32>,
        tpu.vector_store %arg22[%swap3A_554, %swap3A_555], %mul3A_553 {strides = array<i32>} : memref<128x128xf32, #tpu.memory_space<vmem>>, vector<16xf32>,
        %get3A_557 = arith.index_cast %add3A_541 : i32 to index
        %get3A_558 = arith.constant 32 : index
        %get3A_559 = tpu.vector_load %arg22[%get3A_557, %get3A_558] {strides = array<i32>} : memref<128x128xf32, #tpu.memory_space<vmem>>, vector<16xf32>,
        %mul3A_560 = arith.mulf %get3A_559, %gather3A_542 : vector<16xf32>
        %swap3A_561 = arith.index_cast %add3A_541 : i32 to index
        %swap3A_562 = arith.constant 32 : index
        %swap3A_563 = tpu.vector_load %arg22[%swap3A_561, %swap3A_562] {strides = array<i32>} : memref<128x128xf32, #tpu.memory_space<vmem>>, vector<16xf32>,
        tpu.vector_store %arg22[%swap3A_561, %swap3A_562], %mul3A_560 {strides = array<i32>} : memref<128x128xf32, #tpu.memory_space<vmem>>, vector<16xf32>,
        %get3A_564 = arith.index_cast %add3A_541 : i32 to index
        %get3A_565 = arith.constant 48 : index
        %get3A_566 = tpu.vector_load %arg22[%get3A_564, %get3A_565] {strides = array<i32>} : memref<128x128xf32, #tpu.memory_space<vmem>>, vector<16xf32>,
        %mul3A_567 = arith.mulf %get3A_566, %gather3A_542 : vector<16xf32>
        %swap3A_568 = arith.index_cast %add3A_541 : i32 to index
        %swap3A_569 = arith.constant 48 : index
        %swap3A_570 = tpu.vector_load %arg22[%swap3A_568, %swap3A_569] {strides = array<i32>} : memref<128x128xf32, #tpu.memory_space<vmem>>, vector<16xf32>,
        tpu.vector_store %arg22[%swap3A_568, %swap3A_569], %mul3A_567 {strides = array<i32>} : memref<128x128xf32, #tpu.memory_space<vmem>>, vector<16xf32>,
        %get3A_571 = arith.index_cast %add3A_541 : i32 to index
        %get3A_572 = arith.constant 64 : index
        %get3A_573 = tpu.vector_load %arg22[%get3A_571, %get3A_572] {strides = array<i32>} : memref<128x128xf32, #tpu.memory_space<vmem>>, vector<16xf32>,
        %mul3A_574 = arith.mulf %get3A_573, %gather3A_542 : vector<16xf32>
        %swap3A_575 = arith.index_cast %add3A_541 : i32 to index
        %swap3A_576 = arith.constant 64 : index
        %swap3A_577 = tpu.vector_load %arg22[%swap3A_575, %swap3A_576] {strides = array<i32>} : memref<128x128xf32, #tpu.memory_space<vmem>>, vector<16xf32>,
        tpu.vector_store %arg22[%swap3A_575, %swap3A_576], %mul3A_574 {strides = array<i32>} : memref<128x128xf32, #tpu.memory_space<vmem>>, vector<16xf32>,
        %get3A_578 = arith.index_cast %add3A_541 : i32 to index
        %get3A_579 = arith.constant 80 : index
        %get3A_580 = tpu.vector_load %arg22[%get3A_578, %get3A_579] {strides = array<i32>} : memref<128x128xf32, #tpu.memory_space<vmem>>, vector<16xf32>,
        %mul3A_581 = arith.mulf %get3A_580, %gather3A_542 : vector<16xf32>
        %swap3A_582 = arith.index_cast %add3A_541 : i32 to index
        %swap3A_583 = arith.constant 80 : index
        %swap3A_584 = tpu.vector_load %arg22[%swap3A_582, %swap3A_583] {strides = array<i32>} : memref<128x128xf32, #tpu.memory_space<vmem>>, vector<16xf32>,
        tpu.vector_store %arg22[%swap3A_582, %swap3A_583], %mul3A_581 {strides = array<i32>} : memref<128x128xf32, #tpu.memory_space<vmem>>, vector<16xf32>,
        %get3A_585 = arith.index_cast %add3A_541 : i32 to index
        %get3A_586 = arith.constant 96 : index
        %get3A_587 = tpu.vector_load %arg22[%get3A_585, %get3A_586] {strides = array<i32>} : memref<128x128xf32, #tpu.memory_space<vmem>>, vector<16xf32>,
        %mul3A_588 = arith.mulf %get3A_587, %gather3A_542 : vector<16xf32>
        %swap3A_589 = arith.index_cast %add3A_541 : i32 to index
        %swap3A_590 = arith.constant 96 : index
        %swap3A_591 = tpu.vector_load %arg22[%swap3A_589, %swap3A_590] {strides = array<i32>} : memref<128x128xf32, #tpu.memory_space<vmem>>, vector<16xf32>,
        tpu.vector_store %arg22[%swap3A_589, %swap3A_590], %mul3A_588 {strides = array<i32>} : memref<128x128xf32, #tpu.memory_space<vmem>>, vector<16xf32>,
        %get3A_592 = arith.index_cast %add3A_541 : i32 to index
        %get3A_593 = arith.constant 112 : index
        %get3A_594 = tpu.vector_load %arg22[%get3A_592, %get3A_593] {strides = array<i32>} : memref<128x128xf32, #tpu.memory_space<vmem>>, vector<16xf32>,
        %mul3A_595 = arith.mulf %get3A_594, %gather3A_542 : vector<16xf32>
        %swap3A_596 = arith.index_cast %add3A_541 : i32 to index
        %swap3A_597 = arith.constant 112 : index
        %swap3A_598 = tpu.vector_load %arg22[%swap3A_596, %swap3A_597] {strides = array<i32>} : memref<128x128xf32, #tpu.memory_space<vmem>>, vector<16xf32>,
        tpu.vector_store %arg22[%swap3A_596, %swap3A_597], %mul3A_595 {strides = array<i32>} : memref<128x128xf32, #tpu.memory_space<vmem>>, vector<16xf32>,
        %scan3A_599 = arith.constant 1 : i32
        %scan3A_600 = arith.addi %scan3A_537, %scan3A_599 : i32
        %mul3A_601 = arith.constant 1 : i32
        %mul3A_602 = arith.muli %scan3A_600, %mul3A_601 : i32
        %add3A_603 = arith.constant 0 : i32
        %add3A_604 = arith.addi %add3A_603, %mul3A_602 : i32
        %broadcast_in_dim3A_605 = vector.broadcast %add3A_604 : i32 to vector<16xi32>
        %gather3A_606 = tpu.vector_load_idx %arg16[%broadcast_in_dim3A_605] : memref<128xf32, #tpu.memory_space<vmem>>[vector<16xi32>], vector<16xf32>,
        %get3A_607 = arith.index_cast %add3A_604 : i32 to index
        %get3A_608 = arith.constant 0 : index
        %get3A_609 = tpu.vector_load %arg22[%get3A_607, %get3A_608] {strides = array<i32>} : memref<128x128xf32, #tpu.memory_space<vmem>>, vector<16xf32>,
        %mul3A_610 = arith.mulf %get3A_609, %gather3A_606 : vector<16xf32>
        %swap3A_611 = arith.index_cast %add3A_604 : i32 to index
        %swap3A_612 = arith.constant 0 : index
        %swap3A_613 = tpu.vector_load %arg22[%swap3A_611, %swap3A_612] {strides = array<i32>} : memref<128x128xf32, #tpu.memory_space<vmem>>, vector<16xf32>,
        tpu.vector_store %arg22[%swap3A_611, %swap3A_612], %mul3A_610 {strides = array<i32>} : memref<128x128xf32, #tpu.memory_space<vmem>>, vector<16xf32>,
        %get3A_614 = arith.index_cast %add3A_604 : i32 to index
        %get3A_615 = arith.constant 16 : index
        %get3A_616 = tpu.vector_load %arg22[%get3A_614, %get3A_615] {strides = array<i32>} : memref<128x128xf32, #tpu.memory_space<vmem>>, vector<16xf32>,
        %mul3A_617 = arith.mulf %get3A_616, %gather3A_606 : vector<16xf32>
        %swap3A_618 = arith.index_cast %add3A_604 : i32 to index
        %swap3A_619 = arith.constant 16 : index
        %swap3A_620 = tpu.vector_load %arg22[%swap3A_618, %swap3A_619] {strides = array<i32>} : memref<128x128xf32, #tpu.memory_space<vmem>>, vector<16xf32>,
        tpu.vector_store %arg22[%swap3A_618, %swap3A_619], %mul3A_617 {strides = array<i32>} : memref<128x128xf32, #tpu.memory_space<vmem>>, vector<16xf32>,
        %get3A_621 = arith.index_cast %add3A_604 : i32 to index
        %get3A_622 = arith.constant 32 : index
        %get3A_623 = tpu.vector_load %arg22[%get3A_621, %get3A_622] {strides = array<i32>} : memref<128x128xf32, #tpu.memory_space<vmem>>, vector<16xf32>,
        %mul3A_624 = arith.mulf %get3A_623, %gather3A_606 : vector<16xf32>
        %swap3A_625 = arith.index_cast %add3A_604 : i32 to index
        %swap3A_626 = arith.constant 32 : index
        %swap3A_627 = tpu.vector_load %arg22[%swap3A_625, %swap3A_626] {strides = array<i32>} : memref<128x128xf32, #tpu.memory_space<vmem>>, vector<16xf32>,
        tpu.vector_store %arg22[%swap3A_625, %swap3A_626], %mul3A_624 {strides = array<i32>} : memref<128x128xf32, #tpu.memory_space<vmem>>, vector<16xf32>,
        %get3A_628 = arith.index_cast %add3A_604 : i32 to index
        %get3A_629 = arith.constant 48 : index
        %get3A_630 = tpu.vector_load %arg22[%get3A_628, %get3A_629] {strides = array<i32>} : memref<128x128xf32, #tpu.memory_space<vmem>>, vector<16xf32>,
        %mul3A_631 = arith.mulf %get3A_630, %gather3A_606 : vector<16xf32>
        %swap3A_632 = arith.index_cast %add3A_604 : i32 to index
        %swap3A_633 = arith.constant 48 : index
        %swap3A_634 = tpu.vector_load %arg22[%swap3A_632, %swap3A_633] {strides = array<i32>} : memref<128x128xf32, #tpu.memory_space<vmem>>, vector<16xf32>,
        tpu.vector_store %arg22[%swap3A_632, %swap3A_633], %mul3A_631 {strides = array<i32>} : memref<128x128xf32, #tpu.memory_space<vmem>>, vector<16xf32>,
        %get3A_635 = arith.index_cast %add3A_604 : i32 to index
        %get3A_636 = arith.constant 64 : index
        %get3A_637 = tpu.vector_load %arg22[%get3A_635, %get3A_636] {strides = array<i32>} : memref<128x128xf32, #tpu.memory_space<vmem>>, vector<16xf32>,
        %mul3A_638 = arith.mulf %get3A_637, %gather3A_606 : vector<16xf32>
        %swap3A_639 = arith.index_cast %add3A_604 : i32 to index
        %swap3A_640 = arith.constant 64 : index
        %swap3A_641 = tpu.vector_load %arg22[%swap3A_639, %swap3A_640] {strides = array<i32>} : memref<128x128xf32, #tpu.memory_space<vmem>>, vector<16xf32>,
        tpu.vector_store %arg22[%swap3A_639, %swap3A_640], %mul3A_638 {strides = array<i32>} : memref<128x128xf32, #tpu.memory_space<vmem>>, vector<16xf32>,
        %get3A_642 = arith.index_cast %add3A_604 : i32 to index
        %get3A_643 = arith.constant 80 : index
        %get3A_644 = tpu.vector_load %arg22[%get3A_642, %get3A_643] {strides = array<i32>} : memref<128x128xf32, #tpu.memory_space<vmem>>, vector<16xf32>,
        %mul3A_645 = arith.mulf %get3A_644, %gather3A_606 : vector<16xf32>
        %swap3A_646 = arith.index_cast %add3A_604 : i32 to index
        %swap3A_647 = arith.constant 80 : index
        %swap3A_648 = tpu.vector_load %arg22[%swap3A_646, %swap3A_647] {strides = array<i32>} : memref<128x128xf32, #tpu.memory_space<vmem>>, vector<16xf32>,
        tpu.vector_store %arg22[%swap3A_646, %swap3A_647], %mul3A_645 {strides = array<i32>} : memref<128x128xf32, #tpu.memory_space<vmem>>, vector<16xf32>,
        %get3A_649 = arith.index_cast %add3A_604 : i32 to index
        %get3A_650 = arith.constant 96 : index
        %get3A_651 = tpu.vector_load %arg22[%get3A_649, %get3A_650] {strides = array<i32>} : memref<128x128xf32, #tpu.memory_space<vmem>>, vector<16xf32>,
        %mul3A_652 = arith.mulf %get3A_651, %gather3A_606 : vector<16xf32>
        %swap3A_653 = arith.index_cast %add3A_604 : i32 to index
        %swap3A_654 = arith.constant 96 : index
        %swap3A_655 = tpu.vector_load %arg22[%swap3A_653, %swap3A_654] {strides = array<i32>} : memref<128x128xf32, #tpu.memory_space<vmem>>, vector<16xf32>,
        tpu.vector_store %arg22[%swap3A_653, %swap3A_654], %mul3A_652 {strides = array<i32>} : memref<128x128xf32, #tpu.memory_space<vmem>>, vector<16xf32>,
        %get3A_656 = arith.index_cast %add3A_604 : i32 to index
        %get3A_657 = arith.constant 112 : index
        %get3A_658 = tpu.vector_load %arg22[%get3A_656, %get3A_657] {strides = array<i32>} : memref<128x128xf32, #tpu.memory_space<vmem>>, vector<16xf32>,
        %mul3A_659 = arith.mulf %get3A_658, %gather3A_606 : vector<16xf32>
        %swap3A_660 = arith.index_cast %add3A_604 : i32 to index
        %swap3A_661 = arith.constant 112 : index
        %swap3A_662 = tpu.vector_load %arg22[%swap3A_660, %swap3A_661] {strides = array<i32>} : memref<128x128xf32, #tpu.memory_space<vmem>>, vector<16xf32>,
        tpu.vector_store %arg22[%swap3A_660, %swap3A_661], %mul3A_659 {strides = array<i32>} : memref<128x128xf32, #tpu.memory_space<vmem>>, vector<16xf32>,
      }
      %scan3A_494 = arith.constant 128 : i32
      %get3A_495 = arith.constant 0 : index
      %get3A_496 = tpu.vector_load %arg12[%get3A_495] {strides = array<i32>} : memref<128xi32, #tpu.memory_space<vmem>>, vector<16xi32>,
      %swap3A_497 = arith.constant 0 : index
      %swap3A_498 = tpu.vector_load %arg14[%swap3A_497] {strides = array<i32>} : memref<128xi32, #tpu.memory_space<vmem>>, vector<16xi32>,
      tpu.vector_store %arg14[%swap3A_497], %get3A_496 {strides = array<i32>} : memref<128xi32, #tpu.memory_space<vmem>>, vector<16xi32>,
      %get3A_499 = arith.constant 16 : index
      %get3A_500 = tpu.vector_load %arg12[%get3A_499] {strides = array<i32>} : memref<128xi32, #tpu.memory_space<vmem>>, vector<16xi32>,
      %swap3A_501 = arith.constant 16 : index
      %swap3A_502 = tpu.vector_load %arg14[%swap3A_501] {strides = array<i32>} : memref<128xi32, #tpu.memory_space<vmem>>, vector<16xi32>,
      tpu.vector_store %arg14[%swap3A_501], %get3A_500 {strides = array<i32>} : memref<128xi32, #tpu.memory_space<vmem>>, vector<16xi32>,
      %get3A_503 = arith.constant 32 : index
      %get3A_504 = tpu.vector_load %arg12[%get3A_503] {strides = array<i32>} : memref<128xi32, #tpu.memory_space<vmem>>, vector<16xi32>,
      %swap3A_505 = arith.constant 32 : index
      %swap3A_506 = tpu.vector_load %arg14[%swap3A_505] {strides = array<i32>} : memref<128xi32, #tpu.memory_space<vmem>>, vector<16xi32>,
      tpu.vector_store %arg14[%swap3A_505], %get3A_504 {strides = array<i32>} : memref<128xi32, #tpu.memory_space<vmem>>, vector<16xi32>,
      %get3A_507 = arith.constant 48 : index
      %get3A_508 = tpu.vector_load %arg12[%get3A_507] {strides = array<i32>} : memref<128xi32, #tpu.memory_space<vmem>>, vector<16xi32>,
      %swap3A_509 = arith.constant 48 : index
      %swap3A_510 = tpu.vector_load %arg14[%swap3A_509] {strides = array<i32>} : memref<128xi32, #tpu.memory_space<vmem>>, vector<16xi32>,
      tpu.vector_store %arg14[%swap3A_509], %get3A_508 {strides = array<i32>} : memref<128xi32, #tpu.memory_space<vmem>>, vector<16xi32>,
      %get3A_511 = arith.constant 64 : index
      %get3A_512 = tpu.vector_load %arg12[%get3A_511] {strides = array<i32>} : memref<128xi32, #tpu.memory_space<vmem>>, vector<16xi32>,
      %swap3A_513 = arith.constant 64 : index
      %swap3A_514 = tpu.vector_load %arg14[%swap3A_513] {strides = array<i32>} : memref<128xi32, #tpu.memory_space<vmem>>, vector<16xi32>,
      tpu.vector_store %arg14[%swap3A_513], %get3A_512 {strides = array<i32>} : memref<128xi32, #tpu.memory_space<vmem>>, vector<16xi32>,
      %get3A_515 = arith.constant 80 : index
      %get3A_516 = tpu.vector_load %arg12[%get3A_515] {strides = array<i32>} : memref<128xi32, #tpu.memory_space<vmem>>, vector<16xi32>,
      %swap3A_517 = arith.constant 80 : index
      %swap3A_518 = tpu.vector_load %arg14[%swap3A_517] {strides = array<i32>} : memref<128xi32, #tpu.memory_space<vmem>>, vector<16xi32>,
      tpu.vector_store %arg14[%swap3A_517], %get3A_516 {strides = array<i32>} : memref<128xi32, #tpu.memory_space<vmem>>, vector<16xi32>,
      %get3A_519 = arith.constant 96 : index
      %get3A_520 = tpu.vector_load %arg12[%get3A_519] {strides = array<i32>} : memref<128xi32, #tpu.memory_space<vmem>>, vector<16xi32>,
      %swap3A_521 = arith.constant 96 : index
      %swap3A_522 = tpu.vector_load %arg14[%swap3A_521] {strides = array<i32>} : memref<128xi32, #tpu.memory_space<vmem>>, vector<16xi32>,
      tpu.vector_store %arg14[%swap3A_521], %get3A_520 {strides = array<i32>} : memref<128xi32, #tpu.memory_space<vmem>>, vector<16xi32>,
      %get3A_523 = arith.constant 112 : index
      %get3A_524 = tpu.vector_load %arg12[%get3A_523] {strides = array<i32>} : memref<128xi32, #tpu.memory_space<vmem>>, vector<16xi32>,
      %swap3A_525 = arith.constant 112 : index
      %swap3A_526 = tpu.vector_load %arg14[%swap3A_525] {strides = array<i32>} : memref<128xi32, #tpu.memory_space<vmem>>, vector<16xi32>,
      tpu.vector_store %arg14[%swap3A_525], %get3A_524 {strides = array<i32>} : memref<128xi32, #tpu.memory_space<vmem>>, vector<16xi32>,
      %dma_start3A_527 = arith.constant 0 : i32
      %dma_start3A_528 = arith.constant 0 : i32
      %dma_start3A_529 = tpu.memref_slice %arg23[%dma_start3A_527, %dma_start3A_528] : memref<10240x128xf32, #tpu.memory_space<vmem_shared>> -> memref<10240x128xf32, #tpu.memory_space<vmem_shared>>
      tpu.enqueue_indirect_dma source(%arg22 : memref<128x128xf32, #tpu.memory_space<vmem>>) target(%dma_start3A_529 : memref<10240x128xf32, #tpu.memory_space<vmem_shared>>) offsets(%arg14 : memref<128xi32, #tpu.memory_space<vmem>>) semaphore(%arg29 : memref<!tpu.dma_semaphore, #tpu.memory_space<semaphore_mem>>) {add = true}
      %add3A_530 = arith.constant 2 : i32
      %add3A_531 = arith.addi %add3A_380, %add3A_530 : i32
      %lt3A_532 = arith.constant 80 : i32
      %lt3A_533 = arith.cmpi slt, %add3A_531, %lt3A_532 : i32
      %convert_element_type3A_534 = arith.extui %lt3A_533 : i1 to i32
      %cond3A_535 = arith.constant 0 : i32
      %cond3A_536 = arith.cmpi ne, %convert_element_type3A_534, %cond3A_535 : i32
      scf.if %cond3A_536 {
        %add3A_537 = arith.constant 2 : i32
        %add3A_538 = arith.addi %add3A_380, %add3A_537 : i32
        %dma_start3A_539 = arith.constant 0 : i32
        %dma_start3A_540 = tpu.memref_slice %arg2[%add3A, %add3A_538, %dma_start3A_539] : memref<32x80x128xi32, #tpu.memory_space<hbm>> -> memref<1x1x128xi32, #tpu.memory_space<hbm>>
        %dma_start3A_541 = tpu.memref_squeeze %dma_start3A_540 : memref<1x1x128xi32, #tpu.memory_space<hbm>> -> memref<128xi32, #tpu.memory_space<hbm>>
        %dma_start3A_542 = arith.constant 0 : i32
        %dma_start3A_543 = tpu.memref_slice %arg2[%add3A, %add3A_538, %dma_start3A_542] : memref<32x80x128xi32, #tpu.memory_space<hbm>> -> memref<1x1x128xi32, #tpu.memory_space<hbm>>
        %dma_start3A_544 = tpu.memref_squeeze %dma_start3A_543 : memref<1x1x128xi32, #tpu.memory_space<hbm>> -> memref<128xi32, #tpu.memory_space<hbm>>
        tpu.enqueue_dma source(%dma_start3A_544 : memref<128xi32, #tpu.memory_space<hbm>>) target(%arg10 : memref<128xi32, #tpu.memory_space<vmem>>) target_semaphore(%arg27 : memref<!tpu.dma_semaphore, #tpu.memory_space<semaphore_mem>>)
        %add3A_545 = arith.constant 2 : i32
        %add3A_546 = arith.addi %add3A_380, %add3A_545 : i32
        %dma_start3A_547 = arith.constant 0 : i32
        %dma_start3A_548 = tpu.memref_slice %arg3[%add3A, %add3A_546, %dma_start3A_547] : memref<32x80x128xi32, #tpu.memory_space<hbm>> -> memref<1x1x128xi32, #tpu.memory_space<hbm>>
        %dma_start3A_549 = tpu.memref_squeeze %dma_start3A_548 : memref<1x1x128xi32, #tpu.memory_space<hbm>> -> memref<128xi32, #tpu.memory_space<hbm>>
        %dma_start3A_550 = arith.constant 0 : i32
        %dma_start3A_551 = tpu.memref_slice %arg3[%add3A, %add3A_546, %dma_start3A_550] : memref<32x80x128xi32, #tpu.memory_space<hbm>> -> memref<1x1x128xi32, #tpu.memory_space<hbm>>
        %dma_start3A_552 = tpu.memref_squeeze %dma_start3A_551 : memref<1x1x128xi32, #tpu.memory_space<hbm>> -> memref<128xi32, #tpu.memory_space<hbm>>
        tpu.enqueue_dma source(%dma_start3A_552 : memref<128xi32, #tpu.memory_space<hbm>>) target(%arg12 : memref<128xi32, #tpu.memory_space<vmem>>) target_semaphore(%arg27 : memref<!tpu.dma_semaphore, #tpu.memory_space<semaphore_mem>>)
        %add3A_553 = arith.constant 2 : i32
        %add3A_554 = arith.addi %add3A_380, %add3A_553 : i32
        %dma_start3A_555 = arith.constant 0 : i32
        %dma_start3A_556 = tpu.memref_slice %arg4[%add3A, %add3A_554, %dma_start3A_555] : memref<32x80x128xf32, #tpu.memory_space<hbm>> -> memref<1x1x128xf32, #tpu.memory_space<hbm>>
        %dma_start3A_557 = tpu.memref_squeeze %dma_start3A_556 : memref<1x1x128xf32, #tpu.memory_space<hbm>> -> memref<128xf32, #tpu.memory_space<hbm>>
        %dma_start3A_558 = arith.constant 0 : i32
        %dma_start3A_559 = tpu.memref_slice %arg4[%add3A, %add3A_554, %dma_start3A_558] : memref<32x80x128xf32, #tpu.memory_space<hbm>> -> memref<1x1x128xf32, #tpu.memory_space<hbm>>
        %dma_start3A_560 = tpu.memref_squeeze %dma_start3A_559 : memref<1x1x128xf32, #tpu.memory_space<hbm>> -> memref<128xf32, #tpu.memory_space<hbm>>
        tpu.enqueue_dma source(%dma_start3A_560 : memref<128xf32, #tpu.memory_space<hbm>>) target(%arg16 : memref<128xf32, #tpu.memory_space<vmem>>) target_semaphore(%arg27 : memref<!tpu.dma_semaphore, #tpu.memory_space<semaphore_mem>>)
      } else {
      }
    }
    %scan3A_103 = arith.constant 40 : i32
    %dma_wait3A = arith.constant 0 : i32
    %dma_wait3A_104 = arith.constant 0 : i32
    %dma_wait3A_105 = tpu.memref_slice %arg23[%dma_wait3A, %dma_wait3A_104] : memref<10240x128xf32, #tpu.memory_space<vmem_shared>> -> memref<10240x128xf32, #tpu.memory_space<vmem_shared>>
    tpu.wait_indirect_dma semaphore(%arg28 : memref<!tpu.dma_semaphore, #tpu.memory_space<semaphore_mem>>) src(%arg21 : memref<128x128xf32, #tpu.memory_space<vmem>>) dst(%dma_wait3A_105 : memref<10240x128xf32, #tpu.memory_space<vmem_shared>>)
    %dma_wait3A_106 = arith.constant 0 : i32
    %dma_wait3A_107 = arith.constant 0 : i32
    %dma_wait3A_108 = tpu.memref_slice %arg23[%dma_wait3A_106, %dma_wait3A_107] : memref<10240x128xf32, #tpu.memory_space<vmem_shared>> -> memref<10240x128xf32, #tpu.memory_space<vmem_shared>>
    tpu.wait_indirect_dma semaphore(%arg29 : memref<!tpu.dma_semaphore, #tpu.memory_space<semaphore_mem>>) src(%arg22 : memref<128x128xf32, #tpu.memory_space<vmem>>) dst(%dma_wait3A_108 : memref<10240x128xf32, #tpu.memory_space<vmem_shared>>)
    %dma_wait3A_109 = arith.constant 78 : i32
    %dma_wait3A_110 = arith.constant 0 : i32
    %dma_wait3A_111 = tpu.memref_slice %arg7[%add3A, %dma_wait3A_109, %dma_wait3A_110] : memref<32x80x128xf32, #tpu.memory_space<hbm>> -> memref<1x1x128xf32, #tpu.memory_space<hbm>>
    %dma_wait3A_112 = tpu.memref_squeeze %dma_wait3A_111 : memref<1x1x128xf32, #tpu.memory_space<hbm>> -> memref<128xf32, #tpu.memory_space<hbm>>
    %dma_wait3A_113 = arith.constant 0 : i32
    %dma_wait3A_114 = tpu.memref_slice %arg7[%add3A, %dma_wait3A_109, %dma_wait3A_113] : memref<32x80x128xf32, #tpu.memory_space<hbm>> -> memref<1x1x128xf32, #tpu.memory_space<hbm>>
    %dma_wait3A_115 = tpu.memref_squeeze %dma_wait3A_114 : memref<1x1x128xf32, #tpu.memory_space<hbm>> -> memref<128xf32, #tpu.memory_space<hbm>>
    tpu.wait_dma2 semaphore(%arg30 : memref<!tpu.dma_semaphore, #tpu.memory_space<semaphore_mem>>) src(%arg17 : memref<128xf32, #tpu.memory_space<vmem>>) dst(%dma_wait3A_115 : memref<128xf32, #tpu.memory_space<hbm>>)
    %dma_wait3A_116 = arith.constant 79 : i32
    %dma_wait3A_117 = arith.constant 0 : i32
    %dma_wait3A_118 = tpu.memref_slice %arg7[%add3A, %dma_wait3A_116, %dma_wait3A_117] : memref<32x80x128xf32, #tpu.memory_space<hbm>> -> memref<1x1x128xf32, #tpu.memory_space<hbm>>
    %dma_wait3A_119 = tpu.memref_squeeze %dma_wait3A_118 : memref<1x1x128xf32, #tpu.memory_space<hbm>> -> memref<128xf32, #tpu.memory_space<hbm>>
    %dma_wait3A_120 = arith.constant 0 : i32
    %dma_wait3A_121 = tpu.memref_slice %arg7[%add3A, %dma_wait3A_116, %dma_wait3A_120] : memref<32x80x128xf32, #tpu.memory_space<hbm>> -> memref<1x1x128xf32, #tpu.memory_space<hbm>>
    %dma_wait3A_122 = tpu.memref_squeeze %dma_wait3A_121 : memref<1x1x128xf32, #tpu.memory_space<hbm>> -> memref<128xf32, #tpu.memory_space<hbm>>
    tpu.wait_dma2 semaphore(%arg31 : memref<!tpu.dma_semaphore, #tpu.memory_space<semaphore_mem>>) src(%arg18 : memref<128xf32, #tpu.memory_space<vmem>>) dst(%dma_wait3A_122 : memref<128xf32, #tpu.memory_space<hbm>>)
    %barrier3A_123 = arith.constant 0 : index
    tpu.barrier barrier_id(%barrier3A_123)
    %mul3A_124 = arith.constant 640 : i32
    %mul3A_125 = arith.muli %arg1, %mul3A_124 : i32
    %add3A_126 = arith.constant 0 : i32
    %add3A_127 = arith.addi %mul3A_125, %add3A_126 : i32
    "tpu.region"() ({
      %run_scoped3A_224 = tpu.sem_alloc : memref<!tpu.dma_semaphore, #tpu.memory_space<semaphore_mem>>
      %dma_start3A_225 = arith.constant 0 : i32
      %dma_start3A_226 = tpu.memref_slice %arg23[%add3A_127, %dma_start3A_225] : memref<10240x128xf32, #tpu.memory_space<vmem_shared>> -> memref<128x128xf32, #tpu.memory_space<vmem_shared>>
      %dma_start3A_227 = arith.constant 0 : i32
      %dma_start3A_228 = tpu.memref_slice %arg23[%add3A_127, %dma_start3A_227] : memref<10240x128xf32, #tpu.memory_space<vmem_shared>> -> memref<128x128xf32, #tpu.memory_space<vmem_shared>>
      tpu.enqueue_dma source(%dma_start3A_228 : memref<128x128xf32, #tpu.memory_space<vmem_shared>>) target(%arg21 : memref<128x128xf32, #tpu.memory_space<vmem>>) target_semaphore(%run_scoped3A_224 : memref<!tpu.dma_semaphore, #tpu.memory_space<semaphore_mem>>)
      %dma_wait3A_229 = arith.constant 0 : i32
      %dma_wait3A_230 = tpu.memref_slice %arg23[%add3A_127, %dma_wait3A_229] : memref<10240x128xf32, #tpu.memory_space<vmem_shared>> -> memref<128x128xf32, #tpu.memory_space<vmem_shared>>
      %dma_wait3A_231 = arith.constant 0 : i32
      %dma_wait3A_232 = tpu.memref_slice %arg23[%add3A_127, %dma_wait3A_231] : memref<10240x128xf32, #tpu.memory_space<vmem_shared>> -> memref<128x128xf32, #tpu.memory_space<vmem_shared>>
      tpu.wait_dma2 semaphore(%run_scoped3A_224 : memref<!tpu.dma_semaphore, #tpu.memory_space<semaphore_mem>>) src(%dma_wait3A_232 : memref<128x128xf32, #tpu.memory_space<vmem_shared>>) dst(%arg21 : memref<128x128xf32, #tpu.memory_space<vmem>>)
      tpu.yield
    }) : () -> ()
    %dma_start3A_128 = arith.constant 0 : i32
    %dma_start3A_129 = tpu.memref_slice %arg8[%arg0, %add3A_127, %dma_start3A_128] : memref<2x10240x128xf32, #tpu.memory_space<hbm>> -> memref<1x128x128xf32, #tpu.memory_space<hbm>>
    %dma_start3A_130 = tpu.memref_squeeze %dma_start3A_129 : memref<1x128x128xf32, #tpu.memory_space<hbm>> -> memref<128x128xf32, #tpu.memory_space<hbm>>
    %dma_start3A_131 = arith.constant 0 : i32
    %dma_start3A_132 = tpu.memref_slice %arg8[%arg0, %add3A_127, %dma_start3A_131] : memref<2x10240x128xf32, #tpu.memory_space<hbm>> -> memref<1x128x128xf32, #tpu.memory_space<hbm>>
    %dma_start3A_133 = tpu.memref_squeeze %dma_start3A_132 : memref<1x128x128xf32, #tpu.memory_space<hbm>> -> memref<128x128xf32, #tpu.memory_space<hbm>>
    tpu.enqueue_dma source(%arg21 : memref<128x128xf32, #tpu.memory_space<vmem>>) target(%dma_start3A_133 : memref<128x128xf32, #tpu.memory_space<hbm>>) target_semaphore(%arg24 : memref<!tpu.dma_semaphore, #tpu.memory_space<semaphore_mem>>)
    %mul3A_134 = arith.constant 640 : i32
    %mul3A_135 = arith.muli %arg1, %mul3A_134 : i32
    %add3A_136 = arith.constant 128 : i32
    %add3A_137 = arith.addi %mul3A_135, %add3A_136 : i32
    "tpu.region"() ({
      %run_scoped3A_224 = tpu.sem_alloc : memref<!tpu.dma_semaphore, #tpu.memory_space<semaphore_mem>>
      %dma_start3A_225 = arith.constant 0 : i32
      %dma_start3A_226 = tpu.memref_slice %arg23[%add3A_137, %dma_start3A_225] : memref<10240x128xf32, #tpu.memory_space<vmem_shared>> -> memref<128x128xf32, #tpu.memory_space<vmem_shared>>
      %dma_start3A_227 = arith.constant 0 : i32
      %dma_start3A_228 = tpu.memref_slice %arg23[%add3A_137, %dma_start3A_227] : memref<10240x128xf32, #tpu.memory_space<vmem_shared>> -> memref<128x128xf32, #tpu.memory_space<vmem_shared>>
      tpu.enqueue_dma source(%dma_start3A_228 : memref<128x128xf32, #tpu.memory_space<vmem_shared>>) target(%arg22 : memref<128x128xf32, #tpu.memory_space<vmem>>) target_semaphore(%run_scoped3A_224 : memref<!tpu.dma_semaphore, #tpu.memory_space<semaphore_mem>>)
      %dma_wait3A_229 = arith.constant 0 : i32
      %dma_wait3A_230 = tpu.memref_slice %arg23[%add3A_137, %dma_wait3A_229] : memref<10240x128xf32, #tpu.memory_space<vmem_shared>> -> memref<128x128xf32, #tpu.memory_space<vmem_shared>>
      %dma_wait3A_231 = arith.constant 0 : i32
      %dma_wait3A_232 = tpu.memref_slice %arg23[%add3A_137, %dma_wait3A_231] : memref<10240x128xf32, #tpu.memory_space<vmem_shared>> -> memref<128x128xf32, #tpu.memory_space<vmem_shared>>
      tpu.wait_dma2 semaphore(%run_scoped3A_224 : memref<!tpu.dma_semaphore, #tpu.memory_space<semaphore_mem>>) src(%dma_wait3A_232 : memref<128x128xf32, #tpu.memory_space<vmem_shared>>) dst(%arg22 : memref<128x128xf32, #tpu.memory_space<vmem>>)
      tpu.yield
    }) : () -> ()
    %dma_start3A_138 = arith.constant 0 : i32
    %dma_start3A_139 = tpu.memref_slice %arg8[%arg0, %add3A_137, %dma_start3A_138] : memref<2x10240x128xf32, #tpu.memory_space<hbm>> -> memref<1x128x128xf32, #tpu.memory_space<hbm>>
    %dma_start3A_140 = tpu.memref_squeeze %dma_start3A_139 : memref<1x128x128xf32, #tpu.memory_space<hbm>> -> memref<128x128xf32, #tpu.memory_space<hbm>>
    %dma_start3A_141 = arith.constant 0 : i32
    %dma_start3A_142 = tpu.memref_slice %arg8[%arg0, %add3A_137, %dma_start3A_141] : memref<2x10240x128xf32, #tpu.memory_space<hbm>> -> memref<1x128x128xf32, #tpu.memory_space<hbm>>
    %dma_start3A_143 = tpu.memref_squeeze %dma_start3A_142 : memref<1x128x128xf32, #tpu.memory_space<hbm>> -> memref<128x128xf32, #tpu.memory_space<hbm>>
    tpu.enqueue_dma source(%arg22 : memref<128x128xf32, #tpu.memory_space<vmem>>) target(%dma_start3A_143 : memref<128x128xf32, #tpu.memory_space<hbm>>) target_semaphore(%arg25 : memref<!tpu.dma_semaphore, #tpu.memory_space<semaphore_mem>>)
    %mul3A_144 = arith.constant 640 : i32
    %mul3A_145 = arith.muli %arg1, %mul3A_144 : i32
    %add3A_146 = arith.constant 256 : i32
    %add3A_147 = arith.addi %mul3A_145, %add3A_146 : i32
    %mul3A_148 = arith.constant 640 : i32
    %mul3A_149 = arith.muli %arg1, %mul3A_148 : i32
    %add3A_150 = arith.constant 0 : i32
    %add3A_151 = arith.addi %mul3A_149, %add3A_150 : i32
    %dma_wait3A_152 = arith.constant 0 : i32
    %dma_wait3A_153 = tpu.memref_slice %arg8[%arg0, %add3A_151, %dma_wait3A_152] : memref<2x10240x128xf32, #tpu.memory_space<hbm>> -> memref<1x128x128xf32, #tpu.memory_space<hbm>>
    %dma_wait3A_154 = tpu.memref_squeeze %dma_wait3A_153 : memref<1x128x128xf32, #tpu.memory_space<hbm>> -> memref<128x128xf32, #tpu.memory_space<hbm>>
    %dma_wait3A_155 = arith.constant 0 : i32
    %dma_wait3A_156 = tpu.memref_slice %arg8[%arg0, %add3A_151, %dma_wait3A_155] : memref<2x10240x128xf32, #tpu.memory_space<hbm>> -> memref<1x128x128xf32, #tpu.memory_space<hbm>>
    %dma_wait3A_157 = tpu.memref_squeeze %dma_wait3A_156 : memref<1x128x128xf32, #tpu.memory_space<hbm>> -> memref<128x128xf32, #tpu.memory_space<hbm>>
    tpu.wait_dma2 semaphore(%arg24 : memref<!tpu.dma_semaphore, #tpu.memory_space<semaphore_mem>>) src(%arg21 : memref<128x128xf32, #tpu.memory_space<vmem>>) dst(%dma_wait3A_157 : memref<128x128xf32, #tpu.memory_space<hbm>>)
    "tpu.region"() ({
      %run_scoped3A_224 = tpu.sem_alloc : memref<!tpu.dma_semaphore, #tpu.memory_space<semaphore_mem>>
      %dma_start3A_225 = arith.constant 0 : i32
      %dma_start3A_226 = tpu.memref_slice %arg23[%add3A_147, %dma_start3A_225] : memref<10240x128xf32, #tpu.memory_space<vmem_shared>> -> memref<128x128xf32, #tpu.memory_space<vmem_shared>>
      %dma_start3A_227 = arith.constant 0 : i32
      %dma_start3A_228 = tpu.memref_slice %arg23[%add3A_147, %dma_start3A_227] : memref<10240x128xf32, #tpu.memory_space<vmem_shared>> -> memref<128x128xf32, #tpu.memory_space<vmem_shared>>
      tpu.enqueue_dma source(%dma_start3A_228 : memref<128x128xf32, #tpu.memory_space<vmem_shared>>) target(%arg21 : memref<128x128xf32, #tpu.memory_space<vmem>>) target_semaphore(%run_scoped3A_224 : memref<!tpu.dma_semaphore, #tpu.memory_space<semaphore_mem>>)
      %dma_wait3A_229 = arith.constant 0 : i32
      %dma_wait3A_230 = tpu.memref_slice %arg23[%add3A_147, %dma_wait3A_229] : memref<10240x128xf32, #tpu.memory_space<vmem_shared>> -> memref<128x128xf32, #tpu.memory_space<vmem_shared>>
      %dma_wait3A_231 = arith.constant 0 : i32
      %dma_wait3A_232 = tpu.memref_slice %arg23[%add3A_147, %dma_wait3A_231] : memref<10240x128xf32, #tpu.memory_space<vmem_shared>> -> memref<128x128xf32, #tpu.memory_space<vmem_shared>>
      tpu.wait_dma2 semaphore(%run_scoped3A_224 : memref<!tpu.dma_semaphore, #tpu.memory_space<semaphore_mem>>) src(%dma_wait3A_232 : memref<128x128xf32, #tpu.memory_space<vmem_shared>>) dst(%arg21 : memref<128x128xf32, #tpu.memory_space<vmem>>)
      tpu.yield
    }) : () -> ()
    %dma_start3A_158 = arith.constant 0 : i32
    %dma_start3A_159 = tpu.memref_slice %arg8[%arg0, %add3A_147, %dma_start3A_158] : memref<2x10240x128xf32, #tpu.memory_space<hbm>> -> memref<1x128x128xf32, #tpu.memory_space<hbm>>
    %dma_start3A_160 = tpu.memref_squeeze %dma_start3A_159 : memref<1x128x128xf32, #tpu.memory_space<hbm>> -> memref<128x128xf32, #tpu.memory_space<hbm>>
    %dma_start3A_161 = arith.constant 0 : i32
    %dma_start3A_162 = tpu.memref_slice %arg8[%arg0, %add3A_147, %dma_start3A_161] : memref<2x10240x128xf32, #tpu.memory_space<hbm>> -> memref<1x128x128xf32, #tpu.memory_space<hbm>>
    %dma_start3A_163 = tpu.memref_squeeze %dma_start3A_162 : memref<1x128x128xf32, #tpu.memory_space<hbm>> -> memref<128x128xf32, #tpu.memory_space<hbm>>
    tpu.enqueue_dma source(%arg21 : memref<128x128xf32, #tpu.memory_space<vmem>>) target(%dma_start3A_163 : memref<128x128xf32, #tpu.memory_space<hbm>>) target_semaphore(%arg24 : memref<!tpu.dma_semaphore, #tpu.memory_space<semaphore_mem>>)
    %mul3A_164 = arith.constant 640 : i32
    %mul3A_165 = arith.muli %arg1, %mul3A_164 : i32
    %add3A_166 = arith.constant 384 : i32
    %add3A_167 = arith.addi %mul3A_165, %add3A_166 : i32
    %mul3A_168 = arith.constant 640 : i32
    %mul3A_169 = arith.muli %arg1, %mul3A_168 : i32
    %add3A_170 = arith.constant 128 : i32
    %add3A_171 = arith.addi %mul3A_169, %add3A_170 : i32
    %dma_wait3A_172 = arith.constant 0 : i32
    %dma_wait3A_173 = tpu.memref_slice %arg8[%arg0, %add3A_171, %dma_wait3A_172] : memref<2x10240x128xf32, #tpu.memory_space<hbm>> -> memref<1x128x128xf32, #tpu.memory_space<hbm>>
    %dma_wait3A_174 = tpu.memref_squeeze %dma_wait3A_173 : memref<1x128x128xf32, #tpu.memory_space<hbm>> -> memref<128x128xf32, #tpu.memory_space<hbm>>
    %dma_wait3A_175 = arith.constant 0 : i32
    %dma_wait3A_176 = tpu.memref_slice %arg8[%arg0, %add3A_171, %dma_wait3A_175] : memref<2x10240x128xf32, #tpu.memory_space<hbm>> -> memref<1x128x128xf32, #tpu.memory_space<hbm>>
    %dma_wait3A_177 = tpu.memref_squeeze %dma_wait3A_176 : memref<1x128x128xf32, #tpu.memory_space<hbm>> -> memref<128x128xf32, #tpu.memory_space<hbm>>
    tpu.wait_dma2 semaphore(%arg25 : memref<!tpu.dma_semaphore, #tpu.memory_space<semaphore_mem>>) src(%arg22 : memref<128x128xf32, #tpu.memory_space<vmem>>) dst(%dma_wait3A_177 : memref<128x128xf32, #tpu.memory_space<hbm>>)
    "tpu.region"() ({
      %run_scoped3A_224 = tpu.sem_alloc : memref<!tpu.dma_semaphore, #tpu.memory_space<semaphore_mem>>
      %dma_start3A_225 = arith.constant 0 : i32
      %dma_start3A_226 = tpu.memref_slice %arg23[%add3A_167, %dma_start3A_225] : memref<10240x128xf32, #tpu.memory_space<vmem_shared>> -> memref<128x128xf32, #tpu.memory_space<vmem_shared>>
      %dma_start3A_227 = arith.constant 0 : i32
      %dma_start3A_228 = tpu.memref_slice %arg23[%add3A_167, %dma_start3A_227] : memref<10240x128xf32, #tpu.memory_space<vmem_shared>> -> memref<128x128xf32, #tpu.memory_space<vmem_shared>>
      tpu.enqueue_dma source(%dma_start3A_228 : memref<128x128xf32, #tpu.memory_space<vmem_shared>>) target(%arg22 : memref<128x128xf32, #tpu.memory_space<vmem>>) target_semaphore(%run_scoped3A_224 : memref<!tpu.dma_semaphore, #tpu.memory_space<semaphore_mem>>)
      %dma_wait3A_229 = arith.constant 0 : i32
      %dma_wait3A_230 = tpu.memref_slice %arg23[%add3A_167, %dma_wait3A_229] : memref<10240x128xf32, #tpu.memory_space<vmem_shared>> -> memref<128x128xf32, #tpu.memory_space<vmem_shared>>
      %dma_wait3A_231 = arith.constant 0 : i32
      %dma_wait3A_232 = tpu.memref_slice %arg23[%add3A_167, %dma_wait3A_231] : memref<10240x128xf32, #tpu.memory_space<vmem_shared>> -> memref<128x128xf32, #tpu.memory_space<vmem_shared>>
      tpu.wait_dma2 semaphore(%run_scoped3A_224 : memref<!tpu.dma_semaphore, #tpu.memory_space<semaphore_mem>>) src(%dma_wait3A_232 : memref<128x128xf32, #tpu.memory_space<vmem_shared>>) dst(%arg22 : memref<128x128xf32, #tpu.memory_space<vmem>>)
      tpu.yield
    }) : () -> ()
    %dma_start3A_178 = arith.constant 0 : i32
    %dma_start3A_179 = tpu.memref_slice %arg8[%arg0, %add3A_167, %dma_start3A_178] : memref<2x10240x128xf32, #tpu.memory_space<hbm>> -> memref<1x128x128xf32, #tpu.memory_space<hbm>>
    %dma_start3A_180 = tpu.memref_squeeze %dma_start3A_179 : memref<1x128x128xf32, #tpu.memory_space<hbm>> -> memref<128x128xf32, #tpu.memory_space<hbm>>
    %dma_start3A_181 = arith.constant 0 : i32
    %dma_start3A_182 = tpu.memref_slice %arg8[%arg0, %add3A_167, %dma_start3A_181] : memref<2x10240x128xf32, #tpu.memory_space<hbm>> -> memref<1x128x128xf32, #tpu.memory_space<hbm>>
    %dma_start3A_183 = tpu.memref_squeeze %dma_start3A_182 : memref<1x128x128xf32, #tpu.memory_space<hbm>> -> memref<128x128xf32, #tpu.memory_space<hbm>>
    tpu.enqueue_dma source(%arg22 : memref<128x128xf32, #tpu.memory_space<vmem>>) target(%dma_start3A_183 : memref<128x128xf32, #tpu.memory_space<hbm>>) target_semaphore(%arg25 : memref<!tpu.dma_semaphore, #tpu.memory_space<semaphore_mem>>)
    %mul3A_184 = arith.constant 640 : i32
    %mul3A_185 = arith.muli %arg1, %mul3A_184 : i32
    %add3A_186 = arith.constant 512 : i32
    %add3A_187 = arith.addi %mul3A_185, %add3A_186 : i32
    %mul3A_188 = arith.constant 640 : i32
    %mul3A_189 = arith.muli %arg1, %mul3A_188 : i32
    %add3A_190 = arith.constant 256 : i32
    %add3A_191 = arith.addi %mul3A_189, %add3A_190 : i32
    %dma_wait3A_192 = arith.constant 0 : i32
    %dma_wait3A_193 = tpu.memref_slice %arg8[%arg0, %add3A_191, %dma_wait3A_192] : memref<2x10240x128xf32, #tpu.memory_space<hbm>> -> memref<1x128x128xf32, #tpu.memory_space<hbm>>
    %dma_wait3A_194 = tpu.memref_squeeze %dma_wait3A_193 : memref<1x128x128xf32, #tpu.memory_space<hbm>> -> memref<128x128xf32, #tpu.memory_space<hbm>>
    %dma_wait3A_195 = arith.constant 0 : i32
    %dma_wait3A_196 = tpu.memref_slice %arg8[%arg0, %add3A_191, %dma_wait3A_195] : memref<2x10240x128xf32, #tpu.memory_space<hbm>> -> memref<1x128x128xf32, #tpu.memory_space<hbm>>
    %dma_wait3A_197 = tpu.memref_squeeze %dma_wait3A_196 : memref<1x128x128xf32, #tpu.memory_space<hbm>> -> memref<128x128xf32, #tpu.memory_space<hbm>>
    tpu.wait_dma2 semaphore(%arg24 : memref<!tpu.dma_semaphore, #tpu.memory_space<semaphore_mem>>) src(%arg21 : memref<128x128xf32, #tpu.memory_space<vmem>>) dst(%dma_wait3A_197 : memref<128x128xf32, #tpu.memory_space<hbm>>)
    "tpu.region"() ({
      %run_scoped3A_224 = tpu.sem_alloc : memref<!tpu.dma_semaphore, #tpu.memory_space<semaphore_mem>>
      %dma_start3A_225 = arith.constant 0 : i32
      %dma_start3A_226 = tpu.memref_slice %arg23[%add3A_187, %dma_start3A_225] : memref<10240x128xf32, #tpu.memory_space<vmem_shared>> -> memref<128x128xf32, #tpu.memory_space<vmem_shared>>
      %dma_start3A_227 = arith.constant 0 : i32
      %dma_start3A_228 = tpu.memref_slice %arg23[%add3A_187, %dma_start3A_227] : memref<10240x128xf32, #tpu.memory_space<vmem_shared>> -> memref<128x128xf32, #tpu.memory_space<vmem_shared>>
      tpu.enqueue_dma source(%dma_start3A_228 : memref<128x128xf32, #tpu.memory_space<vmem_shared>>) target(%arg21 : memref<128x128xf32, #tpu.memory_space<vmem>>) target_semaphore(%run_scoped3A_224 : memref<!tpu.dma_semaphore, #tpu.memory_space<semaphore_mem>>)
      %dma_wait3A_229 = arith.constant 0 : i32
      %dma_wait3A_230 = tpu.memref_slice %arg23[%add3A_187, %dma_wait3A_229] : memref<10240x128xf32, #tpu.memory_space<vmem_shared>> -> memref<128x128xf32, #tpu.memory_space<vmem_shared>>
      %dma_wait3A_231 = arith.constant 0 : i32
      %dma_wait3A_232 = tpu.memref_slice %arg23[%add3A_187, %dma_wait3A_231] : memref<10240x128xf32, #tpu.memory_space<vmem_shared>> -> memref<128x128xf32, #tpu.memory_space<vmem_shared>>
      tpu.wait_dma2 semaphore(%run_scoped3A_224 : memref<!tpu.dma_semaphore, #tpu.memory_space<semaphore_mem>>) src(%dma_wait3A_232 : memref<128x128xf32, #tpu.memory_space<vmem_shared>>) dst(%arg21 : memref<128x128xf32, #tpu.memory_space<vmem>>)
      tpu.yield
    }) : () -> ()
    %dma_start3A_198 = arith.constant 0 : i32
    %dma_start3A_199 = tpu.memref_slice %arg8[%arg0, %add3A_187, %dma_start3A_198] : memref<2x10240x128xf32, #tpu.memory_space<hbm>> -> memref<1x128x128xf32, #tpu.memory_space<hbm>>
    %dma_start3A_200 = tpu.memref_squeeze %dma_start3A_199 : memref<1x128x128xf32, #tpu.memory_space<hbm>> -> memref<128x128xf32, #tpu.memory_space<hbm>>
    %dma_start3A_201 = arith.constant 0 : i32
    %dma_start3A_202 = tpu.memref_slice %arg8[%arg0, %add3A_187, %dma_start3A_201] : memref<2x10240x128xf32, #tpu.memory_space<hbm>> -> memref<1x128x128xf32, #tpu.memory_space<hbm>>
    %dma_start3A_203 = tpu.memref_squeeze %dma_start3A_202 : memref<1x128x128xf32, #tpu.memory_space<hbm>> -> memref<128x128xf32, #tpu.memory_space<hbm>>
    tpu.enqueue_dma source(%arg21 : memref<128x128xf32, #tpu.memory_space<vmem>>) target(%dma_start3A_203 : memref<128x128xf32, #tpu.memory_space<hbm>>) target_semaphore(%arg24 : memref<!tpu.dma_semaphore, #tpu.memory_space<semaphore_mem>>)
    %mul3A_204 = arith.constant 640 : i32
    %mul3A_205 = arith.muli %arg1, %mul3A_204 : i32
    %add3A_206 = arith.constant 384 : i32
    %add3A_207 = arith.addi %mul3A_205, %add3A_206 : i32
    %dma_wait3A_208 = arith.constant 0 : i32
    %dma_wait3A_209 = tpu.memref_slice %arg8[%arg0, %add3A_207, %dma_wait3A_208] : memref<2x10240x128xf32, #tpu.memory_space<hbm>> -> memref<1x128x128xf32, #tpu.memory_space<hbm>>
    %dma_wait3A_210 = tpu.memref_squeeze %dma_wait3A_209 : memref<1x128x128xf32, #tpu.memory_space<hbm>> -> memref<128x128xf32, #tpu.memory_space<hbm>>
    %dma_wait3A_211 = arith.constant 0 : i32
    %dma_wait3A_212 = tpu.memref_slice %arg8[%arg0, %add3A_207, %dma_wait3A_211] : memref<2x10240x128xf32, #tpu.memory_space<hbm>> -> memref<1x128x128xf32, #tpu.memory_space<hbm>>
    %dma_wait3A_213 = tpu.memref_squeeze %dma_wait3A_212 : memref<1x128x128xf32, #tpu.memory_space<hbm>> -> memref<128x128xf32, #tpu.memory_space<hbm>>
    tpu.wait_dma2 semaphore(%arg25 : memref<!tpu.dma_semaphore, #tpu.memory_space<semaphore_mem>>) src(%arg22 : memref<128x128xf32, #tpu.memory_space<vmem>>) dst(%dma_wait3A_213 : memref<128x128xf32, #tpu.memory_space<hbm>>)
    %mul3A_214 = arith.constant 640 : i32
    %mul3A_215 = arith.muli %arg1, %mul3A_214 : i32
    %add3A_216 = arith.constant 512 : i32
    %add3A_217 = arith.addi %mul3A_215, %add3A_216 : i32
    %dma_wait3A_218 = arith.constant 0 : i32
    %dma_wait3A_219 = tpu.memref_slice %arg8[%arg0, %add3A_217, %dma_wait3A_218] : memref<2x10240x128xf32, #tpu.memory_space<hbm>> -> memref<1x128x128xf32, #tpu.memory_space<hbm>>
    %dma_wait3A_220 = tpu.memref_squeeze %dma_wait3A_219 : memref<1x128x128xf32, #tpu.memory_space<hbm>> -> memref<128x128xf32, #tpu.memory_space<hbm>>
    %dma_wait3A_221 = arith.constant 0 : i32
    %dma_wait3A_222 = tpu.memref_slice %arg8[%arg0, %add3A_217, %dma_wait3A_221] : memref<2x10240x128xf32, #tpu.memory_space<hbm>> -> memref<1x128x128xf32, #tpu.memory_space<hbm>>
    %dma_wait3A_223 = tpu.memref_squeeze %dma_wait3A_222 : memref<1x128x128xf32, #tpu.memory_space<hbm>> -> memref<128x128xf32, #tpu.memory_space<hbm>>
    tpu.wait_dma2 semaphore(%arg24 : memref<!tpu.dma_semaphore, #tpu.memory_space<semaphore_mem>>) src(%arg21 : memref<128x128xf32, #tpu.memory_space<vmem>>) dst(%dma_wait3A_223 : memref<128x128xf32, #tpu.memory_space<hbm>>)
    return
  }
}

module attributes {stable_mosaic.version = 14 : i64} {
  func.func @_sdprep_body(%arg0: memref<10000x128xf32, #tpu.memory_space<vmem>>, %arg1: memref<128x128xf32, #tpu.memory_space<vmem>>, %arg2: memref<2x128xf32, #tpu.memory_space<vmem>>, %arg3: memref<2x10240xf32, #tpu.memory_space<vmem>>) attributes {dimension_semantics = [], scalar_prefetch = 0 : i64, scratch_operands = 0 : i64, tpu.core_type = #tpu.core_type<tc>} {
    %get3A = arith.constant 0 : index
    %get3A_0 = arith.constant 0 : index
    %get3A_1 = vector.load %arg2[%get3A, %get3A_0] : memref<2x128xf32, #tpu.memory_space<vmem>>, vector<2x128xf32>
    %get3A_2 = arith.constant 0 : index
    %get3A_3 = arith.constant 0 : index
    %get3A_4 = vector.load %arg1[%get3A_2, %get3A_3] : memref<128x128xf32, #tpu.memory_space<vmem>>, vector<128x128xf32>
    %dot_general3A = arith.constant dense<0.000000e+00> : vector<2x128xf32>
    %dot_general3A_5 = tpu.matmul %get3A_1, %get3A_4, %dot_general3A {dimension_numbers = #tpu.dot_dimension_numbers<[1], [0], [0], [1], [0, 0, 1, 1], [], []>, transpose_lhs_hint = false} : vector<2x128xf32>, vector<128x128xf32>, vector<2x128xf32> -> vector<2x128xf32>
    %get3A_6 = arith.constant 0 : index
    %get3A_7 = arith.constant 0 : index
    %get3A_8 = vector.load %arg0[%get3A_6, %get3A_7] : memref<10000x128xf32, #tpu.memory_space<vmem>>, vector<10000x128xf32>
    %dot_general3A_9 = arith.constant dense<0.000000e+00> : vector<2x10000xf32>
    %dot_general3A_10 = tpu.matmul %dot_general3A_5, %get3A_8, %dot_general3A_9 {dimension_numbers = #tpu.dot_dimension_numbers<[1], [1], [0], [0], [0, 0, 1, 0], [], []>, transpose_lhs_hint = false} : vector<2x128xf32>, vector<10000x128xf32>, vector<2x10000xf32> -> vector<2x10000xf32>
    %broadcast_in_dim3A = arith.constant 0.000000e+00 : f32
    %broadcast_in_dim3A_11 = vector.broadcast %broadcast_in_dim3A : f32 to vector<2x240xf32>
    %concatenate3A = tpu.concatenate %dot_general3A_10, %broadcast_in_dim3A_11 in 1 : vector<2x10000xf32>, vector<2x240xf32> -> vector<2x10240xf32>
    %swap3A = arith.constant 0 : index
    %swap3A_12 = arith.constant 0 : index
    %swap3A_13 = vector.load %arg3[%swap3A, %swap3A_12] : memref<2x10240xf32, #tpu.memory_space<vmem>>, vector<2x10240xf32>
    tpu.vector_store %arg3[%swap3A, %swap3A_12], %concatenate3A {strides = array<i32>} : memref<2x10240xf32, #tpu.memory_space<vmem>>, vector<2x10240xf32>,
    return
  }
}

module attributes {stable_mosaic.version = 14 : i64} {
  func.func @_prep_body(%arg0: i32, %arg1: memref<1000x128xf32, #tpu.memory_space<vmem>>, %arg2: memref<128x128xf32, #tpu.memory_space<vmem>>, %arg3: memref<1000x128xf32, #tpu.memory_space<vmem>>) attributes {dimension_semantics = [#tpu.dimension_semantics<arbitrary>], iteration_bounds = array<i64: 10>, scalar_prefetch = 0 : i64, scratch_operands = 0 : i64, tpu.core_type = #tpu.core_type<tc>, window_params = [{transform_indices = @transform_0, window_bounds = array<i64: 1000, 128>}, {pipeline_mode = #tpu.pipeline_mode<synchronous>, transform_indices = @transform_1, window_bounds = array<i64: 128, 128>}, {transform_indices = @transform_2, window_bounds = array<i64: 1000, 128>}]} {
    %get3A = arith.constant 0 : index
    %get3A_0 = arith.constant 0 : index
    %get3A_1 = vector.load %arg1[%get3A, %get3A_0] : memref<1000x128xf32, #tpu.memory_space<vmem>>, vector<1000x128xf32>
    %get3A_2 = arith.constant 0 : index
    %get3A_3 = arith.constant 0 : index
    %get3A_4 = vector.load %arg2[%get3A_2, %get3A_3] : memref<128x128xf32, #tpu.memory_space<vmem>>, vector<128x128xf32>
    %dot_general3A = arith.constant dense<0.000000e+00> : vector<1000x128xf32>
    %dot_general3A_5 = tpu.matmul %get3A_1, %get3A_4, %dot_general3A {dimension_numbers = #tpu.dot_dimension_numbers<[1], [1], [0], [0], [0, 0, 1, 0], [], []>, transpose_lhs_hint = false} : vector<1000x128xf32>, vector<128x128xf32>, vector<1000x128xf32> -> vector<1000x128xf32>
    %swap3A = arith.constant 0 : index
    %swap3A_6 = arith.constant 0 : index
    %swap3A_7 = vector.load %arg3[%swap3A, %swap3A_6] : memref<1000x128xf32, #tpu.memory_space<vmem>>, vector<1000x128xf32>
    tpu.vector_store %arg3[%swap3A, %swap3A_6], %dot_general3A_5 {strides = array<i32>} : memref<1000x128xf32, #tpu.memory_space<vmem>>, vector<1000x128xf32>,
    return
  }
  func.func @transform_0(%arg0: i32) -> (i32, i32) {
    %c0_i32 = arith.constant 0 : i32
    %c0_i32_0 = arith.constant 0 : i32
    return %arg0, %c0_i32 : i32, i32
  }
  func.func @transform_1(%arg0: i32) -> (i32, i32) {
    %c0_i32 = arith.constant 0 : i32
    %c0_i32_0 = arith.constant 0 : i32
    %c0_i32_1 = arith.constant 0 : i32
    return %c0_i32, %c0_i32_0 : i32, i32
  }
  func.func @transform_2(%arg0: i32) -> (i32, i32) {
    %c0_i32 = arith.constant 0 : i32
    %c0_i32_0 = arith.constant 0 : i32
    return %arg0, %c0_i32 : i32, i32
  }
}

module attributes {stable_mosaic.version = 14 : i64} {
  func.func @_fin_body(%arg0: i32, %arg1: memref<2x1000x128xf32, #tpu.memory_space<vmem>>, %arg2: memref<1000x1xf32, #tpu.memory_space<vmem>>, %arg3: memref<1000x128xf32, #tpu.memory_space<vmem>>) attributes {dimension_semantics = [#tpu.dimension_semantics<arbitrary>], iteration_bounds = array<i64: 10>, scalar_prefetch = 0 : i64, scratch_operands = 0 : i64, tpu.core_type = #tpu.core_type<tc>, window_params = [{transform_indices = @transform_0, window_bounds = array<i64: 2, 1000, 128>}, {transform_indices = @transform_1, window_bounds = array<i64: 1000, 1>}, {transform_indices = @transform_2, window_bounds = array<i64: 1000, 128>}]} {
    %get3A = arith.constant 0 : index
    %get3A_0 = arith.constant 0 : index
    %get3A_1 = arith.constant 0 : index
    %get3A_2 = vector.load %arg1[%get3A, %get3A_0, %get3A_1] : memref<2x1000x128xf32, #tpu.memory_space<vmem>>, vector<1x1000x128xf32>
    %get3A_3 = vector.shape_cast %get3A_2 : vector<1x1000x128xf32> to vector<1000x128xf32>
    %get3A_4 = arith.constant 1 : index
    %get3A_5 = arith.constant 0 : index
    %get3A_6 = arith.constant 0 : index
    %get3A_7 = vector.load %arg1[%get3A_4, %get3A_5, %get3A_6] : memref<2x1000x128xf32, #tpu.memory_space<vmem>>, vector<1x1000x128xf32>
    %get3A_8 = vector.shape_cast %get3A_7 : vector<1x1000x128xf32> to vector<1000x128xf32>
    %add3A = arith.addf %get3A_3, %get3A_8 : vector<1000x128xf32>
    %get3A_9 = arith.constant 0 : index
    %get3A_10 = arith.constant 0 : index
    %get3A_11 = vector.load %arg2[%get3A_9, %get3A_10] : memref<1000x1xf32, #tpu.memory_space<vmem>>, vector<1000x1xf32>
    %add3A_12 = arith.constant 9.99999971E-10 : f32
    %add3A_13 = vector.broadcast %add3A_12 : f32 to vector<1000x1xf32>
    %add3A_14 = arith.addf %get3A_11, %add3A_13 : vector<1000x1xf32>
    %div3A = vector.broadcast %add3A_14 : vector<1000x1xf32> to vector<1000x128xf32>
    %div3A_15 = arith.divf %add3A, %div3A : vector<1000x128xf32>
    %gt3A = arith.constant 0.000000e+00 : f32
    %gt3A_16 = vector.broadcast %gt3A : f32 to vector<1000x128xf32>
    %gt3A_17 = arith.cmpf ogt, %div3A_15, %gt3A_16 : vector<1000x128xf32>
    %exp3A = math.exp %div3A_15 : vector<1000x128xf32>
    %sub3A = arith.constant 1.000000e+00 : f32
    %sub3A_18 = vector.broadcast %sub3A : f32 to vector<1000x128xf32>
    %sub3A_19 = arith.subf %exp3A, %sub3A_18 : vector<1000x128xf32>
    %select_n3A = arith.select %gt3A_17, %div3A_15, %sub3A_19 : vector<1000x128xi1>, vector<1000x128xf32>
    %swap3A = arith.constant 0 : index
    %swap3A_20 = arith.constant 0 : index
    %swap3A_21 = vector.load %arg3[%swap3A, %swap3A_20] : memref<1000x128xf32, #tpu.memory_space<vmem>>, vector<1000x128xf32>
    tpu.vector_store %arg3[%swap3A, %swap3A_20], %select_n3A {strides = array<i32>} : memref<1000x128xf32, #tpu.memory_space<vmem>>, vector<1000x128xf32>,
    return
  }
  func.func @transform_0(%arg0: i32) -> (i32, i32, i32) {
    %c0_i32 = arith.constant 0 : i32
    %c0_i32_0 = arith.constant 0 : i32
    %c0_i32_1 = arith.constant 0 : i32
    return %c0_i32, %arg0, %c0_i32_0 : i32, i32, i32
  }
  func.func @transform_1(%arg0: i32) -> (i32, i32) {
    %c0_i32 = arith.constant 0 : i32
    %c0_i32_0 = arith.constant 0 : i32
    return %arg0, %c0_i32 : i32, i32
  }
  func.func @transform_2(%arg0: i32) -> (i32, i32) {
    %c0_i32 = arith.constant 0 : i32
    %c0_i32_0 = arith.constant 0 : i32
    return %arg0, %c0_i32 : i32, i32
  }
}

</mosaic_0001>

<sc_bundles>
// kernel: kernel.10.cloned.1.call-start
scs
__scs_entry_jumppad:
0x0: {  	(pc) =	sbr.rel $0x88, $3  }
0x1: {  	(tag) =	ssettag $0x0;
	lr =	simm.s32 $0x1  }
0x2: {  	[smem:$0x3F9D] =	sst lr;
	_ =	strace $0xD0000000  }
0x3: {  	_ = 	snop  }
0x4: {  	_ = 	snop  }
0x5: {  	_ = 	snop  }
0x6: {  	_ = 	snop  }
0x7: {  	_ = 	snop  }
__scs_overlays_trampoline_lowered:
0x8: {  	[smem:$0x3FAC] =	sst s0  }
0x9: {  	[smem:$0x3FAD] =	sst s1  }
0xa: {  	[smem:$0x3FAE] =	sst s2  }
0xb: {  	[smem:$0x3FAF] =	sst s3  }
0xc: {  	[smem:$0x3FB0] =	sst s4  }
0xd: {  	[smem:$0x3FB1] =	sst s5  }
0xe: {  	[smem:$0x3FB2] =	sst s6  }
0xf: {  	[smem:$0x3FB3] =	sst s7  }
0x10: {  	[smem:$0x3FB4] =	sst s8  }
0x11: {  	[smem:$0x3FB5] =	sst s9;
	s0 =	simm.s32 @!p0 $0x0  }
0x12: {  	s1 =	sld [smem:$0x3F9B];
	s0 =	simm.s32 @p0 $0x1  }
0x13: {  	[smem:$0x3FB6] =	sst s0;
	s0 =	simm.s32 @!p1 $0x0  }
0x14: {  	s2 =	sld [smem:$0x3F9A];
	s0 =	simm.s32 @p1 $0x1  }
0x15: {  	[smem:$0x3FB7] =	sst s0;
	s0 =	simm.s32 @!p2 $0x0  }
0x16: {  	s3 =	sld [smem:$0x3FDB];
	s0 =	simm.s32 @p2 $0x1  }
0x17: {  	s4 =	simm.s32 $0x1BF5;
	[smem:$0x3FB9] =	sst s0  }
0x18: {  	s0 =	sld [smem:$0x3F9C];
	_ =	swait.ge [sflag:s4], $0x0  }
0x19: {  	s7 =	sld [smem:$0x3F9D]  }
0x1a: {  	s8 =	sadd.s32 $0xFFFFE003, lr  }
0x1b: {  	s9 =	sadd.s32 $0xFFFFFEF7, lr;
	s5 =	simm.s32 $0xFFFFFFFF;
	p2 =	slt.u32 s8, $0xFFFFF086  }
0x1c: {  	p1 =	slt.u32 s9, $0xF7A;
	s5 =	simm.s32 @!p2 $0x0  }
0x1d: {  	s5 =	simm.s32 @p1 $0x1;
	p0 =	seq.s32 s7, s2  }
0x1e: {  	s7 =	smul.u32 @!p0 $0xF7A, s2;
	p2 =	seq.s32 @!p0 s5, $0x0  }
0x1f: {  	s9 =	smul.u32 $0xF7A, s1;
	s8 =	simm.s32 @!p0 $0x1BF5;
	p2 =	por !p2, p0  }
0x20: {  	[sflag:s8] =	ssyncset.s32 @!p0 $0xFFFFF086;
	s6 =	sadd.s32 @!p0 s3, s7;
	s7 =	simm.s32 @!p0 $0x108  }
0x21: {  	s3 =	sadd.s32 s3, s9;
	s6 =	sadd.s32 @!p0 $0x88, s6;
	s7 =	simm.s32 @p2 $0x1082  }
0x22: {  	[simem:s7], [sflag:s8] =	dma.local @!p0 [hbm:s6], $0xF7A  }
0x23: {  	s9 =	sor.u32 $0xD0000000, s2;
	s6 =	simm.s32 $0x108;
	_ =	swait.ge @!p0 [sflag:s8], $0x0  }
0x24: {  	s3 =	sadd.s32 $0x88, s3;
	s6 =	simm.s32 @!p1 $0x1082;
	[sflag:s4] =	ssyncset.s32 $0xFFFFF086  }
0x25: {  	[simem:s6], [sflag:s4] =	dma.local [hbm:s3], $0xF7A  }
0x26: {  	[smem:$0x3F9D] =	sst s1;
	(tag) =	ssettag s2;
	_ =	strace s9  }
0x27: {  	s1 =	sld [smem:$0x3FAD]  }
0x28: {  	s2 =	sld [smem:$0x3FAE]  }
0x29: {  	s4 =	sld [smem:$0x3FB0]  }
0x2a: {  	p0 =	seq.s32 s5, $0x0;
	s5 =	sld [smem:$0x3FB1]  }
0x2b: {  	s6 =	sld [smem:$0x3FB2]  }
0x2c: {  	s7 =	sld [smem:$0x3FB3]  }
0x2d: {  	s3 =	simm.s32 $0x108;
	s8 =	sld [smem:$0x3FB4]  }
0x2e: {  	s3 =	simm.s32 @!p0 $0x1082;
	s9 =	sld [smem:$0x3FB5]  }
0x2f: {  	lr =	sadd.s32 s0, s3;
	s0 =	sld [smem:$0x3FAC]  }
0x30: {  	s3 =	sld [smem:$0x3FAF]  }
0x31: {  	[smem:$0x3FB8] =	sst s10  }
0x32: {  	s10 =	sld [smem:$0x3FB6];
	_ =	sdelay $0x3  }
0x33: {  	p0 =	seq.s32 s10, $0x1;
	s10 =	sld [smem:$0x3FB8];
	_ =	sdelay $0x3  }
0x34: {  	[smem:$0x3FB8] =	sst s10  }
0x35: {  	s10 =	sld [smem:$0x3FB7];
	_ =	sdelay $0x3  }
0x36: {  	p1 =	seq.s32 s10, $0x1;
	s10 =	sld [smem:$0x3FB8];
	_ =	sdelay $0x3  }
0x37: {  	[smem:$0x3FB8] =	sst s10  }
0x38: {  	s10 =	sld [smem:$0x3FB9]  }
0x39: {  	_ = 	snop;
	(pc) =	sbr.ind lr, $3  }
0x3a: {  	_ = 	snop  }
0x3b: {  	_ = 	snop  }
0x3c: {  	p2 =	seq.s32 s10, $0x1;
	s10 =	sld [smem:$0x3FB8]  }
0x3d: {  	_ =	shalt  }
0x3e: {  	_ =	shalt  }
0x3f: {  	_ =	shalt  }
0x40: {  	_ =	shalt  }
0x41: {  	_ =	shalt  }
0x42: {  	_ =	shalt  }
0x43: {  	_ =	shalt  }
0x44: {  	_ =	shalt  }
0x45: {  	_ =	shalt  }
0x46: {  	_ =	shalt  }
0x47: {  	_ =	shalt  }
0x48: {  	_ =	shalt  }
0x49: {  	_ =	shalt  }
0x4a: {  	_ =	shalt  }
0x4b: {  	_ =	shalt  }
0x4c: {  	_ =	shalt  }
0x4d: {  	_ =	shalt  }
0x4e: {  	_ =	shalt  }
0x4f: {  	_ =	shalt  }
0x50: {  	_ =	shalt  }
0x51: {  	_ =	shalt  }
0x52: {  	_ =	shalt  }
0x53: {  	_ =	shalt  }
0x54: {  	_ =	shalt  }
0x55: {  	_ =	shalt  }
0x56: {  	_ =	shalt  }
0x57: {  	_ =	shalt  }
0x58: {  	_ =	shalt  }
0x59: {  	_ =	shalt  }
0x5a: {  	_ =	shalt  }
0x5b: {  	_ =	shalt  }
0x5c: {  	_ =	shalt  }
0x5d: {  	_ =	shalt  }
0x5e: {  	_ =	shalt  }
0x5f: {  	_ =	shalt  }
0x60: {  	_ =	shalt  }
0x61: {  	_ =	shalt  }
0x62: {  	_ =	shalt  }
0x63: {  	_ =	shalt  }
0x64: {  	_ =	shalt  }
0x65: {  	_ =	shalt  }
0x66: {  	_ =	shalt  }
0x67: {  	_ =	shalt  }
0x68: {  	_ =	shalt  }
0x69: {  	_ =	shalt  }
0x6a: {  	_ =	shalt  }
0x6b: {  	_ =	shalt  }
0x6c: {  	_ =	shalt  }
0x6d: {  	_ =	shalt  }
0x6e: {  	_ =	shalt  }
0x6f: {  	_ =	shalt  }
0x70: {  	_ =	shalt  }
0x71: {  	_ =	shalt  }
0x72: {  	_ =	shalt  }
0x73: {  	_ =	shalt  }
0x74: {  	_ =	shalt  }
0x75: {  	_ =	shalt  }
0x76: {  	_ =	shalt  }
0x77: {  	_ =	shalt  }
0x78: {  	_ =	shalt  }
0x79: {  	_ =	shalt  }
0x7a: {  	_ =	shalt  }
0x7b: {  	_ =	shalt  }
0x7c: {  	_ =	shalt  }
0x7d: {  	_ =	shalt  }
0x7e: {  	_ =	shalt  }
0x7f: {  	_ =	shalt  }
0x80: {  	_ =	shalt  }
0x81: {  	_ =	shalt  }
0x82: {  	_ =	shalt  }
0x83: {  	_ =	shalt  }
0x84: {  	_ =	shalt  }
0x85: {  	_ =	shalt  }
0x86: {  	_ =	shalt  }
0x87: {  	_ =	shalt  }
.Lfunc_end0:
.L_simem_size_0:
called_computation.1_lowered:
.L_overlay_start_0:
0x88: {  	s2 =	sld [smem:$0x3FD9]  }
0x89: {  	s3 =	sld [smem:$0x3FFE];
	_ =	sdelay $0x1  }
0x8a: {  	s1 =	srdreg.scid  }
0x8b: {  	s0 =	sand.u32 $0x1, s1  }
0x8c: {  	s14 =	sshll.u32 s0, $0xA;
	s2 =	sadd.s32 s3, s2  }
0x8d: {  	s2 =	sadd.s32 s2, s14  }
0x8e: {  	[smem:$0x3FC4] =	sst s2  }
0x8f: {  	_ = 	snop  }
0x90: {  	s2 =	sld [smem:$0x3FD0];
	_ =	sdelay $0x2  }
0x91: {  	s15 =	simm.s32 $0xA;
	s4 =	simm.s32 $0x10  }
0x92: {  	[smem:s4], [sflag:s15] =	dma.local [hbm:s2], $0x1  }
0x93: {  	_ =	swait.eq [sflag:s15], $0x1  }
0x94: {  	[sflag:s15] =	ssyncset.done $0x0  }
0x95: {  	[sflag:s15] =	ssyncadd.s32 $0xFFFFFFFF  }
0x96: {  	s16 =	sld [smem:$0x10];
	(tm) =	ssettm $0x1  }
0x97: {  	s17 =	sld [smem:$0x3FFB];
	_ =	sdelay $0x3  }
0x98: {  	_ =	strace s17  }
0x99: {  	s3 =	sld [smem:$0x3FFC];
	_ =	sdelay $0x3  }
0x9a: {  	_ =	strace s3  }
0x9b: {  	s3 =	sld [smem:$0x3FFD];
	_ =	sdelay $0x3  }
0x9c: {  	_ =	strace s3  }
0x9d: {  	_ =	strace $0x8FFFFFFF  }
0x9e: {  	s18 =	sld [smem:$0x3FDB];
	_ =	sdelay $0x1  }
0x9f: {  	s19 =	simm.s32 $_scs_section_size  }
0xa0: {  	s5 =	simm.s32 $_size__tile_overlayer_lowered;
	s6 =	simm.s32 $_tile_overlayer_lowered  }
0xa1: {  	s22 =	simm.s32 $0x1BFF;
	s21 =	sshll.u32 s6, $0x1;
	s3 =	sadd.s32 s19, s18  }
0xa2: {  	s7 =	simm.s32 $0x0;
	s20 =	sshll.u32 s5, $0x1;
	s5 =	sadd.s32 s21, s3  }
0xa3: {  	[timem:s7], [sflag:s22] =	dma.local [hbm:s5], s20  }
0xa4: {  	_ =	swait.ge [sflag:s22], s20  }
0xa5: {  	s4 =	ssub.s32 $0x0, s20;
	[sflag:s22] =	ssyncset.done $0x0  }
0xa6: {  	[sflag:s22] =	ssyncadd.s32 s4;
	_ =	sdelay $0x1  }
0xa7: {  	s23 =	simm.s32 $0x1B8B  }
0xa8: {  	_ =	swait.ge [sflag:s23], $0x1  }
0xa9: {  	[sflag:s23] =	ssyncset.done $0x0  }
0xaa: {  	s25 =	simm.s32 $0x1B8E;
	s24 =	sld [smem:$0x3FFE];
	[sflag:s23] =	ssyncadd.s32 $0xFFFFFFFF  }
0xab: {  	s26 =	simm.s32 $execute0_lowered;
	[smem:$0x3FD2] =	sst s25  }
0xac: {  	s5 =	sshll.u32 s26, $0x1;
	_ =	strace $0x80000049;
	[dreg:$0x1] =	wrdreg $0xFFFFFFFF  }
0xad: {  	s28 =	simm.s32 $_size_execute0_lowered;
	s3 =	sadd.s32 s3, s5;
	[dreg:$0x0] =	wrdreg $0x0  }
0xae: {  	s5 =	sshll.u32 s28, $0x1;
	[dreg:$0x2] =	wrdreg s3  }
0xaf: {  	[dreg:$0x3] =	wrdreg s5  }
0xb0: {  	[dreg:$0x4] =	wrdreg $0xC0  }
0xb1: {  	_ =	task [dreg:s7], $0x5FFFF  }
0xb2: {  	[dreg:$0x1] =	wrdreg $0xFFFFFFFF  }
0xb3: {  	[dreg:$0x0] =	wrdreg $0x60  }
0xb4: {  	[dreg:$0x2] =	wrdreg s24  }
0xb5: {  	[dreg:$0x3] =	wrdreg s16  }
0xb6: {  	[dreg:$0x4] =	wrdreg $0xB2000  }
0xb7: {  	[dreg:$0x5] =	wrdreg $0x9  }
0xb8: {  	_ =	task.clear_ibuf [dreg:s7], $0x6FFFF;
	_ =	strace $0x90000049  }
0xb9: {  	s29 =	simm.s32 $0x9;
	_ =	strace $0x8000004B  }
0xba: {  	_ =	swait.ge [sflag:s29], $0x1  }
0xbb: {  	[sflag:s29] =	ssyncadd.s32 $0xFFFFFFFF  }
0xbc: {  	_ =	strace $0x9000004B  }
0xbd: {  	_ =	sfence  }
0xbe: {  	s30 =	sld [smem:$0x0];
	_ =	sdelay $0x2  }
0xbf: {  	s31 =	sshll.u32 s1, $0xD;
	s1 =	sshrl.u32 s1, $0x2  }
0xc0: {  	s3 =	sand.u32 $0x4000, s31;
	s1 =	sadd.s32 s1, s30  }
0xc1: {  	s0 =	sor.u32 s3, s0;
	s1 =	sshll.u32 s1, $0x11  }
0xc2: {  	s0 =	sor.u32 s1, s0  }
0xc3: {  	s0 =	sadd.s32 $0x8F2B, s0  }
0xc4: {  	[sflag:s0] =	ssyncadd.remote.s32 $0x1  }
0xc5: {  	_ =	sfence.sel $0xFFFF  }
0xc6: {  	[dreg:$0x0] =	wrdreg $0xFFFFFFFF;
	(pc) =	sbr.abs _section_cstart, $3  }
0xc7: {  	[dreg:$0x1] =	wrdreg $0xFFFFFFFF  }
0xc8: {  	_ =	task.clear_ibuf [dreg:s7], $0x2FFFF;
	_ =	strace $0x9FFFFFFF  }
0xc9: {  	(tm) =	ssettm $0x7FFFFFFF  }
tec
execute0_lowered:
.L_overlay_start_1:
0x0: {  	(tag) =	ssettag $0x1  }
0x1: {  	s0 =	rddreg [dreg:$0x0]  }
0x2: {  	s1 =	rddreg [dreg:$0x1]  }
0x3: {  	s2 =	rddreg [dreg:$0x2];
	s3 =	simm.s32 $0x0  }
0x4: {  	s7 =	srdreg.scid;
	s18 =	stileid.u32;
	s30 =	simm.s32 $0x200  }
0x5: {  	s31 =	simm.s32 $0x480;
	[smem:$0x7FF] =	sst s3;
	s4 =	sadd.s32 $0x1800, s0  }
0x6: {  	s5 =	sadd.s32 $0xB800, s0;
	s6 =	sadd.s32 $0x15800, s0;
	s8 =	sadd.s32 $0x1F800, s0  }
0x7: {  	s9 =	sadd.s32 $0x20200, s0;
	s7 =	sand.u32 $0x1, s7;
	s29 =	sadd.s32 $0x2A200, s0  }
0x8: {  	s15 =	sadd.s32 $0x1F810, s0;
	_ =	strace $0x8000004A;
	[dreg:$0x4] =	wrdreg s8  }
0x9: {  	s13 =	smul.u32 $0x14000, s18;
	s16 =	sadd.s32 $0x1F950, s0;
	[dreg:$0x5] =	wrdreg s15  }
0xa: {  	s17 =	sadd.s32 $0x1FA90, s0;
	s23 =	sadd.s32 $0x1FBD0, s0;
	[dreg:$0x6] =	wrdreg s16  }
0xb: {  	s24 =	smul.u32 $0x50000, s18;
	s25 =	sadd.s32 $0x1FD10, s0;
	[dreg:$0x7] =	wrdreg s17  }
0xc: {  	s26 =	sadd.s32 $0x1FE50, s0;
	s10 =	ssub.s32 $0x2, s7;
	[dreg:$0xd] =	wrdreg s23  }
0xd: {  	s12 =	sshll.u32 s7, $0x4;
	s7 =	smul.u32 $0x140000, s7;
	[dreg:$0xe] =	wrdreg s25  }
0xe: {  	[dreg:$0xf] =	wrdreg s26;
	s11 =	sshrl.u32 s10, $0x1;
	s14 =	sadd.s32 $0x8000, s13  }
0xf: {  	s16 =	sadd.s32 $0xC000, s13;
	s8 =	sshrl.u32 s24, $0x2;
	s10 =	ssub.s32 s10, s11  }
0x10: {  	s11 =	sor.u32 s18, s12;
	s12 =	sadd.s32 $0x4000, s13;
	s15 =	sadd.s32 s13, s7  }
0x11: {  	s13 =	sadd.s32 $0x10000, s13;
	s20 =	sadd.s32 s7, s14;
	s21 =	sadd.s32 s7, s16  }
0x12: {  	s24 =	sadd.s32 s8, s2;
	s26 =	sadd.s32 s14, s2;
	s28 =	sadd.s32 s16, s2  }
0x13: {  	s14 =	simm.s32 $0x500;
	s8 =	simm.s32 $0x7200;
	s15 =	sshrl.u32 s15, $0x3  }
0x14: {  	s17 =	sadd.s32 s7, s12;
	s7 =	sadd.s32 s7, s13;
	[dreg:$0x12] =	wrdreg s24  }
0x15: {  	s23 =	smul.u32 $0x2800, s11;
	s25 =	sadd.s32 s12, s2;
	[dreg:$0x14] =	wrdreg s26  }
0x16: {  	s12 =	simm.s32 $0x80;
	s11 =	simm.s32 $0x8;
	[dreg:$0x15] =	wrdreg s28  }
0x17: {  	s15 =	sadd.s32 s29, s15;
	s19 =	sshrl.u32 s17, $0x3;
	[dreg:$0x13] =	wrdreg s25  }
0x18: {  	s17 =	sshrl.u32 s21, $0x3;
	[dreg:$0x8] =	wrdreg s15;
	s15 =	sadd.s32 s29, s19  }
0x19: {  	s7 =	sshrl.u32 s7, $0x3;
	s22 =	sadd.s32 s29, s17;
	[dreg:$0x9] =	wrdreg s15  }
0x1a: {  	s7 =	sadd.s32 s29, s7;
	s16 =	sshrl.u32 s23, $0x3;
	[dreg:$0xb] =	wrdreg s22  }
0x1b: {  	s15 =	sshrl.u32 s20, $0x3;
	[dreg:$0xc] =	wrdreg s7;
	s17 =	sadd.s32 s4, s16  }
0x1c: {  	s18 =	sadd.s32 s5, s16;
	s19 =	sor.u32 $0x10, s16;
	[dreg:$0x17] =	wrdreg s17  }
0x1d: {  	s7 =	simm.s32 $0x280;
	s15 =	sadd.s32 s29, s15;
	[dreg:$0x18] =	wrdreg s18  }
0x1e: {  	s29 =	sadd.s32 $0x1FF90, s0;
	s0 =	sadd.s32 $0x200D0, s0;
	[dreg:$0xa] =	wrdreg s15  }
0x1f: {  	s20 =	sadd.s32 s4, s19;
	s21 =	sadd.s32 s5, s19;
	[dreg:$0x10] =	wrdreg s29  }
0x20: {  	s22 =	sadd.s32 s6, s19;
	s17 =	simm.s32 $0x300;
	[dreg:$0x11] =	wrdreg s0  }
0x21: {  	s19 =	simm.s32 $0x380;
	s15 =	sadd.s32 s13, s2;
	[dreg:$0x1a] =	wrdreg s20  }
.Ltmp0:
0x22: {  	s0 =	sadd.s32 s6, s16;
	[dreg:$0x1b] =	wrdreg s21;
	(pc) =	sbr.rel .LBB2_1-.Ltmp0, $4  }
0x23: {  	[dreg:$0x1c] =	wrdreg s22;
	s29 =	smax.u32 s10, $0x1;
	s16 =	simm.s32 $0x3200  }
0x24: {  	s20 =	simm.s32 $0x4;
	s21 =	simm.s32 $0x400;
	[dreg:$0x16] =	wrdreg s15  }
0x25: {  	s22 =	simm.s32 $0x1;
	s13 =	simm.s32 $0x0;
	[dreg:$0x19] =	wrdreg s0  }
0x26: {  	v0 =	vimm.f32 $0.0e+00;
	[dreg:$0x1d] =	wrdreg s29;
	s15 =	simm.s32 $0x9;
	s0 =	simm.s32 $0x2  }
.LBB2_26:
0x27: {  	s10 =	simm.s32 $0x5  }
0x28: {  	_ =	swait.ge [sflag:s10], $0x4000  }
0x29: {  	[sflag:s10] =	ssyncset.done $0x0  }
0x2a: {  	s25 =	simm.s32 $0x6;
	[sflag:s10] =	ssyncadd.s32 $0xFFFFC000  }
0x2b: {  	_ =	swait.ge [sflag:s25], $0x4000  }
0x2c: {  	[sflag:s25] =	ssyncset.done $0x0  }
0x2d: {  	s26 =	simm.s32 $0x7;
	[sflag:s25] =	ssyncadd.s32 $0xFFFFC000  }
0x2e: {  	_ =	swait.ge [sflag:s26], $0x80  }
0x2f: {  	[sflag:s26] =	ssyncset.done $0x0  }
0x30: {  	[sflag:s26] =	ssyncadd.s32 $0xFFFFFF80  }
0x31: {  	_ =	swait.ge [sflag:s11], $0x80  }
0x32: {  	[sflag:s11] =	ssyncset.done $0x0  }
0x33: {  	[sflag:s11] =	ssyncadd.s32 $0xFFFFFF80  }
0x34: {  	[bflag:$0x0] =	sbarrier.arrive $0xFFFF  }
0x35: {  	s24 =	rddreg [dreg:$0x12]  }
0x36: {  	[tilespmem:s16], [sflag:$0x9] =	stream.linear.gather [spmem:s24], $0x4000, $0x38;
	[tilespmem:$0x1F200] =	vst v63  }
0x37: {  	_ =	swait.ge [sflag:s15], $0x4000  }
0x38: {  	[sflag:s15] =	ssyncset.done $0x0  }
0x39: {  	s29 =	rddreg [dreg:$0x8];
	[sflag:s15] =	ssyncadd.s32 $0xFFFFC000  }
0x3a: {  	[hbm4b:s29+s3] =	stream.linear.scatter [tilespmem:s16], [sflag:$0x1], $0x4000, $0x38;
	[tilespmem:$0x1F200] =	vst v63  }
0x3b: {  	s25 =	rddreg [dreg:$0x13]  }
0x3c: {  	[tilespmem:s8], [sflag:$0x9] =	stream.linear.gather [spmem:s25], $0x4000, $0x38;
	[tilespmem:$0x1F200] =	vst v63  }
0x3d: {  	_ =	swait.ge [sflag:s15], $0x4000  }
0x3e: {  	[sflag:s15] =	ssyncset.done $0x0  }
0x3f: {  	s13 =	rddreg [dreg:$0x9];
	[sflag:s15] =	ssyncadd.s32 $0xFFFFC000  }
0x40: {  	[hbm4b:s13+s3] =	stream.linear.scatter [tilespmem:s8], [sflag:$0x2], $0x4000, $0x38;
	[tilespmem:$0x1F200] =	vst v63  }
0x41: {  	_ =	swait.ge [sflag:s22], $0x4000  }
0x42: {  	[sflag:s22] =	ssyncset.done $0x0  }
0x43: {  	s26 =	rddreg [dreg:$0x14];
	[sflag:s22] =	ssyncadd.s32 $0xFFFFC000  }
0x44: {  	[tilespmem:s16], [sflag:$0x9] =	stream.linear.gather [spmem:s26], $0x4000, $0x38;
	[tilespmem:$0x1F200] =	vst v63  }
0x45: {  	_ =	swait.ge [sflag:s15], $0x4000  }
0x46: {  	[sflag:s15] =	ssyncset.done $0x0  }
0x47: {  	s18 =	rddreg [dreg:$0xa];
	[sflag:s15] =	ssyncadd.s32 $0xFFFFC000  }
0x48: {  	[hbm4b:s18+s3] =	stream.linear.scatter [tilespmem:s16], [sflag:$0x1], $0x4000, $0x38;
	[tilespmem:$0x1F200] =	vst v63  }
0x49: {  	_ =	swait.ge [sflag:s0], $0x4000  }
0x4a: {  	[sflag:s0] =	ssyncset.done $0x0  }
0x4b: {  	s28 =	rddreg [dreg:$0x15];
	[sflag:s0] =	ssyncadd.s32 $0xFFFFC000  }
0x4c: {  	[tilespmem:s8], [sflag:$0x9] =	stream.linear.gather [spmem:s28], $0x4000, $0x38;
	[tilespmem:$0x1F200] =	vst v63  }
0x4d: {  	_ =	swait.ge [sflag:s15], $0x4000  }
0x4e: {  	[sflag:s15] =	ssyncset.done $0x0  }
0x4f: {  	s29 =	rddreg [dreg:$0xb];
	[sflag:s15] =	ssyncadd.s32 $0xFFFFC000  }
0x50: {  	[hbm4b:s29+s3] =	stream.linear.scatter [tilespmem:s8], [sflag:$0x2], $0x4000, $0x38;
	[tilespmem:$0x1F200] =	vst v63  }
0x51: {  	_ =	swait.ge [sflag:s22], $0x4000  }
0x52: {  	[sflag:s22] =	ssyncset.done $0x0  }
0x53: {  	s13 =	rddreg [dreg:$0x16];
	[sflag:s22] =	ssyncadd.s32 $0xFFFFC000  }
0x54: {  	[tilespmem:s16], [sflag:$0x9] =	stream.linear.gather [spmem:s13], $0x4000, $0x38;
	[tilespmem:$0x1F200] =	vst v63  }
0x55: {  	_ =	swait.ge [sflag:s15], $0x4000  }
0x56: {  	[sflag:s15] =	ssyncset.done $0x0  }
0x57: {  	s18 =	rddreg [dreg:$0xc];
	[sflag:s15] =	ssyncadd.s32 $0xFFFFC000  }
0x58: {  	[hbm4b:s18+s3] =	stream.linear.scatter [tilespmem:s16], [sflag:$0x1], $0x4000, $0x38;
	[tilespmem:$0x1F200] =	vst v63  }
0x59: {  	_ =	swait.ge [sflag:s0], $0x4000  }
0x5a: {  	[sflag:s0] =	ssyncset.done $0x0  }
0x5b: {  	[sflag:s0] =	ssyncadd.s32 $0xFFFFC000  }
0x5c: {  	_ =	swait.ge [sflag:s22], $0x4000  }
0x5d: {  	s13 =	rddreg [dreg:$0x1e]  }
0x5e: {  	s29 =	rddreg [dreg:$0x1d];
	s13 =	sadd.s32 $0x1, s13  }
0x5f: {  	p0 =	sne.s32 s13, s29  }
.Ltmp1:
0x60: {  	_ = 	snop;
	(pc) =	sbr.rel @!p0 .LBB2_27-.Ltmp1, $3  }
0x61: {  	_ =	sdelay $0x1  }
0x62: {  	[sflag:s22] =	ssyncset.done $0x0  }
0x63: {  	[sflag:s22] =	ssyncadd.s32 $0xFFFFC000  }
.LBB2_1:
0x64: {  	[dreg:$0x1e] =	wrdreg s13  }
0x65: {  	s10 =	rddreg [dreg:$0x4];
	s13 =	simm.s32 $0x100  }
0x66: {  	[tilespmem:s14], [sflag:$0x9] =	stream.strided.gather [hbm4b:s10+s12], $0x2800, s13, s12, $0x38;
	[tilespmem:$0x1F200] =	vst v63  }
0x67: {  	_ =	swait.ge [sflag:s15], $0x2800  }
0x68: {  	[sflag:s15] =	ssyncset.done $0x0  }
0x69: {  	s18 =	simm.s32 $0x2D00;
	s10 =	rddreg [dreg:$0x5];
	[sflag:s15] =	ssyncadd.s32 $0xFFFFD800  }
0x6a: {  	[tilespmem:s18], [sflag:$0x9] =	stream.strided.gather [hbm4b:s10+s12], $0x500, s13, s12, $0x38;
	[tilespmem:$0x1F200] =	vst v63  }
0x6b: {  	_ =	swait.ge [sflag:s15], $0x500  }
0x6c: {  	[sflag:s15] =	ssyncset.done $0x0  }
0x6d: {  	s10 =	simm.s32 $0x0;
	[sflag:s15] =	ssyncadd.s32 $0xFFFFFB00  }
0x6e: {  	s29 =	simm.s32 $0x100;
	s13 =	simm.s32 $0x40;
	v1 =	vld [tilespmem:s10+$0x2D00]  }
.LBB2_2:
0x6f: {  	p0 =	sne.s32 s13, $0x13C0;
	v2 =	vld [tilespmem:s10+$0x500];
	_ =	sdelay $0x2  }
.Ltmp2:
0x70: {  	(pc) =	sbr.rel @p0 .LBB2_2-.Ltmp2, $4  }
0x71: {  	_ = 	snop  }
0x72: {  	v2 =	vadd.f32 v1, v2  }
0x73: {  	s18 =	sshra.s32 s13, $0x2  }
0x74: {  	s13 =	sadd.s32 $0x40, s13;
	v1 =	vld [tilespmem:s18+$0x2D00];
	[tilespmem:s10+$0x500] =	vst v2;
	s10 =	smov.u32 s18  }
0x75: {  	v2 =	vld [tilespmem:s10+$0x500];
	_ =	sdelay $0x4  }
0x76: {  	v1 =	vadd.f32 v1, v2;
	_ =	sdelay $0x1  }
0x77: {  	s13 =	rddreg [dreg:$0x6];
	[tilespmem:s10+$0x500] =	vst v1;
	s10 =	simm.s32 $0x2D00  }
0x78: {  	[tilespmem:s10], [sflag:$0x9] =	stream.strided.gather [hbm4b:s13+s12], $0x500, s29, s12, $0x38;
	[tilespmem:$0x1F200] =	vst v63  }
0x79: {  	_ =	swait.ge [sflag:s15], $0x500  }
0x7a: {  	[sflag:s15] =	ssyncset.done $0x0  }
0x7b: {  	s18 =	simm.s32 $0x0;
	[sflag:s15] =	ssyncadd.s32 $0xFFFFFB00  }
0x7c: {  	s13 =	sand.u32 $0x7F0, s18;
	s18 =	simm.s32 $0x10;
	v1 =	vld [tilespmem:s10+$0x0]  }
.LBB2_4:
0x7d: {  	p0 =	sne.s32 s18, $0x4F0;
	v2 =	vld [tilespmem:s13+$0xA00];
	_ =	sdelay $0x3  }
.Ltmp3:
0x7e: {  	(pc) =	sbr.rel @p0 .LBB2_4-.Ltmp3, $3  }
0x7f: {  	v1 =	vadd.f32 v1, v2;
	_ =	sdelay $0x1  }
0x80: {  	s10 =	sadd.s32 $0x10, s10;
	[tilespmem:s13+$0xA00] =	vst v1  }
0x81: {  	s13 =	sand.u32 $0x7F0, s18;
	s18 =	sadd.s32 $0x10, s18;
	v1 =	vld [tilespmem:s10+$0x0]  }
0x82: {  	v2 =	vld [tilespmem:s13+$0xA00];
	_ =	sdelay $0x4  }
0x83: {  	v1 =	vadd.f32 v1, v2;
	_ =	sdelay $0x1  }
0x84: {  	s10 =	simm.s32 $0x2D00;
	s18 =	rddreg [dreg:$0x7];
	[tilespmem:s13+$0xA00] =	vst v1  }
0x85: {  	[tilespmem:s10], [sflag:$0x9] =	stream.strided.gather [hbm4b:s18+s12], $0x500, s29, s12, $0x38;
	[tilespmem:$0x1F200] =	vst v63  }
0x86: {  	_ =	swait.ge [sflag:s15], $0x500  }
0x87: {  	[sflag:s15] =	ssyncset.done $0x0  }
0x88: {  	s18 =	simm.s32 $0x0;
	[sflag:s15] =	ssyncadd.s32 $0xFFFFFB00  }
0x89: {  	s13 =	sand.u32 $0x7F0, s18;
	s18 =	simm.s32 $0x10;
	v1 =	vld [tilespmem:s10+$0x0]  }
.LBB2_6:
0x8a: {  	p0 =	sne.s32 s18, $0x4F0;
	v2 =	vld [tilespmem:s13+$0xF00];
	_ =	sdelay $0x3  }
.Ltmp4:
0x8b: {  	(pc) =	sbr.rel @p0 .LBB2_6-.Ltmp4, $3  }
0x8c: {  	v1 =	vadd.f32 v1, v2;
	_ =	sdelay $0x1  }
0x8d: {  	s10 =	sadd.s32 $0x10, s10;
	[tilespmem:s13+$0xF00] =	vst v1  }
0x8e: {  	s13 =	sand.u32 $0x7F0, s18;
	s18 =	sadd.s32 $0x10, s18;
	v1 =	vld [tilespmem:s10+$0x0]  }
0x8f: {  	v2 =	vld [tilespmem:s13+$0xF00];
	_ =	sdelay $0x4  }
0x90: {  	v1 =	vadd.f32 v1, v2;
	_ =	sdelay $0x1  }
0x91: {  	s10 =	simm.s32 $0x2D00;
	s18 =	rddreg [dreg:$0xd];
	[tilespmem:s13+$0xF00] =	vst v1  }
0x92: {  	[tilespmem:s10], [sflag:$0x9] =	stream.strided.gather [hbm4b:s18+s12], $0x500, s29, s12, $0x38;
	[tilespmem:$0x1F200] =	vst v63  }
0x93: {  	_ =	swait.ge [sflag:s15], $0x500  }
0x94: {  	[sflag:s15] =	ssyncset.done $0x0  }
0x95: {  	s18 =	simm.s32 $0x0;
	[sflag:s15] =	ssyncadd.s32 $0xFFFFFB00  }
0x96: {  	s13 =	sand.u32 $0x7F0, s18;
	s18 =	simm.s32 $0x10;
	v1 =	vld [tilespmem:s10+$0x0]  }
.LBB2_8:
0x97: {  	p0 =	sne.s32 s18, $0x4F0;
	v2 =	vld [tilespmem:s13+$0x1400];
	_ =	sdelay $0x3  }
.Ltmp5:
0x98: {  	(pc) =	sbr.rel @p0 .LBB2_8-.Ltmp5, $3  }
0x99: {  	v1 =	vadd.f32 v1, v2;
	_ =	sdelay $0x1  }
0x9a: {  	s10 =	sadd.s32 $0x10, s10;
	[tilespmem:s13+$0x1400] =	vst v1  }
0x9b: {  	s13 =	sand.u32 $0x7F0, s18;
	s18 =	sadd.s32 $0x10, s18;
	v1 =	vld [tilespmem:s10+$0x0]  }
0x9c: {  	v2 =	vld [tilespmem:s13+$0x1400];
	_ =	sdelay $0x4  }
0x9d: {  	v1 =	vadd.f32 v1, v2;
	_ =	sdelay $0x1  }
0x9e: {  	s10 =	simm.s32 $0x2D00;
	s18 =	rddreg [dreg:$0xe];
	[tilespmem:s13+$0x1400] =	vst v1  }
0x9f: {  	[tilespmem:s10], [sflag:$0x9] =	stream.strided.gather [hbm4b:s18+s12], $0x500, s29, s12, $0x38;
	[tilespmem:$0x1F200] =	vst v63  }
0xa0: {  	_ =	swait.ge [sflag:s15], $0x500  }
0xa1: {  	[sflag:s15] =	ssyncset.done $0x0  }
0xa2: {  	s18 =	simm.s32 $0x0;
	[sflag:s15] =	ssyncadd.s32 $0xFFFFFB00  }
0xa3: {  	s13 =	sand.u32 $0x7F0, s18;
	s18 =	simm.s32 $0x10;
	v1 =	vld [tilespmem:s10+$0x0]  }
.LBB2_10:
0xa4: {  	p0 =	sne.s32 s18, $0x4F0;
	v2 =	vld [tilespmem:s13+$0x1900];
	_ =	sdelay $0x3  }
.Ltmp6:
0xa5: {  	(pc) =	sbr.rel @p0 .LBB2_10-.Ltmp6, $3  }
0xa6: {  	v1 =	vadd.f32 v1, v2;
	_ =	sdelay $0x1  }
0xa7: {  	s10 =	sadd.s32 $0x10, s10;
	[tilespmem:s13+$0x1900] =	vst v1  }
0xa8: {  	s13 =	sand.u32 $0x7F0, s18;
	s18 =	sadd.s32 $0x10, s18;
	v1 =	vld [tilespmem:s10+$0x0]  }
0xa9: {  	v2 =	vld [tilespmem:s13+$0x1900];
	_ =	sdelay $0x4  }
0xaa: {  	v1 =	vadd.f32 v1, v2;
	_ =	sdelay $0x1  }
0xab: {  	s10 =	simm.s32 $0x2D00;
	s18 =	rddreg [dreg:$0xf];
	[tilespmem:s13+$0x1900] =	vst v1  }
0xac: {  	[tilespmem:s10], [sflag:$0x9] =	stream.strided.gather [hbm4b:s18+s12], $0x500, s29, s12, $0x38;
	[tilespmem:$0x1F200] =	vst v63  }
0xad: {  	_ =	swait.ge [sflag:s15], $0x500  }
0xae: {  	[sflag:s15] =	ssyncset.done $0x0  }
0xaf: {  	s18 =	simm.s32 $0x0;
	[sflag:s15] =	ssyncadd.s32 $0xFFFFFB00  }
0xb0: {  	s13 =	sand.u32 $0x7F0, s18;
	s18 =	simm.s32 $0x10;
	v1 =	vld [tilespmem:s10+$0x0]  }
.LBB2_12:
0xb1: {  	p0 =	sne.s32 s18, $0x4F0;
	v2 =	vld [tilespmem:s13+$0x1E00];
	_ =	sdelay $0x3  }
.Ltmp7:
0xb2: {  	(pc) =	sbr.rel @p0 .LBB2_12-.Ltmp7, $3  }
0xb3: {  	v1 =	vadd.f32 v1, v2;
	_ =	sdelay $0x1  }
0xb4: {  	s10 =	sadd.s32 $0x10, s10;
	[tilespmem:s13+$0x1E00] =	vst v1  }
0xb5: {  	s13 =	sand.u32 $0x7F0, s18;
	s18 =	sadd.s32 $0x10, s18;
	v1 =	vld [tilespmem:s10+$0x0]  }
0xb6: {  	v2 =	vld [tilespmem:s13+$0x1E00];
	_ =	sdelay $0x4  }
0xb7: {  	v1 =	vadd.f32 v1, v2;
	_ =	sdelay $0x1  }
0xb8: {  	s10 =	simm.s32 $0x2D00;
	s18 =	rddreg [dreg:$0x10];
	[tilespmem:s13+$0x1E00] =	vst v1  }
0xb9: {  	[tilespmem:s10], [sflag:$0x9] =	stream.strided.gather [hbm4b:s18+s12], $0x500, s29, s12, $0x38;
	[tilespmem:$0x1F200] =	vst v63  }
0xba: {  	_ =	swait.ge [sflag:s15], $0x500  }
0xbb: {  	[sflag:s15] =	ssyncset.done $0x0  }
0xbc: {  	s18 =	simm.s32 $0x0;
	[sflag:s15] =	ssyncadd.s32 $0xFFFFFB00  }
0xbd: {  	s13 =	sand.u32 $0x7F0, s18;
	s18 =	simm.s32 $0x10;
	v1 =	vld [tilespmem:s10+$0x0]  }
.LBB2_14:
0xbe: {  	p0 =	sne.s32 s18, $0x4F0;
	v2 =	vld [tilespmem:s13+$0x2300];
	_ =	sdelay $0x3  }
.Ltmp8:
0xbf: {  	(pc) =	sbr.rel @p0 .LBB2_14-.Ltmp8, $3  }
0xc0: {  	v1 =	vadd.f32 v1, v2;
	_ =	sdelay $0x1  }
0xc1: {  	s10 =	sadd.s32 $0x10, s10;
	[tilespmem:s13+$0x2300] =	vst v1  }
0xc2: {  	s13 =	sand.u32 $0x7F0, s18;
	s18 =	sadd.s32 $0x10, s18;
	v1 =	vld [tilespmem:s10+$0x0]  }
0xc3: {  	v2 =	vld [tilespmem:s13+$0x2300];
	_ =	sdelay $0x4  }
0xc4: {  	v1 =	vadd.f32 v1, v2;
	_ =	sdelay $0x1  }
0xc5: {  	s10 =	simm.s32 $0x2D00;
	s18 =	rddreg [dreg:$0x11];
	[tilespmem:s13+$0x2300] =	vst v1  }
0xc6: {  	[tilespmem:s10], [sflag:$0x9] =	stream.strided.gather [hbm4b:s18+s12], $0x500, s29, s12, $0x38;
	[tilespmem:$0x1F200] =	vst v63  }
0xc7: {  	_ =	swait.ge [sflag:s15], $0x500  }
0xc8: {  	[sflag:s15] =	ssyncset.done $0x0  }
0xc9: {  	s18 =	simm.s32 $0x0;
	[sflag:s15] =	ssyncadd.s32 $0xFFFFFB00  }
0xca: {  	s13 =	sand.u32 $0x7F0, s18;
	s18 =	simm.s32 $0x10;
	v1 =	vld [tilespmem:s10+$0x0]  }
.LBB2_16:
0xcb: {  	p0 =	sne.s32 s18, $0x4F0;
	v2 =	vld [tilespmem:s13+$0x2800];
	_ =	sdelay $0x3  }
.Ltmp9:
0xcc: {  	(pc) =	sbr.rel @p0 .LBB2_16-.Ltmp9, $3  }
0xcd: {  	v1 =	vadd.f32 v1, v2;
	_ =	sdelay $0x1  }
0xce: {  	s10 =	sadd.s32 $0x10, s10;
	[tilespmem:s13+$0x2800] =	vst v1  }
0xcf: {  	s13 =	sand.u32 $0x7F0, s18;
	s18 =	sadd.s32 $0x10, s18;
	v1 =	vld [tilespmem:s10+$0x0]  }
0xd0: {  	v2 =	vld [tilespmem:s13+$0x2800];
	_ =	sdelay $0x4  }
0xd1: {  	v1 =	vadd.f32 v1, v2;
	_ =	sdelay $0x1  }
0xd2: {  	s10 =	simm.s32 $0x0;
	[tilespmem:s13+$0x2800] =	vst v1;
	s13 =	simm.s32 $0x200  }
.LBB2_18:
0xd3: {  	p0 =	sne.s32 s13, $0xFE00;
	[tilespmem:s10+$0x3270] =	vst v0  }
0xd4: {  	[tilespmem:s10+$0x3200] =	vst v0  }
0xd5: {  	[tilespmem:s10+$0x3210] =	vst v0  }
.Ltmp10:
0xd6: {  	[tilespmem:s10+$0x3220] =	vst v0;
	(pc) =	sbr.rel @p0 .LBB2_18-.Ltmp10, $4  }
0xd7: {  	[tilespmem:s10+$0x3230] =	vst v0  }
0xd8: {  	[tilespmem:s10+$0x3240] =	vst v0  }
0xd9: {  	[tilespmem:s10+$0x3250] =	vst v0  }
0xda: {  	[tilespmem:s10+$0x3260] =	vst v0;
	s10 =	sshra.s32 s13, $0x2;
	s13 =	sadd.s32 $0x200, s13  }
0xdb: {  	[tilespmem:s10+$0x3270] =	vst v0  }
0xdc: {  	[tilespmem:s10+$0x3200] =	vst v0  }
0xdd: {  	[tilespmem:s10+$0x3210] =	vst v0  }
0xde: {  	[tilespmem:s10+$0x3220] =	vst v0  }
0xdf: {  	[tilespmem:s10+$0x3230] =	vst v0  }
0xe0: {  	[tilespmem:s10+$0x3240] =	vst v0  }
0xe1: {  	[tilespmem:s10+$0x3250] =	vst v0  }
0xe2: {  	[tilespmem:s10+$0x3260] =	vst v0  }
0xe3: {  	[spmem:s24] =	stream.linear.scatter [tilespmem:s16], [sflag:$0x9], $0x4000, $0x38;
	[tilespmem:$0x1F200] =	vst v63  }
0xe4: {  	_ =	swait.ge [sflag:s15], $0x4000  }
0xe5: {  	[sflag:s15] =	ssyncset.done $0x0  }
0xe6: {  	[sflag:s15] =	ssyncadd.s32 $0xFFFFC000  }
0xe7: {  	[spmem:s25] =	stream.linear.scatter [tilespmem:s16], [sflag:$0x9], $0x4000, $0x38;
	[tilespmem:$0x1F200] =	vst v63  }
0xe8: {  	_ =	swait.ge [sflag:s15], $0x4000  }
0xe9: {  	[sflag:s15] =	ssyncset.done $0x0  }
0xea: {  	[sflag:s15] =	ssyncadd.s32 $0xFFFFC000  }
0xeb: {  	[spmem:s26] =	stream.linear.scatter [tilespmem:s16], [sflag:$0x9], $0x4000, $0x38;
	[tilespmem:$0x1F200] =	vst v63  }
0xec: {  	_ =	swait.ge [sflag:s15], $0x4000  }
0xed: {  	[sflag:s15] =	ssyncset.done $0x0  }
0xee: {  	[sflag:s15] =	ssyncadd.s32 $0xFFFFC000  }
0xef: {  	[spmem:s28] =	stream.linear.scatter [tilespmem:s16], [sflag:$0x9], $0x4000, $0x38;
	[tilespmem:$0x1F200] =	vst v63  }
0xf0: {  	_ =	swait.ge [sflag:s15], $0x4000  }
0xf1: {  	[sflag:s15] =	ssyncset.done $0x0  }
0xf2: {  	s28 =	rddreg [dreg:$0x16];
	[sflag:s15] =	ssyncadd.s32 $0xFFFFC000  }
0xf3: {  	[spmem:s28] =	stream.linear.scatter [tilespmem:s16], [sflag:$0x9], $0x4000, $0x38;
	[tilespmem:$0x1F200] =	vst v63  }
0xf4: {  	_ =	swait.ge [sflag:s15], $0x4000  }
0xf5: {  	[sflag:s15] =	ssyncset.done $0x0  }
0xf6: {  	[sflag:s15] =	ssyncadd.s32 $0xFFFFC000  }
0xf7: {  	[bflag:$0x0] =	sbarrier.arrive $0xFFFF  }
0xf8: {  	s24 =	simm.s32 $0x0;
	s13 =	rddreg [dreg:$0x17]  }
0xf9: {  	[tilespmem:s24], [sflag:$0x9] =	stream.linear.gather [hbm4b:s13+s24], $0x80, $0x38;
	[tilespmem:$0x1F200] =	vst v63  }
0xfa: {  	_ =	swait.ge [sflag:s15], $0x80  }
0xfb: {  	[sflag:s15] =	ssyncset.done $0x0  }
0xfc: {  	s18 =	rddreg [dreg:$0x18];
	[sflag:s15] =	ssyncadd.s32 $0xFFFFFF80  }
0xfd: {  	[tilespmem:s29], [sflag:$0x9] =	stream.linear.gather [hbm4b:s18+s24], $0x80, $0x38;
	[tilespmem:$0x1F200] =	vst v63  }
0xfe: {  	_ =	swait.ge [sflag:s15], $0x80  }
0xff: {  	[sflag:s15] =	ssyncset.done $0x0  }
0x100: {  	s25 =	rddreg [dreg:$0x19];
	[sflag:s15] =	ssyncadd.s32 $0xFFFFFF80  }
0x101: {  	[tilespmem:s17], [sflag:$0x9] =	stream.linear.gather [hbm4b:s25+s24], $0x80, $0x38;
	[tilespmem:$0x1F200] =	vst v63  }
0x102: {  	_ =	swait.ge [sflag:s15], $0x80  }
0x103: {  	[sflag:s15] =	ssyncset.done $0x0  }
0x104: {  	[sflag:s15] =	ssyncadd.s32 $0xFFFFFF80  }
0x105: {  	[tilespmem:s16], [sflag:$0x1] =	stream.indirect.gather [hbm4b:s1+s12], $0x80, s24, s12, $0xb8;
	[tilespmem:$0x1F200] =	vst v63  }
0x106: {  	s26 =	rddreg [dreg:$0x1a]  }
0x107: {  	[tilespmem:s12], [sflag:$0x4] =	stream.linear.gather [hbm4b:s26+s24], $0x80, $0x38;
	[tilespmem:$0x1F200] =	vst v63  }
0x108: {  	s13 =	simm.s32 $0x180;
	s28 =	rddreg [dreg:$0x1b]  }
0x109: {  	[tilespmem:s13], [sflag:$0x4] =	stream.linear.gather [hbm4b:s28+s24], $0x80, $0x38;
	[tilespmem:$0x1F200] =	vst v63  }
0x10a: {  	s25 =	simm.s32 $0x0;
	s29 =	rddreg [dreg:$0x1c]  }
0x10b: {  	[tilespmem:s19], [sflag:$0x4] =	stream.linear.gather [hbm4b:s29+s24], $0x80, $0x38;
	[tilespmem:$0x1F200] =	vst v63  }
.LBB2_20:
0x10c: {  	_ =	swait.ge [sflag:s20], $0x80  }
0x10d: {  	[sflag:s20] =	ssyncset.done $0x0  }
0x10e: {  	[sflag:s20] =	ssyncadd.s32 $0xFFFFFF80  }
0x10f: {  	_ =	swait.ge [sflag:s20], $0x80  }
0x110: {  	[sflag:s20] =	ssyncset.done $0x0  }
0x111: {  	[sflag:s20] =	ssyncadd.s32 $0xFFFFFF80  }
0x112: {  	_ =	swait.ge [sflag:s20], $0x80  }
0x113: {  	p0 =	sne.s32 s25, $0x0;
	[sflag:s20] =	ssyncset.done $0x0  }
0x114: {  	s10 =	simm.s32 @p0 $0x6;
	[sflag:s20] =	ssyncadd.s32 $0xFFFFFF80  }
0x115: {  	_ =	swait.ge @p0 [sflag:s10], $0x4000  }
0x116: {  	[sflag:s10] =	ssyncset.done @p0 $0x0  }
0x117: {  	s13 =	simm.s32 @p0 $0x7200;
	[sflag:s10] =	ssyncadd.s32 @p0 $0xFFFFC000;
	s10 =	simm.s32 @p0 $0x80  }
0x118: {  	[tilespmem:s13], [sflag:$0x2] =	stream.indirect.gather @p0 [hbm4b:s1+s10], $0x80, s10, s10, $0xb8;
	[tilespmem:$0x1F200] =	vst v63  }
0x119: {  	s10 =	simm.s32 @p0 $0x7  }
0x11a: {  	_ =	swait.ge @p0 [sflag:s10], $0x80  }
0x11b: {  	[sflag:s10] =	ssyncset.done @p0 $0x0  }
0x11c: {  	s13 =	simm.s32 @!p0 $0x7200;
	[sflag:s10] =	ssyncadd.s32 @p0 $0xFFFFFF80;
	s10 =	simm.s32 @!p0 $0x80  }
0x11d: {  	[tilespmem:s13], [sflag:$0x2] =	stream.indirect.gather @!p0 [hbm4b:s1+s10], $0x80, s10, s10, $0xb8;
	[tilespmem:$0x1F200] =	vst v63  }
0x11e: {  	v1 =	vld [tilespmem:$0x100];
	_ =	sdelay $0x7  }
0x11f: {  	v1 =	vld.idx.msk [tilespmem:v1+s14+$0x0], $0xffff;
	_ =	sdelay $0x4  }
0x120: {  	v1 =	vadd.f32 $9.999999710e-10, v1;
	_ =	sdelay $0x1  }
0x121: {  	(erf) = vrcp.f32 v1;
	_ =	sdelay $0x3  }
0x122: {  	v2 =	vld [tilespmem:$0x110]  }
0x123: {  	v1 =	vld [tilespmem:$0x300];
	_ =	sdelay $0x3  }
0x124: {  	v3 =	vpop (erf)  }
0x125: {  	v1 =	vmul.f32 v3, v1;
	_ =	sdelay $0x1  }
0x126: {  	[tilespmem:$0x400] =	vst v1  }
0x127: {  	v1 =	vld.idx.msk [tilespmem:v2+s14+$0x0], $0xffff;
	_ =	sdelay $0x4  }
0x128: {  	v1 =	vadd.f32 $9.999999710e-10, v1;
	_ =	sdelay $0x1  }
0x129: {  	(erf) = vrcp.f32 v1;
	_ =	sdelay $0x3  }
0x12a: {  	v2 =	vld [tilespmem:$0x120]  }
0x12b: {  	v1 =	vld [tilespmem:$0x310];
	_ =	sdelay $0x3  }
0x12c: {  	v3 =	vpop (erf)  }
0x12d: {  	v1 =	vmul.f32 v3, v1;
	_ =	sdelay $0x1  }
0x12e: {  	[tilespmem:$0x410] =	vst v1  }
0x12f: {  	v1 =	vld.idx.msk [tilespmem:v2+s14+$0x0], $0xffff;
	_ =	sdelay $0x4  }
0x130: {  	v1 =	vadd.f32 $9.999999710e-10, v1;
	_ =	sdelay $0x1  }
0x131: {  	(erf) = vrcp.f32 v1;
	_ =	sdelay $0x3  }
0x132: {  	v2 =	vld [tilespmem:$0x130]  }
0x133: {  	v1 =	vld [tilespmem:$0x320];
	_ =	sdelay $0x3  }
0x134: {  	v3 =	vpop (erf)  }
0x135: {  	v1 =	vmul.f32 v3, v1;
	_ =	sdelay $0x1  }
0x136: {  	[tilespmem:$0x420] =	vst v1  }
0x137: {  	v1 =	vld.idx.msk [tilespmem:v2+s14+$0x0], $0xffff;
	_ =	sdelay $0x4  }
0x138: {  	v1 =	vadd.f32 $9.999999710e-10, v1;
	_ =	sdelay $0x1  }
0x139: {  	(erf) = vrcp.f32 v1;
	_ =	sdelay $0x3  }
0x13a: {  	v2 =	vld [tilespmem:$0x140]  }
0x13b: {  	v1 =	vld [tilespmem:$0x330];
	_ =	sdelay $0x3  }
0x13c: {  	v3 =	vpop (erf)  }
0x13d: {  	v1 =	vmul.f32 v3, v1;
	_ =	sdelay $0x1  }
0x13e: {  	[tilespmem:$0x430] =	vst v1  }
0x13f: {  	v1 =	vld.idx.msk [tilespmem:v2+s14+$0x0], $0xffff;
	_ =	sdelay $0x4  }
0x140: {  	v1 =	vadd.f32 $9.999999710e-10, v1;
	_ =	sdelay $0x1  }
0x141: {  	(erf) = vrcp.f32 v1;
	_ =	sdelay $0x3  }
0x142: {  	v2 =	vld [tilespmem:$0x150]  }
0x143: {  	v1 =	vld [tilespmem:$0x340];
	_ =	sdelay $0x3  }
0x144: {  	v3 =	vpop (erf)  }
0x145: {  	v1 =	vmul.f32 v3, v1;
	_ =	sdelay $0x1  }
0x146: {  	[tilespmem:$0x440] =	vst v1  }
0x147: {  	v1 =	vld.idx.msk [tilespmem:v2+s14+$0x0], $0xffff;
	_ =	sdelay $0x4  }
0x148: {  	v1 =	vadd.f32 $9.999999710e-10, v1;
	_ =	sdelay $0x1  }
0x149: {  	(erf) = vrcp.f32 v1;
	_ =	sdelay $0x3  }
0x14a: {  	v2 =	vld [tilespmem:$0x160]  }
0x14b: {  	v1 =	vld [tilespmem:$0x350];
	_ =	sdelay $0x3  }
0x14c: {  	v3 =	vpop (erf)  }
0x14d: {  	v1 =	vmul.f32 v3, v1;
	_ =	sdelay $0x1  }
0x14e: {  	[tilespmem:$0x450] =	vst v1  }
0x14f: {  	v1 =	vld.idx.msk [tilespmem:v2+s14+$0x0], $0xffff;
	_ =	sdelay $0x4  }
0x150: {  	v1 =	vadd.f32 $9.999999710e-10, v1;
	_ =	sdelay $0x1  }
0x151: {  	(erf) = vrcp.f32 v1;
	_ =	sdelay $0x3  }
0x152: {  	v2 =	vld [tilespmem:$0x170]  }
0x153: {  	v1 =	vld [tilespmem:$0x360];
	_ =	sdelay $0x3  }
0x154: {  	v3 =	vpop (erf)  }
0x155: {  	v1 =	vmul.f32 v3, v1;
	_ =	sdelay $0x1  }
0x156: {  	[tilespmem:$0x460] =	vst v1  }
0x157: {  	v1 =	vld.idx.msk [tilespmem:v2+s14+$0x0], $0xffff;
	_ =	sdelay $0x4  }
0x158: {  	v1 =	vadd.f32 $9.999999710e-10, v1;
	_ =	sdelay $0x1  }
0x159: {  	(erf) = vrcp.f32 v1;
	_ =	sdelay $0x4  }
0x15a: {  	v1 =	vld [tilespmem:$0x370];
	_ =	sdelay $0x3  }
0x15b: {  	s26 =	sshll.u32 s25, $0x8;
	v2 =	vpop (erf)  }
0x15c: {  	s13 =	sand.u32 $0x3C00, s26;
	v1 =	vmul.f32 v2, v1  }
0x15d: {  	s18 =	sand.u32 $0x300, s26;
	s10 =	sadd.s32 s23, s13  }
0x15e: {  	s10 =	sor.u32 s18, s10;
	[tilespmem:$0x470] =	vst v1;
	v1 =	vmov s24  }
0x15f: {  	s28 =	sshrl.u32 s10, $0x3;
	v1 =	vand.u32 $0xFFFFFFFE, v1  }
0x160: {  	s10 =	sadd.s32 s9, s28;
	v2 =	vbroadcast v1, $0x0  }
0x161: {  	[hbm4b:s10+s24] =	stream.linear.scatter [tilespmem:s21], [sflag:$0x7], $0x80, $0x38;
	[tilespmem:$0x1F200] =	vst v63  }
0x162: {  	_ =	swait.ge [sflag:s22], $0x4000  }
0x163: {  	[sflag:s22] =	ssyncset.done $0x0  }
0x164: {  	s29 =	simm.s32 $0x3280;
	[sflag:s22] =	ssyncadd.s32 $0xFFFFC000  }
0x165: {  	v5 =	vld [tilespmem:s29+$0xFFFFFFF0]  }
0x166: {  	v6 =	vld.idx.msk [tilespmem:v2+s17+$0x0], $0xffff  }
0x167: {  	v7 =	vld [tilespmem:s29+$0xFFFFFF80]  }
0x168: {  	v8 =	vld [tilespmem:s29+$0xFFFFFFA0]  }
0x169: {  	v4 =	vld [tilespmem:s29+$0xFFFFFFB0]  }
0x16a: {  	v3 =	vld [tilespmem:s29+$0xFFFFFFD0]  }
0x16b: {  	v10 =	vld [tilespmem:s29+$0xFFFFFF90];
	v5 =	vmul.f32 v5, v6  }
0x16c: {  	v9 =	vld [tilespmem:s29+$0xFFFFFFE0];
	v7 =	vmul.f32 v7, v6  }
0x16d: {  	v11 =	vld [tilespmem:s29+$0xFFFFFFC0];
	v8 =	vmul.f32 v8, v6;
	[tilespmem:s29+$0xFFFFFFF0] =	vst v5  }
0x16e: {  	v4 =	vmul.f32 v4, v6;
	[tilespmem:s29+$0xFFFFFF80] =	vst v7  }
0x16f: {  	s18 =	simm.s32 $0x1;
	v3 =	vmul.f32 v3, v6;
	[tilespmem:s29+$0xFFFFFFA0] =	vst v8  }
0x170: {  	v5 =	vmul.f32 v10, v6;
	[tilespmem:s29+$0xFFFFFFB0] =	vst v4;
	v7 =	vmov s18  }
0x171: {  	v1 =	vld [tilespmem:s29+$0x0];
	v4 =	vmul.f32 v9, v6;
	[tilespmem:s29+$0xFFFFFFD0] =	vst v3  }
0x172: {  	v2 =	vld [tilespmem:s29+$0x10];
	v3 =	vmul.f32 v11, v6;
	[tilespmem:s29+$0xFFFFFF90] =	vst v5  }
0x173: {  	[tilespmem:s29+$0xFFFFFFE0] =	vst v4;
	v5 =	vld [tilespmem:s29+$0x30]  }
0x174: {  	[tilespmem:s29+$0xFFFFFFC0] =	vst v3;
	v4 =	vld [tilespmem:s29+$0x70]  }
0x175: {  	s13 =	simm.s32 $0x2;
	s10 =	simm.s32 $0x3280;
	v3 =	vld.idx.msk [tilespmem:v7+s17+$0x0], $0xffff  }
.LBB2_21:
0x176: {  	p0 =	slt.u32 s13, $0x7E  }
0x177: {  	v6 =	vld [tilespmem:s29+$0x20];
	s10 =	sadd.s32 $0x100, s10;
	s18 =	smov.u32 s13;
	s13 =	sadd.s32 $0x2, s13  }
0x178: {  	v7 =	vld [tilespmem:s29+$0x40]  }
0x179: {  	v8 =	vld [tilespmem:s29+$0x50]  }
0x17a: {  	v9 =	vld [tilespmem:s29+$0x60];
	_ =	sdelay $0x1  }
0x17b: {  	v1 =	vmul.f32 v1, v3;
	v2 =	vmul.f32 v2, v3  }
0x17c: {  	v5 =	vmul.f32 v5, v3;
	v6 =	vmul.f32 v6, v3  }
0x17d: {  	v10 =	vmov s18;
	v7 =	vmul.f32 v7, v3;
	[tilespmem:s29+$0x0] =	vst v1;
	v8 =	vmul.f32 v8, v3  }
0x17e: {  	v10 =	vand.u32 $0xFFFFFFFE, v10;
	v1 =	vld [tilespmem:s10+$0x0];
	[tilespmem:s29+$0x30] =	vst v5;
	v5 =	vmul.f32 v9, v3;
	v3 =	vmul.f32 v4, v3  }
0x17f: {  	v4 =	vbroadcast v10, $0x0;
	[tilespmem:s29+$0x10] =	vst v2  }
0x180: {  	[tilespmem:s29+$0x70] =	vst v3  }
0x181: {  	v3 =	vld [tilespmem:s10+$0xFFFFFFD0];
	[tilespmem:s29+$0x20] =	vst v6  }
0x182: {  	v6 =	vld [tilespmem:s10+$0xFFFFFFB0];
	[tilespmem:s29+$0x60] =	vst v5  }
0x183: {  	v5 =	vld [tilespmem:s10+$0xFFFFFFE0];
	[tilespmem:s29+$0x40] =	vst v7  }
0x184: {  	v7 =	vld [tilespmem:s10+$0xFFFFFFF0];
	[tilespmem:s29+$0x50] =	vst v8;
	s29 =	smov.u32 s10  }
0x185: {  	v4 =	vld.idx.msk [tilespmem:v4+s17+$0x0], $0xffff  }
0x186: {  	v8 =	vld [tilespmem:s10+$0xFFFFFF80]  }
0x187: {  	v9 =	vld [tilespmem:s10+$0xFFFFFFA0]  }
0x188: {  	v10 =	vld [tilespmem:s10+$0xFFFFFF90]  }
0x189: {  	v11 =	vld [tilespmem:s10+$0xFFFFFFC0]  }
0x18a: {  	v2 =	vld [tilespmem:s10+$0x10]  }
0x18b: {  	v7 =	vmul.f32 v7, v4;
	v8 =	vmul.f32 v8, v4  }
0x18c: {  	v5 =	vmul.f32 v5, v4;
	v9 =	vmul.f32 v9, v4  }
0x18d: {  	v6 =	vmul.f32 v6, v4;
	v10 =	vmul.f32 v10, v4;
	[tilespmem:s10+$0xFFFFFFF0] =	vst v7  }
0x18e: {  	v3 =	vmul.f32 v3, v4;
	[tilespmem:s10+$0xFFFFFF80] =	vst v8;
	v7 =	vmul.f32 v11, v4  }
0x18f: {  	s18 =	sadd.s32 $0x1, s18;
	[tilespmem:s10+$0xFFFFFFA0] =	vst v9  }
0x190: {  	[tilespmem:s10+$0xFFFFFFB0] =	vst v6;
	v6 =	vmov s18  }
.Ltmp11:
0x191: {  	[tilespmem:s10+$0xFFFFFFD0] =	vst v3;
	(pc) =	sbr.rel @p0 .LBB2_21-.Ltmp11, $4  }
0x192: {  	[tilespmem:s10+$0xFFFFFF90] =	vst v10  }
0x193: {  	[tilespmem:s10+$0xFFFFFFE0] =	vst v5;
	v5 =	vld [tilespmem:s10+$0x30]  }
0x194: {  	[tilespmem:s10+$0xFFFFFFC0] =	vst v7;
	v4 =	vld [tilespmem:s10+$0x70]  }
0x195: {  	v3 =	vld.idx.msk [tilespmem:v6+s17+$0x0], $0xffff  }
0x196: {  	_ =	sdelay $0x2  }
0x197: {  	v6 =	vld [tilespmem:s29+$0x20]  }
0x198: {  	v7 =	vld [tilespmem:s29+$0x60];
	v1 =	vmul.f32 v1, v3  }
0x199: {  	v8 =	vld [tilespmem:s29+$0x40];
	v5 =	vmul.f32 v5, v3  }
0x19a: {  	v9 =	vld [tilespmem:s29+$0x50];
	v2 =	vmul.f32 v2, v3;
	[tilespmem:s29+$0x0] =	vst v1  }
0x19b: {  	[tilespmem:s29+$0x30] =	vst v5;
	v1 =	vmul.f32 v4, v3  }
0x19c: {  	v4 =	vmul.f32 v6, v3;
	[tilespmem:s29+$0x10] =	vst v2  }
0x19d: {  	v2 =	vmul.f32 v7, v3;
	[tilespmem:s29+$0x70] =	vst v1  }
0x19e: {  	v1 =	vmul.f32 v8, v3;
	[tilespmem:s29+$0x20] =	vst v4  }
0x19f: {  	v3 =	vmul.f32 v9, v3;
	[tilespmem:s29+$0x60] =	vst v2  }
0x1a0: {  	[tilespmem:s29+$0x40] =	vst v1  }
0x1a1: {  	[tilespmem:s29+$0x50] =	vst v3  }
0x1a2: {  	v1 =	vld [tilespmem:$0x100]  }
0x1a3: {  	v2 =	vld [tilespmem:$0x110]  }
0x1a4: {  	v3 =	vld [tilespmem:$0x120]  }
0x1a5: {  	v4 =	vld [tilespmem:$0x130]  }
0x1a6: {  	v5 =	vld [tilespmem:$0x140]  }
0x1a7: {  	[tilespmem:$0x200] =	vst v1;
	v1 =	vld [tilespmem:$0x150]  }
0x1a8: {  	[tilespmem:$0x210] =	vst v2;
	v2 =	vld [tilespmem:$0x160]  }
0x1a9: {  	p0 =	seq.s32 s25, $0x27;
	[tilespmem:$0x220] =	vst v3;
	v3 =	vld [tilespmem:$0x170]  }
0x1aa: {  	s10 =	sadd.s32 @!p0 $0x100, s26;
	[tilespmem:$0x230] =	vst v4  }
0x1ab: {  	s13 =	sand.u32 @!p0 $0x7C00, s10;
	[tilespmem:$0x240] =	vst v5  }
0x1ac: {  	s10 =	sand.u32 @!p0 $0x300, s10;
	s13 =	sadd.s32 @!p0 s23, s13;
	[tilespmem:$0x250] =	vst v1  }
0x1ad: {  	s10 =	sor.u32 @!p0 s10, s13;
	[tilespmem:$0x260] =	vst v2  }
0x1ae: {  	s10 =	sshrl.u32 @!p0 s10, $0x3;
	[tilespmem:$0x270] =	vst v3  }
0x1af: {  	[spmem:s2] =	stream.indirect.scatter.add.f32 [tilespmem:s16], [sflag:$0x5], $0x80, s30, s12, $0xb8;
	[tilespmem:$0x1F200] =	vst v63  }
0x1b0: {  	s18 =	simm.s32 @!p0 $0x0;
	s13 =	sadd.s32 @!p0 s4, s10  }
0x1b1: {  	[tilespmem:s18], [sflag:$0x3] =	stream.linear.gather @!p0 [hbm4b:s13+s18], $0x80, $0x38;
	[tilespmem:$0x1F200] =	vst v63  }
0x1b2: {  	s29 =	simm.s32 @!p0 $0x100;
	s13 =	sadd.s32 @!p0 s5, s10  }
0x1b3: {  	[tilespmem:s29], [sflag:$0x3] =	stream.linear.gather @!p0 [hbm4b:s13+s18], $0x80, $0x38;
	[tilespmem:$0x1F200] =	vst v63  }
0x1b4: {  	s10 =	sadd.s32 @!p0 s6, s10;
	s13 =	simm.s32 @!p0 $0x300  }
0x1b5: {  	[tilespmem:s13], [sflag:$0x3] =	stream.linear.gather @!p0 [hbm4b:s10+s18], $0x80, $0x38;
	[tilespmem:$0x1F200] =	vst v63  }
0x1b6: {  	s10 =	simm.s32 @!p0 $0x3  }
0x1b7: {  	_ =	swait.ge @!p0 [sflag:s10], $0x80  }
0x1b8: {  	[sflag:s10] =	ssyncset.done @!p0 $0x0  }
0x1b9: {  	[sflag:s10] =	ssyncadd.s32 @!p0 $0xFFFFFF80  }
0x1ba: {  	_ =	swait.ge @!p0 [sflag:s10], $0x80  }
0x1bb: {  	[sflag:s10] =	ssyncset.done @!p0 $0x0  }
0x1bc: {  	[sflag:s10] =	ssyncadd.s32 @!p0 $0xFFFFFF80  }
0x1bd: {  	_ =	swait.ge @!p0 [sflag:s10], $0x80  }
0x1be: {  	[sflag:s10] =	ssyncset.done @!p0 $0x0  }
0x1bf: {  	[sflag:s10] =	ssyncadd.s32 @!p0 $0xFFFFFF80;
	s10 =	simm.s32 @!p0 $0x5  }
0x1c0: {  	p1 =	seq.s32 @!p0 s25, $0x0;
	_ =	swait.ge @!p0 [sflag:s10], $0x4000  }
0x1c1: {  	p1 =	por p0, !p1;
	[sflag:s10] =	ssyncset.done @!p0 $0x0  }
0x1c2: {  	s13 =	simm.s32 @!p0 $0x3200;
	[sflag:s10] =	ssyncadd.s32 @!p0 $0xFFFFC000;
	s10 =	simm.s32 @!p0 $0x80  }
0x1c3: {  	[tilespmem:s13], [sflag:$0x1] =	stream.indirect.gather @!p0 [hbm4b:s1+s10], $0x80, s18, s10, $0xb8;
	[tilespmem:$0x1F200] =	vst v63  }
0x1c4: {  	_ =	swait.ge @p1 [sflag:s11], $0x80  }
0x1c5: {  	[sflag:s11] =	ssyncset.done @p1 $0x0  }
0x1c6: {  	[sflag:s11] =	ssyncadd.s32 @p1 $0xFFFFFF80  }
0x1c7: {  	v1 =	vld [tilespmem:$0x180];
	_ =	sdelay $0x7  }
0x1c8: {  	v1 =	vld.idx.msk [tilespmem:v1+s14+$0x0], $0xffff;
	_ =	sdelay $0x4  }
0x1c9: {  	v1 =	vadd.f32 $9.999999710e-10, v1;
	_ =	sdelay $0x1  }
0x1ca: {  	(erf) = vrcp.f32 v1;
	_ =	sdelay $0x3  }
0x1cb: {  	v2 =	vld [tilespmem:$0x190]  }
0x1cc: {  	v1 =	vld [tilespmem:$0x380];
	_ =	sdelay $0x3  }
0x1cd: {  	v3 =	vpop (erf)  }
0x1ce: {  	v1 =	vmul.f32 v3, v1;
	_ =	sdelay $0x1  }
0x1cf: {  	[tilespmem:$0x480] =	vst v1  }
0x1d0: {  	v1 =	vld.idx.msk [tilespmem:v2+s14+$0x0], $0xffff;
	_ =	sdelay $0x4  }
0x1d1: {  	v1 =	vadd.f32 $9.999999710e-10, v1;
	_ =	sdelay $0x1  }
0x1d2: {  	(erf) = vrcp.f32 v1;
	_ =	sdelay $0x3  }
0x1d3: {  	v2 =	vld [tilespmem:$0x1A0]  }
0x1d4: {  	v1 =	vld [tilespmem:$0x390];
	_ =	sdelay $0x3  }
0x1d5: {  	v3 =	vpop (erf)  }
0x1d6: {  	v1 =	vmul.f32 v3, v1;
	_ =	sdelay $0x1  }
0x1d7: {  	[tilespmem:$0x490] =	vst v1  }
0x1d8: {  	v1 =	vld.idx.msk [tilespmem:v2+s14+$0x0], $0xffff;
	_ =	sdelay $0x4  }
0x1d9: {  	v1 =	vadd.f32 $9.999999710e-10, v1;
	_ =	sdelay $0x1  }
0x1da: {  	(erf) = vrcp.f32 v1;
	_ =	sdelay $0x3  }
0x1db: {  	v2 =	vld [tilespmem:$0x1B0]  }
0x1dc: {  	v1 =	vld [tilespmem:$0x3A0];
	_ =	sdelay $0x3  }
0x1dd: {  	v3 =	vpop (erf)  }
0x1de: {  	v1 =	vmul.f32 v3, v1;
	_ =	sdelay $0x1  }
0x1df: {  	[tilespmem:$0x4A0] =	vst v1  }
0x1e0: {  	v1 =	vld.idx.msk [tilespmem:v2+s14+$0x0], $0xffff;
	_ =	sdelay $0x4  }
0x1e1: {  	v1 =	vadd.f32 $9.999999710e-10, v1;
	_ =	sdelay $0x1  }
0x1e2: {  	(erf) = vrcp.f32 v1;
	_ =	sdelay $0x3  }
0x1e3: {  	v2 =	vld [tilespmem:$0x1C0]  }
0x1e4: {  	v1 =	vld [tilespmem:$0x3B0];
	_ =	sdelay $0x3  }
0x1e5: {  	v3 =	vpop (erf)  }
0x1e6: {  	v1 =	vmul.f32 v3, v1;
	_ =	sdelay $0x1  }
0x1e7: {  	[tilespmem:$0x4B0] =	vst v1  }
0x1e8: {  	v1 =	vld.idx.msk [tilespmem:v2+s14+$0x0], $0xffff;
	_ =	sdelay $0x4  }
0x1e9: {  	v1 =	vadd.f32 $9.999999710e-10, v1;
	_ =	sdelay $0x1  }
0x1ea: {  	(erf) = vrcp.f32 v1;
	_ =	sdelay $0x3  }
0x1eb: {  	v2 =	vld [tilespmem:$0x1D0]  }
0x1ec: {  	v1 =	vld [tilespmem:$0x3C0];
	_ =	sdelay $0x3  }
0x1ed: {  	v3 =	vpop (erf)  }
0x1ee: {  	v1 =	vmul.f32 v3, v1;
	_ =	sdelay $0x1  }
0x1ef: {  	[tilespmem:$0x4C0] =	vst v1  }
0x1f0: {  	v1 =	vld.idx.msk [tilespmem:v2+s14+$0x0], $0xffff;
	_ =	sdelay $0x4  }
0x1f1: {  	v1 =	vadd.f32 $9.999999710e-10, v1;
	_ =	sdelay $0x1  }
0x1f2: {  	(erf) = vrcp.f32 v1;
	_ =	sdelay $0x3  }
0x1f3: {  	v2 =	vld [tilespmem:$0x1E0]  }
0x1f4: {  	v1 =	vld [tilespmem:$0x3D0];
	_ =	sdelay $0x3  }
0x1f5: {  	v3 =	vpop (erf)  }
0x1f6: {  	v1 =	vmul.f32 v3, v1;
	_ =	sdelay $0x1  }
0x1f7: {  	[tilespmem:$0x4D0] =	vst v1  }
0x1f8: {  	v1 =	vld.idx.msk [tilespmem:v2+s14+$0x0], $0xffff;
	_ =	sdelay $0x4  }
0x1f9: {  	v1 =	vadd.f32 $9.999999710e-10, v1;
	_ =	sdelay $0x1  }
0x1fa: {  	(erf) = vrcp.f32 v1;
	_ =	sdelay $0x3  }
0x1fb: {  	v2 =	vld [tilespmem:$0x1F0]  }
0x1fc: {  	v1 =	vld [tilespmem:$0x3E0];
	_ =	sdelay $0x3  }
0x1fd: {  	v3 =	vpop (erf)  }
0x1fe: {  	v1 =	vmul.f32 v3, v1;
	_ =	sdelay $0x1  }
0x1ff: {  	[tilespmem:$0x4E0] =	vst v1  }
0x200: {  	v1 =	vld.idx.msk [tilespmem:v2+s14+$0x0], $0xffff;
	_ =	sdelay $0x4  }
0x201: {  	v1 =	vadd.f32 $9.999999710e-10, v1;
	_ =	sdelay $0x1  }
0x202: {  	(erf) = vrcp.f32 v1;
	_ =	sdelay $0x4  }
0x203: {  	v1 =	vld [tilespmem:$0x3F0];
	_ =	sdelay $0x3  }
0x204: {  	v2 =	vpop (erf)  }
0x205: {  	v1 =	vmul.f32 v2, v1  }
0x206: {  	s18 =	simm.s32 $0x0  }
0x207: {  	[tilespmem:$0x4F0] =	vst v1;
	v1 =	vmov s18  }
0x208: {  	s13 =	sadd.s32 s28, s9;
	v1 =	vand.u32 $0xFFFFFFFE, v1  }
0x209: {  	s10 =	sadd.s32 $0x10, s13;
	v2 =	vbroadcast v1, $0x0  }
0x20a: {  	[hbm4b:s10+s18] =	stream.linear.scatter [tilespmem:s31], [sflag:$0x8], $0x80, $0x38;
	[tilespmem:$0x1F200] =	vst v63  }
0x20b: {  	_ =	swait.ge [sflag:s0], $0x4000  }
0x20c: {  	[sflag:s0] =	ssyncset.done $0x0  }
0x20d: {  	s28 =	simm.s32 $0x7280;
	[sflag:s0] =	ssyncadd.s32 $0xFFFFC000  }
0x20e: {  	v5 =	vld [tilespmem:s28+$0xFFFFFFF0]  }
0x20f: {  	v6 =	vld.idx.msk [tilespmem:v2+s19+$0x0], $0xffff  }
0x210: {  	v7 =	vld [tilespmem:s28+$0xFFFFFF80]  }
0x211: {  	v62 =	vld [tilespmem:s28+$0xFFFFFFA0]  }
0x212: {  	v4 =	vld [tilespmem:s28+$0xFFFFFFB0]  }
0x213: {  	v3 =	vld [tilespmem:s28+$0xFFFFFFD0]  }
0x214: {  	v10 =	vld [tilespmem:s28+$0xFFFFFF90];
	v5 =	vmul.f32 v5, v6  }
0x215: {  	v63 =	vld [tilespmem:s28+$0xFFFFFFE0];
	v7 =	vmul.f32 v7, v6  }
0x216: {  	v11 =	vld [tilespmem:s28+$0xFFFFFFC0];
	v8 =	vmul.f32 v62, v6;
	[tilespmem:s28+$0xFFFFFFF0] =	vst v5  }
0x217: {  	v4 =	vmul.f32 v4, v6;
	[tilespmem:s28+$0xFFFFFF80] =	vst v7  }
0x218: {  	s29 =	simm.s32 $0x1;
	v3 =	vmul.f32 v3, v6;
	[tilespmem:s28+$0xFFFFFFA0] =	vst v8  }
0x219: {  	v5 =	vmul.f32 v10, v6;
	[tilespmem:s28+$0xFFFFFFB0] =	vst v4;
	v7 =	vmov s29  }
0x21a: {  	v1 =	vld [tilespmem:s28+$0x0];
	v4 =	vmul.f32 v63, v6;
	[tilespmem:s28+$0xFFFFFFD0] =	vst v3  }
0x21b: {  	v2 =	vld [tilespmem:s28+$0x10];
	v3 =	vmul.f32 v11, v6;
	[tilespmem:s28+$0xFFFFFF90] =	vst v5  }
0x21c: {  	[tilespmem:s28+$0xFFFFFFE0] =	vst v4;
	v5 =	vld [tilespmem:s28+$0x30]  }
0x21d: {  	[tilespmem:s28+$0xFFFFFFC0] =	vst v3;
	v4 =	vld [tilespmem:s28+$0x70]  }
0x21e: {  	s13 =	simm.s32 $0x2;
	s10 =	simm.s32 $0x7280;
	v3 =	vld.idx.msk [tilespmem:v7+s19+$0x0], $0xffff  }
.LBB2_23:
0x21f: {  	p1 =	slt.u32 s13, $0x7E  }
0x220: {  	v6 =	vld [tilespmem:s28+$0x20];
	s10 =	sadd.s32 $0x100, s10;
	s18 =	smov.u32 s13;
	s13 =	sadd.s32 $0x2, s13  }
0x221: {  	v7 =	vld [tilespmem:s28+$0x40]  }
0x222: {  	v8 =	vld [tilespmem:s28+$0x50]  }
0x223: {  	v9 =	vld [tilespmem:s28+$0x60];
	_ =	sdelay $0x1  }
0x224: {  	v1 =	vmul.f32 v1, v3;
	v2 =	vmul.f32 v2, v3  }
0x225: {  	v5 =	vmul.f32 v5, v3;
	v6 =	vmul.f32 v6, v3  }
0x226: {  	v10 =	vmov s18;
	v7 =	vmul.f32 v7, v3;
	[tilespmem:s28+$0x0] =	vst v1;
	v8 =	vmul.f32 v8, v3  }
0x227: {  	v10 =	vand.u32 $0xFFFFFFFE, v10;
	v1 =	vld [tilespmem:s10+$0x0];
	[tilespmem:s28+$0x30] =	vst v5;
	v5 =	vmul.f32 v9, v3;
	v3 =	vmul.f32 v4, v3  }
0x228: {  	v4 =	vbroadcast v10, $0x0;
	[tilespmem:s28+$0x10] =	vst v2  }
0x229: {  	[tilespmem:s28+$0x70] =	vst v3  }
0x22a: {  	v3 =	vld [tilespmem:s10+$0xFFFFFFD0];
	[tilespmem:s28+$0x20] =	vst v6  }
0x22b: {  	v6 =	vld [tilespmem:s10+$0xFFFFFFB0];
	[tilespmem:s28+$0x60] =	vst v5  }
0x22c: {  	v5 =	vld [tilespmem:s10+$0xFFFFFFE0];
	[tilespmem:s28+$0x40] =	vst v7  }
0x22d: {  	v7 =	vld [tilespmem:s10+$0xFFFFFFF0];
	[tilespmem:s28+$0x50] =	vst v8;
	s28 =	smov.u32 s10  }
0x22e: {  	v4 =	vld.idx.msk [tilespmem:v4+s19+$0x0], $0xffff  }
0x22f: {  	v8 =	vld [tilespmem:s10+$0xFFFFFF80]  }
0x230: {  	v9 =	vld [tilespmem:s10+$0xFFFFFFA0]  }
0x231: {  	v10 =	vld [tilespmem:s10+$0xFFFFFF90]  }
0x232: {  	v11 =	vld [tilespmem:s10+$0xFFFFFFC0]  }
0x233: {  	v2 =	vld [tilespmem:s10+$0x10]  }
0x234: {  	v7 =	vmul.f32 v7, v4;
	v8 =	vmul.f32 v8, v4  }
0x235: {  	v5 =	vmul.f32 v5, v4;
	v9 =	vmul.f32 v9, v4  }
0x236: {  	v6 =	vmul.f32 v6, v4;
	v10 =	vmul.f32 v10, v4;
	[tilespmem:s10+$0xFFFFFFF0] =	vst v7  }
0x237: {  	v3 =	vmul.f32 v3, v4;
	[tilespmem:s10+$0xFFFFFF80] =	vst v8;
	v7 =	vmul.f32 v11, v4  }
0x238: {  	s18 =	sadd.s32 $0x1, s18;
	[tilespmem:s10+$0xFFFFFFA0] =	vst v9  }
0x239: {  	[tilespmem:s10+$0xFFFFFFB0] =	vst v6;
	v6 =	vmov s18  }
.Ltmp12:
0x23a: {  	[tilespmem:s10+$0xFFFFFFD0] =	vst v3;
	(pc) =	sbr.rel @p1 .LBB2_23-.Ltmp12, $4  }
0x23b: {  	[tilespmem:s10+$0xFFFFFF90] =	vst v10  }
0x23c: {  	[tilespmem:s10+$0xFFFFFFE0] =	vst v5;
	v5 =	vld [tilespmem:s10+$0x30]  }
0x23d: {  	[tilespmem:s10+$0xFFFFFFC0] =	vst v7;
	v4 =	vld [tilespmem:s10+$0x70]  }
0x23e: {  	v3 =	vld.idx.msk [tilespmem:v6+s19+$0x0], $0xffff  }
0x23f: {  	_ =	sdelay $0x1  }
0x240: {  	v6 =	vld [tilespmem:s28+$0x20];
	_ =	sdelay $0x1  }
0x241: {  	v7 =	vld [tilespmem:s28+$0x60];
	v1 =	vmul.f32 v1, v3  }
0x242: {  	v8 =	vld [tilespmem:s28+$0x40];
	v5 =	vmul.f32 v5, v3  }
0x243: {  	v9 =	vld [tilespmem:s28+$0x50];
	v2 =	vmul.f32 v2, v3;
	[tilespmem:s28+$0x0] =	vst v1  }
0x244: {  	v63 =	vmul.f32 v6, v3;
	[tilespmem:s28+$0x30] =	vst v5  }
0x245: {  	v1 =	vmul.f32 v4, v3;
	[tilespmem:s28+$0x10] =	vst v2  }
0x246: {  	v2 =	vmul.f32 v7, v3;
	[tilespmem:s28+$0x20] =	vst v63  }
0x247: {  	[tilespmem:s28+$0x70] =	vst v1;
	v1 =	vmul.f32 v8, v3  }
0x248: {  	v3 =	vmul.f32 v9, v3;
	[tilespmem:s28+$0x60] =	vst v2  }
0x249: {  	[tilespmem:s28+$0x40] =	vst v1  }
0x24a: {  	[tilespmem:s28+$0x50] =	vst v3  }
0x24b: {  	v1 =	vld [tilespmem:$0x180]  }
0x24c: {  	v2 =	vld [tilespmem:$0x190]  }
0x24d: {  	v3 =	vld [tilespmem:$0x1A0]  }
0x24e: {  	v4 =	vld [tilespmem:$0x1B0]  }
0x24f: {  	v5 =	vld [tilespmem:$0x1C0]  }
0x250: {  	[tilespmem:$0x280] =	vst v1;
	v1 =	vld [tilespmem:$0x1D0]  }
0x251: {  	[tilespmem:$0x290] =	vst v2;
	v2 =	vld [tilespmem:$0x1E0]  }
0x252: {  	[tilespmem:$0x2A0] =	vst v3;
	v3 =	vld [tilespmem:$0x1F0]  }
0x253: {  	[tilespmem:$0x2B0] =	vst v4  }
.Ltmp13:
0x254: {  	[tilespmem:$0x2C0] =	vst v5;
	(pc) =	sbr.rel @p0 .LBB2_26-.Ltmp13, $4  }
0x255: {  	[tilespmem:$0x2D0] =	vst v1  }
0x256: {  	[tilespmem:$0x2E0] =	vst v2  }
0x257: {  	[tilespmem:$0x2F0] =	vst v3  }
0x258: {  	[spmem:s2] =	stream.indirect.scatter.add.f32 [tilespmem:s8], [sflag:$0x6], $0x80, s7, s12, $0xb8;
	[tilespmem:$0x1F200] =	vst v63  }
0x259: {  	s10 =	sadd.s32 $0x180, s26  }
0x25a: {  	s13 =	sand.u32 $0x7C00, s10  }
0x25b: {  	s10 =	sand.u32 $0x380, s10;
	s13 =	sadd.s32 s23, s13  }
0x25c: {  	s10 =	sor.u32 s10, s13  }
0x25d: {  	s10 =	sshrl.u32 s10, $0x3  }
0x25e: {  	s28 =	sadd.s32 s4, s10  }
0x25f: {  	[tilespmem:s12], [sflag:$0x4] =	stream.linear.gather [hbm4b:s28+s3], $0x80, $0x38;
	[tilespmem:$0x1F200] =	vst v63  }
.Ltmp14:
0x260: {  	_ = 	snop;
	(pc) =	sbr.rel .LBB2_20-.Ltmp14, $4  }
0x261: {  	s18 =	simm.s32 $0x180;
	s29 =	sadd.s32 s5, s10  }
0x262: {  	[tilespmem:s18], [sflag:$0x4] =	stream.linear.gather [hbm4b:s29+s3], $0x80, $0x38;
	[tilespmem:$0x1F200] =	vst v63  }
0x263: {  	s25 =	sadd.s32 $0x1, s25;
	s10 =	sadd.s32 s6, s10  }
0x264: {  	[tilespmem:s19], [sflag:$0x4] =	stream.linear.gather [hbm4b:s10+s3], $0x80, $0x38;
	[tilespmem:$0x1F200] =	vst v63  }
.LBB2_27:
0x265: {  	_ =	sfence.sel $0x180000  }
0x266: {  	[bflag:$0x0] =	sbarrier.arrive $0xFFFF  }
0x267: {  	_ =	strace $0x9000004A  }
0x268: {  	s0 =	stileid.u32;
	[bflag:$0x2] =	sbarrier.arrive $0xFFFF  }
0x269: {  	p0 =	sne.s32 s0, $0x0;
	s0 =	rddreg [dreg:$0x3]  }
0x26a: {  	s0 =	sadd.s32 @!p0 $0x100000, s0  }
0x26b: {  	[sflag:s0] =	ssyncadd.tile.s32 @!p0 $0x1;
	_ =	shalt  }
.Lfunc_end2:
_tile_overlayer_lowered:
.L_overlay_start_2:
0x26c: {  	(tag) =	ssettag $0x2  }
0x26d: {  	s0 =	rddreg [dreg:$0x0];
	s2 =	stileid.u32  }
0x26e: {  	s1 =	rddreg [dreg:$0x1];
	p0 =	sne.s32 s2, $0x0  }
0x26f: {  	s3 =	rddreg [dreg:$0x2];
	[bflag:$0x3] =	sbarrier.arrive $0xFFFF;
	s2 =	simm.s32 @!p0 $0x1C09  }
0x270: {  	[timem:s3], [sflag:s2] =	dma.local @!p0 [hbm:s0], s1  }
0x271: {  	s0 =	simm.s32 @!p0 $0x9  }
0x272: {  	_ =	swait.ge @!p0 [sflag:s0], s1  }
0x273: {  	s1 =	ssub.s32 @!p0 $0x0, s1;
	[sflag:s0] =	ssyncset.done @!p0 $0x0  }
0x274: {  	[sflag:s0] =	ssyncadd.s32 @!p0 s1  }
0x275: {  	[bflag:$0x3] =	sbarrier.arrive $0xFFFF  }
0x276: {  	_ =	shalt  }

// kernel: kernel.7.cloned.1.call-start
scs
__scs_entry_jumppad:
0x0: {  	(pc) =	sbr.rel $0x88, $3  }
0x1: {  	(tag) =	ssettag $0x0;
	lr =	simm.s32 $0x1  }
0x2: {  	[smem:$0x3F9D] =	sst lr;
	_ =	strace $0xD0000000  }
0x3: {  	_ = 	snop  }
0x4: {  	_ = 	snop  }
0x5: {  	_ = 	snop  }
0x6: {  	_ = 	snop  }
0x7: {  	_ = 	snop  }
__scs_overlays_trampoline_lowered:
0x8: {  	[smem:$0x3FAC] =	sst s0  }
0x9: {  	[smem:$0x3FAD] =	sst s1  }
0xa: {  	[smem:$0x3FAE] =	sst s2  }
0xb: {  	[smem:$0x3FAF] =	sst s3  }
0xc: {  	[smem:$0x3FB0] =	sst s4  }
0xd: {  	[smem:$0x3FB1] =	sst s5  }
0xe: {  	[smem:$0x3FB2] =	sst s6  }
0xf: {  	[smem:$0x3FB3] =	sst s7  }
0x10: {  	[smem:$0x3FB4] =	sst s8  }
0x11: {  	[smem:$0x3FB5] =	sst s9;
	s0 =	simm.s32 @!p0 $0x0  }
0x12: {  	s1 =	sld [smem:$0x3F9B];
	s0 =	simm.s32 @p0 $0x1  }
0x13: {  	[smem:$0x3FB6] =	sst s0;
	s0 =	simm.s32 @!p1 $0x0  }
0x14: {  	s2 =	sld [smem:$0x3F9A];
	s0 =	simm.s32 @p1 $0x1  }
0x15: {  	[smem:$0x3FB7] =	sst s0;
	s0 =	simm.s32 @!p2 $0x0  }
0x16: {  	s3 =	sld [smem:$0x3FDB];
	s0 =	simm.s32 @p2 $0x1  }
0x17: {  	s4 =	simm.s32 $0x1BF5;
	[smem:$0x3FB9] =	sst s0  }
0x18: {  	s0 =	sld [smem:$0x3F9C];
	_ =	swait.ge [sflag:s4], $0x0  }
0x19: {  	s7 =	sld [smem:$0x3F9D]  }
0x1a: {  	s8 =	sadd.s32 $0xFFFFE003, lr  }
0x1b: {  	s9 =	sadd.s32 $0xFFFFFEF7, lr;
	s5 =	simm.s32 $0xFFFFFFFF;
	p2 =	slt.u32 s8, $0xFFFFF086  }
0x1c: {  	p1 =	slt.u32 s9, $0xF7A;
	s5 =	simm.s32 @!p2 $0x0  }
0x1d: {  	s5 =	simm.s32 @p1 $0x1;
	p0 =	seq.s32 s7, s2  }
0x1e: {  	s7 =	smul.u32 @!p0 $0xF7A, s2;
	p2 =	seq.s32 @!p0 s5, $0x0  }
0x1f: {  	s9 =	smul.u32 $0xF7A, s1;
	s8 =	simm.s32 @!p0 $0x1BF5;
	p2 =	por !p2, p0  }
0x20: {  	[sflag:s8] =	ssyncset.s32 @!p0 $0xFFFFF086;
	s6 =	sadd.s32 @!p0 s3, s7;
	s7 =	simm.s32 @!p0 $0x108  }
0x21: {  	s3 =	sadd.s32 s3, s9;
	s6 =	sadd.s32 @!p0 $0x88, s6;
	s7 =	simm.s32 @p2 $0x1082  }
0x22: {  	[simem:s7], [sflag:s8] =	dma.local @!p0 [hbm:s6], $0xF7A  }
0x23: {  	s9 =	sor.u32 $0xD0000000, s2;
	s6 =	simm.s32 $0x108;
	_ =	swait.ge @!p0 [sflag:s8], $0x0  }
0x24: {  	s3 =	sadd.s32 $0x88, s3;
	s6 =	simm.s32 @!p1 $0x1082;
	[sflag:s4] =	ssyncset.s32 $0xFFFFF086  }
0x25: {  	[simem:s6], [sflag:s4] =	dma.local [hbm:s3], $0xF7A  }
0x26: {  	[smem:$0x3F9D] =	sst s1;
	(tag) =	ssettag s2;
	_ =	strace s9  }
0x27: {  	s1 =	sld [smem:$0x3FAD]  }
0x28: {  	s2 =	sld [smem:$0x3FAE]  }
0x29: {  	s4 =	sld [smem:$0x3FB0]  }
0x2a: {  	p0 =	seq.s32 s5, $0x0;
	s5 =	sld [smem:$0x3FB1]  }
0x2b: {  	s6 =	sld [smem:$0x3FB2]  }
0x2c: {  	s7 =	sld [smem:$0x3FB3]  }
0x2d: {  	s3 =	simm.s32 $0x108;
	s8 =	sld [smem:$0x3FB4]  }
0x2e: {  	s3 =	simm.s32 @!p0 $0x1082;
	s9 =	sld [smem:$0x3FB5]  }
0x2f: {  	lr =	sadd.s32 s0, s3;
	s0 =	sld [smem:$0x3FAC]  }
0x30: {  	s3 =	sld [smem:$0x3FAF]  }
0x31: {  	[smem:$0x3FB8] =	sst s10  }
0x32: {  	s10 =	sld [smem:$0x3FB6];
	_ =	sdelay $0x3  }
0x33: {  	p0 =	seq.s32 s10, $0x1;
	s10 =	sld [smem:$0x3FB8];
	_ =	sdelay $0x3  }
0x34: {  	[smem:$0x3FB8] =	sst s10  }
0x35: {  	s10 =	sld [smem:$0x3FB7];
	_ =	sdelay $0x3  }
0x36: {  	p1 =	seq.s32 s10, $0x1;
	s10 =	sld [smem:$0x3FB8];
	_ =	sdelay $0x3  }
0x37: {  	[smem:$0x3FB8] =	sst s10  }
0x38: {  	s10 =	sld [smem:$0x3FB9]  }
0x39: {  	_ = 	snop;
	(pc) =	sbr.ind lr, $3  }
0x3a: {  	_ = 	snop  }
0x3b: {  	_ = 	snop  }
0x3c: {  	p2 =	seq.s32 s10, $0x1;
	s10 =	sld [smem:$0x3FB8]  }
0x3d: {  	_ =	shalt  }
0x3e: {  	_ =	shalt  }
0x3f: {  	_ =	shalt  }
0x40: {  	_ =	shalt  }
0x41: {  	_ =	shalt  }
0x42: {  	_ =	shalt  }
0x43: {  	_ =	shalt  }
0x44: {  	_ =	shalt  }
0x45: {  	_ =	shalt  }
0x46: {  	_ =	shalt  }
0x47: {  	_ =	shalt  }
0x48: {  	_ =	shalt  }
0x49: {  	_ =	shalt  }
0x4a: {  	_ =	shalt  }
0x4b: {  	_ =	shalt  }
0x4c: {  	_ =	shalt  }
0x4d: {  	_ =	shalt  }
0x4e: {  	_ =	shalt  }
0x4f: {  	_ =	shalt  }
0x50: {  	_ =	shalt  }
0x51: {  	_ =	shalt  }
0x52: {  	_ =	shalt  }
0x53: {  	_ =	shalt  }
0x54: {  	_ =	shalt  }
0x55: {  	_ =	shalt  }
0x56: {  	_ =	shalt  }
0x57: {  	_ =	shalt  }
0x58: {  	_ =	shalt  }
0x59: {  	_ =	shalt  }
0x5a: {  	_ =	shalt  }
0x5b: {  	_ =	shalt  }
0x5c: {  	_ =	shalt  }
0x5d: {  	_ =	shalt  }
0x5e: {  	_ =	shalt  }
0x5f: {  	_ =	shalt  }
0x60: {  	_ =	shalt  }
0x61: {  	_ =	shalt  }
0x62: {  	_ =	shalt  }
0x63: {  	_ =	shalt  }
0x64: {  	_ =	shalt  }
0x65: {  	_ =	shalt  }
0x66: {  	_ =	shalt  }
0x67: {  	_ =	shalt  }
0x68: {  	_ =	shalt  }
0x69: {  	_ =	shalt  }
0x6a: {  	_ =	shalt  }
0x6b: {  	_ =	shalt  }
0x6c: {  	_ =	shalt  }
0x6d: {  	_ =	shalt  }
0x6e: {  	_ =	shalt  }
0x6f: {  	_ =	shalt  }
0x70: {  	_ =	shalt  }
0x71: {  	_ =	shalt  }
0x72: {  	_ =	shalt  }
0x73: {  	_ =	shalt  }
0x74: {  	_ =	shalt  }
0x75: {  	_ =	shalt  }
0x76: {  	_ =	shalt  }
0x77: {  	_ =	shalt  }
0x78: {  	_ =	shalt  }
0x79: {  	_ =	shalt  }
0x7a: {  	_ =	shalt  }
0x7b: {  	_ =	shalt  }
0x7c: {  	_ =	shalt  }
0x7d: {  	_ =	shalt  }
0x7e: {  	_ =	shalt  }
0x7f: {  	_ =	shalt  }
0x80: {  	_ =	shalt  }
0x81: {  	_ =	shalt  }
0x82: {  	_ =	shalt  }
0x83: {  	_ =	shalt  }
0x84: {  	_ =	shalt  }
0x85: {  	_ =	shalt  }
0x86: {  	_ =	shalt  }
0x87: {  	_ =	shalt  }
.Lfunc_end0:
.L_simem_size_0:
called_computation_lowered:
.L_overlay_start_0:
0x88: {  	s2 =	sld [smem:$0x3FD9]  }
0x89: {  	s3 =	sld [smem:$0x3FFE];
	_ =	sdelay $0x1  }
0x8a: {  	s1 =	srdreg.scid  }
0x8b: {  	s0 =	sand.u32 $0x1, s1  }
0x8c: {  	s14 =	sshll.u32 s0, $0xA;
	s2 =	sadd.s32 s3, s2  }
0x8d: {  	s2 =	sadd.s32 s2, s14  }
0x8e: {  	[smem:$0x3FC4] =	sst s2  }
0x8f: {  	_ = 	snop  }
0x90: {  	s2 =	sld [smem:$0x3FD0];
	_ =	sdelay $0x2  }
0x91: {  	s15 =	simm.s32 $0xA;
	s4 =	simm.s32 $0x10  }
0x92: {  	[smem:s4], [sflag:s15] =	dma.local [hbm:s2], $0x1  }
0x93: {  	_ =	swait.eq [sflag:s15], $0x1  }
0x94: {  	[sflag:s15] =	ssyncset.done $0x0  }
0x95: {  	[sflag:s15] =	ssyncadd.s32 $0xFFFFFFFF  }
0x96: {  	s16 =	sld [smem:$0x11];
	(tm) =	ssettm $0x1  }
0x97: {  	s17 =	sld [smem:$0x3FFB];
	_ =	sdelay $0x3  }
0x98: {  	_ =	strace s17  }
0x99: {  	s3 =	sld [smem:$0x3FFC];
	_ =	sdelay $0x3  }
0x9a: {  	_ =	strace s3  }
0x9b: {  	s3 =	sld [smem:$0x3FFD];
	_ =	sdelay $0x3  }
0x9c: {  	_ =	strace s3  }
0x9d: {  	_ =	strace $0x8FFFFFFF  }
0x9e: {  	s18 =	sld [smem:$0x3FDB];
	_ =	sdelay $0x1  }
0x9f: {  	s19 =	simm.s32 $_scs_section_size  }
0xa0: {  	s5 =	simm.s32 $_size__tile_overlayer_lowered;
	s6 =	simm.s32 $_tile_overlayer_lowered  }
0xa1: {  	s22 =	simm.s32 $0x1BFF;
	s21 =	sshll.u32 s6, $0x1;
	s3 =	sadd.s32 s19, s18  }
0xa2: {  	s7 =	simm.s32 $0x0;
	s20 =	sshll.u32 s5, $0x1;
	s5 =	sadd.s32 s21, s3  }
0xa3: {  	[timem:s7], [sflag:s22] =	dma.local [hbm:s5], s20  }
0xa4: {  	_ =	swait.ge [sflag:s22], s20  }
0xa5: {  	s4 =	ssub.s32 $0x0, s20;
	[sflag:s22] =	ssyncset.done $0x0  }
0xa6: {  	[sflag:s22] =	ssyncadd.s32 s4;
	_ =	sdelay $0x1  }
0xa7: {  	s23 =	simm.s32 $0x1B8B  }
0xa8: {  	_ =	swait.ge [sflag:s23], $0x1  }
0xa9: {  	[sflag:s23] =	ssyncset.done $0x0  }
0xaa: {  	s25 =	simm.s32 $0x1B8E;
	s24 =	sld [smem:$0x3FFE];
	[sflag:s23] =	ssyncadd.s32 $0xFFFFFFFF  }
0xab: {  	s26 =	simm.s32 $execute0_lowered;
	[smem:$0x3FD2] =	sst s25  }
0xac: {  	s5 =	sshll.u32 s26, $0x1;
	_ =	strace $0x80000046;
	[dreg:$0x1] =	wrdreg $0xFFFFFFFF  }
0xad: {  	s28 =	simm.s32 $_size_execute0_lowered;
	s3 =	sadd.s32 s3, s5;
	[dreg:$0x0] =	wrdreg $0x0  }
0xae: {  	s5 =	sshll.u32 s28, $0x1;
	[dreg:$0x2] =	wrdreg s3  }
0xaf: {  	[dreg:$0x3] =	wrdreg s5  }
0xb0: {  	[dreg:$0x4] =	wrdreg $0xC0  }
0xb1: {  	_ =	task [dreg:s7], $0x5FFFF  }
0xb2: {  	[dreg:$0x1] =	wrdreg $0xFFFFFFFF  }
0xb3: {  	[dreg:$0x0] =	wrdreg $0x60  }
0xb4: {  	[dreg:$0x2] =	wrdreg s16  }
0xb5: {  	[dreg:$0x3] =	wrdreg s24  }
0xb6: {  	[dreg:$0x4] =	wrdreg $0xCA800  }
0xb7: {  	[dreg:$0x5] =	wrdreg $0x9  }
0xb8: {  	_ =	task.clear_ibuf [dreg:s7], $0x6FFFF;
	_ =	strace $0x90000046  }
0xb9: {  	s29 =	simm.s32 $0x9;
	_ =	strace $0x80000048  }
0xba: {  	_ =	swait.ge [sflag:s29], $0x1  }
0xbb: {  	[sflag:s29] =	ssyncadd.s32 $0xFFFFFFFF  }
0xbc: {  	_ =	strace $0x90000048  }
0xbd: {  	_ =	sfence  }
0xbe: {  	s30 =	sld [smem:$0x0];
	_ =	sdelay $0x2  }
0xbf: {  	s31 =	sshll.u32 s1, $0xD;
	s1 =	sshrl.u32 s1, $0x2  }
0xc0: {  	s3 =	sand.u32 $0x4000, s31;
	s1 =	sadd.s32 s1, s30  }
0xc1: {  	s0 =	sor.u32 s3, s0;
	s1 =	sshll.u32 s1, $0x11  }
0xc2: {  	s0 =	sor.u32 s1, s0  }
0xc3: {  	s0 =	sadd.s32 $0x8F2B, s0  }
0xc4: {  	[sflag:s0] =	ssyncadd.remote.s32 $0x1  }
0xc5: {  	_ =	sfence.sel $0xFFFF  }
0xc6: {  	[dreg:$0x0] =	wrdreg $0xFFFFFFFF;
	(pc) =	sbr.abs _section_cstart, $3  }
0xc7: {  	[dreg:$0x1] =	wrdreg $0xFFFFFFFF  }
0xc8: {  	_ =	task.clear_ibuf [dreg:s7], $0x2FFFF;
	_ =	strace $0x9FFFFFFF  }
0xc9: {  	(tm) =	ssettm $0x7FFFFFFF  }
tec
execute0_lowered:
.L_overlay_start_1:
0x0: {  	(tag) =	ssettag $0x1  }
0x1: {  	s0 =	rddreg [dreg:$0x0]  }
0x2: {  	s1 =	srdreg.scid;
	s4 =	rddreg [dreg:$0x1]  }
0x3: {  	s2 =	rddreg [dreg:$0x2];
	s19 =	stileid.u32  }
0x4: {  	s3 =	simm.s32 $0x0;
	s12 =	simm.s32 $0x100;
	s13 =	simm.s32 $0x2800  }
0x5: {  	s14 =	simm.s32 $0x5000;
	s15 =	simm.s32 $0x7800;
	s16 =	simm.s32 $0xC800  }
0x6: {  	s17 =	simm.s32 $0x2;
	s5 =	sand.u32 $0x1, s1;
	s1 =	rddreg [dreg:$0x3]  }
0x7: {  	s18 =	simm.s32 $0x1;
	s20 =	simm.s32 $0x0;
	[smem:$0x7FF] =	sst s3  }
0x8: {  	s9 =	smul.u32 $0xA00, s19;
	p0 =	sne.s32 s19, $0x0;
	s6 =	sshll.u32 s5, $0x4  }
0x9: {  	_ =	strace $0x80000047;
	s5 =	ssub.s32 $0x2, s5;
	s7 =	sor.u32 s19, s6  }
0xa: {  	s30 =	sshrl.u32 s5, $0x1;
	s10 =	sadd.s32 s6, s4;
	s31 =	sshrl.u32 s9, $0x2  }
0xb: {  	s19 =	simm.s32 $0xA000;
	s7 =	smul.u32 $0x500, s7;
	s11 =	ssub.s32 s5, s30  }
0xc: {  	s9 =	sadd.s32 $0x1F800, s10;
	s10 =	smax.u32 s11, $0x1;
	s11 =	simm.s32 $0x80  }
0xd: {  	s8 =	sadd.s32 s7, s4;
	s4 =	sadd.s32 $0x10, s0;
	s7 =	sadd.s32 s31, s2  }
0xe: {  	v0 =	vimm.f32 $0.0e+00;
	s5 =	sadd.s32 $0x1800, s8;
	s6 =	sadd.s32 $0xB800, s8;
	s8 =	sadd.s32 $0x15800, s8  }
.LBB2_1:
0xf: {  	[tilespmem:s3], [sflag:$0x1] =	stream.strided.gather [hbm4b:s0+s11], $0x2800, s12, s11, $0x38;
	[tilespmem:$0xCD00] =	vst v63  }
0x10: {  	_ = 	snop  }
0x11: {  	[tilespmem:s13], [sflag:$0x1] =	stream.strided.gather [hbm4b:s4+s11], $0x2800, s12, s11, $0x38;
	[tilespmem:$0xCD00] =	vst v63  }
0x12: {  	_ = 	snop  }
0x13: {  	[tilespmem:s14], [sflag:$0x1] =	stream.linear.gather [hbm4b:s5+s3], $0x2800, $0x38;
	[tilespmem:$0xCD00] =	vst v63  }
0x14: {  	_ = 	snop  }
0x15: {  	[tilespmem:s15], [sflag:$0x1] =	stream.linear.gather [hbm4b:s6+s3], $0x2800, $0x38;
	[tilespmem:$0xCD00] =	vst v63  }
0x16: {  	[tilespmem:$0xC800] =	vst v0  }
0x17: {  	[tilespmem:$0xC810] =	vst v0  }
0x18: {  	[tilespmem:$0xC820] =	vst v0  }
0x19: {  	[tilespmem:$0xC830] =	vst v0  }
0x1a: {  	[tilespmem:$0xC840] =	vst v0  }
0x1b: {  	[tilespmem:$0xC850] =	vst v0  }
0x1c: {  	[tilespmem:$0xC860] =	vst v0  }
0x1d: {  	[tilespmem:$0xC870] =	vst v0  }
0x1e: {  	[tilespmem:$0xC880] =	vst v0  }
0x1f: {  	[tilespmem:$0xC890] =	vst v0  }
0x20: {  	[tilespmem:$0xC8A0] =	vst v0  }
0x21: {  	[tilespmem:$0xC8B0] =	vst v0  }
0x22: {  	[tilespmem:$0xC8C0] =	vst v0  }
0x23: {  	[tilespmem:$0xC8D0] =	vst v0  }
0x24: {  	[tilespmem:$0xC8E0] =	vst v0  }
0x25: {  	[tilespmem:$0xC8F0] =	vst v0  }
0x26: {  	[tilespmem:$0xC900] =	vst v0  }
0x27: {  	[tilespmem:$0xC910] =	vst v0  }
0x28: {  	[tilespmem:$0xC920] =	vst v0  }
0x29: {  	[tilespmem:$0xC930] =	vst v0  }
0x2a: {  	[tilespmem:$0xC940] =	vst v0  }
0x2b: {  	[tilespmem:$0xC950] =	vst v0  }
0x2c: {  	[tilespmem:$0xC960] =	vst v0  }
0x2d: {  	[tilespmem:$0xC970] =	vst v0  }
0x2e: {  	[tilespmem:$0xC980] =	vst v0  }
0x2f: {  	[tilespmem:$0xC990] =	vst v0  }
0x30: {  	[tilespmem:$0xC9A0] =	vst v0  }
0x31: {  	[tilespmem:$0xC9B0] =	vst v0  }
0x32: {  	[tilespmem:$0xC9C0] =	vst v0  }
0x33: {  	[tilespmem:$0xC9D0] =	vst v0  }
0x34: {  	[tilespmem:$0xC9E0] =	vst v0  }
0x35: {  	[tilespmem:$0xC9F0] =	vst v0  }
0x36: {  	[tilespmem:$0xCA00] =	vst v0  }
0x37: {  	[tilespmem:$0xCA10] =	vst v0  }
0x38: {  	[tilespmem:$0xCA20] =	vst v0  }
0x39: {  	[tilespmem:$0xCA30] =	vst v0  }
0x3a: {  	[tilespmem:$0xCA40] =	vst v0  }
0x3b: {  	[tilespmem:$0xCA50] =	vst v0  }
0x3c: {  	[tilespmem:$0xCA60] =	vst v0  }
0x3d: {  	[tilespmem:$0xCA70] =	vst v0  }
0x3e: {  	[spmem:s7] =	stream.linear.scatter [tilespmem:s16], [sflag:$0x2], $0x280, $0x38;
	[tilespmem:$0xCD00] =	vst v63  }
0x3f: {  	_ =	swait.ge [sflag:s17], $0x280  }
0x40: {  	[sflag:s17] =	ssyncset.done $0x0  }
0x41: {  	[sflag:s17] =	ssyncadd.s32 $0xFFFFFD80  }
0x42: {  	_ =	swait.ge [sflag:s18], $0x2800  }
0x43: {  	[sflag:s18] =	ssyncset.done $0x0  }
0x44: {  	[sflag:s18] =	ssyncadd.s32 $0xFFFFD800  }
0x45: {  	_ =	swait.ge [sflag:s18], $0x2800  }
0x46: {  	[sflag:s18] =	ssyncset.done $0x0  }
0x47: {  	[sflag:s18] =	ssyncadd.s32 $0xFFFFD800  }
0x48: {  	_ =	swait.ge [sflag:s18], $0x2800  }
0x49: {  	[sflag:s18] =	ssyncset.done $0x0  }
0x4a: {  	[sflag:s18] =	ssyncadd.s32 $0xFFFFD800  }
0x4b: {  	_ =	swait.ge [sflag:s18], $0x2800  }
0x4c: {  	[sflag:s18] =	ssyncset.done $0x0  }
0x4d: {  	[sflag:s18] =	ssyncadd.s32 $0xFFFFD800  }
0x4e: {  	s21 =	simm.s32 $0x10;
	[bflag:$0x0] =	sbarrier.arrive $0xFFFF  }
0x4f: {  	v5 =	vld [tilespmem:s21+$0x0]  }
0x50: {  	s22 =	simm.s32 $0x2810;
	v4 =	vld [tilespmem:s21+$0xFFFFFFF0]  }
0x51: {  	v6 =	vld [tilespmem:s22+$0xFFFFFFF0]  }
0x52: {  	v3 =	vld [tilespmem:s22+$0x0];
	s21 =	simm.s32 $0x30  }
0x53: {  	v1 =	vld [tilespmem:s21+$0x0]  }
0x54: {  	v7 =	vimm.f32 $-Inf;
	s22 =	simm.s32 $0x2830  }
0x55: {  	v2 =	vld [tilespmem:s22+$0x0];
	v8 =	vmax.f32 v7, v4  }
0x56: {  	s23 =	simm.s32 $0x2;
	v4 =	vld [tilespmem:s21+$0xFFFFFFF0];
	v6 =	vmax.f32 v7, v6;
	v5 =	vmax.f32 v8, v5  }
.LBB2_2:
0x57: {  	s23 =	sadd.s32 $0x2, s23  }
0x58: {  	v7 =	vld [tilespmem:s22+$0xFFFFFFF0];
	s21 =	sadd.s32 $0x20, s21;
	v6 =	vmax.f32 v6, v3;
	v8 =	vmov v1;
	p1 =	slt.u32 s23, $0x27E  }
.Ltmp0:
0x59: {  	v1 =	vld [tilespmem:s21+$0x0];
	(pc) =	sbr.rel @p1 .LBB2_2-.Ltmp0, $4  }
0x5a: {  	_ = 	snop  }
0x5b: {  	s22 =	sadd.s32 $0x20, s22;
	v3 =	vmov v2  }
0x5c: {  	v2 =	vld [tilespmem:s22+$0x0];
	v5 =	vmax.f32 v5, v4  }
0x5d: {  	v4 =	vld [tilespmem:s21+$0xFFFFFFF0];
	v6 =	vmax.f32 v6, v7;
	v5 =	vmax.f32 v5, v8  }
0x5e: {  	v7 =	vld [tilespmem:s22+$0xFFFFFFF0];
	_ =	sdelay $0x3  }
0x5f: {  	v3 =	vmax.f32 v6, v3;
	v4 =	vmax.f32 v5, v4  }
0x60: {  	v3 =	vmax.f32 v3, v7;
	v1 =	vmax.f32 v4, v1  }
0x61: {  	v2 =	vmax.f32 v3, v2;
	(xrf0) =	vmax.scan.msk.f32 $0xffff, v1  }
0x62: {  	(xrf0) =	vmax.scan.msk.f32 $0xffff, v2;
	_ =	sdelay $0x4  }
0x63: {  	v1, _, _ =	vpop (xrf0)  }
0x64: {  	(v2sf) =	vpush v1, $0xF;
	v1, _, _ =	vpop (xrf0)  }
0x65: {  	(v2sf) =	vpush v1, $0xF;
	_ =	sdelay $0xd  }
0x66: {  	s21 =	spop (v2sf)  }
0x67: {  	s31 =	spop (v2sf)  }
0x68: {  	s21 =	sadd.f32 s31, s21;
	_ =	sdelay $0x1  }
0x69: {  	s23 =	simm.s32 $0xA080;
	s22 =	smax.f32 s21, $0.0e+00  }
0x6a: {  	s24 =	simm.s32 $0x7880;
	s25 =	simm.s32 $0x5080;
	s21 =	simm.s32 $0xFFFFFFFE;
	v1 =	vmov s22  }
.LBB2_4:
0x6b: {  	v2 =	vld [tilespmem:s25+$0xFFFFFF80]  }
0x6c: {  	v3 =	vld [tilespmem:s24+$0xFFFFFF80];
	_ =	sdelay $0x5  }
0x6d: {  	s22 =	simm.s32 $0x0  }
0x6e: {  	v2 =	vld.idx.msk [tilespmem:v2+s22+$0x0], $0xffff  }
0x6f: {  	v3 =	vld.idx.msk [tilespmem:v3+s13+$0x0], $0xffff;
	_ =	sdelay $0x4  }
0x70: {  	v2 =	vadd.f32 v3, v2;
	_ =	sdelay $0x1  }
0x71: {  	v3 =	vmul.f32 $2.000000030e-01, v2  }
0x72: {  	vm0 =	vgt.f32 v2, $0.0e+00  }
0x73: {  	v2 =	vsel vm0, v2, v3  }
0x74: {  	v2 =	vsub.f32 v2, v1;
	_ =	sdelay $0x1  }
0x75: {  	v2 =	vmul.f32 $1.442695020e+00, v2;
	_ =	sdelay $0x1  }
0x76: {  	(erf) = vpow2.f32 v2;
	_ =	sdelay $0x8  }
0x77: {  	v2 =	vpop (erf)  }
0x78: {  	[tilespmem:s23+$0xFFFFFF80] =	vst v2  }
0x79: {  	v2 =	vld [tilespmem:s25+$0xFFFFFF90]  }
0x7a: {  	v3 =	vld [tilespmem:s24+$0xFFFFFF90];
	_ =	sdelay $0x6  }
0x7b: {  	v2 =	vld.idx.msk [tilespmem:v2+s22+$0x0], $0xffff  }
0x7c: {  	v3 =	vld.idx.msk [tilespmem:v3+s13+$0x0], $0xffff;
	_ =	sdelay $0x4  }
0x7d: {  	v2 =	vadd.f32 v3, v2;
	_ =	sdelay $0x1  }
0x7e: {  	v3 =	vmul.f32 $2.000000030e-01, v2  }
0x7f: {  	vm13 =	vgt.f32 v2, $0.0e+00  }
0x80: {  	v2 =	vsel vm13, v2, v3  }
0x81: {  	v2 =	vsub.f32 v2, v1;
	_ =	sdelay $0x1  }
0x82: {  	v2 =	vmul.f32 $1.442695020e+00, v2;
	_ =	sdelay $0x1  }
0x83: {  	(erf) = vpow2.f32 v2;
	_ =	sdelay $0x8  }
0x84: {  	v2 =	vpop (erf)  }
0x85: {  	[tilespmem:s23+$0xFFFFFF90] =	vst v2  }
0x86: {  	v2 =	vld [tilespmem:s25+$0xFFFFFFA0]  }
0x87: {  	v3 =	vld [tilespmem:s24+$0xFFFFFFA0];
	_ =	sdelay $0x6  }
0x88: {  	v2 =	vld.idx.msk [tilespmem:v2+s22+$0x0], $0xffff  }
0x89: {  	v3 =	vld.idx.msk [tilespmem:v3+s13+$0x0], $0xffff;
	_ =	sdelay $0x4  }
0x8a: {  	v2 =	vadd.f32 v3, v2;
	_ =	sdelay $0x1  }
0x8b: {  	v3 =	vmul.f32 $2.000000030e-01, v2  }
0x8c: {  	vm14 =	vgt.f32 v2, $0.0e+00  }
0x8d: {  	v2 =	vsel vm14, v2, v3  }
0x8e: {  	v2 =	vsub.f32 v2, v1;
	_ =	sdelay $0x1  }
0x8f: {  	v2 =	vmul.f32 $1.442695020e+00, v2;
	_ =	sdelay $0x1  }
0x90: {  	(erf) = vpow2.f32 v2;
	_ =	sdelay $0x8  }
0x91: {  	v2 =	vpop (erf)  }
0x92: {  	[tilespmem:s23+$0xFFFFFFA0] =	vst v2  }
0x93: {  	v2 =	vld [tilespmem:s25+$0xFFFFFFB0]  }
0x94: {  	v3 =	vld [tilespmem:s24+$0xFFFFFFB0];
	_ =	sdelay $0x6  }
0x95: {  	v2 =	vld.idx.msk [tilespmem:v2+s22+$0x0], $0xffff  }
0x96: {  	v3 =	vld.idx.msk [tilespmem:v3+s13+$0x0], $0xffff;
	_ =	sdelay $0x4  }
0x97: {  	v2 =	vadd.f32 v3, v2;
	_ =	sdelay $0x1  }
0x98: {  	v3 =	vmul.f32 $2.000000030e-01, v2  }
0x99: {  	vm15 =	vgt.f32 v2, $0.0e+00  }
0x9a: {  	v2 =	vsel vm15, v2, v3  }
0x9b: {  	v2 =	vsub.f32 v2, v1;
	_ =	sdelay $0x1  }
0x9c: {  	v2 =	vmul.f32 $1.442695020e+00, v2;
	_ =	sdelay $0x1  }
0x9d: {  	(erf) = vpow2.f32 v2;
	_ =	sdelay $0x8  }
0x9e: {  	v2 =	vpop (erf)  }
0x9f: {  	[tilespmem:s23+$0xFFFFFFB0] =	vst v2  }
0xa0: {  	v2 =	vld [tilespmem:s25+$0xFFFFFFC0]  }
0xa1: {  	v3 =	vld [tilespmem:s24+$0xFFFFFFC0];
	_ =	sdelay $0x6  }
0xa2: {  	v2 =	vld.idx.msk [tilespmem:v2+s22+$0x0], $0xffff  }
0xa3: {  	v3 =	vld.idx.msk [tilespmem:v3+s13+$0x0], $0xffff;
	_ =	sdelay $0x4  }
0xa4: {  	v2 =	vadd.f32 v3, v2;
	_ =	sdelay $0x1  }
0xa5: {  	v3 =	vmul.f32 $2.000000030e-01, v2  }
0xa6: {  	vm4 =	vgt.f32 v2, $0.0e+00  }
0xa7: {  	v2 =	vsel vm4, v2, v3  }
0xa8: {  	v2 =	vsub.f32 v2, v1;
	_ =	sdelay $0x1  }
0xa9: {  	v2 =	vmul.f32 $1.442695020e+00, v2;
	_ =	sdelay $0x1  }
0xaa: {  	(erf) = vpow2.f32 v2;
	_ =	sdelay $0x8  }
0xab: {  	v2 =	vpop (erf)  }
0xac: {  	[tilespmem:s23+$0xFFFFFFC0] =	vst v2  }
0xad: {  	v2 =	vld [tilespmem:s25+$0xFFFFFFD0]  }
0xae: {  	v3 =	vld [tilespmem:s24+$0xFFFFFFD0];
	_ =	sdelay $0x6  }
0xaf: {  	v2 =	vld.idx.msk [tilespmem:v2+s22+$0x0], $0xffff  }
0xb0: {  	v3 =	vld.idx.msk [tilespmem:v3+s13+$0x0], $0xffff;
	_ =	sdelay $0x4  }
0xb1: {  	v2 =	vadd.f32 v3, v2;
	_ =	sdelay $0x1  }
0xb2: {  	v3 =	vmul.f32 $2.000000030e-01, v2  }
0xb3: {  	vm5 =	vgt.f32 v2, $0.0e+00  }
0xb4: {  	v2 =	vsel vm5, v2, v3  }
0xb5: {  	v2 =	vsub.f32 v2, v1;
	_ =	sdelay $0x1  }
0xb6: {  	v2 =	vmul.f32 $1.442695020e+00, v2;
	_ =	sdelay $0x1  }
0xb7: {  	(erf) = vpow2.f32 v2;
	_ =	sdelay $0x8  }
0xb8: {  	v2 =	vpop (erf)  }
0xb9: {  	[tilespmem:s23+$0xFFFFFFD0] =	vst v2  }
0xba: {  	v2 =	vld [tilespmem:s25+$0xFFFFFFE0]  }
0xbb: {  	v3 =	vld [tilespmem:s24+$0xFFFFFFE0];
	_ =	sdelay $0x6  }
0xbc: {  	v2 =	vld.idx.msk [tilespmem:v2+s22+$0x0], $0xffff  }
0xbd: {  	v3 =	vld.idx.msk [tilespmem:v3+s13+$0x0], $0xffff;
	_ =	sdelay $0x4  }
0xbe: {  	v2 =	vadd.f32 v3, v2;
	_ =	sdelay $0x1  }
0xbf: {  	v3 =	vmul.f32 $2.000000030e-01, v2  }
0xc0: {  	vm6 =	vgt.f32 v2, $0.0e+00  }
0xc1: {  	v2 =	vsel vm6, v2, v3  }
0xc2: {  	v2 =	vsub.f32 v2, v1;
	_ =	sdelay $0x1  }
0xc3: {  	v2 =	vmul.f32 $1.442695020e+00, v2;
	_ =	sdelay $0x1  }
0xc4: {  	(erf) = vpow2.f32 v2;
	_ =	sdelay $0x8  }
0xc5: {  	v2 =	vpop (erf)  }
0xc6: {  	[tilespmem:s23+$0xFFFFFFE0] =	vst v2  }
0xc7: {  	v2 =	vld [tilespmem:s25+$0xFFFFFFF0]  }
0xc8: {  	v3 =	vld [tilespmem:s24+$0xFFFFFFF0];
	_ =	sdelay $0x6  }
0xc9: {  	v2 =	vld.idx.msk [tilespmem:v2+s22+$0x0], $0xffff  }
0xca: {  	v3 =	vld.idx.msk [tilespmem:v3+s13+$0x0], $0xffff;
	_ =	sdelay $0x4  }
0xcb: {  	v2 =	vadd.f32 v3, v2;
	_ =	sdelay $0x1  }
0xcc: {  	v3 =	vmul.f32 $2.000000030e-01, v2  }
0xcd: {  	vm7 =	vgt.f32 v2, $0.0e+00  }
0xce: {  	v2 =	vsel vm7, v2, v3  }
0xcf: {  	v2 =	vsub.f32 v2, v1;
	_ =	sdelay $0x1  }
0xd0: {  	v2 =	vmul.f32 $1.442695020e+00, v2;
	_ =	sdelay $0x1  }
0xd1: {  	(erf) = vpow2.f32 v2;
	_ =	sdelay $0x8  }
0xd2: {  	v2 =	vpop (erf)  }
0xd3: {  	[tilespmem:s23+$0xFFFFFFF0] =	vst v2  }
0xd4: {  	v2 =	vld [tilespmem:s25+$0x0]  }
0xd5: {  	v3 =	vld [tilespmem:s24+$0x0];
	_ =	sdelay $0x6  }
0xd6: {  	v2 =	vld.idx.msk [tilespmem:v2+s22+$0x0], $0xffff  }
0xd7: {  	v3 =	vld.idx.msk [tilespmem:v3+s13+$0x0], $0xffff;
	_ =	sdelay $0x4  }
0xd8: {  	v2 =	vadd.f32 v3, v2;
	_ =	sdelay $0x1  }
0xd9: {  	v3 =	vmul.f32 $2.000000030e-01, v2  }
0xda: {  	vm8 =	vgt.f32 v2, $0.0e+00  }
0xdb: {  	v2 =	vsel vm8, v2, v3  }
0xdc: {  	v2 =	vsub.f32 v2, v1;
	_ =	sdelay $0x1  }
0xdd: {  	v2 =	vmul.f32 $1.442695020e+00, v2;
	_ =	sdelay $0x1  }
0xde: {  	(erf) = vpow2.f32 v2;
	_ =	sdelay $0x8  }
0xdf: {  	v2 =	vpop (erf)  }
0xe0: {  	[tilespmem:s23+$0x0] =	vst v2  }
0xe1: {  	v2 =	vld [tilespmem:s25+$0x10]  }
0xe2: {  	v3 =	vld [tilespmem:s24+$0x10];
	_ =	sdelay $0x6  }
0xe3: {  	v2 =	vld.idx.msk [tilespmem:v2+s22+$0x0], $0xffff  }
0xe4: {  	v3 =	vld.idx.msk [tilespmem:v3+s13+$0x0], $0xffff;
	_ =	sdelay $0x4  }
0xe5: {  	v2 =	vadd.f32 v3, v2;
	_ =	sdelay $0x1  }
0xe6: {  	v3 =	vmul.f32 $2.000000030e-01, v2  }
0xe7: {  	vm9 =	vgt.f32 v2, $0.0e+00  }
0xe8: {  	v2 =	vsel vm9, v2, v3  }
0xe9: {  	v2 =	vsub.f32 v2, v1;
	_ =	sdelay $0x1  }
0xea: {  	v2 =	vmul.f32 $1.442695020e+00, v2;
	_ =	sdelay $0x1  }
0xeb: {  	(erf) = vpow2.f32 v2;
	_ =	sdelay $0x8  }
0xec: {  	v2 =	vpop (erf)  }
0xed: {  	[tilespmem:s23+$0x10] =	vst v2  }
0xee: {  	v2 =	vld [tilespmem:s25+$0x20]  }
0xef: {  	v3 =	vld [tilespmem:s24+$0x20];
	_ =	sdelay $0x6  }
0xf0: {  	v2 =	vld.idx.msk [tilespmem:v2+s22+$0x0], $0xffff  }
0xf1: {  	v3 =	vld.idx.msk [tilespmem:v3+s13+$0x0], $0xffff;
	_ =	sdelay $0x4  }
0xf2: {  	v2 =	vadd.f32 v3, v2;
	_ =	sdelay $0x1  }
0xf3: {  	v3 =	vmul.f32 $2.000000030e-01, v2  }
0xf4: {  	vm10 =	vgt.f32 v2, $0.0e+00  }
0xf5: {  	v2 =	vsel vm10, v2, v3  }
0xf6: {  	v2 =	vsub.f32 v2, v1;
	_ =	sdelay $0x1  }
0xf7: {  	v2 =	vmul.f32 $1.442695020e+00, v2;
	_ =	sdelay $0x1  }
0xf8: {  	(erf) = vpow2.f32 v2;
	_ =	sdelay $0x8  }
0xf9: {  	v2 =	vpop (erf)  }
0xfa: {  	[tilespmem:s23+$0x20] =	vst v2  }
0xfb: {  	v2 =	vld [tilespmem:s25+$0x30]  }
0xfc: {  	v3 =	vld [tilespmem:s24+$0x30];
	_ =	sdelay $0x6  }
0xfd: {  	v2 =	vld.idx.msk [tilespmem:v2+s22+$0x0], $0xffff  }
0xfe: {  	v3 =	vld.idx.msk [tilespmem:v3+s13+$0x0], $0xffff;
	_ =	sdelay $0x4  }
0xff: {  	v2 =	vadd.f32 v3, v2;
	_ =	sdelay $0x1  }
0x100: {  	v3 =	vmul.f32 $2.000000030e-01, v2  }
0x101: {  	vm11 =	vgt.f32 v2, $0.0e+00  }
0x102: {  	v2 =	vsel vm11, v2, v3  }
0x103: {  	v2 =	vsub.f32 v2, v1;
	_ =	sdelay $0x1  }
0x104: {  	v2 =	vmul.f32 $1.442695020e+00, v2;
	_ =	sdelay $0x1  }
0x105: {  	(erf) = vpow2.f32 v2;
	_ =	sdelay $0x8  }
0x106: {  	v2 =	vpop (erf)  }
0x107: {  	[tilespmem:s23+$0x30] =	vst v2  }
0x108: {  	v2 =	vld [tilespmem:s25+$0x40]  }
0x109: {  	v3 =	vld [tilespmem:s24+$0x40];
	_ =	sdelay $0x6  }
0x10a: {  	v2 =	vld.idx.msk [tilespmem:v2+s22+$0x0], $0xffff  }
0x10b: {  	v3 =	vld.idx.msk [tilespmem:v3+s13+$0x0], $0xffff;
	_ =	sdelay $0x4  }
0x10c: {  	v2 =	vadd.f32 v3, v2;
	_ =	sdelay $0x1  }
0x10d: {  	v3 =	vmul.f32 $2.000000030e-01, v2  }
0x10e: {  	vm12 =	vgt.f32 v2, $0.0e+00  }
0x10f: {  	v2 =	vsel vm12, v2, v3  }
0x110: {  	v2 =	vsub.f32 v2, v1;
	_ =	sdelay $0x1  }
0x111: {  	v2 =	vmul.f32 $1.442695020e+00, v2;
	_ =	sdelay $0x1  }
0x112: {  	(erf) = vpow2.f32 v2;
	_ =	sdelay $0x8  }
0x113: {  	v2 =	vpop (erf)  }
0x114: {  	[tilespmem:s23+$0x40] =	vst v2  }
0x115: {  	v2 =	vld [tilespmem:s25+$0x50]  }
0x116: {  	v3 =	vld [tilespmem:s24+$0x50];
	_ =	sdelay $0x6  }
0x117: {  	v2 =	vld.idx.msk [tilespmem:v2+s22+$0x0], $0xffff  }
0x118: {  	v3 =	vld.idx.msk [tilespmem:v3+s13+$0x0], $0xffff;
	_ =	sdelay $0x4  }
0x119: {  	v2 =	vadd.f32 v3, v2;
	_ =	sdelay $0x1  }
0x11a: {  	v3 =	vmul.f32 $2.000000030e-01, v2  }
0x11b: {  	vm13 =	vgt.f32 v2, $0.0e+00  }
0x11c: {  	v2 =	vsel vm13, v2, v3  }
0x11d: {  	v2 =	vsub.f32 v2, v1;
	_ =	sdelay $0x1  }
0x11e: {  	v2 =	vmul.f32 $1.442695020e+00, v2;
	_ =	sdelay $0x1  }
0x11f: {  	(erf) = vpow2.f32 v2;
	_ =	sdelay $0x8  }
0x120: {  	v2 =	vpop (erf)  }
0x121: {  	[tilespmem:s23+$0x50] =	vst v2  }
0x122: {  	v2 =	vld [tilespmem:s25+$0x60]  }
0x123: {  	v3 =	vld [tilespmem:s24+$0x60];
	_ =	sdelay $0x6  }
0x124: {  	v2 =	vld.idx.msk [tilespmem:v2+s22+$0x0], $0xffff  }
0x125: {  	v3 =	vld.idx.msk [tilespmem:v3+s13+$0x0], $0xffff;
	_ =	sdelay $0x4  }
0x126: {  	v2 =	vadd.f32 v3, v2;
	_ =	sdelay $0x1  }
0x127: {  	v3 =	vmul.f32 $2.000000030e-01, v2  }
0x128: {  	vm14 =	vgt.f32 v2, $0.0e+00  }
0x129: {  	v2 =	vsel vm14, v2, v3  }
0x12a: {  	v2 =	vsub.f32 v2, v1;
	_ =	sdelay $0x1  }
0x12b: {  	v2 =	vmul.f32 $1.442695020e+00, v2;
	_ =	sdelay $0x1  }
0x12c: {  	(erf) = vpow2.f32 v2;
	_ =	sdelay $0x8  }
0x12d: {  	v2 =	vpop (erf)  }
0x12e: {  	[tilespmem:s23+$0x60] =	vst v2  }
0x12f: {  	v2 =	vld [tilespmem:s25+$0x70]  }
0x130: {  	v3 =	vld [tilespmem:s24+$0x70];
	_ =	sdelay $0x6  }
0x131: {  	v2 =	vld.idx.msk [tilespmem:v2+s22+$0x0], $0xffff  }
0x132: {  	v3 =	vld.idx.msk [tilespmem:v3+s13+$0x0], $0xffff;
	_ =	sdelay $0x4  }
0x133: {  	v2 =	vadd.f32 v3, v2;
	_ =	sdelay $0x1  }
0x134: {  	v3 =	vmul.f32 $2.000000030e-01, v2  }
0x135: {  	vm15 =	vgt.f32 v2, $0.0e+00  }
0x136: {  	v2 =	vsel vm15, v2, v3  }
0x137: {  	v2 =	vsub.f32 v2, v1;
	_ =	sdelay $0x1  }
0x138: {  	v2 =	vmul.f32 $1.442695020e+00, v2;
	_ =	sdelay $0x1  }
0x139: {  	(erf) = vpow2.f32 v2;
	_ =	sdelay $0x3  }
0x13a: {  	s21 =	sadd.s32 $0x2, s21  }
0x13b: {  	p1 =	slt.u32 s21, $0x4E  }
.Ltmp1:
0x13c: {  	_ = 	snop;
	(pc) =	sbr.rel @p1 .LBB2_4-.Ltmp1, $3  }
0x13d: {  	_ =	sdelay $0x1  }
0x13e: {  	v2 =	vpop (erf)  }
0x13f: {  	s24 =	sadd.s32 $0x100, s24;
	s25 =	sadd.s32 $0x100, s25;
	[tilespmem:s23+$0x70] =	vst v2;
	s23 =	sadd.s32 $0x100, s23  }
.LBB2_5:
0x140: {  	p1 =	sne.s32 s22, $0x9E00  }
.Ltmp2:
0x141: {  	_ = 	snop;
	(pc) =	sbr.rel @p1 .LBB2_5-.Ltmp2, $4  }
0x142: {  	_ = 	snop  }
0x143: {  	s21 =	sshra.s32 s22, $0x2  }
0x144: {  	s22 =	sadd.s32 $0x200, s22;
	s23 =	sadd.s32 $0xA000, s21;
	s21 =	sadd.s32 $0x7800, s21  }
0x145: {  	[spmem:s2] =	stream.indirect.scatter.add.f32 [tilespmem:s23], [sflag:$0x1], $0x1, s21, s11, $0xb8;
	[tilespmem:$0xCD00] =	vst v63  }
0x146: {  	_ =	swait.ge [sflag:s18], $0x80  }
0x147: {  	s21 =	simm.s32 $0x4F;
	[sflag:s18] =	ssyncset.done $0x0  }
.LBB2_7:
0x148: {  	p1 =	sne.s32 s21, $0x1;
	s21 =	sadd.s32 $0xFFFFFFFF, s21;
	[sflag:s18] =	ssyncadd.s32 $0xFFFFFF80  }
.Ltmp3:
0x149: {  	(pc) =	sbr.rel @p1 .LBB2_7-.Ltmp3, $3  }
0x14a: {  	_ =	sdelay $0x1  }
0x14b: {  	_ =	swait.ge [sflag:s18], $0x80  }
0x14c: {  	[sflag:s18] =	ssyncset.done $0x0  }
0x14d: {  	[sflag:s18] =	ssyncadd.s32 $0xFFFFFF80  }
0x14e: {  	[bflag:$0x0] =	sbarrier.arrive $0xFFFF  }
0x14f: {  	[hbm4b:s8+s3] =	stream.linear.scatter [tilespmem:s19], [sflag:$0x2], $0x2800, $0x38;
	[tilespmem:$0xCD00] =	vst v63  }
0x150: {  	_ =	swait.ge [sflag:s17], $0x2800  }
0x151: {  	[sflag:s17] =	ssyncset.done $0x0  }
0x152: {  	s21 =	simm.s32 @!p0 $0x0;
	s22 =	simm.s32 @!p0 $0x2;
	[sflag:s17] =	ssyncadd.s32 $0xFFFFD800  }
0x153: {  	[tilespmem:s21], [sflag:$0x2] =	stream.linear.gather @!p0 [spmem:s2], $0x2800, $0x38;
	[tilespmem:$0xCD00] =	vst v63  }
0x154: {  	s20 =	sadd.s32 $0x1, s20;
	_ =	swait.ge @!p0 [sflag:s22], $0x2800  }
0x155: {  	s23 =	simm.s32 @!p0 $0x80;
	p1 =	sne.s32 s20, s10;
	[sflag:s22] =	ssyncset.done @!p0 $0x0  }
.Ltmp4:
0x156: {  	s24 =	simm.s32 @!p0 $0x100;
	[sflag:s22] =	ssyncadd.s32 @!p0 $0xFFFFD800;
	(pc) =	sbr.rel @p1 .LBB2_1-.Ltmp4, $4  }
0x157: {  	[hbm4b:s9+s23] =	stream.strided.scatter @!p0 [tilespmem:s21], [sflag:$0x2], $0x2800, s24, s23, $0x38;
	[tilespmem:$0xCD00] =	vst v63  }
0x158: {  	_ =	swait.ge @!p0 [sflag:s22], $0x2800  }
0x159: {  	[sflag:s22] =	ssyncset.done @!p0 $0x0  }
0x15a: {  	[sflag:s22] =	ssyncadd.s32 @!p0 $0xFFFFD800  }
0x15b: {  	_ =	sfence.sel $0x180000  }
0x15c: {  	[bflag:$0x0] =	sbarrier.arrive $0xFFFF  }
0x15d: {  	_ =	strace $0x90000047  }
0x15e: {  	s0 =	sadd.s32 @!p0 $0x100000, s1;
	[bflag:$0x2] =	sbarrier.arrive $0xFFFF  }
0x15f: {  	[sflag:s0] =	ssyncadd.tile.s32 @!p0 $0x1;
	_ =	shalt  }
.Lfunc_end2:
_tile_overlayer_lowered:
.L_overlay_start_2:
0x160: {  	(tag) =	ssettag $0x2  }
0x161: {  	s0 =	rddreg [dreg:$0x0];
	s2 =	stileid.u32  }
0x162: {  	s1 =	rddreg [dreg:$0x1];
	p0 =	sne.s32 s2, $0x0  }
0x163: {  	s3 =	rddreg [dreg:$0x2];
	[bflag:$0x3] =	sbarrier.arrive $0xFFFF;
	s2 =	simm.s32 @!p0 $0x1C02  }
0x164: {  	[timem:s3], [sflag:s2] =	dma.local @!p0 [hbm:s0], s1  }
0x165: {  	s0 =	simm.s32 @!p0 $0x2  }
0x166: {  	_ =	swait.ge @!p0 [sflag:s0], s1  }
0x167: {  	s1 =	ssub.s32 @!p0 $0x0, s1;
	[sflag:s0] =	ssyncset.done @!p0 $0x0  }
0x168: {  	[sflag:s0] =	ssyncadd.s32 @!p0 s1  }
0x169: {  	[bflag:$0x3] =	sbarrier.arrive $0xFFFF  }
0x16a: {  	_ =	shalt  }

</sc_bundles>
